<compile_context>
chip_gen: v7x
topology: tpu7x:2x2x1
jax: 0.10.2.dev20260603
libtpu: 0.0.44.dev20260713+nightly
codegen_flags: <defaults>
</compile_context>

<pallas_src>
import functools

import jax
import jax.numpy as jnp
from jax import lax
from jax.experimental import pallas as pl
from jax.experimental.pallas import tpu as pltpu
from jax.experimental.pallas import tpu_sc as plsc

NUM_CORES = 2
NUM_SUBCORES = 16
NW = NUM_CORES * NUM_SUBCORES

B = 4096
L = 200
LP = 208
LPAD = 256
D = 64
C = 10
BPW = B // NW

NBUF = 4

_mesh = plsc.VectorSubcoreMesh(core_axis_name="c", subcore_axis_name="s")


@functools.partial(
    pl.kernel,
    out_type=jax.ShapeDtypeStruct((B, D), jnp.float32),
    mesh=_mesh,
    scratch_types=[
        pltpu.VMEM((BPW, LPAD), jnp.int32),
        pltpu.VMEM((NBUF, LP, D), jnp.float32),
        pltpu.VMEM((BPW, D), jnp.float32),
        pltpu.SemaphoreType.DMA,
        [pltpu.SemaphoreType.DMA] * NBUF,
    ],
    compiler_params=pltpu.CompilerParams(use_tc_tiling_on_sc=False),
)
def _sc_gather_sum(idx_hbm, table_hbm, out_hbm, idx_v, rows_v, sums_v,
                   sem_i, sems):
    wid = lax.axis_index("s") * NUM_CORES + lax.axis_index("c")
    base = wid * BPW

    pltpu.async_copy(idx_hbm.at[pl.ds(base, BPW)], idx_v, sem_i).wait()

    def gather_row(b, buf):
        return [
            pltpu.make_async_copy(
                table_hbm.at[idx_v[b, pl.ds(k * 16, 16)]],
                rows_v.at[buf, pl.ds(k * 16, 16)],
                sems[buf],
            )
            for k in range(LP // 16)
        ]

    def accum(b, buf):
        def body(j4, acc):
            j = j4 * 4
            for dj in range(4):
                acc = tuple(
                    acc[c] + rows_v[buf, j + dj, pl.ds(c * 16, 16)]
                    for c in range(4)
                )
            return acc

        zero = jnp.zeros((16,), jnp.float32)
        acc = lax.fori_loop(0, LP // 4, body, (zero, zero, zero, zero))
        for c in range(4):
            sums_v[b, pl.ds(c * 16, 16)] = acc[c]

    for p in range(NBUF):
        for d in gather_row(p, p):
            d.start()

    def step(k, carry):
        b0 = k * NBUF
        for p in range(NBUF):
            b = b0 + p
            for d in gather_row(b, p):
                d.wait()
            accum(b, p)

            @pl.when(b + NBUF < BPW)
            def _():
                for d in gather_row(b + NBUF, p):
                    d.start()

        return carry

    lax.fori_loop(0, BPW // NBUF, step, 0)
    pltpu.sync_copy(sums_v, out_hbm.at[pl.ds(base, BPW)])


def _tc_head_body(inp_ref, sums_ref, emb0_ref, w_ref, b_ref, out_ref):
    cnt = jnp.sum((inp_ref[...] != 0).astype(jnp.float32), axis=1,
                  keepdims=True)
    n_zero = jnp.float32(LP) - cnt
    pooled = (sums_ref[...] - n_zero * emb0_ref[...]) / jnp.maximum(cnt, 1.0)
    logits = jnp.dot(pooled, w_ref[...],
                     preferred_element_type=jnp.float32) + b_ref[...]
    m = jnp.max(logits, axis=-1, keepdims=True)
    e = jnp.exp(logits - m)
    out_ref[...] = e / jnp.sum(e, axis=-1, keepdims=True)


_tc_head = pl.pallas_call(
    _tc_head_body,
    out_shape=jax.ShapeDtypeStruct((B, C), jnp.float32),
)


def kernel(inputs, emb_table, W, b):
    idx_pad = jnp.pad(inputs, ((0, 0), (0, LPAD - L)))
    sums = _sc_gather_sum(idx_pad, emb_table)
    return _tc_head(inputs, sums, emb_table[0:1], W,
                    b.reshape(1, C).astype(jnp.float32))

# --- scband reference (transcript-rebuilt; emitter-appended) ---
"""Pipeline reference for scband-fast-text-57930518888541 (READ-ONLY COPY).

The authoritative reference and input builder live on the scoring server;
editing this copy changes nothing except your own understanding.
"""

import jax, jax.numpy as jnp
import numpy as np

VOCAB_SIZE = 1000000
EMBED_DIM = 64
NUM_CLASSES = 10
BATCH = 4096
SEQ_LEN = 200

def setup_inputs(seed: int = 0) -> dict:
    key = jax.random.key(seed)
    k1, k2, k3, k4 = jax.random.split(key, 4)
    inputs = jax.random.randint(k1, (BATCH, SEQ_LEN), 0, VOCAB_SIZE + 1, dtype=jnp.int64 if jax.config.jax_enable_x64 else jnp.int32).astype(jnp.int32)
    emb_table = jax.random.normal(k2, (VOCAB_SIZE + 1, EMBED_DIM), dtype=jnp.float32) * 0.05
    W = jax.random.normal(k3, (EMBED_DIM, NUM_CLASSES), dtype=jnp.float32) * 0.05
    b = jnp.zeros((NUM_CLASSES,), dtype=jnp.float32)
    return {"inputs": inputs, "emb_table": emb_table, "W": W, "b": b}

def reference(inputs, emb_table, W, b):
    # Embedding lookup with mask_zero=True semantics
    emb = jnp.take(emb_table, inputs, axis=0)  # [B, L, D]
    mask = (inputs != 0).astype(jnp.float32)   # [B, L]
    # GlobalAvgPool1D honoring the mask: masked mean over sequence axis
    summed = jnp.sum(emb * mask[..., None], axis=1)          # [B, D]
    count = jnp.maximum(jnp.sum(mask, axis=1, keepdims=True), 1.0)  # [B, 1]
    pooled = summed / count                                   # [B, D]
    logits = pooled @ W + b                                   # [B, C]
    return jax.nn.softmax(logits, axis=-1)

if __name__ == "__main__":
    import jax
    _d = setup_inputs()
    print(jax.jit(kernel)(*tuple(_d.values())))

</pallas_src>

<mosaic_0001>
#map = affine_map<(d0, d1) -> (0, 0)>
module attributes {stable_mosaic.version = 14 : i64} {
  func.func @_sc_gather_sum(%arg0: i32, %arg1: i32, %arg2: memref<4096x256xi32, #tpu.memory_space<hbm>>, %arg3: memref<1000001x64xf32, #tpu.memory_space<hbm>>, %arg4: memref<4096x64xf32, #tpu.memory_space<hbm>>, %arg5: memref<128x256xi32, #tpu.memory_space<vmem>>, %arg6: memref<4x208x64xf32, #tpu.memory_space<vmem>>, %arg7: memref<128x64xf32, #tpu.memory_space<vmem>>, %arg8: memref<!tpu.dma_semaphore, #tpu.memory_space<semaphore_mem>>, %arg9: memref<!tpu.dma_semaphore, #tpu.memory_space<semaphore_mem>>, %arg10: memref<!tpu.dma_semaphore, #tpu.memory_space<semaphore_mem>>, %arg11: memref<!tpu.dma_semaphore, #tpu.memory_space<semaphore_mem>>, %arg12: memref<!tpu.dma_semaphore, #tpu.memory_space<semaphore_mem>>) attributes {dimension_semantics = [#tpu.dimension_semantics<core_parallel>, #tpu.dimension_semantics<subcore_parallel>], iteration_bounds = array<i64: 2, 16>, scalar_prefetch = 0 : i64, scratch_operands = 8 : i64, tpu.core_type = #tpu.core_type<sc_vector_subcore>, window_params = [{transform_indices = #map}, {transform_indices = #map}, {transform_indices = #map}]} {
    %mul3A = arith.constant 2 : i32
    %mul3A_0 = arith.muli %arg1, %mul3A : i32
    %add3A = arith.addi %mul3A_0, %arg0 : i32
    %mul3A_1 = arith.constant 128 : i32
    %mul3A_2 = arith.muli %add3A, %mul3A_1 : i32
    %dma_start3A = arith.constant 0 : i32
    %dma_start3A_3 = tpu.memref_slice %arg2[%mul3A_2, %dma_start3A] : memref<4096x256xi32, #tpu.memory_space<hbm>> -> memref<128x256xi32, #tpu.memory_space<hbm>>
    %dma_start3A_4 = arith.constant 0 : i32
    %dma_start3A_5 = tpu.memref_slice %arg2[%mul3A_2, %dma_start3A_4] : memref<4096x256xi32, #tpu.memory_space<hbm>> -> memref<128x256xi32, #tpu.memory_space<hbm>>
    tpu.enqueue_dma source(%dma_start3A_5 : memref<128x256xi32, #tpu.memory_space<hbm>>) target(%arg5 : memref<128x256xi32, #tpu.memory_space<vmem>>) target_semaphore(%arg8 : memref<!tpu.dma_semaphore, #tpu.memory_space<semaphore_mem>>)
    %dma_wait3A = arith.constant 0 : i32
    %dma_wait3A_6 = tpu.memref_slice %arg2[%mul3A_2, %dma_wait3A] : memref<4096x256xi32, #tpu.memory_space<hbm>> -> memref<128x256xi32, #tpu.memory_space<hbm>>
    %dma_wait3A_7 = arith.constant 0 : i32
    %dma_wait3A_8 = tpu.memref_slice %arg2[%mul3A_2, %dma_wait3A_7] : memref<4096x256xi32, #tpu.memory_space<hbm>> -> memref<128x256xi32, #tpu.memory_space<hbm>>
    tpu.wait_dma2 semaphore(%arg8 : memref<!tpu.dma_semaphore, #tpu.memory_space<semaphore_mem>>) src(%dma_wait3A_8 : memref<128x256xi32, #tpu.memory_space<hbm>>) dst(%arg5 : memref<128x256xi32, #tpu.memory_space<vmem>>)
    %get3A = arith.constant 0 : i32
    %get3A_9 = arith.index_cast %get3A : i32 to index
    %get3A_10 = arith.constant 0 : index
    %get3A_11 = tpu.vector_load %arg5[%get3A_9, %get3A_10] {strides = array<i32>} : memref<128x256xi32, #tpu.memory_space<vmem>>, vector<1x16xi32>,
    %get3A_12 = vector.shape_cast %get3A_11 : vector<1x16xi32> to vector<16xi32>
    %get3A_13 = arith.constant 0 : i32
    %get3A_14 = arith.index_cast %get3A_13 : i32 to index
    %get3A_15 = arith.constant 16 : index
    %get3A_16 = tpu.vector_load %arg5[%get3A_14, %get3A_15] {strides = array<i32>} : memref<128x256xi32, #tpu.memory_space<vmem>>, vector<1x16xi32>,
    %get3A_17 = vector.shape_cast %get3A_16 : vector<1x16xi32> to vector<16xi32>
    %get3A_18 = arith.constant 0 : i32
    %get3A_19 = arith.index_cast %get3A_18 : i32 to index
    %get3A_20 = arith.constant 32 : index
    %get3A_21 = tpu.vector_load %arg5[%get3A_19, %get3A_20] {strides = array<i32>} : memref<128x256xi32, #tpu.memory_space<vmem>>, vector<1x16xi32>,
    %get3A_22 = vector.shape_cast %get3A_21 : vector<1x16xi32> to vector<16xi32>
    %get3A_23 = arith.constant 0 : i32
    %get3A_24 = arith.index_cast %get3A_23 : i32 to index
    %get3A_25 = arith.constant 48 : index
    %get3A_26 = tpu.vector_load %arg5[%get3A_24, %get3A_25] {strides = array<i32>} : memref<128x256xi32, #tpu.memory_space<vmem>>, vector<1x16xi32>,
    %get3A_27 = vector.shape_cast %get3A_26 : vector<1x16xi32> to vector<16xi32>
    %get3A_28 = arith.constant 0 : i32
    %get3A_29 = arith.index_cast %get3A_28 : i32 to index
    %get3A_30 = arith.constant 64 : index
    %get3A_31 = tpu.vector_load %arg5[%get3A_29, %get3A_30] {strides = array<i32>} : memref<128x256xi32, #tpu.memory_space<vmem>>, vector<1x16xi32>,
    %get3A_32 = vector.shape_cast %get3A_31 : vector<1x16xi32> to vector<16xi32>
    %get3A_33 = arith.constant 0 : i32
    %get3A_34 = arith.index_cast %get3A_33 : i32 to index
    %get3A_35 = arith.constant 80 : index
    %get3A_36 = tpu.vector_load %arg5[%get3A_34, %get3A_35] {strides = array<i32>} : memref<128x256xi32, #tpu.memory_space<vmem>>, vector<1x16xi32>,
    %get3A_37 = vector.shape_cast %get3A_36 : vector<1x16xi32> to vector<16xi32>
    %get3A_38 = arith.constant 0 : i32
    %get3A_39 = arith.index_cast %get3A_38 : i32 to index
    %get3A_40 = arith.constant 96 : index
    %get3A_41 = tpu.vector_load %arg5[%get3A_39, %get3A_40] {strides = array<i32>} : memref<128x256xi32, #tpu.memory_space<vmem>>, vector<1x16xi32>,
    %get3A_42 = vector.shape_cast %get3A_41 : vector<1x16xi32> to vector<16xi32>
    %get3A_43 = arith.constant 0 : i32
    %get3A_44 = arith.index_cast %get3A_43 : i32 to index
    %get3A_45 = arith.constant 112 : index
    %get3A_46 = tpu.vector_load %arg5[%get3A_44, %get3A_45] {strides = array<i32>} : memref<128x256xi32, #tpu.memory_space<vmem>>, vector<1x16xi32>,
    %get3A_47 = vector.shape_cast %get3A_46 : vector<1x16xi32> to vector<16xi32>
    %get3A_48 = arith.constant 0 : i32
    %get3A_49 = arith.index_cast %get3A_48 : i32 to index
    %get3A_50 = arith.constant 128 : index
    %get3A_51 = tpu.vector_load %arg5[%get3A_49, %get3A_50] {strides = array<i32>} : memref<128x256xi32, #tpu.memory_space<vmem>>, vector<1x16xi32>,
    %get3A_52 = vector.shape_cast %get3A_51 : vector<1x16xi32> to vector<16xi32>
    %get3A_53 = arith.constant 0 : i32
    %get3A_54 = arith.index_cast %get3A_53 : i32 to index
    %get3A_55 = arith.constant 144 : index
    %get3A_56 = tpu.vector_load %arg5[%get3A_54, %get3A_55] {strides = array<i32>} : memref<128x256xi32, #tpu.memory_space<vmem>>, vector<1x16xi32>,
    %get3A_57 = vector.shape_cast %get3A_56 : vector<1x16xi32> to vector<16xi32>
    %get3A_58 = arith.constant 0 : i32
    %get3A_59 = arith.index_cast %get3A_58 : i32 to index
    %get3A_60 = arith.constant 160 : index
    %get3A_61 = tpu.vector_load %arg5[%get3A_59, %get3A_60] {strides = array<i32>} : memref<128x256xi32, #tpu.memory_space<vmem>>, vector<1x16xi32>,
    %get3A_62 = vector.shape_cast %get3A_61 : vector<1x16xi32> to vector<16xi32>
    %get3A_63 = arith.constant 0 : i32
    %get3A_64 = arith.index_cast %get3A_63 : i32 to index
    %get3A_65 = arith.constant 176 : index
    %get3A_66 = tpu.vector_load %arg5[%get3A_64, %get3A_65] {strides = array<i32>} : memref<128x256xi32, #tpu.memory_space<vmem>>, vector<1x16xi32>,
    %get3A_67 = vector.shape_cast %get3A_66 : vector<1x16xi32> to vector<16xi32>
    %get3A_68 = arith.constant 0 : i32
    %get3A_69 = arith.index_cast %get3A_68 : i32 to index
    %get3A_70 = arith.constant 192 : index
    %get3A_71 = tpu.vector_load %arg5[%get3A_69, %get3A_70] {strides = array<i32>} : memref<128x256xi32, #tpu.memory_space<vmem>>, vector<1x16xi32>,
    %get3A_72 = vector.shape_cast %get3A_71 : vector<1x16xi32> to vector<16xi32>
    %dma_start3A_73 = arith.constant 0 : i32
    %dma_start3A_74 = arith.constant 0 : i32
    %dma_start3A_75 = arith.constant 0 : i32
    %dma_start3A_76 = tpu.memref_slice %arg6[%dma_start3A_73, %dma_start3A_74, %dma_start3A_75] : memref<4x208x64xf32, #tpu.memory_space<vmem>> -> memref<1x16x64xf32, #tpu.memory_space<vmem>>
    %dma_start3A_77 = tpu.memref_squeeze %dma_start3A_76 : memref<1x16x64xf32, #tpu.memory_space<vmem>> -> memref<16x64xf32, #tpu.memory_space<vmem>>
    %dma_start3A_78 = arith.constant 0 : i32
    %dma_start3A_79 = arith.constant 0 : i32
    %dma_start3A_80 = tpu.memref_slice %arg3[%dma_start3A_78, %dma_start3A_79] : memref<1000001x64xf32, #tpu.memory_space<hbm>> -> memref<1000001x64xf32, #tpu.memory_space<hbm>>
    tpu.enqueue_indirect_dma source(%dma_start3A_80 : memref<1000001x64xf32, #tpu.memory_space<hbm>>) target(%dma_start3A_77 : memref<16x64xf32, #tpu.memory_space<vmem>>) offsets(%get3A_12 : vector<16xi32>) semaphore(%arg9 : memref<!tpu.dma_semaphore, #tpu.memory_space<semaphore_mem>>)
    %dma_start3A_81 = arith.constant 0 : i32
    %dma_start3A_82 = arith.constant 16 : i32
    %dma_start3A_83 = arith.constant 0 : i32
    %dma_start3A_84 = tpu.memref_slice %arg6[%dma_start3A_81, %dma_start3A_82, %dma_start3A_83] : memref<4x208x64xf32, #tpu.memory_space<vmem>> -> memref<1x16x64xf32, #tpu.memory_space<vmem>>
    %dma_start3A_85 = tpu.memref_squeeze %dma_start3A_84 : memref<1x16x64xf32, #tpu.memory_space<vmem>> -> memref<16x64xf32, #tpu.memory_space<vmem>>
    %dma_start3A_86 = arith.constant 0 : i32
    %dma_start3A_87 = arith.constant 0 : i32
    %dma_start3A_88 = tpu.memref_slice %arg3[%dma_start3A_86, %dma_start3A_87] : memref<1000001x64xf32, #tpu.memory_space<hbm>> -> memref<1000001x64xf32, #tpu.memory_space<hbm>>
    tpu.enqueue_indirect_dma source(%dma_start3A_88 : memref<1000001x64xf32, #tpu.memory_space<hbm>>) target(%dma_start3A_85 : memref<16x64xf32, #tpu.memory_space<vmem>>) offsets(%get3A_17 : vector<16xi32>) semaphore(%arg9 : memref<!tpu.dma_semaphore, #tpu.memory_space<semaphore_mem>>)
    %dma_start3A_89 = arith.constant 0 : i32
    %dma_start3A_90 = arith.constant 32 : i32
    %dma_start3A_91 = arith.constant 0 : i32
    %dma_start3A_92 = tpu.memref_slice %arg6[%dma_start3A_89, %dma_start3A_90, %dma_start3A_91] : memref<4x208x64xf32, #tpu.memory_space<vmem>> -> memref<1x16x64xf32, #tpu.memory_space<vmem>>
    %dma_start3A_93 = tpu.memref_squeeze %dma_start3A_92 : memref<1x16x64xf32, #tpu.memory_space<vmem>> -> memref<16x64xf32, #tpu.memory_space<vmem>>
    %dma_start3A_94 = arith.constant 0 : i32
    %dma_start3A_95 = arith.constant 0 : i32
    %dma_start3A_96 = tpu.memref_slice %arg3[%dma_start3A_94, %dma_start3A_95] : memref<1000001x64xf32, #tpu.memory_space<hbm>> -> memref<1000001x64xf32, #tpu.memory_space<hbm>>
    tpu.enqueue_indirect_dma source(%dma_start3A_96 : memref<1000001x64xf32, #tpu.memory_space<hbm>>) target(%dma_start3A_93 : memref<16x64xf32, #tpu.memory_space<vmem>>) offsets(%get3A_22 : vector<16xi32>) semaphore(%arg9 : memref<!tpu.dma_semaphore, #tpu.memory_space<semaphore_mem>>)
    %dma_start3A_97 = arith.constant 0 : i32
    %dma_start3A_98 = arith.constant 48 : i32
    %dma_start3A_99 = arith.constant 0 : i32
    %dma_start3A_100 = tpu.memref_slice %arg6[%dma_start3A_97, %dma_start3A_98, %dma_start3A_99] : memref<4x208x64xf32, #tpu.memory_space<vmem>> -> memref<1x16x64xf32, #tpu.memory_space<vmem>>
    %dma_start3A_101 = tpu.memref_squeeze %dma_start3A_100 : memref<1x16x64xf32, #tpu.memory_space<vmem>> -> memref<16x64xf32, #tpu.memory_space<vmem>>
    %dma_start3A_102 = arith.constant 0 : i32
    %dma_start3A_103 = arith.constant 0 : i32
    %dma_start3A_104 = tpu.memref_slice %arg3[%dma_start3A_102, %dma_start3A_103] : memref<1000001x64xf32, #tpu.memory_space<hbm>> -> memref<1000001x64xf32, #tpu.memory_space<hbm>>
    tpu.enqueue_indirect_dma source(%dma_start3A_104 : memref<1000001x64xf32, #tpu.memory_space<hbm>>) target(%dma_start3A_101 : memref<16x64xf32, #tpu.memory_space<vmem>>) offsets(%get3A_27 : vector<16xi32>) semaphore(%arg9 : memref<!tpu.dma_semaphore, #tpu.memory_space<semaphore_mem>>)
    %dma_start3A_105 = arith.constant 0 : i32
    %dma_start3A_106 = arith.constant 64 : i32
    %dma_start3A_107 = arith.constant 0 : i32
    %dma_start3A_108 = tpu.memref_slice %arg6[%dma_start3A_105, %dma_start3A_106, %dma_start3A_107] : memref<4x208x64xf32, #tpu.memory_space<vmem>> -> memref<1x16x64xf32, #tpu.memory_space<vmem>>
    %dma_start3A_109 = tpu.memref_squeeze %dma_start3A_108 : memref<1x16x64xf32, #tpu.memory_space<vmem>> -> memref<16x64xf32, #tpu.memory_space<vmem>>
    %dma_start3A_110 = arith.constant 0 : i32
    %dma_start3A_111 = arith.constant 0 : i32
    %dma_start3A_112 = tpu.memref_slice %arg3[%dma_start3A_110, %dma_start3A_111] : memref<1000001x64xf32, #tpu.memory_space<hbm>> -> memref<1000001x64xf32, #tpu.memory_space<hbm>>
    tpu.enqueue_indirect_dma source(%dma_start3A_112 : memref<1000001x64xf32, #tpu.memory_space<hbm>>) target(%dma_start3A_109 : memref<16x64xf32, #tpu.memory_space<vmem>>) offsets(%get3A_32 : vector<16xi32>) semaphore(%arg9 : memref<!tpu.dma_semaphore, #tpu.memory_space<semaphore_mem>>)
    %dma_start3A_113 = arith.constant 0 : i32
    %dma_start3A_114 = arith.constant 80 : i32
    %dma_start3A_115 = arith.constant 0 : i32
    %dma_start3A_116 = tpu.memref_slice %arg6[%dma_start3A_113, %dma_start3A_114, %dma_start3A_115] : memref<4x208x64xf32, #tpu.memory_space<vmem>> -> memref<1x16x64xf32, #tpu.memory_space<vmem>>
    %dma_start3A_117 = tpu.memref_squeeze %dma_start3A_116 : memref<1x16x64xf32, #tpu.memory_space<vmem>> -> memref<16x64xf32, #tpu.memory_space<vmem>>
    %dma_start3A_118 = arith.constant 0 : i32
    %dma_start3A_119 = arith.constant 0 : i32
    %dma_start3A_120 = tpu.memref_slice %arg3[%dma_start3A_118, %dma_start3A_119] : memref<1000001x64xf32, #tpu.memory_space<hbm>> -> memref<1000001x64xf32, #tpu.memory_space<hbm>>
    tpu.enqueue_indirect_dma source(%dma_start3A_120 : memref<1000001x64xf32, #tpu.memory_space<hbm>>) target(%dma_start3A_117 : memref<16x64xf32, #tpu.memory_space<vmem>>) offsets(%get3A_37 : vector<16xi32>) semaphore(%arg9 : memref<!tpu.dma_semaphore, #tpu.memory_space<semaphore_mem>>)
    %dma_start3A_121 = arith.constant 0 : i32
    %dma_start3A_122 = arith.constant 96 : i32
    %dma_start3A_123 = arith.constant 0 : i32
    %dma_start3A_124 = tpu.memref_slice %arg6[%dma_start3A_121, %dma_start3A_122, %dma_start3A_123] : memref<4x208x64xf32, #tpu.memory_space<vmem>> -> memref<1x16x64xf32, #tpu.memory_space<vmem>>
    %dma_start3A_125 = tpu.memref_squeeze %dma_start3A_124 : memref<1x16x64xf32, #tpu.memory_space<vmem>> -> memref<16x64xf32, #tpu.memory_space<vmem>>
    %dma_start3A_126 = arith.constant 0 : i32
    %dma_start3A_127 = arith.constant 0 : i32
    %dma_start3A_128 = tpu.memref_slice %arg3[%dma_start3A_126, %dma_start3A_127] : memref<1000001x64xf32, #tpu.memory_space<hbm>> -> memref<1000001x64xf32, #tpu.memory_space<hbm>>
    tpu.enqueue_indirect_dma source(%dma_start3A_128 : memref<1000001x64xf32, #tpu.memory_space<hbm>>) target(%dma_start3A_125 : memref<16x64xf32, #tpu.memory_space<vmem>>) offsets(%get3A_42 : vector<16xi32>) semaphore(%arg9 : memref<!tpu.dma_semaphore, #tpu.memory_space<semaphore_mem>>)
    %dma_start3A_129 = arith.constant 0 : i32
    %dma_start3A_130 = arith.constant 112 : i32
    %dma_start3A_131 = arith.constant 0 : i32
    %dma_start3A_132 = tpu.memref_slice %arg6[%dma_start3A_129, %dma_start3A_130, %dma_start3A_131] : memref<4x208x64xf32, #tpu.memory_space<vmem>> -> memref<1x16x64xf32, #tpu.memory_space<vmem>>
    %dma_start3A_133 = tpu.memref_squeeze %dma_start3A_132 : memref<1x16x64xf32, #tpu.memory_space<vmem>> -> memref<16x64xf32, #tpu.memory_space<vmem>>
    %dma_start3A_134 = arith.constant 0 : i32
    %dma_start3A_135 = arith.constant 0 : i32
    %dma_start3A_136 = tpu.memref_slice %arg3[%dma_start3A_134, %dma_start3A_135] : memref<1000001x64xf32, #tpu.memory_space<hbm>> -> memref<1000001x64xf32, #tpu.memory_space<hbm>>
    tpu.enqueue_indirect_dma source(%dma_start3A_136 : memref<1000001x64xf32, #tpu.memory_space<hbm>>) target(%dma_start3A_133 : memref<16x64xf32, #tpu.memory_space<vmem>>) offsets(%get3A_47 : vector<16xi32>) semaphore(%arg9 : memref<!tpu.dma_semaphore, #tpu.memory_space<semaphore_mem>>)
    %dma_start3A_137 = arith.constant 0 : i32
    %dma_start3A_138 = arith.constant 128 : i32
    %dma_start3A_139 = arith.constant 0 : i32
    %dma_start3A_140 = tpu.memref_slice %arg6[%dma_start3A_137, %dma_start3A_138, %dma_start3A_139] : memref<4x208x64xf32, #tpu.memory_space<vmem>> -> memref<1x16x64xf32, #tpu.memory_space<vmem>>
    %dma_start3A_141 = tpu.memref_squeeze %dma_start3A_140 : memref<1x16x64xf32, #tpu.memory_space<vmem>> -> memref<16x64xf32, #tpu.memory_space<vmem>>
    %dma_start3A_142 = arith.constant 0 : i32
    %dma_start3A_143 = arith.constant 0 : i32
    %dma_start3A_144 = tpu.memref_slice %arg3[%dma_start3A_142, %dma_start3A_143] : memref<1000001x64xf32, #tpu.memory_space<hbm>> -> memref<1000001x64xf32, #tpu.memory_space<hbm>>
    tpu.enqueue_indirect_dma source(%dma_start3A_144 : memref<1000001x64xf32, #tpu.memory_space<hbm>>) target(%dma_start3A_141 : memref<16x64xf32, #tpu.memory_space<vmem>>) offsets(%get3A_52 : vector<16xi32>) semaphore(%arg9 : memref<!tpu.dma_semaphore, #tpu.memory_space<semaphore_mem>>)
    %dma_start3A_145 = arith.constant 0 : i32
    %dma_start3A_146 = arith.constant 144 : i32
    %dma_start3A_147 = arith.constant 0 : i32
    %dma_start3A_148 = tpu.memref_slice %arg6[%dma_start3A_145, %dma_start3A_146, %dma_start3A_147] : memref<4x208x64xf32, #tpu.memory_space<vmem>> -> memref<1x16x64xf32, #tpu.memory_space<vmem>>
    %dma_start3A_149 = tpu.memref_squeeze %dma_start3A_148 : memref<1x16x64xf32, #tpu.memory_space<vmem>> -> memref<16x64xf32, #tpu.memory_space<vmem>>
    %dma_start3A_150 = arith.constant 0 : i32
    %dma_start3A_151 = arith.constant 0 : i32
    %dma_start3A_152 = tpu.memref_slice %arg3[%dma_start3A_150, %dma_start3A_151] : memref<1000001x64xf32, #tpu.memory_space<hbm>> -> memref<1000001x64xf32, #tpu.memory_space<hbm>>
    tpu.enqueue_indirect_dma source(%dma_start3A_152 : memref<1000001x64xf32, #tpu.memory_space<hbm>>) target(%dma_start3A_149 : memref<16x64xf32, #tpu.memory_space<vmem>>) offsets(%get3A_57 : vector<16xi32>) semaphore(%arg9 : memref<!tpu.dma_semaphore, #tpu.memory_space<semaphore_mem>>)
    %dma_start3A_153 = arith.constant 0 : i32
    %dma_start3A_154 = arith.constant 160 : i32
    %dma_start3A_155 = arith.constant 0 : i32
    %dma_start3A_156 = tpu.memref_slice %arg6[%dma_start3A_153, %dma_start3A_154, %dma_start3A_155] : memref<4x208x64xf32, #tpu.memory_space<vmem>> -> memref<1x16x64xf32, #tpu.memory_space<vmem>>
    %dma_start3A_157 = tpu.memref_squeeze %dma_start3A_156 : memref<1x16x64xf32, #tpu.memory_space<vmem>> -> memref<16x64xf32, #tpu.memory_space<vmem>>
    %dma_start3A_158 = arith.constant 0 : i32
    %dma_start3A_159 = arith.constant 0 : i32
    %dma_start3A_160 = tpu.memref_slice %arg3[%dma_start3A_158, %dma_start3A_159] : memref<1000001x64xf32, #tpu.memory_space<hbm>> -> memref<1000001x64xf32, #tpu.memory_space<hbm>>
    tpu.enqueue_indirect_dma source(%dma_start3A_160 : memref<1000001x64xf32, #tpu.memory_space<hbm>>) target(%dma_start3A_157 : memref<16x64xf32, #tpu.memory_space<vmem>>) offsets(%get3A_62 : vector<16xi32>) semaphore(%arg9 : memref<!tpu.dma_semaphore, #tpu.memory_space<semaphore_mem>>)
    %dma_start3A_161 = arith.constant 0 : i32
    %dma_start3A_162 = arith.constant 176 : i32
    %dma_start3A_163 = arith.constant 0 : i32
    %dma_start3A_164 = tpu.memref_slice %arg6[%dma_start3A_161, %dma_start3A_162, %dma_start3A_163] : memref<4x208x64xf32, #tpu.memory_space<vmem>> -> memref<1x16x64xf32, #tpu.memory_space<vmem>>
    %dma_start3A_165 = tpu.memref_squeeze %dma_start3A_164 : memref<1x16x64xf32, #tpu.memory_space<vmem>> -> memref<16x64xf32, #tpu.memory_space<vmem>>
    %dma_start3A_166 = arith.constant 0 : i32
    %dma_start3A_167 = arith.constant 0 : i32
    %dma_start3A_168 = tpu.memref_slice %arg3[%dma_start3A_166, %dma_start3A_167] : memref<1000001x64xf32, #tpu.memory_space<hbm>> -> memref<1000001x64xf32, #tpu.memory_space<hbm>>
    tpu.enqueue_indirect_dma source(%dma_start3A_168 : memref<1000001x64xf32, #tpu.memory_space<hbm>>) target(%dma_start3A_165 : memref<16x64xf32, #tpu.memory_space<vmem>>) offsets(%get3A_67 : vector<16xi32>) semaphore(%arg9 : memref<!tpu.dma_semaphore, #tpu.memory_space<semaphore_mem>>)
    %dma_start3A_169 = arith.constant 0 : i32
    %dma_start3A_170 = arith.constant 192 : i32
    %dma_start3A_171 = arith.constant 0 : i32
    %dma_start3A_172 = tpu.memref_slice %arg6[%dma_start3A_169, %dma_start3A_170, %dma_start3A_171] : memref<4x208x64xf32, #tpu.memory_space<vmem>> -> memref<1x16x64xf32, #tpu.memory_space<vmem>>
    %dma_start3A_173 = tpu.memref_squeeze %dma_start3A_172 : memref<1x16x64xf32, #tpu.memory_space<vmem>> -> memref<16x64xf32, #tpu.memory_space<vmem>>
    %dma_start3A_174 = arith.constant 0 : i32
    %dma_start3A_175 = arith.constant 0 : i32
    %dma_start3A_176 = tpu.memref_slice %arg3[%dma_start3A_174, %dma_start3A_175] : memref<1000001x64xf32, #tpu.memory_space<hbm>> -> memref<1000001x64xf32, #tpu.memory_space<hbm>>
    tpu.enqueue_indirect_dma source(%dma_start3A_176 : memref<1000001x64xf32, #tpu.memory_space<hbm>>) target(%dma_start3A_173 : memref<16x64xf32, #tpu.memory_space<vmem>>) offsets(%get3A_72 : vector<16xi32>) semaphore(%arg9 : memref<!tpu.dma_semaphore, #tpu.memory_space<semaphore_mem>>)
    %get3A_177 = arith.constant 1 : i32
    %get3A_178 = arith.index_cast %get3A_177 : i32 to index
    %get3A_179 = arith.constant 0 : index
    %get3A_180 = tpu.vector_load %arg5[%get3A_178, %get3A_179] {strides = array<i32>} : memref<128x256xi32, #tpu.memory_space<vmem>>, vector<1x16xi32>,
    %get3A_181 = vector.shape_cast %get3A_180 : vector<1x16xi32> to vector<16xi32>
    %get3A_182 = arith.constant 1 : i32
    %get3A_183 = arith.index_cast %get3A_182 : i32 to index
    %get3A_184 = arith.constant 16 : index
    %get3A_185 = tpu.vector_load %arg5[%get3A_183, %get3A_184] {strides = array<i32>} : memref<128x256xi32, #tpu.memory_space<vmem>>, vector<1x16xi32>,
    %get3A_186 = vector.shape_cast %get3A_185 : vector<1x16xi32> to vector<16xi32>
    %get3A_187 = arith.constant 1 : i32
    %get3A_188 = arith.index_cast %get3A_187 : i32 to index
    %get3A_189 = arith.constant 32 : index
    %get3A_190 = tpu.vector_load %arg5[%get3A_188, %get3A_189] {strides = array<i32>} : memref<128x256xi32, #tpu.memory_space<vmem>>, vector<1x16xi32>,
    %get3A_191 = vector.shape_cast %get3A_190 : vector<1x16xi32> to vector<16xi32>
    %get3A_192 = arith.constant 1 : i32
    %get3A_193 = arith.index_cast %get3A_192 : i32 to index
    %get3A_194 = arith.constant 48 : index
    %get3A_195 = tpu.vector_load %arg5[%get3A_193, %get3A_194] {strides = array<i32>} : memref<128x256xi32, #tpu.memory_space<vmem>>, vector<1x16xi32>,
    %get3A_196 = vector.shape_cast %get3A_195 : vector<1x16xi32> to vector<16xi32>
    %get3A_197 = arith.constant 1 : i32
    %get3A_198 = arith.index_cast %get3A_197 : i32 to index
    %get3A_199 = arith.constant 64 : index
    %get3A_200 = tpu.vector_load %arg5[%get3A_198, %get3A_199] {strides = array<i32>} : memref<128x256xi32, #tpu.memory_space<vmem>>, vector<1x16xi32>,
    %get3A_201 = vector.shape_cast %get3A_200 : vector<1x16xi32> to vector<16xi32>
    %get3A_202 = arith.constant 1 : i32
    %get3A_203 = arith.index_cast %get3A_202 : i32 to index
    %get3A_204 = arith.constant 80 : index
    %get3A_205 = tpu.vector_load %arg5[%get3A_203, %get3A_204] {strides = array<i32>} : memref<128x256xi32, #tpu.memory_space<vmem>>, vector<1x16xi32>,
    %get3A_206 = vector.shape_cast %get3A_205 : vector<1x16xi32> to vector<16xi32>
    %get3A_207 = arith.constant 1 : i32
    %get3A_208 = arith.index_cast %get3A_207 : i32 to index
    %get3A_209 = arith.constant 96 : index
    %get3A_210 = tpu.vector_load %arg5[%get3A_208, %get3A_209] {strides = array<i32>} : memref<128x256xi32, #tpu.memory_space<vmem>>, vector<1x16xi32>,
    %get3A_211 = vector.shape_cast %get3A_210 : vector<1x16xi32> to vector<16xi32>
    %get3A_212 = arith.constant 1 : i32
    %get3A_213 = arith.index_cast %get3A_212 : i32 to index
    %get3A_214 = arith.constant 112 : index
    %get3A_215 = tpu.vector_load %arg5[%get3A_213, %get3A_214] {strides = array<i32>} : memref<128x256xi32, #tpu.memory_space<vmem>>, vector<1x16xi32>,
    %get3A_216 = vector.shape_cast %get3A_215 : vector<1x16xi32> to vector<16xi32>
    %get3A_217 = arith.constant 1 : i32
    %get3A_218 = arith.index_cast %get3A_217 : i32 to index
    %get3A_219 = arith.constant 128 : index
    %get3A_220 = tpu.vector_load %arg5[%get3A_218, %get3A_219] {strides = array<i32>} : memref<128x256xi32, #tpu.memory_space<vmem>>, vector<1x16xi32>,
    %get3A_221 = vector.shape_cast %get3A_220 : vector<1x16xi32> to vector<16xi32>
    %get3A_222 = arith.constant 1 : i32
    %get3A_223 = arith.index_cast %get3A_222 : i32 to index
    %get3A_224 = arith.constant 144 : index
    %get3A_225 = tpu.vector_load %arg5[%get3A_223, %get3A_224] {strides = array<i32>} : memref<128x256xi32, #tpu.memory_space<vmem>>, vector<1x16xi32>,
    %get3A_226 = vector.shape_cast %get3A_225 : vector<1x16xi32> to vector<16xi32>
    %get3A_227 = arith.constant 1 : i32
    %get3A_228 = arith.index_cast %get3A_227 : i32 to index
    %get3A_229 = arith.constant 160 : index
    %get3A_230 = tpu.vector_load %arg5[%get3A_228, %get3A_229] {strides = array<i32>} : memref<128x256xi32, #tpu.memory_space<vmem>>, vector<1x16xi32>,
    %get3A_231 = vector.shape_cast %get3A_230 : vector<1x16xi32> to vector<16xi32>
    %get3A_232 = arith.constant 1 : i32
    %get3A_233 = arith.index_cast %get3A_232 : i32 to index
    %get3A_234 = arith.constant 176 : index
    %get3A_235 = tpu.vector_load %arg5[%get3A_233, %get3A_234] {strides = array<i32>} : memref<128x256xi32, #tpu.memory_space<vmem>>, vector<1x16xi32>,
    %get3A_236 = vector.shape_cast %get3A_235 : vector<1x16xi32> to vector<16xi32>
    %get3A_237 = arith.constant 1 : i32
    %get3A_238 = arith.index_cast %get3A_237 : i32 to index
    %get3A_239 = arith.constant 192 : index
    %get3A_240 = tpu.vector_load %arg5[%get3A_238, %get3A_239] {strides = array<i32>} : memref<128x256xi32, #tpu.memory_space<vmem>>, vector<1x16xi32>,
    %get3A_241 = vector.shape_cast %get3A_240 : vector<1x16xi32> to vector<16xi32>
    %dma_start3A_242 = arith.constant 1 : i32
    %dma_start3A_243 = arith.constant 0 : i32
    %dma_start3A_244 = arith.constant 0 : i32
    %dma_start3A_245 = tpu.memref_slice %arg6[%dma_start3A_242, %dma_start3A_243, %dma_start3A_244] : memref<4x208x64xf32, #tpu.memory_space<vmem>> -> memref<1x16x64xf32, #tpu.memory_space<vmem>>
    %dma_start3A_246 = tpu.memref_squeeze %dma_start3A_245 : memref<1x16x64xf32, #tpu.memory_space<vmem>> -> memref<16x64xf32, #tpu.memory_space<vmem>>
    %dma_start3A_247 = arith.constant 0 : i32
    %dma_start3A_248 = arith.constant 0 : i32
    %dma_start3A_249 = tpu.memref_slice %arg3[%dma_start3A_247, %dma_start3A_248] : memref<1000001x64xf32, #tpu.memory_space<hbm>> -> memref<1000001x64xf32, #tpu.memory_space<hbm>>
    tpu.enqueue_indirect_dma source(%dma_start3A_249 : memref<1000001x64xf32, #tpu.memory_space<hbm>>) target(%dma_start3A_246 : memref<16x64xf32, #tpu.memory_space<vmem>>) offsets(%get3A_181 : vector<16xi32>) semaphore(%arg10 : memref<!tpu.dma_semaphore, #tpu.memory_space<semaphore_mem>>)
    %dma_start3A_250 = arith.constant 1 : i32
    %dma_start3A_251 = arith.constant 16 : i32
    %dma_start3A_252 = arith.constant 0 : i32
    %dma_start3A_253 = tpu.memref_slice %arg6[%dma_start3A_250, %dma_start3A_251, %dma_start3A_252] : memref<4x208x64xf32, #tpu.memory_space<vmem>> -> memref<1x16x64xf32, #tpu.memory_space<vmem>>
    %dma_start3A_254 = tpu.memref_squeeze %dma_start3A_253 : memref<1x16x64xf32, #tpu.memory_space<vmem>> -> memref<16x64xf32, #tpu.memory_space<vmem>>
    %dma_start3A_255 = arith.constant 0 : i32
    %dma_start3A_256 = arith.constant 0 : i32
    %dma_start3A_257 = tpu.memref_slice %arg3[%dma_start3A_255, %dma_start3A_256] : memref<1000001x64xf32, #tpu.memory_space<hbm>> -> memref<1000001x64xf32, #tpu.memory_space<hbm>>
    tpu.enqueue_indirect_dma source(%dma_start3A_257 : memref<1000001x64xf32, #tpu.memory_space<hbm>>) target(%dma_start3A_254 : memref<16x64xf32, #tpu.memory_space<vmem>>) offsets(%get3A_186 : vector<16xi32>) semaphore(%arg10 : memref<!tpu.dma_semaphore, #tpu.memory_space<semaphore_mem>>)
    %dma_start3A_258 = arith.constant 1 : i32
    %dma_start3A_259 = arith.constant 32 : i32
    %dma_start3A_260 = arith.constant 0 : i32
    %dma_start3A_261 = tpu.memref_slice %arg6[%dma_start3A_258, %dma_start3A_259, %dma_start3A_260] : memref<4x208x64xf32, #tpu.memory_space<vmem>> -> memref<1x16x64xf32, #tpu.memory_space<vmem>>
    %dma_start3A_262 = tpu.memref_squeeze %dma_start3A_261 : memref<1x16x64xf32, #tpu.memory_space<vmem>> -> memref<16x64xf32, #tpu.memory_space<vmem>>
    %dma_start3A_263 = arith.constant 0 : i32
    %dma_start3A_264 = arith.constant 0 : i32
    %dma_start3A_265 = tpu.memref_slice %arg3[%dma_start3A_263, %dma_start3A_264] : memref<1000001x64xf32, #tpu.memory_space<hbm>> -> memref<1000001x64xf32, #tpu.memory_space<hbm>>
    tpu.enqueue_indirect_dma source(%dma_start3A_265 : memref<1000001x64xf32, #tpu.memory_space<hbm>>) target(%dma_start3A_262 : memref<16x64xf32, #tpu.memory_space<vmem>>) offsets(%get3A_191 : vector<16xi32>) semaphore(%arg10 : memref<!tpu.dma_semaphore, #tpu.memory_space<semaphore_mem>>)
    %dma_start3A_266 = arith.constant 1 : i32
    %dma_start3A_267 = arith.constant 48 : i32
    %dma_start3A_268 = arith.constant 0 : i32
    %dma_start3A_269 = tpu.memref_slice %arg6[%dma_start3A_266, %dma_start3A_267, %dma_start3A_268] : memref<4x208x64xf32, #tpu.memory_space<vmem>> -> memref<1x16x64xf32, #tpu.memory_space<vmem>>
    %dma_start3A_270 = tpu.memref_squeeze %dma_start3A_269 : memref<1x16x64xf32, #tpu.memory_space<vmem>> -> memref<16x64xf32, #tpu.memory_space<vmem>>
    %dma_start3A_271 = arith.constant 0 : i32
    %dma_start3A_272 = arith.constant 0 : i32
    %dma_start3A_273 = tpu.memref_slice %arg3[%dma_start3A_271, %dma_start3A_272] : memref<1000001x64xf32, #tpu.memory_space<hbm>> -> memref<1000001x64xf32, #tpu.memory_space<hbm>>
    tpu.enqueue_indirect_dma source(%dma_start3A_273 : memref<1000001x64xf32, #tpu.memory_space<hbm>>) target(%dma_start3A_270 : memref<16x64xf32, #tpu.memory_space<vmem>>) offsets(%get3A_196 : vector<16xi32>) semaphore(%arg10 : memref<!tpu.dma_semaphore, #tpu.memory_space<semaphore_mem>>)
    %dma_start3A_274 = arith.constant 1 : i32
    %dma_start3A_275 = arith.constant 64 : i32
    %dma_start3A_276 = arith.constant 0 : i32
    %dma_start3A_277 = tpu.memref_slice %arg6[%dma_start3A_274, %dma_start3A_275, %dma_start3A_276] : memref<4x208x64xf32, #tpu.memory_space<vmem>> -> memref<1x16x64xf32, #tpu.memory_space<vmem>>
    %dma_start3A_278 = tpu.memref_squeeze %dma_start3A_277 : memref<1x16x64xf32, #tpu.memory_space<vmem>> -> memref<16x64xf32, #tpu.memory_space<vmem>>
    %dma_start3A_279 = arith.constant 0 : i32
    %dma_start3A_280 = arith.constant 0 : i32
    %dma_start3A_281 = tpu.memref_slice %arg3[%dma_start3A_279, %dma_start3A_280] : memref<1000001x64xf32, #tpu.memory_space<hbm>> -> memref<1000001x64xf32, #tpu.memory_space<hbm>>
    tpu.enqueue_indirect_dma source(%dma_start3A_281 : memref<1000001x64xf32, #tpu.memory_space<hbm>>) target(%dma_start3A_278 : memref<16x64xf32, #tpu.memory_space<vmem>>) offsets(%get3A_201 : vector<16xi32>) semaphore(%arg10 : memref<!tpu.dma_semaphore, #tpu.memory_space<semaphore_mem>>)
    %dma_start3A_282 = arith.constant 1 : i32
    %dma_start3A_283 = arith.constant 80 : i32
    %dma_start3A_284 = arith.constant 0 : i32
    %dma_start3A_285 = tpu.memref_slice %arg6[%dma_start3A_282, %dma_start3A_283, %dma_start3A_284] : memref<4x208x64xf32, #tpu.memory_space<vmem>> -> memref<1x16x64xf32, #tpu.memory_space<vmem>>
    %dma_start3A_286 = tpu.memref_squeeze %dma_start3A_285 : memref<1x16x64xf32, #tpu.memory_space<vmem>> -> memref<16x64xf32, #tpu.memory_space<vmem>>
    %dma_start3A_287 = arith.constant 0 : i32
    %dma_start3A_288 = arith.constant 0 : i32
    %dma_start3A_289 = tpu.memref_slice %arg3[%dma_start3A_287, %dma_start3A_288] : memref<1000001x64xf32, #tpu.memory_space<hbm>> -> memref<1000001x64xf32, #tpu.memory_space<hbm>>
    tpu.enqueue_indirect_dma source(%dma_start3A_289 : memref<1000001x64xf32, #tpu.memory_space<hbm>>) target(%dma_start3A_286 : memref<16x64xf32, #tpu.memory_space<vmem>>) offsets(%get3A_206 : vector<16xi32>) semaphore(%arg10 : memref<!tpu.dma_semaphore, #tpu.memory_space<semaphore_mem>>)
    %dma_start3A_290 = arith.constant 1 : i32
    %dma_start3A_291 = arith.constant 96 : i32
    %dma_start3A_292 = arith.constant 0 : i32
    %dma_start3A_293 = tpu.memref_slice %arg6[%dma_start3A_290, %dma_start3A_291, %dma_start3A_292] : memref<4x208x64xf32, #tpu.memory_space<vmem>> -> memref<1x16x64xf32, #tpu.memory_space<vmem>>
    %dma_start3A_294 = tpu.memref_squeeze %dma_start3A_293 : memref<1x16x64xf32, #tpu.memory_space<vmem>> -> memref<16x64xf32, #tpu.memory_space<vmem>>
    %dma_start3A_295 = arith.constant 0 : i32
    %dma_start3A_296 = arith.constant 0 : i32
    %dma_start3A_297 = tpu.memref_slice %arg3[%dma_start3A_295, %dma_start3A_296] : memref<1000001x64xf32, #tpu.memory_space<hbm>> -> memref<1000001x64xf32, #tpu.memory_space<hbm>>
    tpu.enqueue_indirect_dma source(%dma_start3A_297 : memref<1000001x64xf32, #tpu.memory_space<hbm>>) target(%dma_start3A_294 : memref<16x64xf32, #tpu.memory_space<vmem>>) offsets(%get3A_211 : vector<16xi32>) semaphore(%arg10 : memref<!tpu.dma_semaphore, #tpu.memory_space<semaphore_mem>>)
    %dma_start3A_298 = arith.constant 1 : i32
    %dma_start3A_299 = arith.constant 112 : i32
    %dma_start3A_300 = arith.constant 0 : i32
    %dma_start3A_301 = tpu.memref_slice %arg6[%dma_start3A_298, %dma_start3A_299, %dma_start3A_300] : memref<4x208x64xf32, #tpu.memory_space<vmem>> -> memref<1x16x64xf32, #tpu.memory_space<vmem>>
    %dma_start3A_302 = tpu.memref_squeeze %dma_start3A_301 : memref<1x16x64xf32, #tpu.memory_space<vmem>> -> memref<16x64xf32, #tpu.memory_space<vmem>>
    %dma_start3A_303 = arith.constant 0 : i32
    %dma_start3A_304 = arith.constant 0 : i32
    %dma_start3A_305 = tpu.memref_slice %arg3[%dma_start3A_303, %dma_start3A_304] : memref<1000001x64xf32, #tpu.memory_space<hbm>> -> memref<1000001x64xf32, #tpu.memory_space<hbm>>
    tpu.enqueue_indirect_dma source(%dma_start3A_305 : memref<1000001x64xf32, #tpu.memory_space<hbm>>) target(%dma_start3A_302 : memref<16x64xf32, #tpu.memory_space<vmem>>) offsets(%get3A_216 : vector<16xi32>) semaphore(%arg10 : memref<!tpu.dma_semaphore, #tpu.memory_space<semaphore_mem>>)
    %dma_start3A_306 = arith.constant 1 : i32
    %dma_start3A_307 = arith.constant 128 : i32
    %dma_start3A_308 = arith.constant 0 : i32
    %dma_start3A_309 = tpu.memref_slice %arg6[%dma_start3A_306, %dma_start3A_307, %dma_start3A_308] : memref<4x208x64xf32, #tpu.memory_space<vmem>> -> memref<1x16x64xf32, #tpu.memory_space<vmem>>
    %dma_start3A_310 = tpu.memref_squeeze %dma_start3A_309 : memref<1x16x64xf32, #tpu.memory_space<vmem>> -> memref<16x64xf32, #tpu.memory_space<vmem>>
    %dma_start3A_311 = arith.constant 0 : i32
    %dma_start3A_312 = arith.constant 0 : i32
    %dma_start3A_313 = tpu.memref_slice %arg3[%dma_start3A_311, %dma_start3A_312] : memref<1000001x64xf32, #tpu.memory_space<hbm>> -> memref<1000001x64xf32, #tpu.memory_space<hbm>>
    tpu.enqueue_indirect_dma source(%dma_start3A_313 : memref<1000001x64xf32, #tpu.memory_space<hbm>>) target(%dma_start3A_310 : memref<16x64xf32, #tpu.memory_space<vmem>>) offsets(%get3A_221 : vector<16xi32>) semaphore(%arg10 : memref<!tpu.dma_semaphore, #tpu.memory_space<semaphore_mem>>)
    %dma_start3A_314 = arith.constant 1 : i32
    %dma_start3A_315 = arith.constant 144 : i32
    %dma_start3A_316 = arith.constant 0 : i32
    %dma_start3A_317 = tpu.memref_slice %arg6[%dma_start3A_314, %dma_start3A_315, %dma_start3A_316] : memref<4x208x64xf32, #tpu.memory_space<vmem>> -> memref<1x16x64xf32, #tpu.memory_space<vmem>>
    %dma_start3A_318 = tpu.memref_squeeze %dma_start3A_317 : memref<1x16x64xf32, #tpu.memory_space<vmem>> -> memref<16x64xf32, #tpu.memory_space<vmem>>
    %dma_start3A_319 = arith.constant 0 : i32
    %dma_start3A_320 = arith.constant 0 : i32
    %dma_start3A_321 = tpu.memref_slice %arg3[%dma_start3A_319, %dma_start3A_320] : memref<1000001x64xf32, #tpu.memory_space<hbm>> -> memref<1000001x64xf32, #tpu.memory_space<hbm>>
    tpu.enqueue_indirect_dma source(%dma_start3A_321 : memref<1000001x64xf32, #tpu.memory_space<hbm>>) target(%dma_start3A_318 : memref<16x64xf32, #tpu.memory_space<vmem>>) offsets(%get3A_226 : vector<16xi32>) semaphore(%arg10 : memref<!tpu.dma_semaphore, #tpu.memory_space<semaphore_mem>>)
    %dma_start3A_322 = arith.constant 1 : i32
    %dma_start3A_323 = arith.constant 160 : i32
    %dma_start3A_324 = arith.constant 0 : i32
    %dma_start3A_325 = tpu.memref_slice %arg6[%dma_start3A_322, %dma_start3A_323, %dma_start3A_324] : memref<4x208x64xf32, #tpu.memory_space<vmem>> -> memref<1x16x64xf32, #tpu.memory_space<vmem>>
    %dma_start3A_326 = tpu.memref_squeeze %dma_start3A_325 : memref<1x16x64xf32, #tpu.memory_space<vmem>> -> memref<16x64xf32, #tpu.memory_space<vmem>>
    %dma_start3A_327 = arith.constant 0 : i32
    %dma_start3A_328 = arith.constant 0 : i32
    %dma_start3A_329 = tpu.memref_slice %arg3[%dma_start3A_327, %dma_start3A_328] : memref<1000001x64xf32, #tpu.memory_space<hbm>> -> memref<1000001x64xf32, #tpu.memory_space<hbm>>
    tpu.enqueue_indirect_dma source(%dma_start3A_329 : memref<1000001x64xf32, #tpu.memory_space<hbm>>) target(%dma_start3A_326 : memref<16x64xf32, #tpu.memory_space<vmem>>) offsets(%get3A_231 : vector<16xi32>) semaphore(%arg10 : memref<!tpu.dma_semaphore, #tpu.memory_space<semaphore_mem>>)
    %dma_start3A_330 = arith.constant 1 : i32
    %dma_start3A_331 = arith.constant 176 : i32
    %dma_start3A_332 = arith.constant 0 : i32
    %dma_start3A_333 = tpu.memref_slice %arg6[%dma_start3A_330, %dma_start3A_331, %dma_start3A_332] : memref<4x208x64xf32, #tpu.memory_space<vmem>> -> memref<1x16x64xf32, #tpu.memory_space<vmem>>
    %dma_start3A_334 = tpu.memref_squeeze %dma_start3A_333 : memref<1x16x64xf32, #tpu.memory_space<vmem>> -> memref<16x64xf32, #tpu.memory_space<vmem>>
    %dma_start3A_335 = arith.constant 0 : i32
    %dma_start3A_336 = arith.constant 0 : i32
    %dma_start3A_337 = tpu.memref_slice %arg3[%dma_start3A_335, %dma_start3A_336] : memref<1000001x64xf32, #tpu.memory_space<hbm>> -> memref<1000001x64xf32, #tpu.memory_space<hbm>>
    tpu.enqueue_indirect_dma source(%dma_start3A_337 : memref<1000001x64xf32, #tpu.memory_space<hbm>>) target(%dma_start3A_334 : memref<16x64xf32, #tpu.memory_space<vmem>>) offsets(%get3A_236 : vector<16xi32>) semaphore(%arg10 : memref<!tpu.dma_semaphore, #tpu.memory_space<semaphore_mem>>)
    %dma_start3A_338 = arith.constant 1 : i32
    %dma_start3A_339 = arith.constant 192 : i32
    %dma_start3A_340 = arith.constant 0 : i32
    %dma_start3A_341 = tpu.memref_slice %arg6[%dma_start3A_338, %dma_start3A_339, %dma_start3A_340] : memref<4x208x64xf32, #tpu.memory_space<vmem>> -> memref<1x16x64xf32, #tpu.memory_space<vmem>>
    %dma_start3A_342 = tpu.memref_squeeze %dma_start3A_341 : memref<1x16x64xf32, #tpu.memory_space<vmem>> -> memref<16x64xf32, #tpu.memory_space<vmem>>
    %dma_start3A_343 = arith.constant 0 : i32
    %dma_start3A_344 = arith.constant 0 : i32
    %dma_start3A_345 = tpu.memref_slice %arg3[%dma_start3A_343, %dma_start3A_344] : memref<1000001x64xf32, #tpu.memory_space<hbm>> -> memref<1000001x64xf32, #tpu.memory_space<hbm>>
    tpu.enqueue_indirect_dma source(%dma_start3A_345 : memref<1000001x64xf32, #tpu.memory_space<hbm>>) target(%dma_start3A_342 : memref<16x64xf32, #tpu.memory_space<vmem>>) offsets(%get3A_241 : vector<16xi32>) semaphore(%arg10 : memref<!tpu.dma_semaphore, #tpu.memory_space<semaphore_mem>>)
    %get3A_346 = arith.constant 2 : i32
    %get3A_347 = arith.index_cast %get3A_346 : i32 to index
    %get3A_348 = arith.constant 0 : index
    %get3A_349 = tpu.vector_load %arg5[%get3A_347, %get3A_348] {strides = array<i32>} : memref<128x256xi32, #tpu.memory_space<vmem>>, vector<1x16xi32>,
    %get3A_350 = vector.shape_cast %get3A_349 : vector<1x16xi32> to vector<16xi32>
    %get3A_351 = arith.constant 2 : i32
    %get3A_352 = arith.index_cast %get3A_351 : i32 to index
    %get3A_353 = arith.constant 16 : index
    %get3A_354 = tpu.vector_load %arg5[%get3A_352, %get3A_353] {strides = array<i32>} : memref<128x256xi32, #tpu.memory_space<vmem>>, vector<1x16xi32>,
    %get3A_355 = vector.shape_cast %get3A_354 : vector<1x16xi32> to vector<16xi32>
    %get3A_356 = arith.constant 2 : i32
    %get3A_357 = arith.index_cast %get3A_356 : i32 to index
    %get3A_358 = arith.constant 32 : index
    %get3A_359 = tpu.vector_load %arg5[%get3A_357, %get3A_358] {strides = array<i32>} : memref<128x256xi32, #tpu.memory_space<vmem>>, vector<1x16xi32>,
    %get3A_360 = vector.shape_cast %get3A_359 : vector<1x16xi32> to vector<16xi32>
    %get3A_361 = arith.constant 2 : i32
    %get3A_362 = arith.index_cast %get3A_361 : i32 to index
    %get3A_363 = arith.constant 48 : index
    %get3A_364 = tpu.vector_load %arg5[%get3A_362, %get3A_363] {strides = array<i32>} : memref<128x256xi32, #tpu.memory_space<vmem>>, vector<1x16xi32>,
    %get3A_365 = vector.shape_cast %get3A_364 : vector<1x16xi32> to vector<16xi32>
    %get3A_366 = arith.constant 2 : i32
    %get3A_367 = arith.index_cast %get3A_366 : i32 to index
    %get3A_368 = arith.constant 64 : index
    %get3A_369 = tpu.vector_load %arg5[%get3A_367, %get3A_368] {strides = array<i32>} : memref<128x256xi32, #tpu.memory_space<vmem>>, vector<1x16xi32>,
    %get3A_370 = vector.shape_cast %get3A_369 : vector<1x16xi32> to vector<16xi32>
    %get3A_371 = arith.constant 2 : i32
    %get3A_372 = arith.index_cast %get3A_371 : i32 to index
    %get3A_373 = arith.constant 80 : index
    %get3A_374 = tpu.vector_load %arg5[%get3A_372, %get3A_373] {strides = array<i32>} : memref<128x256xi32, #tpu.memory_space<vmem>>, vector<1x16xi32>,
    %get3A_375 = vector.shape_cast %get3A_374 : vector<1x16xi32> to vector<16xi32>
    %get3A_376 = arith.constant 2 : i32
    %get3A_377 = arith.index_cast %get3A_376 : i32 to index
    %get3A_378 = arith.constant 96 : index
    %get3A_379 = tpu.vector_load %arg5[%get3A_377, %get3A_378] {strides = array<i32>} : memref<128x256xi32, #tpu.memory_space<vmem>>, vector<1x16xi32>,
    %get3A_380 = vector.shape_cast %get3A_379 : vector<1x16xi32> to vector<16xi32>
    %get3A_381 = arith.constant 2 : i32
    %get3A_382 = arith.index_cast %get3A_381 : i32 to index
    %get3A_383 = arith.constant 112 : index
    %get3A_384 = tpu.vector_load %arg5[%get3A_382, %get3A_383] {strides = array<i32>} : memref<128x256xi32, #tpu.memory_space<vmem>>, vector<1x16xi32>,
    %get3A_385 = vector.shape_cast %get3A_384 : vector<1x16xi32> to vector<16xi32>
    %get3A_386 = arith.constant 2 : i32
    %get3A_387 = arith.index_cast %get3A_386 : i32 to index
    %get3A_388 = arith.constant 128 : index
    %get3A_389 = tpu.vector_load %arg5[%get3A_387, %get3A_388] {strides = array<i32>} : memref<128x256xi32, #tpu.memory_space<vmem>>, vector<1x16xi32>,
    %get3A_390 = vector.shape_cast %get3A_389 : vector<1x16xi32> to vector<16xi32>
    %get3A_391 = arith.constant 2 : i32
    %get3A_392 = arith.index_cast %get3A_391 : i32 to index
    %get3A_393 = arith.constant 144 : index
    %get3A_394 = tpu.vector_load %arg5[%get3A_392, %get3A_393] {strides = array<i32>} : memref<128x256xi32, #tpu.memory_space<vmem>>, vector<1x16xi32>,
    %get3A_395 = vector.shape_cast %get3A_394 : vector<1x16xi32> to vector<16xi32>
    %get3A_396 = arith.constant 2 : i32
    %get3A_397 = arith.index_cast %get3A_396 : i32 to index
    %get3A_398 = arith.constant 160 : index
    %get3A_399 = tpu.vector_load %arg5[%get3A_397, %get3A_398] {strides = array<i32>} : memref<128x256xi32, #tpu.memory_space<vmem>>, vector<1x16xi32>,
    %get3A_400 = vector.shape_cast %get3A_399 : vector<1x16xi32> to vector<16xi32>
    %get3A_401 = arith.constant 2 : i32
    %get3A_402 = arith.index_cast %get3A_401 : i32 to index
    %get3A_403 = arith.constant 176 : index
    %get3A_404 = tpu.vector_load %arg5[%get3A_402, %get3A_403] {strides = array<i32>} : memref<128x256xi32, #tpu.memory_space<vmem>>, vector<1x16xi32>,
    %get3A_405 = vector.shape_cast %get3A_404 : vector<1x16xi32> to vector<16xi32>
    %get3A_406 = arith.constant 2 : i32
    %get3A_407 = arith.index_cast %get3A_406 : i32 to index
    %get3A_408 = arith.constant 192 : index
    %get3A_409 = tpu.vector_load %arg5[%get3A_407, %get3A_408] {strides = array<i32>} : memref<128x256xi32, #tpu.memory_space<vmem>>, vector<1x16xi32>,
    %get3A_410 = vector.shape_cast %get3A_409 : vector<1x16xi32> to vector<16xi32>
    %dma_start3A_411 = arith.constant 2 : i32
    %dma_start3A_412 = arith.constant 0 : i32
    %dma_start3A_413 = arith.constant 0 : i32
    %dma_start3A_414 = tpu.memref_slice %arg6[%dma_start3A_411, %dma_start3A_412, %dma_start3A_413] : memref<4x208x64xf32, #tpu.memory_space<vmem>> -> memref<1x16x64xf32, #tpu.memory_space<vmem>>
    %dma_start3A_415 = tpu.memref_squeeze %dma_start3A_414 : memref<1x16x64xf32, #tpu.memory_space<vmem>> -> memref<16x64xf32, #tpu.memory_space<vmem>>
    %dma_start3A_416 = arith.constant 0 : i32
    %dma_start3A_417 = arith.constant 0 : i32
    %dma_start3A_418 = tpu.memref_slice %arg3[%dma_start3A_416, %dma_start3A_417] : memref<1000001x64xf32, #tpu.memory_space<hbm>> -> memref<1000001x64xf32, #tpu.memory_space<hbm>>
    tpu.enqueue_indirect_dma source(%dma_start3A_418 : memref<1000001x64xf32, #tpu.memory_space<hbm>>) target(%dma_start3A_415 : memref<16x64xf32, #tpu.memory_space<vmem>>) offsets(%get3A_350 : vector<16xi32>) semaphore(%arg11 : memref<!tpu.dma_semaphore, #tpu.memory_space<semaphore_mem>>)
    %dma_start3A_419 = arith.constant 2 : i32
    %dma_start3A_420 = arith.constant 16 : i32
    %dma_start3A_421 = arith.constant 0 : i32
    %dma_start3A_422 = tpu.memref_slice %arg6[%dma_start3A_419, %dma_start3A_420, %dma_start3A_421] : memref<4x208x64xf32, #tpu.memory_space<vmem>> -> memref<1x16x64xf32, #tpu.memory_space<vmem>>
    %dma_start3A_423 = tpu.memref_squeeze %dma_start3A_422 : memref<1x16x64xf32, #tpu.memory_space<vmem>> -> memref<16x64xf32, #tpu.memory_space<vmem>>
    %dma_start3A_424 = arith.constant 0 : i32
    %dma_start3A_425 = arith.constant 0 : i32
    %dma_start3A_426 = tpu.memref_slice %arg3[%dma_start3A_424, %dma_start3A_425] : memref<1000001x64xf32, #tpu.memory_space<hbm>> -> memref<1000001x64xf32, #tpu.memory_space<hbm>>
    tpu.enqueue_indirect_dma source(%dma_start3A_426 : memref<1000001x64xf32, #tpu.memory_space<hbm>>) target(%dma_start3A_423 : memref<16x64xf32, #tpu.memory_space<vmem>>) offsets(%get3A_355 : vector<16xi32>) semaphore(%arg11 : memref<!tpu.dma_semaphore, #tpu.memory_space<semaphore_mem>>)
    %dma_start3A_427 = arith.constant 2 : i32
    %dma_start3A_428 = arith.constant 32 : i32
    %dma_start3A_429 = arith.constant 0 : i32
    %dma_start3A_430 = tpu.memref_slice %arg6[%dma_start3A_427, %dma_start3A_428, %dma_start3A_429] : memref<4x208x64xf32, #tpu.memory_space<vmem>> -> memref<1x16x64xf32, #tpu.memory_space<vmem>>
    %dma_start3A_431 = tpu.memref_squeeze %dma_start3A_430 : memref<1x16x64xf32, #tpu.memory_space<vmem>> -> memref<16x64xf32, #tpu.memory_space<vmem>>
    %dma_start3A_432 = arith.constant 0 : i32
    %dma_start3A_433 = arith.constant 0 : i32
    %dma_start3A_434 = tpu.memref_slice %arg3[%dma_start3A_432, %dma_start3A_433] : memref<1000001x64xf32, #tpu.memory_space<hbm>> -> memref<1000001x64xf32, #tpu.memory_space<hbm>>
    tpu.enqueue_indirect_dma source(%dma_start3A_434 : memref<1000001x64xf32, #tpu.memory_space<hbm>>) target(%dma_start3A_431 : memref<16x64xf32, #tpu.memory_space<vmem>>) offsets(%get3A_360 : vector<16xi32>) semaphore(%arg11 : memref<!tpu.dma_semaphore, #tpu.memory_space<semaphore_mem>>)
    %dma_start3A_435 = arith.constant 2 : i32
    %dma_start3A_436 = arith.constant 48 : i32
    %dma_start3A_437 = arith.constant 0 : i32
    %dma_start3A_438 = tpu.memref_slice %arg6[%dma_start3A_435, %dma_start3A_436, %dma_start3A_437] : memref<4x208x64xf32, #tpu.memory_space<vmem>> -> memref<1x16x64xf32, #tpu.memory_space<vmem>>
    %dma_start3A_439 = tpu.memref_squeeze %dma_start3A_438 : memref<1x16x64xf32, #tpu.memory_space<vmem>> -> memref<16x64xf32, #tpu.memory_space<vmem>>
    %dma_start3A_440 = arith.constant 0 : i32
    %dma_start3A_441 = arith.constant 0 : i32
    %dma_start3A_442 = tpu.memref_slice %arg3[%dma_start3A_440, %dma_start3A_441] : memref<1000001x64xf32, #tpu.memory_space<hbm>> -> memref<1000001x64xf32, #tpu.memory_space<hbm>>
    tpu.enqueue_indirect_dma source(%dma_start3A_442 : memref<1000001x64xf32, #tpu.memory_space<hbm>>) target(%dma_start3A_439 : memref<16x64xf32, #tpu.memory_space<vmem>>) offsets(%get3A_365 : vector<16xi32>) semaphore(%arg11 : memref<!tpu.dma_semaphore, #tpu.memory_space<semaphore_mem>>)
    %dma_start3A_443 = arith.constant 2 : i32
    %dma_start3A_444 = arith.constant 64 : i32
    %dma_start3A_445 = arith.constant 0 : i32
    %dma_start3A_446 = tpu.memref_slice %arg6[%dma_start3A_443, %dma_start3A_444, %dma_start3A_445] : memref<4x208x64xf32, #tpu.memory_space<vmem>> -> memref<1x16x64xf32, #tpu.memory_space<vmem>>
    %dma_start3A_447 = tpu.memref_squeeze %dma_start3A_446 : memref<1x16x64xf32, #tpu.memory_space<vmem>> -> memref<16x64xf32, #tpu.memory_space<vmem>>
    %dma_start3A_448 = arith.constant 0 : i32
    %dma_start3A_449 = arith.constant 0 : i32
    %dma_start3A_450 = tpu.memref_slice %arg3[%dma_start3A_448, %dma_start3A_449] : memref<1000001x64xf32, #tpu.memory_space<hbm>> -> memref<1000001x64xf32, #tpu.memory_space<hbm>>
    tpu.enqueue_indirect_dma source(%dma_start3A_450 : memref<1000001x64xf32, #tpu.memory_space<hbm>>) target(%dma_start3A_447 : memref<16x64xf32, #tpu.memory_space<vmem>>) offsets(%get3A_370 : vector<16xi32>) semaphore(%arg11 : memref<!tpu.dma_semaphore, #tpu.memory_space<semaphore_mem>>)
    %dma_start3A_451 = arith.constant 2 : i32
    %dma_start3A_452 = arith.constant 80 : i32
    %dma_start3A_453 = arith.constant 0 : i32
    %dma_start3A_454 = tpu.memref_slice %arg6[%dma_start3A_451, %dma_start3A_452, %dma_start3A_453] : memref<4x208x64xf32, #tpu.memory_space<vmem>> -> memref<1x16x64xf32, #tpu.memory_space<vmem>>
    %dma_start3A_455 = tpu.memref_squeeze %dma_start3A_454 : memref<1x16x64xf32, #tpu.memory_space<vmem>> -> memref<16x64xf32, #tpu.memory_space<vmem>>
    %dma_start3A_456 = arith.constant 0 : i32
    %dma_start3A_457 = arith.constant 0 : i32
    %dma_start3A_458 = tpu.memref_slice %arg3[%dma_start3A_456, %dma_start3A_457] : memref<1000001x64xf32, #tpu.memory_space<hbm>> -> memref<1000001x64xf32, #tpu.memory_space<hbm>>
    tpu.enqueue_indirect_dma source(%dma_start3A_458 : memref<1000001x64xf32, #tpu.memory_space<hbm>>) target(%dma_start3A_455 : memref<16x64xf32, #tpu.memory_space<vmem>>) offsets(%get3A_375 : vector<16xi32>) semaphore(%arg11 : memref<!tpu.dma_semaphore, #tpu.memory_space<semaphore_mem>>)
    %dma_start3A_459 = arith.constant 2 : i32
    %dma_start3A_460 = arith.constant 96 : i32
    %dma_start3A_461 = arith.constant 0 : i32
    %dma_start3A_462 = tpu.memref_slice %arg6[%dma_start3A_459, %dma_start3A_460, %dma_start3A_461] : memref<4x208x64xf32, #tpu.memory_space<vmem>> -> memref<1x16x64xf32, #tpu.memory_space<vmem>>
    %dma_start3A_463 = tpu.memref_squeeze %dma_start3A_462 : memref<1x16x64xf32, #tpu.memory_space<vmem>> -> memref<16x64xf32, #tpu.memory_space<vmem>>
    %dma_start3A_464 = arith.constant 0 : i32
    %dma_start3A_465 = arith.constant 0 : i32
    %dma_start3A_466 = tpu.memref_slice %arg3[%dma_start3A_464, %dma_start3A_465] : memref<1000001x64xf32, #tpu.memory_space<hbm>> -> memref<1000001x64xf32, #tpu.memory_space<hbm>>
    tpu.enqueue_indirect_dma source(%dma_start3A_466 : memref<1000001x64xf32, #tpu.memory_space<hbm>>) target(%dma_start3A_463 : memref<16x64xf32, #tpu.memory_space<vmem>>) offsets(%get3A_380 : vector<16xi32>) semaphore(%arg11 : memref<!tpu.dma_semaphore, #tpu.memory_space<semaphore_mem>>)
    %dma_start3A_467 = arith.constant 2 : i32
    %dma_start3A_468 = arith.constant 112 : i32
    %dma_start3A_469 = arith.constant 0 : i32
    %dma_start3A_470 = tpu.memref_slice %arg6[%dma_start3A_467, %dma_start3A_468, %dma_start3A_469] : memref<4x208x64xf32, #tpu.memory_space<vmem>> -> memref<1x16x64xf32, #tpu.memory_space<vmem>>
    %dma_start3A_471 = tpu.memref_squeeze %dma_start3A_470 : memref<1x16x64xf32, #tpu.memory_space<vmem>> -> memref<16x64xf32, #tpu.memory_space<vmem>>
    %dma_start3A_472 = arith.constant 0 : i32
    %dma_start3A_473 = arith.constant 0 : i32
    %dma_start3A_474 = tpu.memref_slice %arg3[%dma_start3A_472, %dma_start3A_473] : memref<1000001x64xf32, #tpu.memory_space<hbm>> -> memref<1000001x64xf32, #tpu.memory_space<hbm>>
    tpu.enqueue_indirect_dma source(%dma_start3A_474 : memref<1000001x64xf32, #tpu.memory_space<hbm>>) target(%dma_start3A_471 : memref<16x64xf32, #tpu.memory_space<vmem>>) offsets(%get3A_385 : vector<16xi32>) semaphore(%arg11 : memref<!tpu.dma_semaphore, #tpu.memory_space<semaphore_mem>>)
    %dma_start3A_475 = arith.constant 2 : i32
    %dma_start3A_476 = arith.constant 128 : i32
    %dma_start3A_477 = arith.constant 0 : i32
    %dma_start3A_478 = tpu.memref_slice %arg6[%dma_start3A_475, %dma_start3A_476, %dma_start3A_477] : memref<4x208x64xf32, #tpu.memory_space<vmem>> -> memref<1x16x64xf32, #tpu.memory_space<vmem>>
    %dma_start3A_479 = tpu.memref_squeeze %dma_start3A_478 : memref<1x16x64xf32, #tpu.memory_space<vmem>> -> memref<16x64xf32, #tpu.memory_space<vmem>>
    %dma_start3A_480 = arith.constant 0 : i32
    %dma_start3A_481 = arith.constant 0 : i32
    %dma_start3A_482 = tpu.memref_slice %arg3[%dma_start3A_480, %dma_start3A_481] : memref<1000001x64xf32, #tpu.memory_space<hbm>> -> memref<1000001x64xf32, #tpu.memory_space<hbm>>
    tpu.enqueue_indirect_dma source(%dma_start3A_482 : memref<1000001x64xf32, #tpu.memory_space<hbm>>) target(%dma_start3A_479 : memref<16x64xf32, #tpu.memory_space<vmem>>) offsets(%get3A_390 : vector<16xi32>) semaphore(%arg11 : memref<!tpu.dma_semaphore, #tpu.memory_space<semaphore_mem>>)
    %dma_start3A_483 = arith.constant 2 : i32
    %dma_start3A_484 = arith.constant 144 : i32
    %dma_start3A_485 = arith.constant 0 : i32
    %dma_start3A_486 = tpu.memref_slice %arg6[%dma_start3A_483, %dma_start3A_484, %dma_start3A_485] : memref<4x208x64xf32, #tpu.memory_space<vmem>> -> memref<1x16x64xf32, #tpu.memory_space<vmem>>
    %dma_start3A_487 = tpu.memref_squeeze %dma_start3A_486 : memref<1x16x64xf32, #tpu.memory_space<vmem>> -> memref<16x64xf32, #tpu.memory_space<vmem>>
    %dma_start3A_488 = arith.constant 0 : i32
    %dma_start3A_489 = arith.constant 0 : i32
    %dma_start3A_490 = tpu.memref_slice %arg3[%dma_start3A_488, %dma_start3A_489] : memref<1000001x64xf32, #tpu.memory_space<hbm>> -> memref<1000001x64xf32, #tpu.memory_space<hbm>>
    tpu.enqueue_indirect_dma source(%dma_start3A_490 : memref<1000001x64xf32, #tpu.memory_space<hbm>>) target(%dma_start3A_487 : memref<16x64xf32, #tpu.memory_space<vmem>>) offsets(%get3A_395 : vector<16xi32>) semaphore(%arg11 : memref<!tpu.dma_semaphore, #tpu.memory_space<semaphore_mem>>)
    %dma_start3A_491 = arith.constant 2 : i32
    %dma_start3A_492 = arith.constant 160 : i32
    %dma_start3A_493 = arith.constant 0 : i32
    %dma_start3A_494 = tpu.memref_slice %arg6[%dma_start3A_491, %dma_start3A_492, %dma_start3A_493] : memref<4x208x64xf32, #tpu.memory_space<vmem>> -> memref<1x16x64xf32, #tpu.memory_space<vmem>>
    %dma_start3A_495 = tpu.memref_squeeze %dma_start3A_494 : memref<1x16x64xf32, #tpu.memory_space<vmem>> -> memref<16x64xf32, #tpu.memory_space<vmem>>
    %dma_start3A_496 = arith.constant 0 : i32
    %dma_start3A_497 = arith.constant 0 : i32
    %dma_start3A_498 = tpu.memref_slice %arg3[%dma_start3A_496, %dma_start3A_497] : memref<1000001x64xf32, #tpu.memory_space<hbm>> -> memref<1000001x64xf32, #tpu.memory_space<hbm>>
    tpu.enqueue_indirect_dma source(%dma_start3A_498 : memref<1000001x64xf32, #tpu.memory_space<hbm>>) target(%dma_start3A_495 : memref<16x64xf32, #tpu.memory_space<vmem>>) offsets(%get3A_400 : vector<16xi32>) semaphore(%arg11 : memref<!tpu.dma_semaphore, #tpu.memory_space<semaphore_mem>>)
    %dma_start3A_499 = arith.constant 2 : i32
    %dma_start3A_500 = arith.constant 176 : i32
    %dma_start3A_501 = arith.constant 0 : i32
    %dma_start3A_502 = tpu.memref_slice %arg6[%dma_start3A_499, %dma_start3A_500, %dma_start3A_501] : memref<4x208x64xf32, #tpu.memory_space<vmem>> -> memref<1x16x64xf32, #tpu.memory_space<vmem>>
    %dma_start3A_503 = tpu.memref_squeeze %dma_start3A_502 : memref<1x16x64xf32, #tpu.memory_space<vmem>> -> memref<16x64xf32, #tpu.memory_space<vmem>>
    %dma_start3A_504 = arith.constant 0 : i32
    %dma_start3A_505 = arith.constant 0 : i32
    %dma_start3A_506 = tpu.memref_slice %arg3[%dma_start3A_504, %dma_start3A_505] : memref<1000001x64xf32, #tpu.memory_space<hbm>> -> memref<1000001x64xf32, #tpu.memory_space<hbm>>
    tpu.enqueue_indirect_dma source(%dma_start3A_506 : memref<1000001x64xf32, #tpu.memory_space<hbm>>) target(%dma_start3A_503 : memref<16x64xf32, #tpu.memory_space<vmem>>) offsets(%get3A_405 : vector<16xi32>) semaphore(%arg11 : memref<!tpu.dma_semaphore, #tpu.memory_space<semaphore_mem>>)
    %dma_start3A_507 = arith.constant 2 : i32
    %dma_start3A_508 = arith.constant 192 : i32
    %dma_start3A_509 = arith.constant 0 : i32
    %dma_start3A_510 = tpu.memref_slice %arg6[%dma_start3A_507, %dma_start3A_508, %dma_start3A_509] : memref<4x208x64xf32, #tpu.memory_space<vmem>> -> memref<1x16x64xf32, #tpu.memory_space<vmem>>
    %dma_start3A_511 = tpu.memref_squeeze %dma_start3A_510 : memref<1x16x64xf32, #tpu.memory_space<vmem>> -> memref<16x64xf32, #tpu.memory_space<vmem>>
    %dma_start3A_512 = arith.constant 0 : i32
    %dma_start3A_513 = arith.constant 0 : i32
    %dma_start3A_514 = tpu.memref_slice %arg3[%dma_start3A_512, %dma_start3A_513] : memref<1000001x64xf32, #tpu.memory_space<hbm>> -> memref<1000001x64xf32, #tpu.memory_space<hbm>>
    tpu.enqueue_indirect_dma source(%dma_start3A_514 : memref<1000001x64xf32, #tpu.memory_space<hbm>>) target(%dma_start3A_511 : memref<16x64xf32, #tpu.memory_space<vmem>>) offsets(%get3A_410 : vector<16xi32>) semaphore(%arg11 : memref<!tpu.dma_semaphore, #tpu.memory_space<semaphore_mem>>)
    %get3A_515 = arith.constant 3 : i32
    %get3A_516 = arith.index_cast %get3A_515 : i32 to index
    %get3A_517 = arith.constant 0 : index
    %get3A_518 = tpu.vector_load %arg5[%get3A_516, %get3A_517] {strides = array<i32>} : memref<128x256xi32, #tpu.memory_space<vmem>>, vector<1x16xi32>,
    %get3A_519 = vector.shape_cast %get3A_518 : vector<1x16xi32> to vector<16xi32>
    %get3A_520 = arith.constant 3 : i32
    %get3A_521 = arith.index_cast %get3A_520 : i32 to index
    %get3A_522 = arith.constant 16 : index
    %get3A_523 = tpu.vector_load %arg5[%get3A_521, %get3A_522] {strides = array<i32>} : memref<128x256xi32, #tpu.memory_space<vmem>>, vector<1x16xi32>,
    %get3A_524 = vector.shape_cast %get3A_523 : vector<1x16xi32> to vector<16xi32>
    %get3A_525 = arith.constant 3 : i32
    %get3A_526 = arith.index_cast %get3A_525 : i32 to index
    %get3A_527 = arith.constant 32 : index
    %get3A_528 = tpu.vector_load %arg5[%get3A_526, %get3A_527] {strides = array<i32>} : memref<128x256xi32, #tpu.memory_space<vmem>>, vector<1x16xi32>,
    %get3A_529 = vector.shape_cast %get3A_528 : vector<1x16xi32> to vector<16xi32>
    %get3A_530 = arith.constant 3 : i32
    %get3A_531 = arith.index_cast %get3A_530 : i32 to index
    %get3A_532 = arith.constant 48 : index
    %get3A_533 = tpu.vector_load %arg5[%get3A_531, %get3A_532] {strides = array<i32>} : memref<128x256xi32, #tpu.memory_space<vmem>>, vector<1x16xi32>,
    %get3A_534 = vector.shape_cast %get3A_533 : vector<1x16xi32> to vector<16xi32>
    %get3A_535 = arith.constant 3 : i32
    %get3A_536 = arith.index_cast %get3A_535 : i32 to index
    %get3A_537 = arith.constant 64 : index
    %get3A_538 = tpu.vector_load %arg5[%get3A_536, %get3A_537] {strides = array<i32>} : memref<128x256xi32, #tpu.memory_space<vmem>>, vector<1x16xi32>,
    %get3A_539 = vector.shape_cast %get3A_538 : vector<1x16xi32> to vector<16xi32>
    %get3A_540 = arith.constant 3 : i32
    %get3A_541 = arith.index_cast %get3A_540 : i32 to index
    %get3A_542 = arith.constant 80 : index
    %get3A_543 = tpu.vector_load %arg5[%get3A_541, %get3A_542] {strides = array<i32>} : memref<128x256xi32, #tpu.memory_space<vmem>>, vector<1x16xi32>,
    %get3A_544 = vector.shape_cast %get3A_543 : vector<1x16xi32> to vector<16xi32>
    %get3A_545 = arith.constant 3 : i32
    %get3A_546 = arith.index_cast %get3A_545 : i32 to index
    %get3A_547 = arith.constant 96 : index
    %get3A_548 = tpu.vector_load %arg5[%get3A_546, %get3A_547] {strides = array<i32>} : memref<128x256xi32, #tpu.memory_space<vmem>>, vector<1x16xi32>,
    %get3A_549 = vector.shape_cast %get3A_548 : vector<1x16xi32> to vector<16xi32>
    %get3A_550 = arith.constant 3 : i32
    %get3A_551 = arith.index_cast %get3A_550 : i32 to index
    %get3A_552 = arith.constant 112 : index
    %get3A_553 = tpu.vector_load %arg5[%get3A_551, %get3A_552] {strides = array<i32>} : memref<128x256xi32, #tpu.memory_space<vmem>>, vector<1x16xi32>,
    %get3A_554 = vector.shape_cast %get3A_553 : vector<1x16xi32> to vector<16xi32>
    %get3A_555 = arith.constant 3 : i32
    %get3A_556 = arith.index_cast %get3A_555 : i32 to index
    %get3A_557 = arith.constant 128 : index
    %get3A_558 = tpu.vector_load %arg5[%get3A_556, %get3A_557] {strides = array<i32>} : memref<128x256xi32, #tpu.memory_space<vmem>>, vector<1x16xi32>,
    %get3A_559 = vector.shape_cast %get3A_558 : vector<1x16xi32> to vector<16xi32>
    %get3A_560 = arith.constant 3 : i32
    %get3A_561 = arith.index_cast %get3A_560 : i32 to index
    %get3A_562 = arith.constant 144 : index
    %get3A_563 = tpu.vector_load %arg5[%get3A_561, %get3A_562] {strides = array<i32>} : memref<128x256xi32, #tpu.memory_space<vmem>>, vector<1x16xi32>,
    %get3A_564 = vector.shape_cast %get3A_563 : vector<1x16xi32> to vector<16xi32>
    %get3A_565 = arith.constant 3 : i32
    %get3A_566 = arith.index_cast %get3A_565 : i32 to index
    %get3A_567 = arith.constant 160 : index
    %get3A_568 = tpu.vector_load %arg5[%get3A_566, %get3A_567] {strides = array<i32>} : memref<128x256xi32, #tpu.memory_space<vmem>>, vector<1x16xi32>,
    %get3A_569 = vector.shape_cast %get3A_568 : vector<1x16xi32> to vector<16xi32>
    %get3A_570 = arith.constant 3 : i32
    %get3A_571 = arith.index_cast %get3A_570 : i32 to index
    %get3A_572 = arith.constant 176 : index
    %get3A_573 = tpu.vector_load %arg5[%get3A_571, %get3A_572] {strides = array<i32>} : memref<128x256xi32, #tpu.memory_space<vmem>>, vector<1x16xi32>,
    %get3A_574 = vector.shape_cast %get3A_573 : vector<1x16xi32> to vector<16xi32>
    %get3A_575 = arith.constant 3 : i32
    %get3A_576 = arith.index_cast %get3A_575 : i32 to index
    %get3A_577 = arith.constant 192 : index
    %get3A_578 = tpu.vector_load %arg5[%get3A_576, %get3A_577] {strides = array<i32>} : memref<128x256xi32, #tpu.memory_space<vmem>>, vector<1x16xi32>,
    %get3A_579 = vector.shape_cast %get3A_578 : vector<1x16xi32> to vector<16xi32>
    %dma_start3A_580 = arith.constant 3 : i32
    %dma_start3A_581 = arith.constant 0 : i32
    %dma_start3A_582 = arith.constant 0 : i32
    %dma_start3A_583 = tpu.memref_slice %arg6[%dma_start3A_580, %dma_start3A_581, %dma_start3A_582] : memref<4x208x64xf32, #tpu.memory_space<vmem>> -> memref<1x16x64xf32, #tpu.memory_space<vmem>>
    %dma_start3A_584 = tpu.memref_squeeze %dma_start3A_583 : memref<1x16x64xf32, #tpu.memory_space<vmem>> -> memref<16x64xf32, #tpu.memory_space<vmem>>
    %dma_start3A_585 = arith.constant 0 : i32
    %dma_start3A_586 = arith.constant 0 : i32
    %dma_start3A_587 = tpu.memref_slice %arg3[%dma_start3A_585, %dma_start3A_586] : memref<1000001x64xf32, #tpu.memory_space<hbm>> -> memref<1000001x64xf32, #tpu.memory_space<hbm>>
    tpu.enqueue_indirect_dma source(%dma_start3A_587 : memref<1000001x64xf32, #tpu.memory_space<hbm>>) target(%dma_start3A_584 : memref<16x64xf32, #tpu.memory_space<vmem>>) offsets(%get3A_519 : vector<16xi32>) semaphore(%arg12 : memref<!tpu.dma_semaphore, #tpu.memory_space<semaphore_mem>>)
    %dma_start3A_588 = arith.constant 3 : i32
    %dma_start3A_589 = arith.constant 16 : i32
    %dma_start3A_590 = arith.constant 0 : i32
    %dma_start3A_591 = tpu.memref_slice %arg6[%dma_start3A_588, %dma_start3A_589, %dma_start3A_590] : memref<4x208x64xf32, #tpu.memory_space<vmem>> -> memref<1x16x64xf32, #tpu.memory_space<vmem>>
    %dma_start3A_592 = tpu.memref_squeeze %dma_start3A_591 : memref<1x16x64xf32, #tpu.memory_space<vmem>> -> memref<16x64xf32, #tpu.memory_space<vmem>>
    %dma_start3A_593 = arith.constant 0 : i32
    %dma_start3A_594 = arith.constant 0 : i32
    %dma_start3A_595 = tpu.memref_slice %arg3[%dma_start3A_593, %dma_start3A_594] : memref<1000001x64xf32, #tpu.memory_space<hbm>> -> memref<1000001x64xf32, #tpu.memory_space<hbm>>
    tpu.enqueue_indirect_dma source(%dma_start3A_595 : memref<1000001x64xf32, #tpu.memory_space<hbm>>) target(%dma_start3A_592 : memref<16x64xf32, #tpu.memory_space<vmem>>) offsets(%get3A_524 : vector<16xi32>) semaphore(%arg12 : memref<!tpu.dma_semaphore, #tpu.memory_space<semaphore_mem>>)
    %dma_start3A_596 = arith.constant 3 : i32
    %dma_start3A_597 = arith.constant 32 : i32
    %dma_start3A_598 = arith.constant 0 : i32
    %dma_start3A_599 = tpu.memref_slice %arg6[%dma_start3A_596, %dma_start3A_597, %dma_start3A_598] : memref<4x208x64xf32, #tpu.memory_space<vmem>> -> memref<1x16x64xf32, #tpu.memory_space<vmem>>
    %dma_start3A_600 = tpu.memref_squeeze %dma_start3A_599 : memref<1x16x64xf32, #tpu.memory_space<vmem>> -> memref<16x64xf32, #tpu.memory_space<vmem>>
    %dma_start3A_601 = arith.constant 0 : i32
    %dma_start3A_602 = arith.constant 0 : i32
    %dma_start3A_603 = tpu.memref_slice %arg3[%dma_start3A_601, %dma_start3A_602] : memref<1000001x64xf32, #tpu.memory_space<hbm>> -> memref<1000001x64xf32, #tpu.memory_space<hbm>>
    tpu.enqueue_indirect_dma source(%dma_start3A_603 : memref<1000001x64xf32, #tpu.memory_space<hbm>>) target(%dma_start3A_600 : memref<16x64xf32, #tpu.memory_space<vmem>>) offsets(%get3A_529 : vector<16xi32>) semaphore(%arg12 : memref<!tpu.dma_semaphore, #tpu.memory_space<semaphore_mem>>)
    %dma_start3A_604 = arith.constant 3 : i32
    %dma_start3A_605 = arith.constant 48 : i32
    %dma_start3A_606 = arith.constant 0 : i32
    %dma_start3A_607 = tpu.memref_slice %arg6[%dma_start3A_604, %dma_start3A_605, %dma_start3A_606] : memref<4x208x64xf32, #tpu.memory_space<vmem>> -> memref<1x16x64xf32, #tpu.memory_space<vmem>>
    %dma_start3A_608 = tpu.memref_squeeze %dma_start3A_607 : memref<1x16x64xf32, #tpu.memory_space<vmem>> -> memref<16x64xf32, #tpu.memory_space<vmem>>
    %dma_start3A_609 = arith.constant 0 : i32
    %dma_start3A_610 = arith.constant 0 : i32
    %dma_start3A_611 = tpu.memref_slice %arg3[%dma_start3A_609, %dma_start3A_610] : memref<1000001x64xf32, #tpu.memory_space<hbm>> -> memref<1000001x64xf32, #tpu.memory_space<hbm>>
    tpu.enqueue_indirect_dma source(%dma_start3A_611 : memref<1000001x64xf32, #tpu.memory_space<hbm>>) target(%dma_start3A_608 : memref<16x64xf32, #tpu.memory_space<vmem>>) offsets(%get3A_534 : vector<16xi32>) semaphore(%arg12 : memref<!tpu.dma_semaphore, #tpu.memory_space<semaphore_mem>>)
    %dma_start3A_612 = arith.constant 3 : i32
    %dma_start3A_613 = arith.constant 64 : i32
    %dma_start3A_614 = arith.constant 0 : i32
    %dma_start3A_615 = tpu.memref_slice %arg6[%dma_start3A_612, %dma_start3A_613, %dma_start3A_614] : memref<4x208x64xf32, #tpu.memory_space<vmem>> -> memref<1x16x64xf32, #tpu.memory_space<vmem>>
    %dma_start3A_616 = tpu.memref_squeeze %dma_start3A_615 : memref<1x16x64xf32, #tpu.memory_space<vmem>> -> memref<16x64xf32, #tpu.memory_space<vmem>>
    %dma_start3A_617 = arith.constant 0 : i32
    %dma_start3A_618 = arith.constant 0 : i32
    %dma_start3A_619 = tpu.memref_slice %arg3[%dma_start3A_617, %dma_start3A_618] : memref<1000001x64xf32, #tpu.memory_space<hbm>> -> memref<1000001x64xf32, #tpu.memory_space<hbm>>
    tpu.enqueue_indirect_dma source(%dma_start3A_619 : memref<1000001x64xf32, #tpu.memory_space<hbm>>) target(%dma_start3A_616 : memref<16x64xf32, #tpu.memory_space<vmem>>) offsets(%get3A_539 : vector<16xi32>) semaphore(%arg12 : memref<!tpu.dma_semaphore, #tpu.memory_space<semaphore_mem>>)
    %dma_start3A_620 = arith.constant 3 : i32
    %dma_start3A_621 = arith.constant 80 : i32
    %dma_start3A_622 = arith.constant 0 : i32
    %dma_start3A_623 = tpu.memref_slice %arg6[%dma_start3A_620, %dma_start3A_621, %dma_start3A_622] : memref<4x208x64xf32, #tpu.memory_space<vmem>> -> memref<1x16x64xf32, #tpu.memory_space<vmem>>
    %dma_start3A_624 = tpu.memref_squeeze %dma_start3A_623 : memref<1x16x64xf32, #tpu.memory_space<vmem>> -> memref<16x64xf32, #tpu.memory_space<vmem>>
    %dma_start3A_625 = arith.constant 0 : i32
    %dma_start3A_626 = arith.constant 0 : i32
    %dma_start3A_627 = tpu.memref_slice %arg3[%dma_start3A_625, %dma_start3A_626] : memref<1000001x64xf32, #tpu.memory_space<hbm>> -> memref<1000001x64xf32, #tpu.memory_space<hbm>>
    tpu.enqueue_indirect_dma source(%dma_start3A_627 : memref<1000001x64xf32, #tpu.memory_space<hbm>>) target(%dma_start3A_624 : memref<16x64xf32, #tpu.memory_space<vmem>>) offsets(%get3A_544 : vector<16xi32>) semaphore(%arg12 : memref<!tpu.dma_semaphore, #tpu.memory_space<semaphore_mem>>)
    %dma_start3A_628 = arith.constant 3 : i32
    %dma_start3A_629 = arith.constant 96 : i32
    %dma_start3A_630 = arith.constant 0 : i32
    %dma_start3A_631 = tpu.memref_slice %arg6[%dma_start3A_628, %dma_start3A_629, %dma_start3A_630] : memref<4x208x64xf32, #tpu.memory_space<vmem>> -> memref<1x16x64xf32, #tpu.memory_space<vmem>>
    %dma_start3A_632 = tpu.memref_squeeze %dma_start3A_631 : memref<1x16x64xf32, #tpu.memory_space<vmem>> -> memref<16x64xf32, #tpu.memory_space<vmem>>
    %dma_start3A_633 = arith.constant 0 : i32
    %dma_start3A_634 = arith.constant 0 : i32
    %dma_start3A_635 = tpu.memref_slice %arg3[%dma_start3A_633, %dma_start3A_634] : memref<1000001x64xf32, #tpu.memory_space<hbm>> -> memref<1000001x64xf32, #tpu.memory_space<hbm>>
    tpu.enqueue_indirect_dma source(%dma_start3A_635 : memref<1000001x64xf32, #tpu.memory_space<hbm>>) target(%dma_start3A_632 : memref<16x64xf32, #tpu.memory_space<vmem>>) offsets(%get3A_549 : vector<16xi32>) semaphore(%arg12 : memref<!tpu.dma_semaphore, #tpu.memory_space<semaphore_mem>>)
    %dma_start3A_636 = arith.constant 3 : i32
    %dma_start3A_637 = arith.constant 112 : i32
    %dma_start3A_638 = arith.constant 0 : i32
    %dma_start3A_639 = tpu.memref_slice %arg6[%dma_start3A_636, %dma_start3A_637, %dma_start3A_638] : memref<4x208x64xf32, #tpu.memory_space<vmem>> -> memref<1x16x64xf32, #tpu.memory_space<vmem>>
    %dma_start3A_640 = tpu.memref_squeeze %dma_start3A_639 : memref<1x16x64xf32, #tpu.memory_space<vmem>> -> memref<16x64xf32, #tpu.memory_space<vmem>>
    %dma_start3A_641 = arith.constant 0 : i32
    %dma_start3A_642 = arith.constant 0 : i32
    %dma_start3A_643 = tpu.memref_slice %arg3[%dma_start3A_641, %dma_start3A_642] : memref<1000001x64xf32, #tpu.memory_space<hbm>> -> memref<1000001x64xf32, #tpu.memory_space<hbm>>
    tpu.enqueue_indirect_dma source(%dma_start3A_643 : memref<1000001x64xf32, #tpu.memory_space<hbm>>) target(%dma_start3A_640 : memref<16x64xf32, #tpu.memory_space<vmem>>) offsets(%get3A_554 : vector<16xi32>) semaphore(%arg12 : memref<!tpu.dma_semaphore, #tpu.memory_space<semaphore_mem>>)
    %dma_start3A_644 = arith.constant 3 : i32
    %dma_start3A_645 = arith.constant 128 : i32
    %dma_start3A_646 = arith.constant 0 : i32
    %dma_start3A_647 = tpu.memref_slice %arg6[%dma_start3A_644, %dma_start3A_645, %dma_start3A_646] : memref<4x208x64xf32, #tpu.memory_space<vmem>> -> memref<1x16x64xf32, #tpu.memory_space<vmem>>
    %dma_start3A_648 = tpu.memref_squeeze %dma_start3A_647 : memref<1x16x64xf32, #tpu.memory_space<vmem>> -> memref<16x64xf32, #tpu.memory_space<vmem>>
    %dma_start3A_649 = arith.constant 0 : i32
    %dma_start3A_650 = arith.constant 0 : i32
    %dma_start3A_651 = tpu.memref_slice %arg3[%dma_start3A_649, %dma_start3A_650] : memref<1000001x64xf32, #tpu.memory_space<hbm>> -> memref<1000001x64xf32, #tpu.memory_space<hbm>>
    tpu.enqueue_indirect_dma source(%dma_start3A_651 : memref<1000001x64xf32, #tpu.memory_space<hbm>>) target(%dma_start3A_648 : memref<16x64xf32, #tpu.memory_space<vmem>>) offsets(%get3A_559 : vector<16xi32>) semaphore(%arg12 : memref<!tpu.dma_semaphore, #tpu.memory_space<semaphore_mem>>)
    %dma_start3A_652 = arith.constant 3 : i32
    %dma_start3A_653 = arith.constant 144 : i32
    %dma_start3A_654 = arith.constant 0 : i32
    %dma_start3A_655 = tpu.memref_slice %arg6[%dma_start3A_652, %dma_start3A_653, %dma_start3A_654] : memref<4x208x64xf32, #tpu.memory_space<vmem>> -> memref<1x16x64xf32, #tpu.memory_space<vmem>>
    %dma_start3A_656 = tpu.memref_squeeze %dma_start3A_655 : memref<1x16x64xf32, #tpu.memory_space<vmem>> -> memref<16x64xf32, #tpu.memory_space<vmem>>
    %dma_start3A_657 = arith.constant 0 : i32
    %dma_start3A_658 = arith.constant 0 : i32
    %dma_start3A_659 = tpu.memref_slice %arg3[%dma_start3A_657, %dma_start3A_658] : memref<1000001x64xf32, #tpu.memory_space<hbm>> -> memref<1000001x64xf32, #tpu.memory_space<hbm>>
    tpu.enqueue_indirect_dma source(%dma_start3A_659 : memref<1000001x64xf32, #tpu.memory_space<hbm>>) target(%dma_start3A_656 : memref<16x64xf32, #tpu.memory_space<vmem>>) offsets(%get3A_564 : vector<16xi32>) semaphore(%arg12 : memref<!tpu.dma_semaphore, #tpu.memory_space<semaphore_mem>>)
    %dma_start3A_660 = arith.constant 3 : i32
    %dma_start3A_661 = arith.constant 160 : i32
    %dma_start3A_662 = arith.constant 0 : i32
    %dma_start3A_663 = tpu.memref_slice %arg6[%dma_start3A_660, %dma_start3A_661, %dma_start3A_662] : memref<4x208x64xf32, #tpu.memory_space<vmem>> -> memref<1x16x64xf32, #tpu.memory_space<vmem>>
    %dma_start3A_664 = tpu.memref_squeeze %dma_start3A_663 : memref<1x16x64xf32, #tpu.memory_space<vmem>> -> memref<16x64xf32, #tpu.memory_space<vmem>>
    %dma_start3A_665 = arith.constant 0 : i32
    %dma_start3A_666 = arith.constant 0 : i32
    %dma_start3A_667 = tpu.memref_slice %arg3[%dma_start3A_665, %dma_start3A_666] : memref<1000001x64xf32, #tpu.memory_space<hbm>> -> memref<1000001x64xf32, #tpu.memory_space<hbm>>
    tpu.enqueue_indirect_dma source(%dma_start3A_667 : memref<1000001x64xf32, #tpu.memory_space<hbm>>) target(%dma_start3A_664 : memref<16x64xf32, #tpu.memory_space<vmem>>) offsets(%get3A_569 : vector<16xi32>) semaphore(%arg12 : memref<!tpu.dma_semaphore, #tpu.memory_space<semaphore_mem>>)
    %dma_start3A_668 = arith.constant 3 : i32
    %dma_start3A_669 = arith.constant 176 : i32
    %dma_start3A_670 = arith.constant 0 : i32
    %dma_start3A_671 = tpu.memref_slice %arg6[%dma_start3A_668, %dma_start3A_669, %dma_start3A_670] : memref<4x208x64xf32, #tpu.memory_space<vmem>> -> memref<1x16x64xf32, #tpu.memory_space<vmem>>
    %dma_start3A_672 = tpu.memref_squeeze %dma_start3A_671 : memref<1x16x64xf32, #tpu.memory_space<vmem>> -> memref<16x64xf32, #tpu.memory_space<vmem>>
    %dma_start3A_673 = arith.constant 0 : i32
    %dma_start3A_674 = arith.constant 0 : i32
    %dma_start3A_675 = tpu.memref_slice %arg3[%dma_start3A_673, %dma_start3A_674] : memref<1000001x64xf32, #tpu.memory_space<hbm>> -> memref<1000001x64xf32, #tpu.memory_space<hbm>>
    tpu.enqueue_indirect_dma source(%dma_start3A_675 : memref<1000001x64xf32, #tpu.memory_space<hbm>>) target(%dma_start3A_672 : memref<16x64xf32, #tpu.memory_space<vmem>>) offsets(%get3A_574 : vector<16xi32>) semaphore(%arg12 : memref<!tpu.dma_semaphore, #tpu.memory_space<semaphore_mem>>)
    %dma_start3A_676 = arith.constant 3 : i32
    %dma_start3A_677 = arith.constant 192 : i32
    %dma_start3A_678 = arith.constant 0 : i32
    %dma_start3A_679 = tpu.memref_slice %arg6[%dma_start3A_676, %dma_start3A_677, %dma_start3A_678] : memref<4x208x64xf32, #tpu.memory_space<vmem>> -> memref<1x16x64xf32, #tpu.memory_space<vmem>>
    %dma_start3A_680 = tpu.memref_squeeze %dma_start3A_679 : memref<1x16x64xf32, #tpu.memory_space<vmem>> -> memref<16x64xf32, #tpu.memory_space<vmem>>
    %dma_start3A_681 = arith.constant 0 : i32
    %dma_start3A_682 = arith.constant 0 : i32
    %dma_start3A_683 = tpu.memref_slice %arg3[%dma_start3A_681, %dma_start3A_682] : memref<1000001x64xf32, #tpu.memory_space<hbm>> -> memref<1000001x64xf32, #tpu.memory_space<hbm>>
    tpu.enqueue_indirect_dma source(%dma_start3A_683 : memref<1000001x64xf32, #tpu.memory_space<hbm>>) target(%dma_start3A_680 : memref<16x64xf32, #tpu.memory_space<vmem>>) offsets(%get3A_579 : vector<16xi32>) semaphore(%arg12 : memref<!tpu.dma_semaphore, #tpu.memory_space<semaphore_mem>>)
    %scan3A = arith.constant 0 : i32
    %scan3A_684 = arith.constant 0 : i32
    %scan3A_685 = arith.constant 32 : i32
    %scan3A_686 = arith.addi %scan3A_684, %scan3A_685 : i32
    %scan3A_687 = arith.constant 1 : i32
    scf.for %scan3A_689 = %scan3A_684 to %scan3A_686 step %scan3A_687  : i32 {
      %mul3A_690 = arith.constant 4 : i32
      %mul3A_691 = arith.muli %scan3A_689, %mul3A_690 : i32
      %add3A_692 = arith.constant 0 : i32
      %add3A_693 = arith.addi %mul3A_691, %add3A_692 : i32
      %get3A_694 = arith.index_cast %add3A_693 : i32 to index
      %get3A_695 = arith.constant 0 : index
      %get3A_696 = tpu.vector_load %arg5[%get3A_694, %get3A_695] {strides = array<i32>} : memref<128x256xi32, #tpu.memory_space<vmem>>, vector<1x16xi32>,
      %get3A_697 = vector.shape_cast %get3A_696 : vector<1x16xi32> to vector<16xi32>
      %get3A_698 = arith.index_cast %add3A_693 : i32 to index
      %get3A_699 = arith.constant 16 : index
      %get3A_700 = tpu.vector_load %arg5[%get3A_698, %get3A_699] {strides = array<i32>} : memref<128x256xi32, #tpu.memory_space<vmem>>, vector<1x16xi32>,
      %get3A_701 = vector.shape_cast %get3A_700 : vector<1x16xi32> to vector<16xi32>
      %get3A_702 = arith.index_cast %add3A_693 : i32 to index
      %get3A_703 = arith.constant 32 : index
      %get3A_704 = tpu.vector_load %arg5[%get3A_702, %get3A_703] {strides = array<i32>} : memref<128x256xi32, #tpu.memory_space<vmem>>, vector<1x16xi32>,
      %get3A_705 = vector.shape_cast %get3A_704 : vector<1x16xi32> to vector<16xi32>
      %get3A_706 = arith.index_cast %add3A_693 : i32 to index
      %get3A_707 = arith.constant 48 : index
      %get3A_708 = tpu.vector_load %arg5[%get3A_706, %get3A_707] {strides = array<i32>} : memref<128x256xi32, #tpu.memory_space<vmem>>, vector<1x16xi32>,
      %get3A_709 = vector.shape_cast %get3A_708 : vector<1x16xi32> to vector<16xi32>
      %get3A_710 = arith.index_cast %add3A_693 : i32 to index
      %get3A_711 = arith.constant 64 : index
      %get3A_712 = tpu.vector_load %arg5[%get3A_710, %get3A_711] {strides = array<i32>} : memref<128x256xi32, #tpu.memory_space<vmem>>, vector<1x16xi32>,
      %get3A_713 = vector.shape_cast %get3A_712 : vector<1x16xi32> to vector<16xi32>
      %get3A_714 = arith.index_cast %add3A_693 : i32 to index
      %get3A_715 = arith.constant 80 : index
      %get3A_716 = tpu.vector_load %arg5[%get3A_714, %get3A_715] {strides = array<i32>} : memref<128x256xi32, #tpu.memory_space<vmem>>, vector<1x16xi32>,
      %get3A_717 = vector.shape_cast %get3A_716 : vector<1x16xi32> to vector<16xi32>
      %get3A_718 = arith.index_cast %add3A_693 : i32 to index
      %get3A_719 = arith.constant 96 : index
      %get3A_720 = tpu.vector_load %arg5[%get3A_718, %get3A_719] {strides = array<i32>} : memref<128x256xi32, #tpu.memory_space<vmem>>, vector<1x16xi32>,
      %get3A_721 = vector.shape_cast %get3A_720 : vector<1x16xi32> to vector<16xi32>
      %get3A_722 = arith.index_cast %add3A_693 : i32 to index
      %get3A_723 = arith.constant 112 : index
      %get3A_724 = tpu.vector_load %arg5[%get3A_722, %get3A_723] {strides = array<i32>} : memref<128x256xi32, #tpu.memory_space<vmem>>, vector<1x16xi32>,
      %get3A_725 = vector.shape_cast %get3A_724 : vector<1x16xi32> to vector<16xi32>
      %get3A_726 = arith.index_cast %add3A_693 : i32 to index
      %get3A_727 = arith.constant 128 : index
      %get3A_728 = tpu.vector_load %arg5[%get3A_726, %get3A_727] {strides = array<i32>} : memref<128x256xi32, #tpu.memory_space<vmem>>, vector<1x16xi32>,
      %get3A_729 = vector.shape_cast %get3A_728 : vector<1x16xi32> to vector<16xi32>
      %get3A_730 = arith.index_cast %add3A_693 : i32 to index
      %get3A_731 = arith.constant 144 : index
      %get3A_732 = tpu.vector_load %arg5[%get3A_730, %get3A_731] {strides = array<i32>} : memref<128x256xi32, #tpu.memory_space<vmem>>, vector<1x16xi32>,
      %get3A_733 = vector.shape_cast %get3A_732 : vector<1x16xi32> to vector<16xi32>
      %get3A_734 = arith.index_cast %add3A_693 : i32 to index
      %get3A_735 = arith.constant 160 : index
      %get3A_736 = tpu.vector_load %arg5[%get3A_734, %get3A_735] {strides = array<i32>} : memref<128x256xi32, #tpu.memory_space<vmem>>, vector<1x16xi32>,
      %get3A_737 = vector.shape_cast %get3A_736 : vector<1x16xi32> to vector<16xi32>
      %get3A_738 = arith.index_cast %add3A_693 : i32 to index
      %get3A_739 = arith.constant 176 : index
      %get3A_740 = tpu.vector_load %arg5[%get3A_738, %get3A_739] {strides = array<i32>} : memref<128x256xi32, #tpu.memory_space<vmem>>, vector<1x16xi32>,
      %get3A_741 = vector.shape_cast %get3A_740 : vector<1x16xi32> to vector<16xi32>
      %get3A_742 = arith.index_cast %add3A_693 : i32 to index
      %get3A_743 = arith.constant 192 : index
      %get3A_744 = tpu.vector_load %arg5[%get3A_742, %get3A_743] {strides = array<i32>} : memref<128x256xi32, #tpu.memory_space<vmem>>, vector<1x16xi32>,
      %get3A_745 = vector.shape_cast %get3A_744 : vector<1x16xi32> to vector<16xi32>
      %dma_wait3A_746 = arith.constant 0 : i32
      %dma_wait3A_747 = arith.constant 0 : i32
      %dma_wait3A_748 = arith.constant 0 : i32
      %dma_wait3A_749 = tpu.memref_slice %arg6[%dma_wait3A_746, %dma_wait3A_747, %dma_wait3A_748] : memref<4x208x64xf32, #tpu.memory_space<vmem>> -> memref<1x16x64xf32, #tpu.memory_space<vmem>>
      %dma_wait3A_750 = tpu.memref_squeeze %dma_wait3A_749 : memref<1x16x64xf32, #tpu.memory_space<vmem>> -> memref<16x64xf32, #tpu.memory_space<vmem>>
      %dma_wait3A_751 = arith.constant 0 : i32
      %dma_wait3A_752 = arith.constant 0 : i32
      %dma_wait3A_753 = tpu.memref_slice %arg3[%dma_wait3A_751, %dma_wait3A_752] : memref<1000001x64xf32, #tpu.memory_space<hbm>> -> memref<1000001x64xf32, #tpu.memory_space<hbm>>
      tpu.wait_indirect_dma semaphore(%arg9 : memref<!tpu.dma_semaphore, #tpu.memory_space<semaphore_mem>>) src(%dma_wait3A_753 : memref<1000001x64xf32, #tpu.memory_space<hbm>>) dst(%dma_wait3A_750 : memref<16x64xf32, #tpu.memory_space<vmem>>)
      %dma_wait3A_754 = arith.constant 0 : i32
      %dma_wait3A_755 = arith.constant 16 : i32
      %dma_wait3A_756 = arith.constant 0 : i32
      %dma_wait3A_757 = tpu.memref_slice %arg6[%dma_wait3A_754, %dma_wait3A_755, %dma_wait3A_756] : memref<4x208x64xf32, #tpu.memory_space<vmem>> -> memref<1x16x64xf32, #tpu.memory_space<vmem>>
      %dma_wait3A_758 = tpu.memref_squeeze %dma_wait3A_757 : memref<1x16x64xf32, #tpu.memory_space<vmem>> -> memref<16x64xf32, #tpu.memory_space<vmem>>
      %dma_wait3A_759 = arith.constant 0 : i32
      %dma_wait3A_760 = arith.constant 0 : i32
      %dma_wait3A_761 = tpu.memref_slice %arg3[%dma_wait3A_759, %dma_wait3A_760] : memref<1000001x64xf32, #tpu.memory_space<hbm>> -> memref<1000001x64xf32, #tpu.memory_space<hbm>>
      tpu.wait_indirect_dma semaphore(%arg9 : memref<!tpu.dma_semaphore, #tpu.memory_space<semaphore_mem>>) src(%dma_wait3A_761 : memref<1000001x64xf32, #tpu.memory_space<hbm>>) dst(%dma_wait3A_758 : memref<16x64xf32, #tpu.memory_space<vmem>>)
      %dma_wait3A_762 = arith.constant 0 : i32
      %dma_wait3A_763 = arith.constant 32 : i32
      %dma_wait3A_764 = arith.constant 0 : i32
      %dma_wait3A_765 = tpu.memref_slice %arg6[%dma_wait3A_762, %dma_wait3A_763, %dma_wait3A_764] : memref<4x208x64xf32, #tpu.memory_space<vmem>> -> memref<1x16x64xf32, #tpu.memory_space<vmem>>
      %dma_wait3A_766 = tpu.memref_squeeze %dma_wait3A_765 : memref<1x16x64xf32, #tpu.memory_space<vmem>> -> memref<16x64xf32, #tpu.memory_space<vmem>>
      %dma_wait3A_767 = arith.constant 0 : i32
      %dma_wait3A_768 = arith.constant 0 : i32
      %dma_wait3A_769 = tpu.memref_slice %arg3[%dma_wait3A_767, %dma_wait3A_768] : memref<1000001x64xf32, #tpu.memory_space<hbm>> -> memref<1000001x64xf32, #tpu.memory_space<hbm>>
      tpu.wait_indirect_dma semaphore(%arg9 : memref<!tpu.dma_semaphore, #tpu.memory_space<semaphore_mem>>) src(%dma_wait3A_769 : memref<1000001x64xf32, #tpu.memory_space<hbm>>) dst(%dma_wait3A_766 : memref<16x64xf32, #tpu.memory_space<vmem>>)
      %dma_wait3A_770 = arith.constant 0 : i32
      %dma_wait3A_771 = arith.constant 48 : i32
      %dma_wait3A_772 = arith.constant 0 : i32
      %dma_wait3A_773 = tpu.memref_slice %arg6[%dma_wait3A_770, %dma_wait3A_771, %dma_wait3A_772] : memref<4x208x64xf32, #tpu.memory_space<vmem>> -> memref<1x16x64xf32, #tpu.memory_space<vmem>>
      %dma_wait3A_774 = tpu.memref_squeeze %dma_wait3A_773 : memref<1x16x64xf32, #tpu.memory_space<vmem>> -> memref<16x64xf32, #tpu.memory_space<vmem>>
      %dma_wait3A_775 = arith.constant 0 : i32
      %dma_wait3A_776 = arith.constant 0 : i32
      %dma_wait3A_777 = tpu.memref_slice %arg3[%dma_wait3A_775, %dma_wait3A_776] : memref<1000001x64xf32, #tpu.memory_space<hbm>> -> memref<1000001x64xf32, #tpu.memory_space<hbm>>
      tpu.wait_indirect_dma semaphore(%arg9 : memref<!tpu.dma_semaphore, #tpu.memory_space<semaphore_mem>>) src(%dma_wait3A_777 : memref<1000001x64xf32, #tpu.memory_space<hbm>>) dst(%dma_wait3A_774 : memref<16x64xf32, #tpu.memory_space<vmem>>)
      %dma_wait3A_778 = arith.constant 0 : i32
      %dma_wait3A_779 = arith.constant 64 : i32
      %dma_wait3A_780 = arith.constant 0 : i32
      %dma_wait3A_781 = tpu.memref_slice %arg6[%dma_wait3A_778, %dma_wait3A_779, %dma_wait3A_780] : memref<4x208x64xf32, #tpu.memory_space<vmem>> -> memref<1x16x64xf32, #tpu.memory_space<vmem>>
      %dma_wait3A_782 = tpu.memref_squeeze %dma_wait3A_781 : memref<1x16x64xf32, #tpu.memory_space<vmem>> -> memref<16x64xf32, #tpu.memory_space<vmem>>
      %dma_wait3A_783 = arith.constant 0 : i32
      %dma_wait3A_784 = arith.constant 0 : i32
      %dma_wait3A_785 = tpu.memref_slice %arg3[%dma_wait3A_783, %dma_wait3A_784] : memref<1000001x64xf32, #tpu.memory_space<hbm>> -> memref<1000001x64xf32, #tpu.memory_space<hbm>>
      tpu.wait_indirect_dma semaphore(%arg9 : memref<!tpu.dma_semaphore, #tpu.memory_space<semaphore_mem>>) src(%dma_wait3A_785 : memref<1000001x64xf32, #tpu.memory_space<hbm>>) dst(%dma_wait3A_782 : memref<16x64xf32, #tpu.memory_space<vmem>>)
      %dma_wait3A_786 = arith.constant 0 : i32
      %dma_wait3A_787 = arith.constant 80 : i32
      %dma_wait3A_788 = arith.constant 0 : i32
      %dma_wait3A_789 = tpu.memref_slice %arg6[%dma_wait3A_786, %dma_wait3A_787, %dma_wait3A_788] : memref<4x208x64xf32, #tpu.memory_space<vmem>> -> memref<1x16x64xf32, #tpu.memory_space<vmem>>
      %dma_wait3A_790 = tpu.memref_squeeze %dma_wait3A_789 : memref<1x16x64xf32, #tpu.memory_space<vmem>> -> memref<16x64xf32, #tpu.memory_space<vmem>>
      %dma_wait3A_791 = arith.constant 0 : i32
      %dma_wait3A_792 = arith.constant 0 : i32
      %dma_wait3A_793 = tpu.memref_slice %arg3[%dma_wait3A_791, %dma_wait3A_792] : memref<1000001x64xf32, #tpu.memory_space<hbm>> -> memref<1000001x64xf32, #tpu.memory_space<hbm>>
      tpu.wait_indirect_dma semaphore(%arg9 : memref<!tpu.dma_semaphore, #tpu.memory_space<semaphore_mem>>) src(%dma_wait3A_793 : memref<1000001x64xf32, #tpu.memory_space<hbm>>) dst(%dma_wait3A_790 : memref<16x64xf32, #tpu.memory_space<vmem>>)
      %dma_wait3A_794 = arith.constant 0 : i32
      %dma_wait3A_795 = arith.constant 96 : i32
      %dma_wait3A_796 = arith.constant 0 : i32
      %dma_wait3A_797 = tpu.memref_slice %arg6[%dma_wait3A_794, %dma_wait3A_795, %dma_wait3A_796] : memref<4x208x64xf32, #tpu.memory_space<vmem>> -> memref<1x16x64xf32, #tpu.memory_space<vmem>>
      %dma_wait3A_798 = tpu.memref_squeeze %dma_wait3A_797 : memref<1x16x64xf32, #tpu.memory_space<vmem>> -> memref<16x64xf32, #tpu.memory_space<vmem>>
      %dma_wait3A_799 = arith.constant 0 : i32
      %dma_wait3A_800 = arith.constant 0 : i32
      %dma_wait3A_801 = tpu.memref_slice %arg3[%dma_wait3A_799, %dma_wait3A_800] : memref<1000001x64xf32, #tpu.memory_space<hbm>> -> memref<1000001x64xf32, #tpu.memory_space<hbm>>
      tpu.wait_indirect_dma semaphore(%arg9 : memref<!tpu.dma_semaphore, #tpu.memory_space<semaphore_mem>>) src(%dma_wait3A_801 : memref<1000001x64xf32, #tpu.memory_space<hbm>>) dst(%dma_wait3A_798 : memref<16x64xf32, #tpu.memory_space<vmem>>)
      %dma_wait3A_802 = arith.constant 0 : i32
      %dma_wait3A_803 = arith.constant 112 : i32
      %dma_wait3A_804 = arith.constant 0 : i32
      %dma_wait3A_805 = tpu.memref_slice %arg6[%dma_wait3A_802, %dma_wait3A_803, %dma_wait3A_804] : memref<4x208x64xf32, #tpu.memory_space<vmem>> -> memref<1x16x64xf32, #tpu.memory_space<vmem>>
      %dma_wait3A_806 = tpu.memref_squeeze %dma_wait3A_805 : memref<1x16x64xf32, #tpu.memory_space<vmem>> -> memref<16x64xf32, #tpu.memory_space<vmem>>
      %dma_wait3A_807 = arith.constant 0 : i32
      %dma_wait3A_808 = arith.constant 0 : i32
      %dma_wait3A_809 = tpu.memref_slice %arg3[%dma_wait3A_807, %dma_wait3A_808] : memref<1000001x64xf32, #tpu.memory_space<hbm>> -> memref<1000001x64xf32, #tpu.memory_space<hbm>>
      tpu.wait_indirect_dma semaphore(%arg9 : memref<!tpu.dma_semaphore, #tpu.memory_space<semaphore_mem>>) src(%dma_wait3A_809 : memref<1000001x64xf32, #tpu.memory_space<hbm>>) dst(%dma_wait3A_806 : memref<16x64xf32, #tpu.memory_space<vmem>>)
      %dma_wait3A_810 = arith.constant 0 : i32
      %dma_wait3A_811 = arith.constant 128 : i32
      %dma_wait3A_812 = arith.constant 0 : i32
      %dma_wait3A_813 = tpu.memref_slice %arg6[%dma_wait3A_810, %dma_wait3A_811, %dma_wait3A_812] : memref<4x208x64xf32, #tpu.memory_space<vmem>> -> memref<1x16x64xf32, #tpu.memory_space<vmem>>
      %dma_wait3A_814 = tpu.memref_squeeze %dma_wait3A_813 : memref<1x16x64xf32, #tpu.memory_space<vmem>> -> memref<16x64xf32, #tpu.memory_space<vmem>>
      %dma_wait3A_815 = arith.constant 0 : i32
      %dma_wait3A_816 = arith.constant 0 : i32
      %dma_wait3A_817 = tpu.memref_slice %arg3[%dma_wait3A_815, %dma_wait3A_816] : memref<1000001x64xf32, #tpu.memory_space<hbm>> -> memref<1000001x64xf32, #tpu.memory_space<hbm>>
      tpu.wait_indirect_dma semaphore(%arg9 : memref<!tpu.dma_semaphore, #tpu.memory_space<semaphore_mem>>) src(%dma_wait3A_817 : memref<1000001x64xf32, #tpu.memory_space<hbm>>) dst(%dma_wait3A_814 : memref<16x64xf32, #tpu.memory_space<vmem>>)
      %dma_wait3A_818 = arith.constant 0 : i32
      %dma_wait3A_819 = arith.constant 144 : i32
      %dma_wait3A_820 = arith.constant 0 : i32
      %dma_wait3A_821 = tpu.memref_slice %arg6[%dma_wait3A_818, %dma_wait3A_819, %dma_wait3A_820] : memref<4x208x64xf32, #tpu.memory_space<vmem>> -> memref<1x16x64xf32, #tpu.memory_space<vmem>>
      %dma_wait3A_822 = tpu.memref_squeeze %dma_wait3A_821 : memref<1x16x64xf32, #tpu.memory_space<vmem>> -> memref<16x64xf32, #tpu.memory_space<vmem>>
      %dma_wait3A_823 = arith.constant 0 : i32
      %dma_wait3A_824 = arith.constant 0 : i32
      %dma_wait3A_825 = tpu.memref_slice %arg3[%dma_wait3A_823, %dma_wait3A_824] : memref<1000001x64xf32, #tpu.memory_space<hbm>> -> memref<1000001x64xf32, #tpu.memory_space<hbm>>
      tpu.wait_indirect_dma semaphore(%arg9 : memref<!tpu.dma_semaphore, #tpu.memory_space<semaphore_mem>>) src(%dma_wait3A_825 : memref<1000001x64xf32, #tpu.memory_space<hbm>>) dst(%dma_wait3A_822 : memref<16x64xf32, #tpu.memory_space<vmem>>)
      %dma_wait3A_826 = arith.constant 0 : i32
      %dma_wait3A_827 = arith.constant 160 : i32
      %dma_wait3A_828 = arith.constant 0 : i32
      %dma_wait3A_829 = tpu.memref_slice %arg6[%dma_wait3A_826, %dma_wait3A_827, %dma_wait3A_828] : memref<4x208x64xf32, #tpu.memory_space<vmem>> -> memref<1x16x64xf32, #tpu.memory_space<vmem>>
      %dma_wait3A_830 = tpu.memref_squeeze %dma_wait3A_829 : memref<1x16x64xf32, #tpu.memory_space<vmem>> -> memref<16x64xf32, #tpu.memory_space<vmem>>
      %dma_wait3A_831 = arith.constant 0 : i32
      %dma_wait3A_832 = arith.constant 0 : i32
      %dma_wait3A_833 = tpu.memref_slice %arg3[%dma_wait3A_831, %dma_wait3A_832] : memref<1000001x64xf32, #tpu.memory_space<hbm>> -> memref<1000001x64xf32, #tpu.memory_space<hbm>>
      tpu.wait_indirect_dma semaphore(%arg9 : memref<!tpu.dma_semaphore, #tpu.memory_space<semaphore_mem>>) src(%dma_wait3A_833 : memref<1000001x64xf32, #tpu.memory_space<hbm>>) dst(%dma_wait3A_830 : memref<16x64xf32, #tpu.memory_space<vmem>>)
      %dma_wait3A_834 = arith.constant 0 : i32
      %dma_wait3A_835 = arith.constant 176 : i32
      %dma_wait3A_836 = arith.constant 0 : i32
      %dma_wait3A_837 = tpu.memref_slice %arg6[%dma_wait3A_834, %dma_wait3A_835, %dma_wait3A_836] : memref<4x208x64xf32, #tpu.memory_space<vmem>> -> memref<1x16x64xf32, #tpu.memory_space<vmem>>
      %dma_wait3A_838 = tpu.memref_squeeze %dma_wait3A_837 : memref<1x16x64xf32, #tpu.memory_space<vmem>> -> memref<16x64xf32, #tpu.memory_space<vmem>>
      %dma_wait3A_839 = arith.constant 0 : i32
      %dma_wait3A_840 = arith.constant 0 : i32
      %dma_wait3A_841 = tpu.memref_slice %arg3[%dma_wait3A_839, %dma_wait3A_840] : memref<1000001x64xf32, #tpu.memory_space<hbm>> -> memref<1000001x64xf32, #tpu.memory_space<hbm>>
      tpu.wait_indirect_dma semaphore(%arg9 : memref<!tpu.dma_semaphore, #tpu.memory_space<semaphore_mem>>) src(%dma_wait3A_841 : memref<1000001x64xf32, #tpu.memory_space<hbm>>) dst(%dma_wait3A_838 : memref<16x64xf32, #tpu.memory_space<vmem>>)
      %dma_wait3A_842 = arith.constant 0 : i32
      %dma_wait3A_843 = arith.constant 192 : i32
      %dma_wait3A_844 = arith.constant 0 : i32
      %dma_wait3A_845 = tpu.memref_slice %arg6[%dma_wait3A_842, %dma_wait3A_843, %dma_wait3A_844] : memref<4x208x64xf32, #tpu.memory_space<vmem>> -> memref<1x16x64xf32, #tpu.memory_space<vmem>>
      %dma_wait3A_846 = tpu.memref_squeeze %dma_wait3A_845 : memref<1x16x64xf32, #tpu.memory_space<vmem>> -> memref<16x64xf32, #tpu.memory_space<vmem>>
      %dma_wait3A_847 = arith.constant 0 : i32
      %dma_wait3A_848 = arith.constant 0 : i32
      %dma_wait3A_849 = tpu.memref_slice %arg3[%dma_wait3A_847, %dma_wait3A_848] : memref<1000001x64xf32, #tpu.memory_space<hbm>> -> memref<1000001x64xf32, #tpu.memory_space<hbm>>
      tpu.wait_indirect_dma semaphore(%arg9 : memref<!tpu.dma_semaphore, #tpu.memory_space<semaphore_mem>>) src(%dma_wait3A_849 : memref<1000001x64xf32, #tpu.memory_space<hbm>>) dst(%dma_wait3A_846 : memref<16x64xf32, #tpu.memory_space<vmem>>)
      %broadcast_in_dim3A = arith.constant 0.000000e+00 : f32
      %broadcast_in_dim3A_850 = vector.broadcast %broadcast_in_dim3A : f32 to vector<16xf32>
      %scan3A_851 = arith.constant 0 : i32
      %scan3A_852 = arith.constant 52 : i32
      %scan3A_853 = arith.addi %scan3A_851, %scan3A_852 : i32
      %scan3A_854 = arith.constant 1 : i32
      %scan3A_855:4 = scf.for %scan3A_1459 = %scan3A_851 to %scan3A_853 step %scan3A_854 iter_args(%scan3A_1460 = %broadcast_in_dim3A_850, %scan3A_1461 = %broadcast_in_dim3A_850, %scan3A_1462 = %broadcast_in_dim3A_850, %scan3A_1463 = %broadcast_in_dim3A_850) -> (vector<16xf32>, vector<16xf32>, vector<16xf32>, vector<16xf32>)  : i32 {
        %mul3A_1464 = arith.constant 4 : i32
        %mul3A_1465 = arith.muli %scan3A_1459, %mul3A_1464 : i32
        %add3A_1466 = arith.constant 0 : i32
        %add3A_1467 = arith.addi %mul3A_1465, %add3A_1466 : i32
        %get3A_1468 = arith.constant 0 : i32
        %get3A_1469 = arith.index_cast %get3A_1468 : i32 to index
        %get3A_1470 = arith.index_cast %add3A_1467 : i32 to index
        %get3A_1471 = arith.constant 0 : index
        %get3A_1472 = tpu.vector_load %arg6[%get3A_1469, %get3A_1470, %get3A_1471] {strides = array<i32>} : memref<4x208x64xf32, #tpu.memory_space<vmem>>, vector<1x1x16xf32>,
        %get3A_1473 = vector.shape_cast %get3A_1472 : vector<1x1x16xf32> to vector<16xf32>
        %add3A_1474 = arith.addf %scan3A_1460, %get3A_1473 : vector<16xf32>
        %add3A_1475 = arith.constant 0 : i32
        %add3A_1476 = arith.addi %mul3A_1465, %add3A_1475 : i32
        %get3A_1477 = arith.constant 0 : i32
        %get3A_1478 = arith.index_cast %get3A_1477 : i32 to index
        %get3A_1479 = arith.index_cast %add3A_1476 : i32 to index
        %get3A_1480 = arith.constant 16 : index
        %get3A_1481 = tpu.vector_load %arg6[%get3A_1478, %get3A_1479, %get3A_1480] {strides = array<i32>} : memref<4x208x64xf32, #tpu.memory_space<vmem>>, vector<1x1x16xf32>,
        %get3A_1482 = vector.shape_cast %get3A_1481 : vector<1x1x16xf32> to vector<16xf32>
        %add3A_1483 = arith.addf %scan3A_1461, %get3A_1482 : vector<16xf32>
        %add3A_1484 = arith.constant 0 : i32
        %add3A_1485 = arith.addi %mul3A_1465, %add3A_1484 : i32
        %get3A_1486 = arith.constant 0 : i32
        %get3A_1487 = arith.index_cast %get3A_1486 : i32 to index
        %get3A_1488 = arith.index_cast %add3A_1485 : i32 to index
        %get3A_1489 = arith.constant 32 : index
        %get3A_1490 = tpu.vector_load %arg6[%get3A_1487, %get3A_1488, %get3A_1489] {strides = array<i32>} : memref<4x208x64xf32, #tpu.memory_space<vmem>>, vector<1x1x16xf32>,
        %get3A_1491 = vector.shape_cast %get3A_1490 : vector<1x1x16xf32> to vector<16xf32>
        %add3A_1492 = arith.addf %scan3A_1462, %get3A_1491 : vector<16xf32>
        %add3A_1493 = arith.constant 0 : i32
        %add3A_1494 = arith.addi %mul3A_1465, %add3A_1493 : i32
        %get3A_1495 = arith.constant 0 : i32
        %get3A_1496 = arith.index_cast %get3A_1495 : i32 to index
        %get3A_1497 = arith.index_cast %add3A_1494 : i32 to index
        %get3A_1498 = arith.constant 48 : index
        %get3A_1499 = tpu.vector_load %arg6[%get3A_1496, %get3A_1497, %get3A_1498] {strides = array<i32>} : memref<4x208x64xf32, #tpu.memory_space<vmem>>, vector<1x1x16xf32>,
        %get3A_1500 = vector.shape_cast %get3A_1499 : vector<1x1x16xf32> to vector<16xf32>
        %add3A_1501 = arith.addf %scan3A_1463, %get3A_1500 : vector<16xf32>
        %add3A_1502 = arith.constant 1 : i32
        %add3A_1503 = arith.addi %mul3A_1465, %add3A_1502 : i32
        %get3A_1504 = arith.constant 0 : i32
        %get3A_1505 = arith.index_cast %get3A_1504 : i32 to index
        %get3A_1506 = arith.index_cast %add3A_1503 : i32 to index
        %get3A_1507 = arith.constant 0 : index
        %get3A_1508 = tpu.vector_load %arg6[%get3A_1505, %get3A_1506, %get3A_1507] {strides = array<i32>} : memref<4x208x64xf32, #tpu.memory_space<vmem>>, vector<1x1x16xf32>,
        %get3A_1509 = vector.shape_cast %get3A_1508 : vector<1x1x16xf32> to vector<16xf32>
        %add3A_1510 = arith.addf %add3A_1474, %get3A_1509 : vector<16xf32>
        %add3A_1511 = arith.constant 1 : i32
        %add3A_1512 = arith.addi %mul3A_1465, %add3A_1511 : i32
        %get3A_1513 = arith.constant 0 : i32
        %get3A_1514 = arith.index_cast %get3A_1513 : i32 to index
        %get3A_1515 = arith.index_cast %add3A_1512 : i32 to index
        %get3A_1516 = arith.constant 16 : index
        %get3A_1517 = tpu.vector_load %arg6[%get3A_1514, %get3A_1515, %get3A_1516] {strides = array<i32>} : memref<4x208x64xf32, #tpu.memory_space<vmem>>, vector<1x1x16xf32>,
        %get3A_1518 = vector.shape_cast %get3A_1517 : vector<1x1x16xf32> to vector<16xf32>
        %add3A_1519 = arith.addf %add3A_1483, %get3A_1518 : vector<16xf32>
        %add3A_1520 = arith.constant 1 : i32
        %add3A_1521 = arith.addi %mul3A_1465, %add3A_1520 : i32
        %get3A_1522 = arith.constant 0 : i32
        %get3A_1523 = arith.index_cast %get3A_1522 : i32 to index
        %get3A_1524 = arith.index_cast %add3A_1521 : i32 to index
        %get3A_1525 = arith.constant 32 : index
        %get3A_1526 = tpu.vector_load %arg6[%get3A_1523, %get3A_1524, %get3A_1525] {strides = array<i32>} : memref<4x208x64xf32, #tpu.memory_space<vmem>>, vector<1x1x16xf32>,
        %get3A_1527 = vector.shape_cast %get3A_1526 : vector<1x1x16xf32> to vector<16xf32>
        %add3A_1528 = arith.addf %add3A_1492, %get3A_1527 : vector<16xf32>
        %add3A_1529 = arith.constant 1 : i32
        %add3A_1530 = arith.addi %mul3A_1465, %add3A_1529 : i32
        %get3A_1531 = arith.constant 0 : i32
        %get3A_1532 = arith.index_cast %get3A_1531 : i32 to index
        %get3A_1533 = arith.index_cast %add3A_1530 : i32 to index
        %get3A_1534 = arith.constant 48 : index
        %get3A_1535 = tpu.vector_load %arg6[%get3A_1532, %get3A_1533, %get3A_1534] {strides = array<i32>} : memref<4x208x64xf32, #tpu.memory_space<vmem>>, vector<1x1x16xf32>,
        %get3A_1536 = vector.shape_cast %get3A_1535 : vector<1x1x16xf32> to vector<16xf32>
        %add3A_1537 = arith.addf %add3A_1501, %get3A_1536 : vector<16xf32>
        %add3A_1538 = arith.constant 2 : i32
        %add3A_1539 = arith.addi %mul3A_1465, %add3A_1538 : i32
        %get3A_1540 = arith.constant 0 : i32
        %get3A_1541 = arith.index_cast %get3A_1540 : i32 to index
        %get3A_1542 = arith.index_cast %add3A_1539 : i32 to index
        %get3A_1543 = arith.constant 0 : index
        %get3A_1544 = tpu.vector_load %arg6[%get3A_1541, %get3A_1542, %get3A_1543] {strides = array<i32>} : memref<4x208x64xf32, #tpu.memory_space<vmem>>, vector<1x1x16xf32>,
        %get3A_1545 = vector.shape_cast %get3A_1544 : vector<1x1x16xf32> to vector<16xf32>
        %add3A_1546 = arith.addf %add3A_1510, %get3A_1545 : vector<16xf32>
        %add3A_1547 = arith.constant 2 : i32
        %add3A_1548 = arith.addi %mul3A_1465, %add3A_1547 : i32
        %get3A_1549 = arith.constant 0 : i32
        %get3A_1550 = arith.index_cast %get3A_1549 : i32 to index
        %get3A_1551 = arith.index_cast %add3A_1548 : i32 to index
        %get3A_1552 = arith.constant 16 : index
        %get3A_1553 = tpu.vector_load %arg6[%get3A_1550, %get3A_1551, %get3A_1552] {strides = array<i32>} : memref<4x208x64xf32, #tpu.memory_space<vmem>>, vector<1x1x16xf32>,
        %get3A_1554 = vector.shape_cast %get3A_1553 : vector<1x1x16xf32> to vector<16xf32>
        %add3A_1555 = arith.addf %add3A_1519, %get3A_1554 : vector<16xf32>
        %add3A_1556 = arith.constant 2 : i32
        %add3A_1557 = arith.addi %mul3A_1465, %add3A_1556 : i32
        %get3A_1558 = arith.constant 0 : i32
        %get3A_1559 = arith.index_cast %get3A_1558 : i32 to index
        %get3A_1560 = arith.index_cast %add3A_1557 : i32 to index
        %get3A_1561 = arith.constant 32 : index
        %get3A_1562 = tpu.vector_load %arg6[%get3A_1559, %get3A_1560, %get3A_1561] {strides = array<i32>} : memref<4x208x64xf32, #tpu.memory_space<vmem>>, vector<1x1x16xf32>,
        %get3A_1563 = vector.shape_cast %get3A_1562 : vector<1x1x16xf32> to vector<16xf32>
        %add3A_1564 = arith.addf %add3A_1528, %get3A_1563 : vector<16xf32>
        %add3A_1565 = arith.constant 2 : i32
        %add3A_1566 = arith.addi %mul3A_1465, %add3A_1565 : i32
        %get3A_1567 = arith.constant 0 : i32
        %get3A_1568 = arith.index_cast %get3A_1567 : i32 to index
        %get3A_1569 = arith.index_cast %add3A_1566 : i32 to index
        %get3A_1570 = arith.constant 48 : index
        %get3A_1571 = tpu.vector_load %arg6[%get3A_1568, %get3A_1569, %get3A_1570] {strides = array<i32>} : memref<4x208x64xf32, #tpu.memory_space<vmem>>, vector<1x1x16xf32>,
        %get3A_1572 = vector.shape_cast %get3A_1571 : vector<1x1x16xf32> to vector<16xf32>
        %add3A_1573 = arith.addf %add3A_1537, %get3A_1572 : vector<16xf32>
        %add3A_1574 = arith.constant 3 : i32
        %add3A_1575 = arith.addi %mul3A_1465, %add3A_1574 : i32
        %get3A_1576 = arith.constant 0 : i32
        %get3A_1577 = arith.index_cast %get3A_1576 : i32 to index
        %get3A_1578 = arith.index_cast %add3A_1575 : i32 to index
        %get3A_1579 = arith.constant 0 : index
        %get3A_1580 = tpu.vector_load %arg6[%get3A_1577, %get3A_1578, %get3A_1579] {strides = array<i32>} : memref<4x208x64xf32, #tpu.memory_space<vmem>>, vector<1x1x16xf32>,
        %get3A_1581 = vector.shape_cast %get3A_1580 : vector<1x1x16xf32> to vector<16xf32>
        %add3A_1582 = arith.addf %add3A_1546, %get3A_1581 : vector<16xf32>
        %add3A_1583 = arith.constant 3 : i32
        %add3A_1584 = arith.addi %mul3A_1465, %add3A_1583 : i32
        %get3A_1585 = arith.constant 0 : i32
        %get3A_1586 = arith.index_cast %get3A_1585 : i32 to index
        %get3A_1587 = arith.index_cast %add3A_1584 : i32 to index
        %get3A_1588 = arith.constant 16 : index
        %get3A_1589 = tpu.vector_load %arg6[%get3A_1586, %get3A_1587, %get3A_1588] {strides = array<i32>} : memref<4x208x64xf32, #tpu.memory_space<vmem>>, vector<1x1x16xf32>,
        %get3A_1590 = vector.shape_cast %get3A_1589 : vector<1x1x16xf32> to vector<16xf32>
        %add3A_1591 = arith.addf %add3A_1555, %get3A_1590 : vector<16xf32>
        %add3A_1592 = arith.constant 3 : i32
        %add3A_1593 = arith.addi %mul3A_1465, %add3A_1592 : i32
        %get3A_1594 = arith.constant 0 : i32
        %get3A_1595 = arith.index_cast %get3A_1594 : i32 to index
        %get3A_1596 = arith.index_cast %add3A_1593 : i32 to index
        %get3A_1597 = arith.constant 32 : index
        %get3A_1598 = tpu.vector_load %arg6[%get3A_1595, %get3A_1596, %get3A_1597] {strides = array<i32>} : memref<4x208x64xf32, #tpu.memory_space<vmem>>, vector<1x1x16xf32>,
        %get3A_1599 = vector.shape_cast %get3A_1598 : vector<1x1x16xf32> to vector<16xf32>
        %add3A_1600 = arith.addf %add3A_1564, %get3A_1599 : vector<16xf32>
        %add3A_1601 = arith.constant 3 : i32
        %add3A_1602 = arith.addi %mul3A_1465, %add3A_1601 : i32
        %get3A_1603 = arith.constant 0 : i32
        %get3A_1604 = arith.index_cast %get3A_1603 : i32 to index
        %get3A_1605 = arith.index_cast %add3A_1602 : i32 to index
        %get3A_1606 = arith.constant 48 : index
        %get3A_1607 = tpu.vector_load %arg6[%get3A_1604, %get3A_1605, %get3A_1606] {strides = array<i32>} : memref<4x208x64xf32, #tpu.memory_space<vmem>>, vector<1x1x16xf32>,
        %get3A_1608 = vector.shape_cast %get3A_1607 : vector<1x1x16xf32> to vector<16xf32>
        %add3A_1609 = arith.addf %add3A_1573, %get3A_1608 : vector<16xf32>
        scf.yield %add3A_1582, %add3A_1591, %add3A_1600, %add3A_1609 : vector<16xf32>, vector<16xf32>, vector<16xf32>, vector<16xf32>
      }
      %scan3A_856 = arith.constant 52 : i32
      %swap3A = arith.index_cast %add3A_693 : i32 to index
      %swap3A_857 = arith.constant 0 : index
      %swap3A_858 = tpu.vector_load %arg7[%swap3A, %swap3A_857] {strides = array<i32>} : memref<128x64xf32, #tpu.memory_space<vmem>>, vector<1x16xf32>,
      %swap3A_859 = vector.shape_cast %swap3A_858 : vector<1x16xf32> to vector<16xf32>
      %swap3A_860 = vector.shape_cast %scan3A_855#0 : vector<16xf32> to vector<1x16xf32>
      tpu.vector_store %arg7[%swap3A, %swap3A_857], %swap3A_860 {strides = array<i32>} : memref<128x64xf32, #tpu.memory_space<vmem>>, vector<1x16xf32>,
      %swap3A_861 = arith.index_cast %add3A_693 : i32 to index
      %swap3A_862 = arith.constant 16 : index
      %swap3A_863 = tpu.vector_load %arg7[%swap3A_861, %swap3A_862] {strides = array<i32>} : memref<128x64xf32, #tpu.memory_space<vmem>>, vector<1x16xf32>,
      %swap3A_864 = vector.shape_cast %swap3A_863 : vector<1x16xf32> to vector<16xf32>
      %swap3A_865 = vector.shape_cast %scan3A_855#1 : vector<16xf32> to vector<1x16xf32>
      tpu.vector_store %arg7[%swap3A_861, %swap3A_862], %swap3A_865 {strides = array<i32>} : memref<128x64xf32, #tpu.memory_space<vmem>>, vector<1x16xf32>,
      %swap3A_866 = arith.index_cast %add3A_693 : i32 to index
      %swap3A_867 = arith.constant 32 : index
      %swap3A_868 = tpu.vector_load %arg7[%swap3A_866, %swap3A_867] {strides = array<i32>} : memref<128x64xf32, #tpu.memory_space<vmem>>, vector<1x16xf32>,
      %swap3A_869 = vector.shape_cast %swap3A_868 : vector<1x16xf32> to vector<16xf32>
      %swap3A_870 = vector.shape_cast %scan3A_855#2 : vector<16xf32> to vector<1x16xf32>
      tpu.vector_store %arg7[%swap3A_866, %swap3A_867], %swap3A_870 {strides = array<i32>} : memref<128x64xf32, #tpu.memory_space<vmem>>, vector<1x16xf32>,
      %swap3A_871 = arith.index_cast %add3A_693 : i32 to index
      %swap3A_872 = arith.constant 48 : index
      %swap3A_873 = tpu.vector_load %arg7[%swap3A_871, %swap3A_872] {strides = array<i32>} : memref<128x64xf32, #tpu.memory_space<vmem>>, vector<1x16xf32>,
      %swap3A_874 = vector.shape_cast %swap3A_873 : vector<1x16xf32> to vector<16xf32>
      %swap3A_875 = vector.shape_cast %scan3A_855#3 : vector<16xf32> to vector<1x16xf32>
      tpu.vector_store %arg7[%swap3A_871, %swap3A_872], %swap3A_875 {strides = array<i32>} : memref<128x64xf32, #tpu.memory_space<vmem>>, vector<1x16xf32>,
      %add3A_876 = arith.constant 4 : i32
      %add3A_877 = arith.addi %add3A_693, %add3A_876 : i32
      %lt3A = arith.constant 128 : i32
      %lt3A_878 = arith.cmpi slt, %add3A_877, %lt3A : i32
      %convert_element_type3A = arith.extui %lt3A_878 : i1 to i32
      %cond3A = arith.constant 0 : i32
      %cond3A_879 = arith.cmpi ne, %convert_element_type3A, %cond3A : i32
      scf.if %cond3A_879 {
        %add3A_1459 = arith.constant 4 : i32
        %add3A_1460 = arith.addi %add3A_693, %add3A_1459 : i32
        %get3A_1461 = arith.index_cast %add3A_1460 : i32 to index
        %get3A_1462 = arith.constant 0 : index
        %get3A_1463 = tpu.vector_load %arg5[%get3A_1461, %get3A_1462] {strides = array<i32>} : memref<128x256xi32, #tpu.memory_space<vmem>>, vector<1x16xi32>,
        %get3A_1464 = vector.shape_cast %get3A_1463 : vector<1x16xi32> to vector<16xi32>
        %get3A_1465 = arith.index_cast %add3A_1460 : i32 to index
        %get3A_1466 = arith.constant 16 : index
        %get3A_1467 = tpu.vector_load %arg5[%get3A_1465, %get3A_1466] {strides = array<i32>} : memref<128x256xi32, #tpu.memory_space<vmem>>, vector<1x16xi32>,
        %get3A_1468 = vector.shape_cast %get3A_1467 : vector<1x16xi32> to vector<16xi32>
        %get3A_1469 = arith.index_cast %add3A_1460 : i32 to index
        %get3A_1470 = arith.constant 32 : index
        %get3A_1471 = tpu.vector_load %arg5[%get3A_1469, %get3A_1470] {strides = array<i32>} : memref<128x256xi32, #tpu.memory_space<vmem>>, vector<1x16xi32>,
        %get3A_1472 = vector.shape_cast %get3A_1471 : vector<1x16xi32> to vector<16xi32>
        %get3A_1473 = arith.index_cast %add3A_1460 : i32 to index
        %get3A_1474 = arith.constant 48 : index
        %get3A_1475 = tpu.vector_load %arg5[%get3A_1473, %get3A_1474] {strides = array<i32>} : memref<128x256xi32, #tpu.memory_space<vmem>>, vector<1x16xi32>,
        %get3A_1476 = vector.shape_cast %get3A_1475 : vector<1x16xi32> to vector<16xi32>
        %get3A_1477 = arith.index_cast %add3A_1460 : i32 to index
        %get3A_1478 = arith.constant 64 : index
        %get3A_1479 = tpu.vector_load %arg5[%get3A_1477, %get3A_1478] {strides = array<i32>} : memref<128x256xi32, #tpu.memory_space<vmem>>, vector<1x16xi32>,
        %get3A_1480 = vector.shape_cast %get3A_1479 : vector<1x16xi32> to vector<16xi32>
        %get3A_1481 = arith.index_cast %add3A_1460 : i32 to index
        %get3A_1482 = arith.constant 80 : index
        %get3A_1483 = tpu.vector_load %arg5[%get3A_1481, %get3A_1482] {strides = array<i32>} : memref<128x256xi32, #tpu.memory_space<vmem>>, vector<1x16xi32>,
        %get3A_1484 = vector.shape_cast %get3A_1483 : vector<1x16xi32> to vector<16xi32>
        %get3A_1485 = arith.index_cast %add3A_1460 : i32 to index
        %get3A_1486 = arith.constant 96 : index
        %get3A_1487 = tpu.vector_load %arg5[%get3A_1485, %get3A_1486] {strides = array<i32>} : memref<128x256xi32, #tpu.memory_space<vmem>>, vector<1x16xi32>,
        %get3A_1488 = vector.shape_cast %get3A_1487 : vector<1x16xi32> to vector<16xi32>
        %get3A_1489 = arith.index_cast %add3A_1460 : i32 to index
        %get3A_1490 = arith.constant 112 : index
        %get3A_1491 = tpu.vector_load %arg5[%get3A_1489, %get3A_1490] {strides = array<i32>} : memref<128x256xi32, #tpu.memory_space<vmem>>, vector<1x16xi32>,
        %get3A_1492 = vector.shape_cast %get3A_1491 : vector<1x16xi32> to vector<16xi32>
        %get3A_1493 = arith.index_cast %add3A_1460 : i32 to index
        %get3A_1494 = arith.constant 128 : index
        %get3A_1495 = tpu.vector_load %arg5[%get3A_1493, %get3A_1494] {strides = array<i32>} : memref<128x256xi32, #tpu.memory_space<vmem>>, vector<1x16xi32>,
        %get3A_1496 = vector.shape_cast %get3A_1495 : vector<1x16xi32> to vector<16xi32>
        %get3A_1497 = arith.index_cast %add3A_1460 : i32 to index
        %get3A_1498 = arith.constant 144 : index
        %get3A_1499 = tpu.vector_load %arg5[%get3A_1497, %get3A_1498] {strides = array<i32>} : memref<128x256xi32, #tpu.memory_space<vmem>>, vector<1x16xi32>,
        %get3A_1500 = vector.shape_cast %get3A_1499 : vector<1x16xi32> to vector<16xi32>
        %get3A_1501 = arith.index_cast %add3A_1460 : i32 to index
        %get3A_1502 = arith.constant 160 : index
        %get3A_1503 = tpu.vector_load %arg5[%get3A_1501, %get3A_1502] {strides = array<i32>} : memref<128x256xi32, #tpu.memory_space<vmem>>, vector<1x16xi32>,
        %get3A_1504 = vector.shape_cast %get3A_1503 : vector<1x16xi32> to vector<16xi32>
        %get3A_1505 = arith.index_cast %add3A_1460 : i32 to index
        %get3A_1506 = arith.constant 176 : index
        %get3A_1507 = tpu.vector_load %arg5[%get3A_1505, %get3A_1506] {strides = array<i32>} : memref<128x256xi32, #tpu.memory_space<vmem>>, vector<1x16xi32>,
        %get3A_1508 = vector.shape_cast %get3A_1507 : vector<1x16xi32> to vector<16xi32>
        %get3A_1509 = arith.index_cast %add3A_1460 : i32 to index
        %get3A_1510 = arith.constant 192 : index
        %get3A_1511 = tpu.vector_load %arg5[%get3A_1509, %get3A_1510] {strides = array<i32>} : memref<128x256xi32, #tpu.memory_space<vmem>>, vector<1x16xi32>,
        %get3A_1512 = vector.shape_cast %get3A_1511 : vector<1x16xi32> to vector<16xi32>
        %dma_start3A_1513 = arith.constant 0 : i32
        %dma_start3A_1514 = arith.constant 0 : i32
        %dma_start3A_1515 = arith.constant 0 : i32
        %dma_start3A_1516 = tpu.memref_slice %arg6[%dma_start3A_1513, %dma_start3A_1514, %dma_start3A_1515] : memref<4x208x64xf32, #tpu.memory_space<vmem>> -> memref<1x16x64xf32, #tpu.memory_space<vmem>>
        %dma_start3A_1517 = tpu.memref_squeeze %dma_start3A_1516 : memref<1x16x64xf32, #tpu.memory_space<vmem>> -> memref<16x64xf32, #tpu.memory_space<vmem>>
        %dma_start3A_1518 = arith.constant 0 : i32
        %dma_start3A_1519 = arith.constant 0 : i32
        %dma_start3A_1520 = tpu.memref_slice %arg3[%dma_start3A_1518, %dma_start3A_1519] : memref<1000001x64xf32, #tpu.memory_space<hbm>> -> memref<1000001x64xf32, #tpu.memory_space<hbm>>
        tpu.enqueue_indirect_dma source(%dma_start3A_1520 : memref<1000001x64xf32, #tpu.memory_space<hbm>>) target(%dma_start3A_1517 : memref<16x64xf32, #tpu.memory_space<vmem>>) offsets(%get3A_1464 : vector<16xi32>) semaphore(%arg9 : memref<!tpu.dma_semaphore, #tpu.memory_space<semaphore_mem>>)
        %dma_start3A_1521 = arith.constant 0 : i32
        %dma_start3A_1522 = arith.constant 16 : i32
        %dma_start3A_1523 = arith.constant 0 : i32
        %dma_start3A_1524 = tpu.memref_slice %arg6[%dma_start3A_1521, %dma_start3A_1522, %dma_start3A_1523] : memref<4x208x64xf32, #tpu.memory_space<vmem>> -> memref<1x16x64xf32, #tpu.memory_space<vmem>>
        %dma_start3A_1525 = tpu.memref_squeeze %dma_start3A_1524 : memref<1x16x64xf32, #tpu.memory_space<vmem>> -> memref<16x64xf32, #tpu.memory_space<vmem>>
        %dma_start3A_1526 = arith.constant 0 : i32
        %dma_start3A_1527 = arith.constant 0 : i32
        %dma_start3A_1528 = tpu.memref_slice %arg3[%dma_start3A_1526, %dma_start3A_1527] : memref<1000001x64xf32, #tpu.memory_space<hbm>> -> memref<1000001x64xf32, #tpu.memory_space<hbm>>
        tpu.enqueue_indirect_dma source(%dma_start3A_1528 : memref<1000001x64xf32, #tpu.memory_space<hbm>>) target(%dma_start3A_1525 : memref<16x64xf32, #tpu.memory_space<vmem>>) offsets(%get3A_1468 : vector<16xi32>) semaphore(%arg9 : memref<!tpu.dma_semaphore, #tpu.memory_space<semaphore_mem>>)
        %dma_start3A_1529 = arith.constant 0 : i32
        %dma_start3A_1530 = arith.constant 32 : i32
        %dma_start3A_1531 = arith.constant 0 : i32
        %dma_start3A_1532 = tpu.memref_slice %arg6[%dma_start3A_1529, %dma_start3A_1530, %dma_start3A_1531] : memref<4x208x64xf32, #tpu.memory_space<vmem>> -> memref<1x16x64xf32, #tpu.memory_space<vmem>>
        %dma_start3A_1533 = tpu.memref_squeeze %dma_start3A_1532 : memref<1x16x64xf32, #tpu.memory_space<vmem>> -> memref<16x64xf32, #tpu.memory_space<vmem>>
        %dma_start3A_1534 = arith.constant 0 : i32
        %dma_start3A_1535 = arith.constant 0 : i32
        %dma_start3A_1536 = tpu.memref_slice %arg3[%dma_start3A_1534, %dma_start3A_1535] : memref<1000001x64xf32, #tpu.memory_space<hbm>> -> memref<1000001x64xf32, #tpu.memory_space<hbm>>
        tpu.enqueue_indirect_dma source(%dma_start3A_1536 : memref<1000001x64xf32, #tpu.memory_space<hbm>>) target(%dma_start3A_1533 : memref<16x64xf32, #tpu.memory_space<vmem>>) offsets(%get3A_1472 : vector<16xi32>) semaphore(%arg9 : memref<!tpu.dma_semaphore, #tpu.memory_space<semaphore_mem>>)
        %dma_start3A_1537 = arith.constant 0 : i32
        %dma_start3A_1538 = arith.constant 48 : i32
        %dma_start3A_1539 = arith.constant 0 : i32
        %dma_start3A_1540 = tpu.memref_slice %arg6[%dma_start3A_1537, %dma_start3A_1538, %dma_start3A_1539] : memref<4x208x64xf32, #tpu.memory_space<vmem>> -> memref<1x16x64xf32, #tpu.memory_space<vmem>>
        %dma_start3A_1541 = tpu.memref_squeeze %dma_start3A_1540 : memref<1x16x64xf32, #tpu.memory_space<vmem>> -> memref<16x64xf32, #tpu.memory_space<vmem>>
        %dma_start3A_1542 = arith.constant 0 : i32
        %dma_start3A_1543 = arith.constant 0 : i32
        %dma_start3A_1544 = tpu.memref_slice %arg3[%dma_start3A_1542, %dma_start3A_1543] : memref<1000001x64xf32, #tpu.memory_space<hbm>> -> memref<1000001x64xf32, #tpu.memory_space<hbm>>
        tpu.enqueue_indirect_dma source(%dma_start3A_1544 : memref<1000001x64xf32, #tpu.memory_space<hbm>>) target(%dma_start3A_1541 : memref<16x64xf32, #tpu.memory_space<vmem>>) offsets(%get3A_1476 : vector<16xi32>) semaphore(%arg9 : memref<!tpu.dma_semaphore, #tpu.memory_space<semaphore_mem>>)
        %dma_start3A_1545 = arith.constant 0 : i32
        %dma_start3A_1546 = arith.constant 64 : i32
        %dma_start3A_1547 = arith.constant 0 : i32
        %dma_start3A_1548 = tpu.memref_slice %arg6[%dma_start3A_1545, %dma_start3A_1546, %dma_start3A_1547] : memref<4x208x64xf32, #tpu.memory_space<vmem>> -> memref<1x16x64xf32, #tpu.memory_space<vmem>>
        %dma_start3A_1549 = tpu.memref_squeeze %dma_start3A_1548 : memref<1x16x64xf32, #tpu.memory_space<vmem>> -> memref<16x64xf32, #tpu.memory_space<vmem>>
        %dma_start3A_1550 = arith.constant 0 : i32
        %dma_start3A_1551 = arith.constant 0 : i32
        %dma_start3A_1552 = tpu.memref_slice %arg3[%dma_start3A_1550, %dma_start3A_1551] : memref<1000001x64xf32, #tpu.memory_space<hbm>> -> memref<1000001x64xf32, #tpu.memory_space<hbm>>
        tpu.enqueue_indirect_dma source(%dma_start3A_1552 : memref<1000001x64xf32, #tpu.memory_space<hbm>>) target(%dma_start3A_1549 : memref<16x64xf32, #tpu.memory_space<vmem>>) offsets(%get3A_1480 : vector<16xi32>) semaphore(%arg9 : memref<!tpu.dma_semaphore, #tpu.memory_space<semaphore_mem>>)
        %dma_start3A_1553 = arith.constant 0 : i32
        %dma_start3A_1554 = arith.constant 80 : i32
        %dma_start3A_1555 = arith.constant 0 : i32
        %dma_start3A_1556 = tpu.memref_slice %arg6[%dma_start3A_1553, %dma_start3A_1554, %dma_start3A_1555] : memref<4x208x64xf32, #tpu.memory_space<vmem>> -> memref<1x16x64xf32, #tpu.memory_space<vmem>>
        %dma_start3A_1557 = tpu.memref_squeeze %dma_start3A_1556 : memref<1x16x64xf32, #tpu.memory_space<vmem>> -> memref<16x64xf32, #tpu.memory_space<vmem>>
        %dma_start3A_1558 = arith.constant 0 : i32
        %dma_start3A_1559 = arith.constant 0 : i32
        %dma_start3A_1560 = tpu.memref_slice %arg3[%dma_start3A_1558, %dma_start3A_1559] : memref<1000001x64xf32, #tpu.memory_space<hbm>> -> memref<1000001x64xf32, #tpu.memory_space<hbm>>
        tpu.enqueue_indirect_dma source(%dma_start3A_1560 : memref<1000001x64xf32, #tpu.memory_space<hbm>>) target(%dma_start3A_1557 : memref<16x64xf32, #tpu.memory_space<vmem>>) offsets(%get3A_1484 : vector<16xi32>) semaphore(%arg9 : memref<!tpu.dma_semaphore, #tpu.memory_space<semaphore_mem>>)
        %dma_start3A_1561 = arith.constant 0 : i32
        %dma_start3A_1562 = arith.constant 96 : i32
        %dma_start3A_1563 = arith.constant 0 : i32
        %dma_start3A_1564 = tpu.memref_slice %arg6[%dma_start3A_1561, %dma_start3A_1562, %dma_start3A_1563] : memref<4x208x64xf32, #tpu.memory_space<vmem>> -> memref<1x16x64xf32, #tpu.memory_space<vmem>>
        %dma_start3A_1565 = tpu.memref_squeeze %dma_start3A_1564 : memref<1x16x64xf32, #tpu.memory_space<vmem>> -> memref<16x64xf32, #tpu.memory_space<vmem>>
        %dma_start3A_1566 = arith.constant 0 : i32
        %dma_start3A_1567 = arith.constant 0 : i32
        %dma_start3A_1568 = tpu.memref_slice %arg3[%dma_start3A_1566, %dma_start3A_1567] : memref<1000001x64xf32, #tpu.memory_space<hbm>> -> memref<1000001x64xf32, #tpu.memory_space<hbm>>
        tpu.enqueue_indirect_dma source(%dma_start3A_1568 : memref<1000001x64xf32, #tpu.memory_space<hbm>>) target(%dma_start3A_1565 : memref<16x64xf32, #tpu.memory_space<vmem>>) offsets(%get3A_1488 : vector<16xi32>) semaphore(%arg9 : memref<!tpu.dma_semaphore, #tpu.memory_space<semaphore_mem>>)
        %dma_start3A_1569 = arith.constant 0 : i32
        %dma_start3A_1570 = arith.constant 112 : i32
        %dma_start3A_1571 = arith.constant 0 : i32
        %dma_start3A_1572 = tpu.memref_slice %arg6[%dma_start3A_1569, %dma_start3A_1570, %dma_start3A_1571] : memref<4x208x64xf32, #tpu.memory_space<vmem>> -> memref<1x16x64xf32, #tpu.memory_space<vmem>>
        %dma_start3A_1573 = tpu.memref_squeeze %dma_start3A_1572 : memref<1x16x64xf32, #tpu.memory_space<vmem>> -> memref<16x64xf32, #tpu.memory_space<vmem>>
        %dma_start3A_1574 = arith.constant 0 : i32
        %dma_start3A_1575 = arith.constant 0 : i32
        %dma_start3A_1576 = tpu.memref_slice %arg3[%dma_start3A_1574, %dma_start3A_1575] : memref<1000001x64xf32, #tpu.memory_space<hbm>> -> memref<1000001x64xf32, #tpu.memory_space<hbm>>
        tpu.enqueue_indirect_dma source(%dma_start3A_1576 : memref<1000001x64xf32, #tpu.memory_space<hbm>>) target(%dma_start3A_1573 : memref<16x64xf32, #tpu.memory_space<vmem>>) offsets(%get3A_1492 : vector<16xi32>) semaphore(%arg9 : memref<!tpu.dma_semaphore, #tpu.memory_space<semaphore_mem>>)
        %dma_start3A_1577 = arith.constant 0 : i32
        %dma_start3A_1578 = arith.constant 128 : i32
        %dma_start3A_1579 = arith.constant 0 : i32
        %dma_start3A_1580 = tpu.memref_slice %arg6[%dma_start3A_1577, %dma_start3A_1578, %dma_start3A_1579] : memref<4x208x64xf32, #tpu.memory_space<vmem>> -> memref<1x16x64xf32, #tpu.memory_space<vmem>>
        %dma_start3A_1581 = tpu.memref_squeeze %dma_start3A_1580 : memref<1x16x64xf32, #tpu.memory_space<vmem>> -> memref<16x64xf32, #tpu.memory_space<vmem>>
        %dma_start3A_1582 = arith.constant 0 : i32
        %dma_start3A_1583 = arith.constant 0 : i32
        %dma_start3A_1584 = tpu.memref_slice %arg3[%dma_start3A_1582, %dma_start3A_1583] : memref<1000001x64xf32, #tpu.memory_space<hbm>> -> memref<1000001x64xf32, #tpu.memory_space<hbm>>
        tpu.enqueue_indirect_dma source(%dma_start3A_1584 : memref<1000001x64xf32, #tpu.memory_space<hbm>>) target(%dma_start3A_1581 : memref<16x64xf32, #tpu.memory_space<vmem>>) offsets(%get3A_1496 : vector<16xi32>) semaphore(%arg9 : memref<!tpu.dma_semaphore, #tpu.memory_space<semaphore_mem>>)
        %dma_start3A_1585 = arith.constant 0 : i32
        %dma_start3A_1586 = arith.constant 144 : i32
        %dma_start3A_1587 = arith.constant 0 : i32
        %dma_start3A_1588 = tpu.memref_slice %arg6[%dma_start3A_1585, %dma_start3A_1586, %dma_start3A_1587] : memref<4x208x64xf32, #tpu.memory_space<vmem>> -> memref<1x16x64xf32, #tpu.memory_space<vmem>>
        %dma_start3A_1589 = tpu.memref_squeeze %dma_start3A_1588 : memref<1x16x64xf32, #tpu.memory_space<vmem>> -> memref<16x64xf32, #tpu.memory_space<vmem>>
        %dma_start3A_1590 = arith.constant 0 : i32
        %dma_start3A_1591 = arith.constant 0 : i32
        %dma_start3A_1592 = tpu.memref_slice %arg3[%dma_start3A_1590, %dma_start3A_1591] : memref<1000001x64xf32, #tpu.memory_space<hbm>> -> memref<1000001x64xf32, #tpu.memory_space<hbm>>
        tpu.enqueue_indirect_dma source(%dma_start3A_1592 : memref<1000001x64xf32, #tpu.memory_space<hbm>>) target(%dma_start3A_1589 : memref<16x64xf32, #tpu.memory_space<vmem>>) offsets(%get3A_1500 : vector<16xi32>) semaphore(%arg9 : memref<!tpu.dma_semaphore, #tpu.memory_space<semaphore_mem>>)
        %dma_start3A_1593 = arith.constant 0 : i32
        %dma_start3A_1594 = arith.constant 160 : i32
        %dma_start3A_1595 = arith.constant 0 : i32
        %dma_start3A_1596 = tpu.memref_slice %arg6[%dma_start3A_1593, %dma_start3A_1594, %dma_start3A_1595] : memref<4x208x64xf32, #tpu.memory_space<vmem>> -> memref<1x16x64xf32, #tpu.memory_space<vmem>>
        %dma_start3A_1597 = tpu.memref_squeeze %dma_start3A_1596 : memref<1x16x64xf32, #tpu.memory_space<vmem>> -> memref<16x64xf32, #tpu.memory_space<vmem>>
        %dma_start3A_1598 = arith.constant 0 : i32
        %dma_start3A_1599 = arith.constant 0 : i32
        %dma_start3A_1600 = tpu.memref_slice %arg3[%dma_start3A_1598, %dma_start3A_1599] : memref<1000001x64xf32, #tpu.memory_space<hbm>> -> memref<1000001x64xf32, #tpu.memory_space<hbm>>
        tpu.enqueue_indirect_dma source(%dma_start3A_1600 : memref<1000001x64xf32, #tpu.memory_space<hbm>>) target(%dma_start3A_1597 : memref<16x64xf32, #tpu.memory_space<vmem>>) offsets(%get3A_1504 : vector<16xi32>) semaphore(%arg9 : memref<!tpu.dma_semaphore, #tpu.memory_space<semaphore_mem>>)
        %dma_start3A_1601 = arith.constant 0 : i32
        %dma_start3A_1602 = arith.constant 176 : i32
        %dma_start3A_1603 = arith.constant 0 : i32
        %dma_start3A_1604 = tpu.memref_slice %arg6[%dma_start3A_1601, %dma_start3A_1602, %dma_start3A_1603] : memref<4x208x64xf32, #tpu.memory_space<vmem>> -> memref<1x16x64xf32, #tpu.memory_space<vmem>>
        %dma_start3A_1605 = tpu.memref_squeeze %dma_start3A_1604 : memref<1x16x64xf32, #tpu.memory_space<vmem>> -> memref<16x64xf32, #tpu.memory_space<vmem>>
        %dma_start3A_1606 = arith.constant 0 : i32
        %dma_start3A_1607 = arith.constant 0 : i32
        %dma_start3A_1608 = tpu.memref_slice %arg3[%dma_start3A_1606, %dma_start3A_1607] : memref<1000001x64xf32, #tpu.memory_space<hbm>> -> memref<1000001x64xf32, #tpu.memory_space<hbm>>
        tpu.enqueue_indirect_dma source(%dma_start3A_1608 : memref<1000001x64xf32, #tpu.memory_space<hbm>>) target(%dma_start3A_1605 : memref<16x64xf32, #tpu.memory_space<vmem>>) offsets(%get3A_1508 : vector<16xi32>) semaphore(%arg9 : memref<!tpu.dma_semaphore, #tpu.memory_space<semaphore_mem>>)
        %dma_start3A_1609 = arith.constant 0 : i32
        %dma_start3A_1610 = arith.constant 192 : i32
        %dma_start3A_1611 = arith.constant 0 : i32
        %dma_start3A_1612 = tpu.memref_slice %arg6[%dma_start3A_1609, %dma_start3A_1610, %dma_start3A_1611] : memref<4x208x64xf32, #tpu.memory_space<vmem>> -> memref<1x16x64xf32, #tpu.memory_space<vmem>>
        %dma_start3A_1613 = tpu.memref_squeeze %dma_start3A_1612 : memref<1x16x64xf32, #tpu.memory_space<vmem>> -> memref<16x64xf32, #tpu.memory_space<vmem>>
        %dma_start3A_1614 = arith.constant 0 : i32
        %dma_start3A_1615 = arith.constant 0 : i32
        %dma_start3A_1616 = tpu.memref_slice %arg3[%dma_start3A_1614, %dma_start3A_1615] : memref<1000001x64xf32, #tpu.memory_space<hbm>> -> memref<1000001x64xf32, #tpu.memory_space<hbm>>
        tpu.enqueue_indirect_dma source(%dma_start3A_1616 : memref<1000001x64xf32, #tpu.memory_space<hbm>>) target(%dma_start3A_1613 : memref<16x64xf32, #tpu.memory_space<vmem>>) offsets(%get3A_1512 : vector<16xi32>) semaphore(%arg9 : memref<!tpu.dma_semaphore, #tpu.memory_space<semaphore_mem>>)
      } else {
      }
      %add3A_880 = arith.constant 1 : i32
      %add3A_881 = arith.addi %mul3A_691, %add3A_880 : i32
      %get3A_882 = arith.index_cast %add3A_881 : i32 to index
      %get3A_883 = arith.constant 0 : index
      %get3A_884 = tpu.vector_load %arg5[%get3A_882, %get3A_883] {strides = array<i32>} : memref<128x256xi32, #tpu.memory_space<vmem>>, vector<1x16xi32>,
      %get3A_885 = vector.shape_cast %get3A_884 : vector<1x16xi32> to vector<16xi32>
      %get3A_886 = arith.index_cast %add3A_881 : i32 to index
      %get3A_887 = arith.constant 16 : index
      %get3A_888 = tpu.vector_load %arg5[%get3A_886, %get3A_887] {strides = array<i32>} : memref<128x256xi32, #tpu.memory_space<vmem>>, vector<1x16xi32>,
      %get3A_889 = vector.shape_cast %get3A_888 : vector<1x16xi32> to vector<16xi32>
      %get3A_890 = arith.index_cast %add3A_881 : i32 to index
      %get3A_891 = arith.constant 32 : index
      %get3A_892 = tpu.vector_load %arg5[%get3A_890, %get3A_891] {strides = array<i32>} : memref<128x256xi32, #tpu.memory_space<vmem>>, vector<1x16xi32>,
      %get3A_893 = vector.shape_cast %get3A_892 : vector<1x16xi32> to vector<16xi32>
      %get3A_894 = arith.index_cast %add3A_881 : i32 to index
      %get3A_895 = arith.constant 48 : index
      %get3A_896 = tpu.vector_load %arg5[%get3A_894, %get3A_895] {strides = array<i32>} : memref<128x256xi32, #tpu.memory_space<vmem>>, vector<1x16xi32>,
      %get3A_897 = vector.shape_cast %get3A_896 : vector<1x16xi32> to vector<16xi32>
      %get3A_898 = arith.index_cast %add3A_881 : i32 to index
      %get3A_899 = arith.constant 64 : index
      %get3A_900 = tpu.vector_load %arg5[%get3A_898, %get3A_899] {strides = array<i32>} : memref<128x256xi32, #tpu.memory_space<vmem>>, vector<1x16xi32>,
      %get3A_901 = vector.shape_cast %get3A_900 : vector<1x16xi32> to vector<16xi32>
      %get3A_902 = arith.index_cast %add3A_881 : i32 to index
      %get3A_903 = arith.constant 80 : index
      %get3A_904 = tpu.vector_load %arg5[%get3A_902, %get3A_903] {strides = array<i32>} : memref<128x256xi32, #tpu.memory_space<vmem>>, vector<1x16xi32>,
      %get3A_905 = vector.shape_cast %get3A_904 : vector<1x16xi32> to vector<16xi32>
      %get3A_906 = arith.index_cast %add3A_881 : i32 to index
      %get3A_907 = arith.constant 96 : index
      %get3A_908 = tpu.vector_load %arg5[%get3A_906, %get3A_907] {strides = array<i32>} : memref<128x256xi32, #tpu.memory_space<vmem>>, vector<1x16xi32>,
      %get3A_909 = vector.shape_cast %get3A_908 : vector<1x16xi32> to vector<16xi32>
      %get3A_910 = arith.index_cast %add3A_881 : i32 to index
      %get3A_911 = arith.constant 112 : index
      %get3A_912 = tpu.vector_load %arg5[%get3A_910, %get3A_911] {strides = array<i32>} : memref<128x256xi32, #tpu.memory_space<vmem>>, vector<1x16xi32>,
      %get3A_913 = vector.shape_cast %get3A_912 : vector<1x16xi32> to vector<16xi32>
      %get3A_914 = arith.index_cast %add3A_881 : i32 to index
      %get3A_915 = arith.constant 128 : index
      %get3A_916 = tpu.vector_load %arg5[%get3A_914, %get3A_915] {strides = array<i32>} : memref<128x256xi32, #tpu.memory_space<vmem>>, vector<1x16xi32>,
      %get3A_917 = vector.shape_cast %get3A_916 : vector<1x16xi32> to vector<16xi32>
      %get3A_918 = arith.index_cast %add3A_881 : i32 to index
      %get3A_919 = arith.constant 144 : index
      %get3A_920 = tpu.vector_load %arg5[%get3A_918, %get3A_919] {strides = array<i32>} : memref<128x256xi32, #tpu.memory_space<vmem>>, vector<1x16xi32>,
      %get3A_921 = vector.shape_cast %get3A_920 : vector<1x16xi32> to vector<16xi32>
      %get3A_922 = arith.index_cast %add3A_881 : i32 to index
      %get3A_923 = arith.constant 160 : index
      %get3A_924 = tpu.vector_load %arg5[%get3A_922, %get3A_923] {strides = array<i32>} : memref<128x256xi32, #tpu.memory_space<vmem>>, vector<1x16xi32>,
      %get3A_925 = vector.shape_cast %get3A_924 : vector<1x16xi32> to vector<16xi32>
      %get3A_926 = arith.index_cast %add3A_881 : i32 to index
      %get3A_927 = arith.constant 176 : index
      %get3A_928 = tpu.vector_load %arg5[%get3A_926, %get3A_927] {strides = array<i32>} : memref<128x256xi32, #tpu.memory_space<vmem>>, vector<1x16xi32>,
      %get3A_929 = vector.shape_cast %get3A_928 : vector<1x16xi32> to vector<16xi32>
      %get3A_930 = arith.index_cast %add3A_881 : i32 to index
      %get3A_931 = arith.constant 192 : index
      %get3A_932 = tpu.vector_load %arg5[%get3A_930, %get3A_931] {strides = array<i32>} : memref<128x256xi32, #tpu.memory_space<vmem>>, vector<1x16xi32>,
      %get3A_933 = vector.shape_cast %get3A_932 : vector<1x16xi32> to vector<16xi32>
      %dma_wait3A_934 = arith.constant 1 : i32
      %dma_wait3A_935 = arith.constant 0 : i32
      %dma_wait3A_936 = arith.constant 0 : i32
      %dma_wait3A_937 = tpu.memref_slice %arg6[%dma_wait3A_934, %dma_wait3A_935, %dma_wait3A_936] : memref<4x208x64xf32, #tpu.memory_space<vmem>> -> memref<1x16x64xf32, #tpu.memory_space<vmem>>
      %dma_wait3A_938 = tpu.memref_squeeze %dma_wait3A_937 : memref<1x16x64xf32, #tpu.memory_space<vmem>> -> memref<16x64xf32, #tpu.memory_space<vmem>>
      %dma_wait3A_939 = arith.constant 0 : i32
      %dma_wait3A_940 = arith.constant 0 : i32
      %dma_wait3A_941 = tpu.memref_slice %arg3[%dma_wait3A_939, %dma_wait3A_940] : memref<1000001x64xf32, #tpu.memory_space<hbm>> -> memref<1000001x64xf32, #tpu.memory_space<hbm>>
      tpu.wait_indirect_dma semaphore(%arg10 : memref<!tpu.dma_semaphore, #tpu.memory_space<semaphore_mem>>) src(%dma_wait3A_941 : memref<1000001x64xf32, #tpu.memory_space<hbm>>) dst(%dma_wait3A_938 : memref<16x64xf32, #tpu.memory_space<vmem>>)
      %dma_wait3A_942 = arith.constant 1 : i32
      %dma_wait3A_943 = arith.constant 16 : i32
      %dma_wait3A_944 = arith.constant 0 : i32
      %dma_wait3A_945 = tpu.memref_slice %arg6[%dma_wait3A_942, %dma_wait3A_943, %dma_wait3A_944] : memref<4x208x64xf32, #tpu.memory_space<vmem>> -> memref<1x16x64xf32, #tpu.memory_space<vmem>>
      %dma_wait3A_946 = tpu.memref_squeeze %dma_wait3A_945 : memref<1x16x64xf32, #tpu.memory_space<vmem>> -> memref<16x64xf32, #tpu.memory_space<vmem>>
      %dma_wait3A_947 = arith.constant 0 : i32
      %dma_wait3A_948 = arith.constant 0 : i32
      %dma_wait3A_949 = tpu.memref_slice %arg3[%dma_wait3A_947, %dma_wait3A_948] : memref<1000001x64xf32, #tpu.memory_space<hbm>> -> memref<1000001x64xf32, #tpu.memory_space<hbm>>
      tpu.wait_indirect_dma semaphore(%arg10 : memref<!tpu.dma_semaphore, #tpu.memory_space<semaphore_mem>>) src(%dma_wait3A_949 : memref<1000001x64xf32, #tpu.memory_space<hbm>>) dst(%dma_wait3A_946 : memref<16x64xf32, #tpu.memory_space<vmem>>)
      %dma_wait3A_950 = arith.constant 1 : i32
      %dma_wait3A_951 = arith.constant 32 : i32
      %dma_wait3A_952 = arith.constant 0 : i32
      %dma_wait3A_953 = tpu.memref_slice %arg6[%dma_wait3A_950, %dma_wait3A_951, %dma_wait3A_952] : memref<4x208x64xf32, #tpu.memory_space<vmem>> -> memref<1x16x64xf32, #tpu.memory_space<vmem>>
      %dma_wait3A_954 = tpu.memref_squeeze %dma_wait3A_953 : memref<1x16x64xf32, #tpu.memory_space<vmem>> -> memref<16x64xf32, #tpu.memory_space<vmem>>
      %dma_wait3A_955 = arith.constant 0 : i32
      %dma_wait3A_956 = arith.constant 0 : i32
      %dma_wait3A_957 = tpu.memref_slice %arg3[%dma_wait3A_955, %dma_wait3A_956] : memref<1000001x64xf32, #tpu.memory_space<hbm>> -> memref<1000001x64xf32, #tpu.memory_space<hbm>>
      tpu.wait_indirect_dma semaphore(%arg10 : memref<!tpu.dma_semaphore, #tpu.memory_space<semaphore_mem>>) src(%dma_wait3A_957 : memref<1000001x64xf32, #tpu.memory_space<hbm>>) dst(%dma_wait3A_954 : memref<16x64xf32, #tpu.memory_space<vmem>>)
      %dma_wait3A_958 = arith.constant 1 : i32
      %dma_wait3A_959 = arith.constant 48 : i32
      %dma_wait3A_960 = arith.constant 0 : i32
      %dma_wait3A_961 = tpu.memref_slice %arg6[%dma_wait3A_958, %dma_wait3A_959, %dma_wait3A_960] : memref<4x208x64xf32, #tpu.memory_space<vmem>> -> memref<1x16x64xf32, #tpu.memory_space<vmem>>
      %dma_wait3A_962 = tpu.memref_squeeze %dma_wait3A_961 : memref<1x16x64xf32, #tpu.memory_space<vmem>> -> memref<16x64xf32, #tpu.memory_space<vmem>>
      %dma_wait3A_963 = arith.constant 0 : i32
      %dma_wait3A_964 = arith.constant 0 : i32
      %dma_wait3A_965 = tpu.memref_slice %arg3[%dma_wait3A_963, %dma_wait3A_964] : memref<1000001x64xf32, #tpu.memory_space<hbm>> -> memref<1000001x64xf32, #tpu.memory_space<hbm>>
      tpu.wait_indirect_dma semaphore(%arg10 : memref<!tpu.dma_semaphore, #tpu.memory_space<semaphore_mem>>) src(%dma_wait3A_965 : memref<1000001x64xf32, #tpu.memory_space<hbm>>) dst(%dma_wait3A_962 : memref<16x64xf32, #tpu.memory_space<vmem>>)
      %dma_wait3A_966 = arith.constant 1 : i32
      %dma_wait3A_967 = arith.constant 64 : i32
      %dma_wait3A_968 = arith.constant 0 : i32
      %dma_wait3A_969 = tpu.memref_slice %arg6[%dma_wait3A_966, %dma_wait3A_967, %dma_wait3A_968] : memref<4x208x64xf32, #tpu.memory_space<vmem>> -> memref<1x16x64xf32, #tpu.memory_space<vmem>>
      %dma_wait3A_970 = tpu.memref_squeeze %dma_wait3A_969 : memref<1x16x64xf32, #tpu.memory_space<vmem>> -> memref<16x64xf32, #tpu.memory_space<vmem>>
      %dma_wait3A_971 = arith.constant 0 : i32
      %dma_wait3A_972 = arith.constant 0 : i32
      %dma_wait3A_973 = tpu.memref_slice %arg3[%dma_wait3A_971, %dma_wait3A_972] : memref<1000001x64xf32, #tpu.memory_space<hbm>> -> memref<1000001x64xf32, #tpu.memory_space<hbm>>
      tpu.wait_indirect_dma semaphore(%arg10 : memref<!tpu.dma_semaphore, #tpu.memory_space<semaphore_mem>>) src(%dma_wait3A_973 : memref<1000001x64xf32, #tpu.memory_space<hbm>>) dst(%dma_wait3A_970 : memref<16x64xf32, #tpu.memory_space<vmem>>)
      %dma_wait3A_974 = arith.constant 1 : i32
      %dma_wait3A_975 = arith.constant 80 : i32
      %dma_wait3A_976 = arith.constant 0 : i32
      %dma_wait3A_977 = tpu.memref_slice %arg6[%dma_wait3A_974, %dma_wait3A_975, %dma_wait3A_976] : memref<4x208x64xf32, #tpu.memory_space<vmem>> -> memref<1x16x64xf32, #tpu.memory_space<vmem>>
      %dma_wait3A_978 = tpu.memref_squeeze %dma_wait3A_977 : memref<1x16x64xf32, #tpu.memory_space<vmem>> -> memref<16x64xf32, #tpu.memory_space<vmem>>
      %dma_wait3A_979 = arith.constant 0 : i32
      %dma_wait3A_980 = arith.constant 0 : i32
      %dma_wait3A_981 = tpu.memref_slice %arg3[%dma_wait3A_979, %dma_wait3A_980] : memref<1000001x64xf32, #tpu.memory_space<hbm>> -> memref<1000001x64xf32, #tpu.memory_space<hbm>>
      tpu.wait_indirect_dma semaphore(%arg10 : memref<!tpu.dma_semaphore, #tpu.memory_space<semaphore_mem>>) src(%dma_wait3A_981 : memref<1000001x64xf32, #tpu.memory_space<hbm>>) dst(%dma_wait3A_978 : memref<16x64xf32, #tpu.memory_space<vmem>>)
      %dma_wait3A_982 = arith.constant 1 : i32
      %dma_wait3A_983 = arith.constant 96 : i32
      %dma_wait3A_984 = arith.constant 0 : i32
      %dma_wait3A_985 = tpu.memref_slice %arg6[%dma_wait3A_982, %dma_wait3A_983, %dma_wait3A_984] : memref<4x208x64xf32, #tpu.memory_space<vmem>> -> memref<1x16x64xf32, #tpu.memory_space<vmem>>
      %dma_wait3A_986 = tpu.memref_squeeze %dma_wait3A_985 : memref<1x16x64xf32, #tpu.memory_space<vmem>> -> memref<16x64xf32, #tpu.memory_space<vmem>>
      %dma_wait3A_987 = arith.constant 0 : i32
      %dma_wait3A_988 = arith.constant 0 : i32
      %dma_wait3A_989 = tpu.memref_slice %arg3[%dma_wait3A_987, %dma_wait3A_988] : memref<1000001x64xf32, #tpu.memory_space<hbm>> -> memref<1000001x64xf32, #tpu.memory_space<hbm>>
      tpu.wait_indirect_dma semaphore(%arg10 : memref<!tpu.dma_semaphore, #tpu.memory_space<semaphore_mem>>) src(%dma_wait3A_989 : memref<1000001x64xf32, #tpu.memory_space<hbm>>) dst(%dma_wait3A_986 : memref<16x64xf32, #tpu.memory_space<vmem>>)
      %dma_wait3A_990 = arith.constant 1 : i32
      %dma_wait3A_991 = arith.constant 112 : i32
      %dma_wait3A_992 = arith.constant 0 : i32
      %dma_wait3A_993 = tpu.memref_slice %arg6[%dma_wait3A_990, %dma_wait3A_991, %dma_wait3A_992] : memref<4x208x64xf32, #tpu.memory_space<vmem>> -> memref<1x16x64xf32, #tpu.memory_space<vmem>>
      %dma_wait3A_994 = tpu.memref_squeeze %dma_wait3A_993 : memref<1x16x64xf32, #tpu.memory_space<vmem>> -> memref<16x64xf32, #tpu.memory_space<vmem>>
      %dma_wait3A_995 = arith.constant 0 : i32
      %dma_wait3A_996 = arith.constant 0 : i32
      %dma_wait3A_997 = tpu.memref_slice %arg3[%dma_wait3A_995, %dma_wait3A_996] : memref<1000001x64xf32, #tpu.memory_space<hbm>> -> memref<1000001x64xf32, #tpu.memory_space<hbm>>
      tpu.wait_indirect_dma semaphore(%arg10 : memref<!tpu.dma_semaphore, #tpu.memory_space<semaphore_mem>>) src(%dma_wait3A_997 : memref<1000001x64xf32, #tpu.memory_space<hbm>>) dst(%dma_wait3A_994 : memref<16x64xf32, #tpu.memory_space<vmem>>)
      %dma_wait3A_998 = arith.constant 1 : i32
      %dma_wait3A_999 = arith.constant 128 : i32
      %dma_wait3A_1000 = arith.constant 0 : i32
      %dma_wait3A_1001 = tpu.memref_slice %arg6[%dma_wait3A_998, %dma_wait3A_999, %dma_wait3A_1000] : memref<4x208x64xf32, #tpu.memory_space<vmem>> -> memref<1x16x64xf32, #tpu.memory_space<vmem>>
      %dma_wait3A_1002 = tpu.memref_squeeze %dma_wait3A_1001 : memref<1x16x64xf32, #tpu.memory_space<vmem>> -> memref<16x64xf32, #tpu.memory_space<vmem>>
      %dma_wait3A_1003 = arith.constant 0 : i32
      %dma_wait3A_1004 = arith.constant 0 : i32
      %dma_wait3A_1005 = tpu.memref_slice %arg3[%dma_wait3A_1003, %dma_wait3A_1004] : memref<1000001x64xf32, #tpu.memory_space<hbm>> -> memref<1000001x64xf32, #tpu.memory_space<hbm>>
      tpu.wait_indirect_dma semaphore(%arg10 : memref<!tpu.dma_semaphore, #tpu.memory_space<semaphore_mem>>) src(%dma_wait3A_1005 : memref<1000001x64xf32, #tpu.memory_space<hbm>>) dst(%dma_wait3A_1002 : memref<16x64xf32, #tpu.memory_space<vmem>>)
      %dma_wait3A_1006 = arith.constant 1 : i32
      %dma_wait3A_1007 = arith.constant 144 : i32
      %dma_wait3A_1008 = arith.constant 0 : i32
      %dma_wait3A_1009 = tpu.memref_slice %arg6[%dma_wait3A_1006, %dma_wait3A_1007, %dma_wait3A_1008] : memref<4x208x64xf32, #tpu.memory_space<vmem>> -> memref<1x16x64xf32, #tpu.memory_space<vmem>>
      %dma_wait3A_1010 = tpu.memref_squeeze %dma_wait3A_1009 : memref<1x16x64xf32, #tpu.memory_space<vmem>> -> memref<16x64xf32, #tpu.memory_space<vmem>>
      %dma_wait3A_1011 = arith.constant 0 : i32
      %dma_wait3A_1012 = arith.constant 0 : i32
      %dma_wait3A_1013 = tpu.memref_slice %arg3[%dma_wait3A_1011, %dma_wait3A_1012] : memref<1000001x64xf32, #tpu.memory_space<hbm>> -> memref<1000001x64xf32, #tpu.memory_space<hbm>>
      tpu.wait_indirect_dma semaphore(%arg10 : memref<!tpu.dma_semaphore, #tpu.memory_space<semaphore_mem>>) src(%dma_wait3A_1013 : memref<1000001x64xf32, #tpu.memory_space<hbm>>) dst(%dma_wait3A_1010 : memref<16x64xf32, #tpu.memory_space<vmem>>)
      %dma_wait3A_1014 = arith.constant 1 : i32
      %dma_wait3A_1015 = arith.constant 160 : i32
      %dma_wait3A_1016 = arith.constant 0 : i32
      %dma_wait3A_1017 = tpu.memref_slice %arg6[%dma_wait3A_1014, %dma_wait3A_1015, %dma_wait3A_1016] : memref<4x208x64xf32, #tpu.memory_space<vmem>> -> memref<1x16x64xf32, #tpu.memory_space<vmem>>
      %dma_wait3A_1018 = tpu.memref_squeeze %dma_wait3A_1017 : memref<1x16x64xf32, #tpu.memory_space<vmem>> -> memref<16x64xf32, #tpu.memory_space<vmem>>
      %dma_wait3A_1019 = arith.constant 0 : i32
      %dma_wait3A_1020 = arith.constant 0 : i32
      %dma_wait3A_1021 = tpu.memref_slice %arg3[%dma_wait3A_1019, %dma_wait3A_1020] : memref<1000001x64xf32, #tpu.memory_space<hbm>> -> memref<1000001x64xf32, #tpu.memory_space<hbm>>
      tpu.wait_indirect_dma semaphore(%arg10 : memref<!tpu.dma_semaphore, #tpu.memory_space<semaphore_mem>>) src(%dma_wait3A_1021 : memref<1000001x64xf32, #tpu.memory_space<hbm>>) dst(%dma_wait3A_1018 : memref<16x64xf32, #tpu.memory_space<vmem>>)
      %dma_wait3A_1022 = arith.constant 1 : i32
      %dma_wait3A_1023 = arith.constant 176 : i32
      %dma_wait3A_1024 = arith.constant 0 : i32
      %dma_wait3A_1025 = tpu.memref_slice %arg6[%dma_wait3A_1022, %dma_wait3A_1023, %dma_wait3A_1024] : memref<4x208x64xf32, #tpu.memory_space<vmem>> -> memref<1x16x64xf32, #tpu.memory_space<vmem>>
      %dma_wait3A_1026 = tpu.memref_squeeze %dma_wait3A_1025 : memref<1x16x64xf32, #tpu.memory_space<vmem>> -> memref<16x64xf32, #tpu.memory_space<vmem>>
      %dma_wait3A_1027 = arith.constant 0 : i32
      %dma_wait3A_1028 = arith.constant 0 : i32
      %dma_wait3A_1029 = tpu.memref_slice %arg3[%dma_wait3A_1027, %dma_wait3A_1028] : memref<1000001x64xf32, #tpu.memory_space<hbm>> -> memref<1000001x64xf32, #tpu.memory_space<hbm>>
      tpu.wait_indirect_dma semaphore(%arg10 : memref<!tpu.dma_semaphore, #tpu.memory_space<semaphore_mem>>) src(%dma_wait3A_1029 : memref<1000001x64xf32, #tpu.memory_space<hbm>>) dst(%dma_wait3A_1026 : memref<16x64xf32, #tpu.memory_space<vmem>>)
      %dma_wait3A_1030 = arith.constant 1 : i32
      %dma_wait3A_1031 = arith.constant 192 : i32
      %dma_wait3A_1032 = arith.constant 0 : i32
      %dma_wait3A_1033 = tpu.memref_slice %arg6[%dma_wait3A_1030, %dma_wait3A_1031, %dma_wait3A_1032] : memref<4x208x64xf32, #tpu.memory_space<vmem>> -> memref<1x16x64xf32, #tpu.memory_space<vmem>>
      %dma_wait3A_1034 = tpu.memref_squeeze %dma_wait3A_1033 : memref<1x16x64xf32, #tpu.memory_space<vmem>> -> memref<16x64xf32, #tpu.memory_space<vmem>>
      %dma_wait3A_1035 = arith.constant 0 : i32
      %dma_wait3A_1036 = arith.constant 0 : i32
      %dma_wait3A_1037 = tpu.memref_slice %arg3[%dma_wait3A_1035, %dma_wait3A_1036] : memref<1000001x64xf32, #tpu.memory_space<hbm>> -> memref<1000001x64xf32, #tpu.memory_space<hbm>>
      tpu.wait_indirect_dma semaphore(%arg10 : memref<!tpu.dma_semaphore, #tpu.memory_space<semaphore_mem>>) src(%dma_wait3A_1037 : memref<1000001x64xf32, #tpu.memory_space<hbm>>) dst(%dma_wait3A_1034 : memref<16x64xf32, #tpu.memory_space<vmem>>)
      %broadcast_in_dim3A_1038 = arith.constant 0.000000e+00 : f32
      %broadcast_in_dim3A_1039 = vector.broadcast %broadcast_in_dim3A_1038 : f32 to vector<16xf32>
      %scan3A_1040 = arith.constant 0 : i32
      %scan3A_1041 = arith.constant 52 : i32
      %scan3A_1042 = arith.addi %scan3A_1040, %scan3A_1041 : i32
      %scan3A_1043 = arith.constant 1 : i32
      %scan3A_1044:4 = scf.for %scan3A_1459 = %scan3A_1040 to %scan3A_1042 step %scan3A_1043 iter_args(%scan3A_1460 = %broadcast_in_dim3A_1039, %scan3A_1461 = %broadcast_in_dim3A_1039, %scan3A_1462 = %broadcast_in_dim3A_1039, %scan3A_1463 = %broadcast_in_dim3A_1039) -> (vector<16xf32>, vector<16xf32>, vector<16xf32>, vector<16xf32>)  : i32 {
        %mul3A_1464 = arith.constant 4 : i32
        %mul3A_1465 = arith.muli %scan3A_1459, %mul3A_1464 : i32
        %add3A_1466 = arith.constant 0 : i32
        %add3A_1467 = arith.addi %mul3A_1465, %add3A_1466 : i32
        %get3A_1468 = arith.constant 1 : i32
        %get3A_1469 = arith.index_cast %get3A_1468 : i32 to index
        %get3A_1470 = arith.index_cast %add3A_1467 : i32 to index
        %get3A_1471 = arith.constant 0 : index
        %get3A_1472 = tpu.vector_load %arg6[%get3A_1469, %get3A_1470, %get3A_1471] {strides = array<i32>} : memref<4x208x64xf32, #tpu.memory_space<vmem>>, vector<1x1x16xf32>,
        %get3A_1473 = vector.shape_cast %get3A_1472 : vector<1x1x16xf32> to vector<16xf32>
        %add3A_1474 = arith.addf %scan3A_1460, %get3A_1473 : vector<16xf32>
        %add3A_1475 = arith.constant 0 : i32
        %add3A_1476 = arith.addi %mul3A_1465, %add3A_1475 : i32
        %get3A_1477 = arith.constant 1 : i32
        %get3A_1478 = arith.index_cast %get3A_1477 : i32 to index
        %get3A_1479 = arith.index_cast %add3A_1476 : i32 to index
        %get3A_1480 = arith.constant 16 : index
        %get3A_1481 = tpu.vector_load %arg6[%get3A_1478, %get3A_1479, %get3A_1480] {strides = array<i32>} : memref<4x208x64xf32, #tpu.memory_space<vmem>>, vector<1x1x16xf32>,
        %get3A_1482 = vector.shape_cast %get3A_1481 : vector<1x1x16xf32> to vector<16xf32>
        %add3A_1483 = arith.addf %scan3A_1461, %get3A_1482 : vector<16xf32>
        %add3A_1484 = arith.constant 0 : i32
        %add3A_1485 = arith.addi %mul3A_1465, %add3A_1484 : i32
        %get3A_1486 = arith.constant 1 : i32
        %get3A_1487 = arith.index_cast %get3A_1486 : i32 to index
        %get3A_1488 = arith.index_cast %add3A_1485 : i32 to index
        %get3A_1489 = arith.constant 32 : index
        %get3A_1490 = tpu.vector_load %arg6[%get3A_1487, %get3A_1488, %get3A_1489] {strides = array<i32>} : memref<4x208x64xf32, #tpu.memory_space<vmem>>, vector<1x1x16xf32>,
        %get3A_1491 = vector.shape_cast %get3A_1490 : vector<1x1x16xf32> to vector<16xf32>
        %add3A_1492 = arith.addf %scan3A_1462, %get3A_1491 : vector<16xf32>
        %add3A_1493 = arith.constant 0 : i32
        %add3A_1494 = arith.addi %mul3A_1465, %add3A_1493 : i32
        %get3A_1495 = arith.constant 1 : i32
        %get3A_1496 = arith.index_cast %get3A_1495 : i32 to index
        %get3A_1497 = arith.index_cast %add3A_1494 : i32 to index
        %get3A_1498 = arith.constant 48 : index
        %get3A_1499 = tpu.vector_load %arg6[%get3A_1496, %get3A_1497, %get3A_1498] {strides = array<i32>} : memref<4x208x64xf32, #tpu.memory_space<vmem>>, vector<1x1x16xf32>,
        %get3A_1500 = vector.shape_cast %get3A_1499 : vector<1x1x16xf32> to vector<16xf32>
        %add3A_1501 = arith.addf %scan3A_1463, %get3A_1500 : vector<16xf32>
        %add3A_1502 = arith.constant 1 : i32
        %add3A_1503 = arith.addi %mul3A_1465, %add3A_1502 : i32
        %get3A_1504 = arith.constant 1 : i32
        %get3A_1505 = arith.index_cast %get3A_1504 : i32 to index
        %get3A_1506 = arith.index_cast %add3A_1503 : i32 to index
        %get3A_1507 = arith.constant 0 : index
        %get3A_1508 = tpu.vector_load %arg6[%get3A_1505, %get3A_1506, %get3A_1507] {strides = array<i32>} : memref<4x208x64xf32, #tpu.memory_space<vmem>>, vector<1x1x16xf32>,
        %get3A_1509 = vector.shape_cast %get3A_1508 : vector<1x1x16xf32> to vector<16xf32>
        %add3A_1510 = arith.addf %add3A_1474, %get3A_1509 : vector<16xf32>
        %add3A_1511 = arith.constant 1 : i32
        %add3A_1512 = arith.addi %mul3A_1465, %add3A_1511 : i32
        %get3A_1513 = arith.constant 1 : i32
        %get3A_1514 = arith.index_cast %get3A_1513 : i32 to index
        %get3A_1515 = arith.index_cast %add3A_1512 : i32 to index
        %get3A_1516 = arith.constant 16 : index
        %get3A_1517 = tpu.vector_load %arg6[%get3A_1514, %get3A_1515, %get3A_1516] {strides = array<i32>} : memref<4x208x64xf32, #tpu.memory_space<vmem>>, vector<1x1x16xf32>,
        %get3A_1518 = vector.shape_cast %get3A_1517 : vector<1x1x16xf32> to vector<16xf32>
        %add3A_1519 = arith.addf %add3A_1483, %get3A_1518 : vector<16xf32>
        %add3A_1520 = arith.constant 1 : i32
        %add3A_1521 = arith.addi %mul3A_1465, %add3A_1520 : i32
        %get3A_1522 = arith.constant 1 : i32
        %get3A_1523 = arith.index_cast %get3A_1522 : i32 to index
        %get3A_1524 = arith.index_cast %add3A_1521 : i32 to index
        %get3A_1525 = arith.constant 32 : index
        %get3A_1526 = tpu.vector_load %arg6[%get3A_1523, %get3A_1524, %get3A_1525] {strides = array<i32>} : memref<4x208x64xf32, #tpu.memory_space<vmem>>, vector<1x1x16xf32>,
        %get3A_1527 = vector.shape_cast %get3A_1526 : vector<1x1x16xf32> to vector<16xf32>
        %add3A_1528 = arith.addf %add3A_1492, %get3A_1527 : vector<16xf32>
        %add3A_1529 = arith.constant 1 : i32
        %add3A_1530 = arith.addi %mul3A_1465, %add3A_1529 : i32
        %get3A_1531 = arith.constant 1 : i32
        %get3A_1532 = arith.index_cast %get3A_1531 : i32 to index
        %get3A_1533 = arith.index_cast %add3A_1530 : i32 to index
        %get3A_1534 = arith.constant 48 : index
        %get3A_1535 = tpu.vector_load %arg6[%get3A_1532, %get3A_1533, %get3A_1534] {strides = array<i32>} : memref<4x208x64xf32, #tpu.memory_space<vmem>>, vector<1x1x16xf32>,
        %get3A_1536 = vector.shape_cast %get3A_1535 : vector<1x1x16xf32> to vector<16xf32>
        %add3A_1537 = arith.addf %add3A_1501, %get3A_1536 : vector<16xf32>
        %add3A_1538 = arith.constant 2 : i32
        %add3A_1539 = arith.addi %mul3A_1465, %add3A_1538 : i32
        %get3A_1540 = arith.constant 1 : i32
        %get3A_1541 = arith.index_cast %get3A_1540 : i32 to index
        %get3A_1542 = arith.index_cast %add3A_1539 : i32 to index
        %get3A_1543 = arith.constant 0 : index
        %get3A_1544 = tpu.vector_load %arg6[%get3A_1541, %get3A_1542, %get3A_1543] {strides = array<i32>} : memref<4x208x64xf32, #tpu.memory_space<vmem>>, vector<1x1x16xf32>,
        %get3A_1545 = vector.shape_cast %get3A_1544 : vector<1x1x16xf32> to vector<16xf32>
        %add3A_1546 = arith.addf %add3A_1510, %get3A_1545 : vector<16xf32>
        %add3A_1547 = arith.constant 2 : i32
        %add3A_1548 = arith.addi %mul3A_1465, %add3A_1547 : i32
        %get3A_1549 = arith.constant 1 : i32
        %get3A_1550 = arith.index_cast %get3A_1549 : i32 to index
        %get3A_1551 = arith.index_cast %add3A_1548 : i32 to index
        %get3A_1552 = arith.constant 16 : index
        %get3A_1553 = tpu.vector_load %arg6[%get3A_1550, %get3A_1551, %get3A_1552] {strides = array<i32>} : memref<4x208x64xf32, #tpu.memory_space<vmem>>, vector<1x1x16xf32>,
        %get3A_1554 = vector.shape_cast %get3A_1553 : vector<1x1x16xf32> to vector<16xf32>
        %add3A_1555 = arith.addf %add3A_1519, %get3A_1554 : vector<16xf32>
        %add3A_1556 = arith.constant 2 : i32
        %add3A_1557 = arith.addi %mul3A_1465, %add3A_1556 : i32
        %get3A_1558 = arith.constant 1 : i32
        %get3A_1559 = arith.index_cast %get3A_1558 : i32 to index
        %get3A_1560 = arith.index_cast %add3A_1557 : i32 to index
        %get3A_1561 = arith.constant 32 : index
        %get3A_1562 = tpu.vector_load %arg6[%get3A_1559, %get3A_1560, %get3A_1561] {strides = array<i32>} : memref<4x208x64xf32, #tpu.memory_space<vmem>>, vector<1x1x16xf32>,
        %get3A_1563 = vector.shape_cast %get3A_1562 : vector<1x1x16xf32> to vector<16xf32>
        %add3A_1564 = arith.addf %add3A_1528, %get3A_1563 : vector<16xf32>
        %add3A_1565 = arith.constant 2 : i32
        %add3A_1566 = arith.addi %mul3A_1465, %add3A_1565 : i32
        %get3A_1567 = arith.constant 1 : i32
        %get3A_1568 = arith.index_cast %get3A_1567 : i32 to index
        %get3A_1569 = arith.index_cast %add3A_1566 : i32 to index
        %get3A_1570 = arith.constant 48 : index
        %get3A_1571 = tpu.vector_load %arg6[%get3A_1568, %get3A_1569, %get3A_1570] {strides = array<i32>} : memref<4x208x64xf32, #tpu.memory_space<vmem>>, vector<1x1x16xf32>,
        %get3A_1572 = vector.shape_cast %get3A_1571 : vector<1x1x16xf32> to vector<16xf32>
        %add3A_1573 = arith.addf %add3A_1537, %get3A_1572 : vector<16xf32>
        %add3A_1574 = arith.constant 3 : i32
        %add3A_1575 = arith.addi %mul3A_1465, %add3A_1574 : i32
        %get3A_1576 = arith.constant 1 : i32
        %get3A_1577 = arith.index_cast %get3A_1576 : i32 to index
        %get3A_1578 = arith.index_cast %add3A_1575 : i32 to index
        %get3A_1579 = arith.constant 0 : index
        %get3A_1580 = tpu.vector_load %arg6[%get3A_1577, %get3A_1578, %get3A_1579] {strides = array<i32>} : memref<4x208x64xf32, #tpu.memory_space<vmem>>, vector<1x1x16xf32>,
        %get3A_1581 = vector.shape_cast %get3A_1580 : vector<1x1x16xf32> to vector<16xf32>
        %add3A_1582 = arith.addf %add3A_1546, %get3A_1581 : vector<16xf32>
        %add3A_1583 = arith.constant 3 : i32
        %add3A_1584 = arith.addi %mul3A_1465, %add3A_1583 : i32
        %get3A_1585 = arith.constant 1 : i32
        %get3A_1586 = arith.index_cast %get3A_1585 : i32 to index
        %get3A_1587 = arith.index_cast %add3A_1584 : i32 to index
        %get3A_1588 = arith.constant 16 : index
        %get3A_1589 = tpu.vector_load %arg6[%get3A_1586, %get3A_1587, %get3A_1588] {strides = array<i32>} : memref<4x208x64xf32, #tpu.memory_space<vmem>>, vector<1x1x16xf32>,
        %get3A_1590 = vector.shape_cast %get3A_1589 : vector<1x1x16xf32> to vector<16xf32>
        %add3A_1591 = arith.addf %add3A_1555, %get3A_1590 : vector<16xf32>
        %add3A_1592 = arith.constant 3 : i32
        %add3A_1593 = arith.addi %mul3A_1465, %add3A_1592 : i32
        %get3A_1594 = arith.constant 1 : i32
        %get3A_1595 = arith.index_cast %get3A_1594 : i32 to index
        %get3A_1596 = arith.index_cast %add3A_1593 : i32 to index
        %get3A_1597 = arith.constant 32 : index
        %get3A_1598 = tpu.vector_load %arg6[%get3A_1595, %get3A_1596, %get3A_1597] {strides = array<i32>} : memref<4x208x64xf32, #tpu.memory_space<vmem>>, vector<1x1x16xf32>,
        %get3A_1599 = vector.shape_cast %get3A_1598 : vector<1x1x16xf32> to vector<16xf32>
        %add3A_1600 = arith.addf %add3A_1564, %get3A_1599 : vector<16xf32>
        %add3A_1601 = arith.constant 3 : i32
        %add3A_1602 = arith.addi %mul3A_1465, %add3A_1601 : i32
        %get3A_1603 = arith.constant 1 : i32
        %get3A_1604 = arith.index_cast %get3A_1603 : i32 to index
        %get3A_1605 = arith.index_cast %add3A_1602 : i32 to index
        %get3A_1606 = arith.constant 48 : index
        %get3A_1607 = tpu.vector_load %arg6[%get3A_1604, %get3A_1605, %get3A_1606] {strides = array<i32>} : memref<4x208x64xf32, #tpu.memory_space<vmem>>, vector<1x1x16xf32>,
        %get3A_1608 = vector.shape_cast %get3A_1607 : vector<1x1x16xf32> to vector<16xf32>
        %add3A_1609 = arith.addf %add3A_1573, %get3A_1608 : vector<16xf32>
        scf.yield %add3A_1582, %add3A_1591, %add3A_1600, %add3A_1609 : vector<16xf32>, vector<16xf32>, vector<16xf32>, vector<16xf32>
      }
      %scan3A_1045 = arith.constant 52 : i32
      %swap3A_1046 = arith.index_cast %add3A_881 : i32 to index
      %swap3A_1047 = arith.constant 0 : index
      %swap3A_1048 = tpu.vector_load %arg7[%swap3A_1046, %swap3A_1047] {strides = array<i32>} : memref<128x64xf32, #tpu.memory_space<vmem>>, vector<1x16xf32>,
      %swap3A_1049 = vector.shape_cast %swap3A_1048 : vector<1x16xf32> to vector<16xf32>
      %swap3A_1050 = vector.shape_cast %scan3A_1044#0 : vector<16xf32> to vector<1x16xf32>
      tpu.vector_store %arg7[%swap3A_1046, %swap3A_1047], %swap3A_1050 {strides = array<i32>} : memref<128x64xf32, #tpu.memory_space<vmem>>, vector<1x16xf32>,
      %swap3A_1051 = arith.index_cast %add3A_881 : i32 to index
      %swap3A_1052 = arith.constant 16 : index
      %swap3A_1053 = tpu.vector_load %arg7[%swap3A_1051, %swap3A_1052] {strides = array<i32>} : memref<128x64xf32, #tpu.memory_space<vmem>>, vector<1x16xf32>,
      %swap3A_1054 = vector.shape_cast %swap3A_1053 : vector<1x16xf32> to vector<16xf32>
      %swap3A_1055 = vector.shape_cast %scan3A_1044#1 : vector<16xf32> to vector<1x16xf32>
      tpu.vector_store %arg7[%swap3A_1051, %swap3A_1052], %swap3A_1055 {strides = array<i32>} : memref<128x64xf32, #tpu.memory_space<vmem>>, vector<1x16xf32>,
      %swap3A_1056 = arith.index_cast %add3A_881 : i32 to index
      %swap3A_1057 = arith.constant 32 : index
      %swap3A_1058 = tpu.vector_load %arg7[%swap3A_1056, %swap3A_1057] {strides = array<i32>} : memref<128x64xf32, #tpu.memory_space<vmem>>, vector<1x16xf32>,
      %swap3A_1059 = vector.shape_cast %swap3A_1058 : vector<1x16xf32> to vector<16xf32>
      %swap3A_1060 = vector.shape_cast %scan3A_1044#2 : vector<16xf32> to vector<1x16xf32>
      tpu.vector_store %arg7[%swap3A_1056, %swap3A_1057], %swap3A_1060 {strides = array<i32>} : memref<128x64xf32, #tpu.memory_space<vmem>>, vector<1x16xf32>,
      %swap3A_1061 = arith.index_cast %add3A_881 : i32 to index
      %swap3A_1062 = arith.constant 48 : index
      %swap3A_1063 = tpu.vector_load %arg7[%swap3A_1061, %swap3A_1062] {strides = array<i32>} : memref<128x64xf32, #tpu.memory_space<vmem>>, vector<1x16xf32>,
      %swap3A_1064 = vector.shape_cast %swap3A_1063 : vector<1x16xf32> to vector<16xf32>
      %swap3A_1065 = vector.shape_cast %scan3A_1044#3 : vector<16xf32> to vector<1x16xf32>
      tpu.vector_store %arg7[%swap3A_1061, %swap3A_1062], %swap3A_1065 {strides = array<i32>} : memref<128x64xf32, #tpu.memory_space<vmem>>, vector<1x16xf32>,
      %add3A_1066 = arith.constant 4 : i32
      %add3A_1067 = arith.addi %add3A_881, %add3A_1066 : i32
      %lt3A_1068 = arith.constant 128 : i32
      %lt3A_1069 = arith.cmpi slt, %add3A_1067, %lt3A_1068 : i32
      %convert_element_type3A_1070 = arith.extui %lt3A_1069 : i1 to i32
      %cond3A_1071 = arith.constant 0 : i32
      %cond3A_1072 = arith.cmpi ne, %convert_element_type3A_1070, %cond3A_1071 : i32
      scf.if %cond3A_1072 {
        %add3A_1459 = arith.constant 4 : i32
        %add3A_1460 = arith.addi %add3A_881, %add3A_1459 : i32
        %get3A_1461 = arith.index_cast %add3A_1460 : i32 to index
        %get3A_1462 = arith.constant 0 : index
        %get3A_1463 = tpu.vector_load %arg5[%get3A_1461, %get3A_1462] {strides = array<i32>} : memref<128x256xi32, #tpu.memory_space<vmem>>, vector<1x16xi32>,
        %get3A_1464 = vector.shape_cast %get3A_1463 : vector<1x16xi32> to vector<16xi32>
        %get3A_1465 = arith.index_cast %add3A_1460 : i32 to index
        %get3A_1466 = arith.constant 16 : index
        %get3A_1467 = tpu.vector_load %arg5[%get3A_1465, %get3A_1466] {strides = array<i32>} : memref<128x256xi32, #tpu.memory_space<vmem>>, vector<1x16xi32>,
        %get3A_1468 = vector.shape_cast %get3A_1467 : vector<1x16xi32> to vector<16xi32>
        %get3A_1469 = arith.index_cast %add3A_1460 : i32 to index
        %get3A_1470 = arith.constant 32 : index
        %get3A_1471 = tpu.vector_load %arg5[%get3A_1469, %get3A_1470] {strides = array<i32>} : memref<128x256xi32, #tpu.memory_space<vmem>>, vector<1x16xi32>,
        %get3A_1472 = vector.shape_cast %get3A_1471 : vector<1x16xi32> to vector<16xi32>
        %get3A_1473 = arith.index_cast %add3A_1460 : i32 to index
        %get3A_1474 = arith.constant 48 : index
        %get3A_1475 = tpu.vector_load %arg5[%get3A_1473, %get3A_1474] {strides = array<i32>} : memref<128x256xi32, #tpu.memory_space<vmem>>, vector<1x16xi32>,
        %get3A_1476 = vector.shape_cast %get3A_1475 : vector<1x16xi32> to vector<16xi32>
        %get3A_1477 = arith.index_cast %add3A_1460 : i32 to index
        %get3A_1478 = arith.constant 64 : index
        %get3A_1479 = tpu.vector_load %arg5[%get3A_1477, %get3A_1478] {strides = array<i32>} : memref<128x256xi32, #tpu.memory_space<vmem>>, vector<1x16xi32>,
        %get3A_1480 = vector.shape_cast %get3A_1479 : vector<1x16xi32> to vector<16xi32>
        %get3A_1481 = arith.index_cast %add3A_1460 : i32 to index
        %get3A_1482 = arith.constant 80 : index
        %get3A_1483 = tpu.vector_load %arg5[%get3A_1481, %get3A_1482] {strides = array<i32>} : memref<128x256xi32, #tpu.memory_space<vmem>>, vector<1x16xi32>,
        %get3A_1484 = vector.shape_cast %get3A_1483 : vector<1x16xi32> to vector<16xi32>
        %get3A_1485 = arith.index_cast %add3A_1460 : i32 to index
        %get3A_1486 = arith.constant 96 : index
        %get3A_1487 = tpu.vector_load %arg5[%get3A_1485, %get3A_1486] {strides = array<i32>} : memref<128x256xi32, #tpu.memory_space<vmem>>, vector<1x16xi32>,
        %get3A_1488 = vector.shape_cast %get3A_1487 : vector<1x16xi32> to vector<16xi32>
        %get3A_1489 = arith.index_cast %add3A_1460 : i32 to index
        %get3A_1490 = arith.constant 112 : index
        %get3A_1491 = tpu.vector_load %arg5[%get3A_1489, %get3A_1490] {strides = array<i32>} : memref<128x256xi32, #tpu.memory_space<vmem>>, vector<1x16xi32>,
        %get3A_1492 = vector.shape_cast %get3A_1491 : vector<1x16xi32> to vector<16xi32>
        %get3A_1493 = arith.index_cast %add3A_1460 : i32 to index
        %get3A_1494 = arith.constant 128 : index
        %get3A_1495 = tpu.vector_load %arg5[%get3A_1493, %get3A_1494] {strides = array<i32>} : memref<128x256xi32, #tpu.memory_space<vmem>>, vector<1x16xi32>,
        %get3A_1496 = vector.shape_cast %get3A_1495 : vector<1x16xi32> to vector<16xi32>
        %get3A_1497 = arith.index_cast %add3A_1460 : i32 to index
        %get3A_1498 = arith.constant 144 : index
        %get3A_1499 = tpu.vector_load %arg5[%get3A_1497, %get3A_1498] {strides = array<i32>} : memref<128x256xi32, #tpu.memory_space<vmem>>, vector<1x16xi32>,
        %get3A_1500 = vector.shape_cast %get3A_1499 : vector<1x16xi32> to vector<16xi32>
        %get3A_1501 = arith.index_cast %add3A_1460 : i32 to index
        %get3A_1502 = arith.constant 160 : index
        %get3A_1503 = tpu.vector_load %arg5[%get3A_1501, %get3A_1502] {strides = array<i32>} : memref<128x256xi32, #tpu.memory_space<vmem>>, vector<1x16xi32>,
        %get3A_1504 = vector.shape_cast %get3A_1503 : vector<1x16xi32> to vector<16xi32>
        %get3A_1505 = arith.index_cast %add3A_1460 : i32 to index
        %get3A_1506 = arith.constant 176 : index
        %get3A_1507 = tpu.vector_load %arg5[%get3A_1505, %get3A_1506] {strides = array<i32>} : memref<128x256xi32, #tpu.memory_space<vmem>>, vector<1x16xi32>,
        %get3A_1508 = vector.shape_cast %get3A_1507 : vector<1x16xi32> to vector<16xi32>
        %get3A_1509 = arith.index_cast %add3A_1460 : i32 to index
        %get3A_1510 = arith.constant 192 : index
        %get3A_1511 = tpu.vector_load %arg5[%get3A_1509, %get3A_1510] {strides = array<i32>} : memref<128x256xi32, #tpu.memory_space<vmem>>, vector<1x16xi32>,
        %get3A_1512 = vector.shape_cast %get3A_1511 : vector<1x16xi32> to vector<16xi32>
        %dma_start3A_1513 = arith.constant 1 : i32
        %dma_start3A_1514 = arith.constant 0 : i32
        %dma_start3A_1515 = arith.constant 0 : i32
        %dma_start3A_1516 = tpu.memref_slice %arg6[%dma_start3A_1513, %dma_start3A_1514, %dma_start3A_1515] : memref<4x208x64xf32, #tpu.memory_space<vmem>> -> memref<1x16x64xf32, #tpu.memory_space<vmem>>
        %dma_start3A_1517 = tpu.memref_squeeze %dma_start3A_1516 : memref<1x16x64xf32, #tpu.memory_space<vmem>> -> memref<16x64xf32, #tpu.memory_space<vmem>>
        %dma_start3A_1518 = arith.constant 0 : i32
        %dma_start3A_1519 = arith.constant 0 : i32
        %dma_start3A_1520 = tpu.memref_slice %arg3[%dma_start3A_1518, %dma_start3A_1519] : memref<1000001x64xf32, #tpu.memory_space<hbm>> -> memref<1000001x64xf32, #tpu.memory_space<hbm>>
        tpu.enqueue_indirect_dma source(%dma_start3A_1520 : memref<1000001x64xf32, #tpu.memory_space<hbm>>) target(%dma_start3A_1517 : memref<16x64xf32, #tpu.memory_space<vmem>>) offsets(%get3A_1464 : vector<16xi32>) semaphore(%arg10 : memref<!tpu.dma_semaphore, #tpu.memory_space<semaphore_mem>>)
        %dma_start3A_1521 = arith.constant 1 : i32
        %dma_start3A_1522 = arith.constant 16 : i32
        %dma_start3A_1523 = arith.constant 0 : i32
        %dma_start3A_1524 = tpu.memref_slice %arg6[%dma_start3A_1521, %dma_start3A_1522, %dma_start3A_1523] : memref<4x208x64xf32, #tpu.memory_space<vmem>> -> memref<1x16x64xf32, #tpu.memory_space<vmem>>
        %dma_start3A_1525 = tpu.memref_squeeze %dma_start3A_1524 : memref<1x16x64xf32, #tpu.memory_space<vmem>> -> memref<16x64xf32, #tpu.memory_space<vmem>>
        %dma_start3A_1526 = arith.constant 0 : i32
        %dma_start3A_1527 = arith.constant 0 : i32
        %dma_start3A_1528 = tpu.memref_slice %arg3[%dma_start3A_1526, %dma_start3A_1527] : memref<1000001x64xf32, #tpu.memory_space<hbm>> -> memref<1000001x64xf32, #tpu.memory_space<hbm>>
        tpu.enqueue_indirect_dma source(%dma_start3A_1528 : memref<1000001x64xf32, #tpu.memory_space<hbm>>) target(%dma_start3A_1525 : memref<16x64xf32, #tpu.memory_space<vmem>>) offsets(%get3A_1468 : vector<16xi32>) semaphore(%arg10 : memref<!tpu.dma_semaphore, #tpu.memory_space<semaphore_mem>>)
        %dma_start3A_1529 = arith.constant 1 : i32
        %dma_start3A_1530 = arith.constant 32 : i32
        %dma_start3A_1531 = arith.constant 0 : i32
        %dma_start3A_1532 = tpu.memref_slice %arg6[%dma_start3A_1529, %dma_start3A_1530, %dma_start3A_1531] : memref<4x208x64xf32, #tpu.memory_space<vmem>> -> memref<1x16x64xf32, #tpu.memory_space<vmem>>
        %dma_start3A_1533 = tpu.memref_squeeze %dma_start3A_1532 : memref<1x16x64xf32, #tpu.memory_space<vmem>> -> memref<16x64xf32, #tpu.memory_space<vmem>>
        %dma_start3A_1534 = arith.constant 0 : i32
        %dma_start3A_1535 = arith.constant 0 : i32
        %dma_start3A_1536 = tpu.memref_slice %arg3[%dma_start3A_1534, %dma_start3A_1535] : memref<1000001x64xf32, #tpu.memory_space<hbm>> -> memref<1000001x64xf32, #tpu.memory_space<hbm>>
        tpu.enqueue_indirect_dma source(%dma_start3A_1536 : memref<1000001x64xf32, #tpu.memory_space<hbm>>) target(%dma_start3A_1533 : memref<16x64xf32, #tpu.memory_space<vmem>>) offsets(%get3A_1472 : vector<16xi32>) semaphore(%arg10 : memref<!tpu.dma_semaphore, #tpu.memory_space<semaphore_mem>>)
        %dma_start3A_1537 = arith.constant 1 : i32
        %dma_start3A_1538 = arith.constant 48 : i32
        %dma_start3A_1539 = arith.constant 0 : i32
        %dma_start3A_1540 = tpu.memref_slice %arg6[%dma_start3A_1537, %dma_start3A_1538, %dma_start3A_1539] : memref<4x208x64xf32, #tpu.memory_space<vmem>> -> memref<1x16x64xf32, #tpu.memory_space<vmem>>
        %dma_start3A_1541 = tpu.memref_squeeze %dma_start3A_1540 : memref<1x16x64xf32, #tpu.memory_space<vmem>> -> memref<16x64xf32, #tpu.memory_space<vmem>>
        %dma_start3A_1542 = arith.constant 0 : i32
        %dma_start3A_1543 = arith.constant 0 : i32
        %dma_start3A_1544 = tpu.memref_slice %arg3[%dma_start3A_1542, %dma_start3A_1543] : memref<1000001x64xf32, #tpu.memory_space<hbm>> -> memref<1000001x64xf32, #tpu.memory_space<hbm>>
        tpu.enqueue_indirect_dma source(%dma_start3A_1544 : memref<1000001x64xf32, #tpu.memory_space<hbm>>) target(%dma_start3A_1541 : memref<16x64xf32, #tpu.memory_space<vmem>>) offsets(%get3A_1476 : vector<16xi32>) semaphore(%arg10 : memref<!tpu.dma_semaphore, #tpu.memory_space<semaphore_mem>>)
        %dma_start3A_1545 = arith.constant 1 : i32
        %dma_start3A_1546 = arith.constant 64 : i32
        %dma_start3A_1547 = arith.constant 0 : i32
        %dma_start3A_1548 = tpu.memref_slice %arg6[%dma_start3A_1545, %dma_start3A_1546, %dma_start3A_1547] : memref<4x208x64xf32, #tpu.memory_space<vmem>> -> memref<1x16x64xf32, #tpu.memory_space<vmem>>
        %dma_start3A_1549 = tpu.memref_squeeze %dma_start3A_1548 : memref<1x16x64xf32, #tpu.memory_space<vmem>> -> memref<16x64xf32, #tpu.memory_space<vmem>>
        %dma_start3A_1550 = arith.constant 0 : i32
        %dma_start3A_1551 = arith.constant 0 : i32
        %dma_start3A_1552 = tpu.memref_slice %arg3[%dma_start3A_1550, %dma_start3A_1551] : memref<1000001x64xf32, #tpu.memory_space<hbm>> -> memref<1000001x64xf32, #tpu.memory_space<hbm>>
        tpu.enqueue_indirect_dma source(%dma_start3A_1552 : memref<1000001x64xf32, #tpu.memory_space<hbm>>) target(%dma_start3A_1549 : memref<16x64xf32, #tpu.memory_space<vmem>>) offsets(%get3A_1480 : vector<16xi32>) semaphore(%arg10 : memref<!tpu.dma_semaphore, #tpu.memory_space<semaphore_mem>>)
        %dma_start3A_1553 = arith.constant 1 : i32
        %dma_start3A_1554 = arith.constant 80 : i32
        %dma_start3A_1555 = arith.constant 0 : i32
        %dma_start3A_1556 = tpu.memref_slice %arg6[%dma_start3A_1553, %dma_start3A_1554, %dma_start3A_1555] : memref<4x208x64xf32, #tpu.memory_space<vmem>> -> memref<1x16x64xf32, #tpu.memory_space<vmem>>
        %dma_start3A_1557 = tpu.memref_squeeze %dma_start3A_1556 : memref<1x16x64xf32, #tpu.memory_space<vmem>> -> memref<16x64xf32, #tpu.memory_space<vmem>>
        %dma_start3A_1558 = arith.constant 0 : i32
        %dma_start3A_1559 = arith.constant 0 : i32
        %dma_start3A_1560 = tpu.memref_slice %arg3[%dma_start3A_1558, %dma_start3A_1559] : memref<1000001x64xf32, #tpu.memory_space<hbm>> -> memref<1000001x64xf32, #tpu.memory_space<hbm>>
        tpu.enqueue_indirect_dma source(%dma_start3A_1560 : memref<1000001x64xf32, #tpu.memory_space<hbm>>) target(%dma_start3A_1557 : memref<16x64xf32, #tpu.memory_space<vmem>>) offsets(%get3A_1484 : vector<16xi32>) semaphore(%arg10 : memref<!tpu.dma_semaphore, #tpu.memory_space<semaphore_mem>>)
        %dma_start3A_1561 = arith.constant 1 : i32
        %dma_start3A_1562 = arith.constant 96 : i32
        %dma_start3A_1563 = arith.constant 0 : i32
        %dma_start3A_1564 = tpu.memref_slice %arg6[%dma_start3A_1561, %dma_start3A_1562, %dma_start3A_1563] : memref<4x208x64xf32, #tpu.memory_space<vmem>> -> memref<1x16x64xf32, #tpu.memory_space<vmem>>
        %dma_start3A_1565 = tpu.memref_squeeze %dma_start3A_1564 : memref<1x16x64xf32, #tpu.memory_space<vmem>> -> memref<16x64xf32, #tpu.memory_space<vmem>>
        %dma_start3A_1566 = arith.constant 0 : i32
        %dma_start3A_1567 = arith.constant 0 : i32
        %dma_start3A_1568 = tpu.memref_slice %arg3[%dma_start3A_1566, %dma_start3A_1567] : memref<1000001x64xf32, #tpu.memory_space<hbm>> -> memref<1000001x64xf32, #tpu.memory_space<hbm>>
        tpu.enqueue_indirect_dma source(%dma_start3A_1568 : memref<1000001x64xf32, #tpu.memory_space<hbm>>) target(%dma_start3A_1565 : memref<16x64xf32, #tpu.memory_space<vmem>>) offsets(%get3A_1488 : vector<16xi32>) semaphore(%arg10 : memref<!tpu.dma_semaphore, #tpu.memory_space<semaphore_mem>>)
        %dma_start3A_1569 = arith.constant 1 : i32
        %dma_start3A_1570 = arith.constant 112 : i32
        %dma_start3A_1571 = arith.constant 0 : i32
        %dma_start3A_1572 = tpu.memref_slice %arg6[%dma_start3A_1569, %dma_start3A_1570, %dma_start3A_1571] : memref<4x208x64xf32, #tpu.memory_space<vmem>> -> memref<1x16x64xf32, #tpu.memory_space<vmem>>
        %dma_start3A_1573 = tpu.memref_squeeze %dma_start3A_1572 : memref<1x16x64xf32, #tpu.memory_space<vmem>> -> memref<16x64xf32, #tpu.memory_space<vmem>>
        %dma_start3A_1574 = arith.constant 0 : i32
        %dma_start3A_1575 = arith.constant 0 : i32
        %dma_start3A_1576 = tpu.memref_slice %arg3[%dma_start3A_1574, %dma_start3A_1575] : memref<1000001x64xf32, #tpu.memory_space<hbm>> -> memref<1000001x64xf32, #tpu.memory_space<hbm>>
        tpu.enqueue_indirect_dma source(%dma_start3A_1576 : memref<1000001x64xf32, #tpu.memory_space<hbm>>) target(%dma_start3A_1573 : memref<16x64xf32, #tpu.memory_space<vmem>>) offsets(%get3A_1492 : vector<16xi32>) semaphore(%arg10 : memref<!tpu.dma_semaphore, #tpu.memory_space<semaphore_mem>>)
        %dma_start3A_1577 = arith.constant 1 : i32
        %dma_start3A_1578 = arith.constant 128 : i32
        %dma_start3A_1579 = arith.constant 0 : i32
        %dma_start3A_1580 = tpu.memref_slice %arg6[%dma_start3A_1577, %dma_start3A_1578, %dma_start3A_1579] : memref<4x208x64xf32, #tpu.memory_space<vmem>> -> memref<1x16x64xf32, #tpu.memory_space<vmem>>
        %dma_start3A_1581 = tpu.memref_squeeze %dma_start3A_1580 : memref<1x16x64xf32, #tpu.memory_space<vmem>> -> memref<16x64xf32, #tpu.memory_space<vmem>>
        %dma_start3A_1582 = arith.constant 0 : i32
        %dma_start3A_1583 = arith.constant 0 : i32
        %dma_start3A_1584 = tpu.memref_slice %arg3[%dma_start3A_1582, %dma_start3A_1583] : memref<1000001x64xf32, #tpu.memory_space<hbm>> -> memref<1000001x64xf32, #tpu.memory_space<hbm>>
        tpu.enqueue_indirect_dma source(%dma_start3A_1584 : memref<1000001x64xf32, #tpu.memory_space<hbm>>) target(%dma_start3A_1581 : memref<16x64xf32, #tpu.memory_space<vmem>>) offsets(%get3A_1496 : vector<16xi32>) semaphore(%arg10 : memref<!tpu.dma_semaphore, #tpu.memory_space<semaphore_mem>>)
        %dma_start3A_1585 = arith.constant 1 : i32
        %dma_start3A_1586 = arith.constant 144 : i32
        %dma_start3A_1587 = arith.constant 0 : i32
        %dma_start3A_1588 = tpu.memref_slice %arg6[%dma_start3A_1585, %dma_start3A_1586, %dma_start3A_1587] : memref<4x208x64xf32, #tpu.memory_space<vmem>> -> memref<1x16x64xf32, #tpu.memory_space<vmem>>
        %dma_start3A_1589 = tpu.memref_squeeze %dma_start3A_1588 : memref<1x16x64xf32, #tpu.memory_space<vmem>> -> memref<16x64xf32, #tpu.memory_space<vmem>>
        %dma_start3A_1590 = arith.constant 0 : i32
        %dma_start3A_1591 = arith.constant 0 : i32
        %dma_start3A_1592 = tpu.memref_slice %arg3[%dma_start3A_1590, %dma_start3A_1591] : memref<1000001x64xf32, #tpu.memory_space<hbm>> -> memref<1000001x64xf32, #tpu.memory_space<hbm>>
        tpu.enqueue_indirect_dma source(%dma_start3A_1592 : memref<1000001x64xf32, #tpu.memory_space<hbm>>) target(%dma_start3A_1589 : memref<16x64xf32, #tpu.memory_space<vmem>>) offsets(%get3A_1500 : vector<16xi32>) semaphore(%arg10 : memref<!tpu.dma_semaphore, #tpu.memory_space<semaphore_mem>>)
        %dma_start3A_1593 = arith.constant 1 : i32
        %dma_start3A_1594 = arith.constant 160 : i32
        %dma_start3A_1595 = arith.constant 0 : i32
        %dma_start3A_1596 = tpu.memref_slice %arg6[%dma_start3A_1593, %dma_start3A_1594, %dma_start3A_1595] : memref<4x208x64xf32, #tpu.memory_space<vmem>> -> memref<1x16x64xf32, #tpu.memory_space<vmem>>
        %dma_start3A_1597 = tpu.memref_squeeze %dma_start3A_1596 : memref<1x16x64xf32, #tpu.memory_space<vmem>> -> memref<16x64xf32, #tpu.memory_space<vmem>>
        %dma_start3A_1598 = arith.constant 0 : i32
        %dma_start3A_1599 = arith.constant 0 : i32
        %dma_start3A_1600 = tpu.memref_slice %arg3[%dma_start3A_1598, %dma_start3A_1599] : memref<1000001x64xf32, #tpu.memory_space<hbm>> -> memref<1000001x64xf32, #tpu.memory_space<hbm>>
        tpu.enqueue_indirect_dma source(%dma_start3A_1600 : memref<1000001x64xf32, #tpu.memory_space<hbm>>) target(%dma_start3A_1597 : memref<16x64xf32, #tpu.memory_space<vmem>>) offsets(%get3A_1504 : vector<16xi32>) semaphore(%arg10 : memref<!tpu.dma_semaphore, #tpu.memory_space<semaphore_mem>>)
        %dma_start3A_1601 = arith.constant 1 : i32
        %dma_start3A_1602 = arith.constant 176 : i32
        %dma_start3A_1603 = arith.constant 0 : i32
        %dma_start3A_1604 = tpu.memref_slice %arg6[%dma_start3A_1601, %dma_start3A_1602, %dma_start3A_1603] : memref<4x208x64xf32, #tpu.memory_space<vmem>> -> memref<1x16x64xf32, #tpu.memory_space<vmem>>
        %dma_start3A_1605 = tpu.memref_squeeze %dma_start3A_1604 : memref<1x16x64xf32, #tpu.memory_space<vmem>> -> memref<16x64xf32, #tpu.memory_space<vmem>>
        %dma_start3A_1606 = arith.constant 0 : i32
        %dma_start3A_1607 = arith.constant 0 : i32
        %dma_start3A_1608 = tpu.memref_slice %arg3[%dma_start3A_1606, %dma_start3A_1607] : memref<1000001x64xf32, #tpu.memory_space<hbm>> -> memref<1000001x64xf32, #tpu.memory_space<hbm>>
        tpu.enqueue_indirect_dma source(%dma_start3A_1608 : memref<1000001x64xf32, #tpu.memory_space<hbm>>) target(%dma_start3A_1605 : memref<16x64xf32, #tpu.memory_space<vmem>>) offsets(%get3A_1508 : vector<16xi32>) semaphore(%arg10 : memref<!tpu.dma_semaphore, #tpu.memory_space<semaphore_mem>>)
        %dma_start3A_1609 = arith.constant 1 : i32
        %dma_start3A_1610 = arith.constant 192 : i32
        %dma_start3A_1611 = arith.constant 0 : i32
        %dma_start3A_1612 = tpu.memref_slice %arg6[%dma_start3A_1609, %dma_start3A_1610, %dma_start3A_1611] : memref<4x208x64xf32, #tpu.memory_space<vmem>> -> memref<1x16x64xf32, #tpu.memory_space<vmem>>
        %dma_start3A_1613 = tpu.memref_squeeze %dma_start3A_1612 : memref<1x16x64xf32, #tpu.memory_space<vmem>> -> memref<16x64xf32, #tpu.memory_space<vmem>>
        %dma_start3A_1614 = arith.constant 0 : i32
        %dma_start3A_1615 = arith.constant 0 : i32
        %dma_start3A_1616 = tpu.memref_slice %arg3[%dma_start3A_1614, %dma_start3A_1615] : memref<1000001x64xf32, #tpu.memory_space<hbm>> -> memref<1000001x64xf32, #tpu.memory_space<hbm>>
        tpu.enqueue_indirect_dma source(%dma_start3A_1616 : memref<1000001x64xf32, #tpu.memory_space<hbm>>) target(%dma_start3A_1613 : memref<16x64xf32, #tpu.memory_space<vmem>>) offsets(%get3A_1512 : vector<16xi32>) semaphore(%arg10 : memref<!tpu.dma_semaphore, #tpu.memory_space<semaphore_mem>>)
      } else {
      }
      %add3A_1073 = arith.constant 2 : i32
      %add3A_1074 = arith.addi %mul3A_691, %add3A_1073 : i32
      %get3A_1075 = arith.index_cast %add3A_1074 : i32 to index
      %get3A_1076 = arith.constant 0 : index
      %get3A_1077 = tpu.vector_load %arg5[%get3A_1075, %get3A_1076] {strides = array<i32>} : memref<128x256xi32, #tpu.memory_space<vmem>>, vector<1x16xi32>,
      %get3A_1078 = vector.shape_cast %get3A_1077 : vector<1x16xi32> to vector<16xi32>
      %get3A_1079 = arith.index_cast %add3A_1074 : i32 to index
      %get3A_1080 = arith.constant 16 : index
      %get3A_1081 = tpu.vector_load %arg5[%get3A_1079, %get3A_1080] {strides = array<i32>} : memref<128x256xi32, #tpu.memory_space<vmem>>, vector<1x16xi32>,
      %get3A_1082 = vector.shape_cast %get3A_1081 : vector<1x16xi32> to vector<16xi32>
      %get3A_1083 = arith.index_cast %add3A_1074 : i32 to index
      %get3A_1084 = arith.constant 32 : index
      %get3A_1085 = tpu.vector_load %arg5[%get3A_1083, %get3A_1084] {strides = array<i32>} : memref<128x256xi32, #tpu.memory_space<vmem>>, vector<1x16xi32>,
      %get3A_1086 = vector.shape_cast %get3A_1085 : vector<1x16xi32> to vector<16xi32>
      %get3A_1087 = arith.index_cast %add3A_1074 : i32 to index
      %get3A_1088 = arith.constant 48 : index
      %get3A_1089 = tpu.vector_load %arg5[%get3A_1087, %get3A_1088] {strides = array<i32>} : memref<128x256xi32, #tpu.memory_space<vmem>>, vector<1x16xi32>,
      %get3A_1090 = vector.shape_cast %get3A_1089 : vector<1x16xi32> to vector<16xi32>
      %get3A_1091 = arith.index_cast %add3A_1074 : i32 to index
      %get3A_1092 = arith.constant 64 : index
      %get3A_1093 = tpu.vector_load %arg5[%get3A_1091, %get3A_1092] {strides = array<i32>} : memref<128x256xi32, #tpu.memory_space<vmem>>, vector<1x16xi32>,
      %get3A_1094 = vector.shape_cast %get3A_1093 : vector<1x16xi32> to vector<16xi32>
      %get3A_1095 = arith.index_cast %add3A_1074 : i32 to index
      %get3A_1096 = arith.constant 80 : index
      %get3A_1097 = tpu.vector_load %arg5[%get3A_1095, %get3A_1096] {strides = array<i32>} : memref<128x256xi32, #tpu.memory_space<vmem>>, vector<1x16xi32>,
      %get3A_1098 = vector.shape_cast %get3A_1097 : vector<1x16xi32> to vector<16xi32>
      %get3A_1099 = arith.index_cast %add3A_1074 : i32 to index
      %get3A_1100 = arith.constant 96 : index
      %get3A_1101 = tpu.vector_load %arg5[%get3A_1099, %get3A_1100] {strides = array<i32>} : memref<128x256xi32, #tpu.memory_space<vmem>>, vector<1x16xi32>,
      %get3A_1102 = vector.shape_cast %get3A_1101 : vector<1x16xi32> to vector<16xi32>
      %get3A_1103 = arith.index_cast %add3A_1074 : i32 to index
      %get3A_1104 = arith.constant 112 : index
      %get3A_1105 = tpu.vector_load %arg5[%get3A_1103, %get3A_1104] {strides = array<i32>} : memref<128x256xi32, #tpu.memory_space<vmem>>, vector<1x16xi32>,
      %get3A_1106 = vector.shape_cast %get3A_1105 : vector<1x16xi32> to vector<16xi32>
      %get3A_1107 = arith.index_cast %add3A_1074 : i32 to index
      %get3A_1108 = arith.constant 128 : index
      %get3A_1109 = tpu.vector_load %arg5[%get3A_1107, %get3A_1108] {strides = array<i32>} : memref<128x256xi32, #tpu.memory_space<vmem>>, vector<1x16xi32>,
      %get3A_1110 = vector.shape_cast %get3A_1109 : vector<1x16xi32> to vector<16xi32>
      %get3A_1111 = arith.index_cast %add3A_1074 : i32 to index
      %get3A_1112 = arith.constant 144 : index
      %get3A_1113 = tpu.vector_load %arg5[%get3A_1111, %get3A_1112] {strides = array<i32>} : memref<128x256xi32, #tpu.memory_space<vmem>>, vector<1x16xi32>,
      %get3A_1114 = vector.shape_cast %get3A_1113 : vector<1x16xi32> to vector<16xi32>
      %get3A_1115 = arith.index_cast %add3A_1074 : i32 to index
      %get3A_1116 = arith.constant 160 : index
      %get3A_1117 = tpu.vector_load %arg5[%get3A_1115, %get3A_1116] {strides = array<i32>} : memref<128x256xi32, #tpu.memory_space<vmem>>, vector<1x16xi32>,
      %get3A_1118 = vector.shape_cast %get3A_1117 : vector<1x16xi32> to vector<16xi32>
      %get3A_1119 = arith.index_cast %add3A_1074 : i32 to index
      %get3A_1120 = arith.constant 176 : index
      %get3A_1121 = tpu.vector_load %arg5[%get3A_1119, %get3A_1120] {strides = array<i32>} : memref<128x256xi32, #tpu.memory_space<vmem>>, vector<1x16xi32>,
      %get3A_1122 = vector.shape_cast %get3A_1121 : vector<1x16xi32> to vector<16xi32>
      %get3A_1123 = arith.index_cast %add3A_1074 : i32 to index
      %get3A_1124 = arith.constant 192 : index
      %get3A_1125 = tpu.vector_load %arg5[%get3A_1123, %get3A_1124] {strides = array<i32>} : memref<128x256xi32, #tpu.memory_space<vmem>>, vector<1x16xi32>,
      %get3A_1126 = vector.shape_cast %get3A_1125 : vector<1x16xi32> to vector<16xi32>
      %dma_wait3A_1127 = arith.constant 2 : i32
      %dma_wait3A_1128 = arith.constant 0 : i32
      %dma_wait3A_1129 = arith.constant 0 : i32
      %dma_wait3A_1130 = tpu.memref_slice %arg6[%dma_wait3A_1127, %dma_wait3A_1128, %dma_wait3A_1129] : memref<4x208x64xf32, #tpu.memory_space<vmem>> -> memref<1x16x64xf32, #tpu.memory_space<vmem>>
      %dma_wait3A_1131 = tpu.memref_squeeze %dma_wait3A_1130 : memref<1x16x64xf32, #tpu.memory_space<vmem>> -> memref<16x64xf32, #tpu.memory_space<vmem>>
      %dma_wait3A_1132 = arith.constant 0 : i32
      %dma_wait3A_1133 = arith.constant 0 : i32
      %dma_wait3A_1134 = tpu.memref_slice %arg3[%dma_wait3A_1132, %dma_wait3A_1133] : memref<1000001x64xf32, #tpu.memory_space<hbm>> -> memref<1000001x64xf32, #tpu.memory_space<hbm>>
      tpu.wait_indirect_dma semaphore(%arg11 : memref<!tpu.dma_semaphore, #tpu.memory_space<semaphore_mem>>) src(%dma_wait3A_1134 : memref<1000001x64xf32, #tpu.memory_space<hbm>>) dst(%dma_wait3A_1131 : memref<16x64xf32, #tpu.memory_space<vmem>>)
      %dma_wait3A_1135 = arith.constant 2 : i32
      %dma_wait3A_1136 = arith.constant 16 : i32
      %dma_wait3A_1137 = arith.constant 0 : i32
      %dma_wait3A_1138 = tpu.memref_slice %arg6[%dma_wait3A_1135, %dma_wait3A_1136, %dma_wait3A_1137] : memref<4x208x64xf32, #tpu.memory_space<vmem>> -> memref<1x16x64xf32, #tpu.memory_space<vmem>>
      %dma_wait3A_1139 = tpu.memref_squeeze %dma_wait3A_1138 : memref<1x16x64xf32, #tpu.memory_space<vmem>> -> memref<16x64xf32, #tpu.memory_space<vmem>>
      %dma_wait3A_1140 = arith.constant 0 : i32
      %dma_wait3A_1141 = arith.constant 0 : i32
      %dma_wait3A_1142 = tpu.memref_slice %arg3[%dma_wait3A_1140, %dma_wait3A_1141] : memref<1000001x64xf32, #tpu.memory_space<hbm>> -> memref<1000001x64xf32, #tpu.memory_space<hbm>>
      tpu.wait_indirect_dma semaphore(%arg11 : memref<!tpu.dma_semaphore, #tpu.memory_space<semaphore_mem>>) src(%dma_wait3A_1142 : memref<1000001x64xf32, #tpu.memory_space<hbm>>) dst(%dma_wait3A_1139 : memref<16x64xf32, #tpu.memory_space<vmem>>)
      %dma_wait3A_1143 = arith.constant 2 : i32
      %dma_wait3A_1144 = arith.constant 32 : i32
      %dma_wait3A_1145 = arith.constant 0 : i32
      %dma_wait3A_1146 = tpu.memref_slice %arg6[%dma_wait3A_1143, %dma_wait3A_1144, %dma_wait3A_1145] : memref<4x208x64xf32, #tpu.memory_space<vmem>> -> memref<1x16x64xf32, #tpu.memory_space<vmem>>
      %dma_wait3A_1147 = tpu.memref_squeeze %dma_wait3A_1146 : memref<1x16x64xf32, #tpu.memory_space<vmem>> -> memref<16x64xf32, #tpu.memory_space<vmem>>
      %dma_wait3A_1148 = arith.constant 0 : i32
      %dma_wait3A_1149 = arith.constant 0 : i32
      %dma_wait3A_1150 = tpu.memref_slice %arg3[%dma_wait3A_1148, %dma_wait3A_1149] : memref<1000001x64xf32, #tpu.memory_space<hbm>> -> memref<1000001x64xf32, #tpu.memory_space<hbm>>
      tpu.wait_indirect_dma semaphore(%arg11 : memref<!tpu.dma_semaphore, #tpu.memory_space<semaphore_mem>>) src(%dma_wait3A_1150 : memref<1000001x64xf32, #tpu.memory_space<hbm>>) dst(%dma_wait3A_1147 : memref<16x64xf32, #tpu.memory_space<vmem>>)
      %dma_wait3A_1151 = arith.constant 2 : i32
      %dma_wait3A_1152 = arith.constant 48 : i32
      %dma_wait3A_1153 = arith.constant 0 : i32
      %dma_wait3A_1154 = tpu.memref_slice %arg6[%dma_wait3A_1151, %dma_wait3A_1152, %dma_wait3A_1153] : memref<4x208x64xf32, #tpu.memory_space<vmem>> -> memref<1x16x64xf32, #tpu.memory_space<vmem>>
      %dma_wait3A_1155 = tpu.memref_squeeze %dma_wait3A_1154 : memref<1x16x64xf32, #tpu.memory_space<vmem>> -> memref<16x64xf32, #tpu.memory_space<vmem>>
      %dma_wait3A_1156 = arith.constant 0 : i32
      %dma_wait3A_1157 = arith.constant 0 : i32
      %dma_wait3A_1158 = tpu.memref_slice %arg3[%dma_wait3A_1156, %dma_wait3A_1157] : memref<1000001x64xf32, #tpu.memory_space<hbm>> -> memref<1000001x64xf32, #tpu.memory_space<hbm>>
      tpu.wait_indirect_dma semaphore(%arg11 : memref<!tpu.dma_semaphore, #tpu.memory_space<semaphore_mem>>) src(%dma_wait3A_1158 : memref<1000001x64xf32, #tpu.memory_space<hbm>>) dst(%dma_wait3A_1155 : memref<16x64xf32, #tpu.memory_space<vmem>>)
      %dma_wait3A_1159 = arith.constant 2 : i32
      %dma_wait3A_1160 = arith.constant 64 : i32
      %dma_wait3A_1161 = arith.constant 0 : i32
      %dma_wait3A_1162 = tpu.memref_slice %arg6[%dma_wait3A_1159, %dma_wait3A_1160, %dma_wait3A_1161] : memref<4x208x64xf32, #tpu.memory_space<vmem>> -> memref<1x16x64xf32, #tpu.memory_space<vmem>>
      %dma_wait3A_1163 = tpu.memref_squeeze %dma_wait3A_1162 : memref<1x16x64xf32, #tpu.memory_space<vmem>> -> memref<16x64xf32, #tpu.memory_space<vmem>>
      %dma_wait3A_1164 = arith.constant 0 : i32
      %dma_wait3A_1165 = arith.constant 0 : i32
      %dma_wait3A_1166 = tpu.memref_slice %arg3[%dma_wait3A_1164, %dma_wait3A_1165] : memref<1000001x64xf32, #tpu.memory_space<hbm>> -> memref<1000001x64xf32, #tpu.memory_space<hbm>>
      tpu.wait_indirect_dma semaphore(%arg11 : memref<!tpu.dma_semaphore, #tpu.memory_space<semaphore_mem>>) src(%dma_wait3A_1166 : memref<1000001x64xf32, #tpu.memory_space<hbm>>) dst(%dma_wait3A_1163 : memref<16x64xf32, #tpu.memory_space<vmem>>)
      %dma_wait3A_1167 = arith.constant 2 : i32
      %dma_wait3A_1168 = arith.constant 80 : i32
      %dma_wait3A_1169 = arith.constant 0 : i32
      %dma_wait3A_1170 = tpu.memref_slice %arg6[%dma_wait3A_1167, %dma_wait3A_1168, %dma_wait3A_1169] : memref<4x208x64xf32, #tpu.memory_space<vmem>> -> memref<1x16x64xf32, #tpu.memory_space<vmem>>
      %dma_wait3A_1171 = tpu.memref_squeeze %dma_wait3A_1170 : memref<1x16x64xf32, #tpu.memory_space<vmem>> -> memref<16x64xf32, #tpu.memory_space<vmem>>
      %dma_wait3A_1172 = arith.constant 0 : i32
      %dma_wait3A_1173 = arith.constant 0 : i32
      %dma_wait3A_1174 = tpu.memref_slice %arg3[%dma_wait3A_1172, %dma_wait3A_1173] : memref<1000001x64xf32, #tpu.memory_space<hbm>> -> memref<1000001x64xf32, #tpu.memory_space<hbm>>
      tpu.wait_indirect_dma semaphore(%arg11 : memref<!tpu.dma_semaphore, #tpu.memory_space<semaphore_mem>>) src(%dma_wait3A_1174 : memref<1000001x64xf32, #tpu.memory_space<hbm>>) dst(%dma_wait3A_1171 : memref<16x64xf32, #tpu.memory_space<vmem>>)
      %dma_wait3A_1175 = arith.constant 2 : i32
      %dma_wait3A_1176 = arith.constant 96 : i32
      %dma_wait3A_1177 = arith.constant 0 : i32
      %dma_wait3A_1178 = tpu.memref_slice %arg6[%dma_wait3A_1175, %dma_wait3A_1176, %dma_wait3A_1177] : memref<4x208x64xf32, #tpu.memory_space<vmem>> -> memref<1x16x64xf32, #tpu.memory_space<vmem>>
      %dma_wait3A_1179 = tpu.memref_squeeze %dma_wait3A_1178 : memref<1x16x64xf32, #tpu.memory_space<vmem>> -> memref<16x64xf32, #tpu.memory_space<vmem>>
      %dma_wait3A_1180 = arith.constant 0 : i32
      %dma_wait3A_1181 = arith.constant 0 : i32
      %dma_wait3A_1182 = tpu.memref_slice %arg3[%dma_wait3A_1180, %dma_wait3A_1181] : memref<1000001x64xf32, #tpu.memory_space<hbm>> -> memref<1000001x64xf32, #tpu.memory_space<hbm>>
      tpu.wait_indirect_dma semaphore(%arg11 : memref<!tpu.dma_semaphore, #tpu.memory_space<semaphore_mem>>) src(%dma_wait3A_1182 : memref<1000001x64xf32, #tpu.memory_space<hbm>>) dst(%dma_wait3A_1179 : memref<16x64xf32, #tpu.memory_space<vmem>>)
      %dma_wait3A_1183 = arith.constant 2 : i32
      %dma_wait3A_1184 = arith.constant 112 : i32
      %dma_wait3A_1185 = arith.constant 0 : i32
      %dma_wait3A_1186 = tpu.memref_slice %arg6[%dma_wait3A_1183, %dma_wait3A_1184, %dma_wait3A_1185] : memref<4x208x64xf32, #tpu.memory_space<vmem>> -> memref<1x16x64xf32, #tpu.memory_space<vmem>>
      %dma_wait3A_1187 = tpu.memref_squeeze %dma_wait3A_1186 : memref<1x16x64xf32, #tpu.memory_space<vmem>> -> memref<16x64xf32, #tpu.memory_space<vmem>>
      %dma_wait3A_1188 = arith.constant 0 : i32
      %dma_wait3A_1189 = arith.constant 0 : i32
      %dma_wait3A_1190 = tpu.memref_slice %arg3[%dma_wait3A_1188, %dma_wait3A_1189] : memref<1000001x64xf32, #tpu.memory_space<hbm>> -> memref<1000001x64xf32, #tpu.memory_space<hbm>>
      tpu.wait_indirect_dma semaphore(%arg11 : memref<!tpu.dma_semaphore, #tpu.memory_space<semaphore_mem>>) src(%dma_wait3A_1190 : memref<1000001x64xf32, #tpu.memory_space<hbm>>) dst(%dma_wait3A_1187 : memref<16x64xf32, #tpu.memory_space<vmem>>)
      %dma_wait3A_1191 = arith.constant 2 : i32
      %dma_wait3A_1192 = arith.constant 128 : i32
      %dma_wait3A_1193 = arith.constant 0 : i32
      %dma_wait3A_1194 = tpu.memref_slice %arg6[%dma_wait3A_1191, %dma_wait3A_1192, %dma_wait3A_1193] : memref<4x208x64xf32, #tpu.memory_space<vmem>> -> memref<1x16x64xf32, #tpu.memory_space<vmem>>
      %dma_wait3A_1195 = tpu.memref_squeeze %dma_wait3A_1194 : memref<1x16x64xf32, #tpu.memory_space<vmem>> -> memref<16x64xf32, #tpu.memory_space<vmem>>
      %dma_wait3A_1196 = arith.constant 0 : i32
      %dma_wait3A_1197 = arith.constant 0 : i32
      %dma_wait3A_1198 = tpu.memref_slice %arg3[%dma_wait3A_1196, %dma_wait3A_1197] : memref<1000001x64xf32, #tpu.memory_space<hbm>> -> memref<1000001x64xf32, #tpu.memory_space<hbm>>
      tpu.wait_indirect_dma semaphore(%arg11 : memref<!tpu.dma_semaphore, #tpu.memory_space<semaphore_mem>>) src(%dma_wait3A_1198 : memref<1000001x64xf32, #tpu.memory_space<hbm>>) dst(%dma_wait3A_1195 : memref<16x64xf32, #tpu.memory_space<vmem>>)
      %dma_wait3A_1199 = arith.constant 2 : i32
      %dma_wait3A_1200 = arith.constant 144 : i32
      %dma_wait3A_1201 = arith.constant 0 : i32
      %dma_wait3A_1202 = tpu.memref_slice %arg6[%dma_wait3A_1199, %dma_wait3A_1200, %dma_wait3A_1201] : memref<4x208x64xf32, #tpu.memory_space<vmem>> -> memref<1x16x64xf32, #tpu.memory_space<vmem>>
      %dma_wait3A_1203 = tpu.memref_squeeze %dma_wait3A_1202 : memref<1x16x64xf32, #tpu.memory_space<vmem>> -> memref<16x64xf32, #tpu.memory_space<vmem>>
      %dma_wait3A_1204 = arith.constant 0 : i32
      %dma_wait3A_1205 = arith.constant 0 : i32
      %dma_wait3A_1206 = tpu.memref_slice %arg3[%dma_wait3A_1204, %dma_wait3A_1205] : memref<1000001x64xf32, #tpu.memory_space<hbm>> -> memref<1000001x64xf32, #tpu.memory_space<hbm>>
      tpu.wait_indirect_dma semaphore(%arg11 : memref<!tpu.dma_semaphore, #tpu.memory_space<semaphore_mem>>) src(%dma_wait3A_1206 : memref<1000001x64xf32, #tpu.memory_space<hbm>>) dst(%dma_wait3A_1203 : memref<16x64xf32, #tpu.memory_space<vmem>>)
      %dma_wait3A_1207 = arith.constant 2 : i32
      %dma_wait3A_1208 = arith.constant 160 : i32
      %dma_wait3A_1209 = arith.constant 0 : i32
      %dma_wait3A_1210 = tpu.memref_slice %arg6[%dma_wait3A_1207, %dma_wait3A_1208, %dma_wait3A_1209] : memref<4x208x64xf32, #tpu.memory_space<vmem>> -> memref<1x16x64xf32, #tpu.memory_space<vmem>>
      %dma_wait3A_1211 = tpu.memref_squeeze %dma_wait3A_1210 : memref<1x16x64xf32, #tpu.memory_space<vmem>> -> memref<16x64xf32, #tpu.memory_space<vmem>>
      %dma_wait3A_1212 = arith.constant 0 : i32
      %dma_wait3A_1213 = arith.constant 0 : i32
      %dma_wait3A_1214 = tpu.memref_slice %arg3[%dma_wait3A_1212, %dma_wait3A_1213] : memref<1000001x64xf32, #tpu.memory_space<hbm>> -> memref<1000001x64xf32, #tpu.memory_space<hbm>>
      tpu.wait_indirect_dma semaphore(%arg11 : memref<!tpu.dma_semaphore, #tpu.memory_space<semaphore_mem>>) src(%dma_wait3A_1214 : memref<1000001x64xf32, #tpu.memory_space<hbm>>) dst(%dma_wait3A_1211 : memref<16x64xf32, #tpu.memory_space<vmem>>)
      %dma_wait3A_1215 = arith.constant 2 : i32
      %dma_wait3A_1216 = arith.constant 176 : i32
      %dma_wait3A_1217 = arith.constant 0 : i32
      %dma_wait3A_1218 = tpu.memref_slice %arg6[%dma_wait3A_1215, %dma_wait3A_1216, %dma_wait3A_1217] : memref<4x208x64xf32, #tpu.memory_space<vmem>> -> memref<1x16x64xf32, #tpu.memory_space<vmem>>
      %dma_wait3A_1219 = tpu.memref_squeeze %dma_wait3A_1218 : memref<1x16x64xf32, #tpu.memory_space<vmem>> -> memref<16x64xf32, #tpu.memory_space<vmem>>
      %dma_wait3A_1220 = arith.constant 0 : i32
      %dma_wait3A_1221 = arith.constant 0 : i32
      %dma_wait3A_1222 = tpu.memref_slice %arg3[%dma_wait3A_1220, %dma_wait3A_1221] : memref<1000001x64xf32, #tpu.memory_space<hbm>> -> memref<1000001x64xf32, #tpu.memory_space<hbm>>
      tpu.wait_indirect_dma semaphore(%arg11 : memref<!tpu.dma_semaphore, #tpu.memory_space<semaphore_mem>>) src(%dma_wait3A_1222 : memref<1000001x64xf32, #tpu.memory_space<hbm>>) dst(%dma_wait3A_1219 : memref<16x64xf32, #tpu.memory_space<vmem>>)
      %dma_wait3A_1223 = arith.constant 2 : i32
      %dma_wait3A_1224 = arith.constant 192 : i32
      %dma_wait3A_1225 = arith.constant 0 : i32
      %dma_wait3A_1226 = tpu.memref_slice %arg6[%dma_wait3A_1223, %dma_wait3A_1224, %dma_wait3A_1225] : memref<4x208x64xf32, #tpu.memory_space<vmem>> -> memref<1x16x64xf32, #tpu.memory_space<vmem>>
      %dma_wait3A_1227 = tpu.memref_squeeze %dma_wait3A_1226 : memref<1x16x64xf32, #tpu.memory_space<vmem>> -> memref<16x64xf32, #tpu.memory_space<vmem>>
      %dma_wait3A_1228 = arith.constant 0 : i32
      %dma_wait3A_1229 = arith.constant 0 : i32
      %dma_wait3A_1230 = tpu.memref_slice %arg3[%dma_wait3A_1228, %dma_wait3A_1229] : memref<1000001x64xf32, #tpu.memory_space<hbm>> -> memref<1000001x64xf32, #tpu.memory_space<hbm>>
      tpu.wait_indirect_dma semaphore(%arg11 : memref<!tpu.dma_semaphore, #tpu.memory_space<semaphore_mem>>) src(%dma_wait3A_1230 : memref<1000001x64xf32, #tpu.memory_space<hbm>>) dst(%dma_wait3A_1227 : memref<16x64xf32, #tpu.memory_space<vmem>>)
      %broadcast_in_dim3A_1231 = arith.constant 0.000000e+00 : f32
      %broadcast_in_dim3A_1232 = vector.broadcast %broadcast_in_dim3A_1231 : f32 to vector<16xf32>
      %scan3A_1233 = arith.constant 0 : i32
      %scan3A_1234 = arith.constant 52 : i32
      %scan3A_1235 = arith.addi %scan3A_1233, %scan3A_1234 : i32
      %scan3A_1236 = arith.constant 1 : i32
      %scan3A_1237:4 = scf.for %scan3A_1459 = %scan3A_1233 to %scan3A_1235 step %scan3A_1236 iter_args(%scan3A_1460 = %broadcast_in_dim3A_1232, %scan3A_1461 = %broadcast_in_dim3A_1232, %scan3A_1462 = %broadcast_in_dim3A_1232, %scan3A_1463 = %broadcast_in_dim3A_1232) -> (vector<16xf32>, vector<16xf32>, vector<16xf32>, vector<16xf32>)  : i32 {
        %mul3A_1464 = arith.constant 4 : i32
        %mul3A_1465 = arith.muli %scan3A_1459, %mul3A_1464 : i32
        %add3A_1466 = arith.constant 0 : i32
        %add3A_1467 = arith.addi %mul3A_1465, %add3A_1466 : i32
        %get3A_1468 = arith.constant 2 : i32
        %get3A_1469 = arith.index_cast %get3A_1468 : i32 to index
        %get3A_1470 = arith.index_cast %add3A_1467 : i32 to index
        %get3A_1471 = arith.constant 0 : index
        %get3A_1472 = tpu.vector_load %arg6[%get3A_1469, %get3A_1470, %get3A_1471] {strides = array<i32>} : memref<4x208x64xf32, #tpu.memory_space<vmem>>, vector<1x1x16xf32>,
        %get3A_1473 = vector.shape_cast %get3A_1472 : vector<1x1x16xf32> to vector<16xf32>
        %add3A_1474 = arith.addf %scan3A_1460, %get3A_1473 : vector<16xf32>
        %add3A_1475 = arith.constant 0 : i32
        %add3A_1476 = arith.addi %mul3A_1465, %add3A_1475 : i32
        %get3A_1477 = arith.constant 2 : i32
        %get3A_1478 = arith.index_cast %get3A_1477 : i32 to index
        %get3A_1479 = arith.index_cast %add3A_1476 : i32 to index
        %get3A_1480 = arith.constant 16 : index
        %get3A_1481 = tpu.vector_load %arg6[%get3A_1478, %get3A_1479, %get3A_1480] {strides = array<i32>} : memref<4x208x64xf32, #tpu.memory_space<vmem>>, vector<1x1x16xf32>,
        %get3A_1482 = vector.shape_cast %get3A_1481 : vector<1x1x16xf32> to vector<16xf32>
        %add3A_1483 = arith.addf %scan3A_1461, %get3A_1482 : vector<16xf32>
        %add3A_1484 = arith.constant 0 : i32
        %add3A_1485 = arith.addi %mul3A_1465, %add3A_1484 : i32
        %get3A_1486 = arith.constant 2 : i32
        %get3A_1487 = arith.index_cast %get3A_1486 : i32 to index
        %get3A_1488 = arith.index_cast %add3A_1485 : i32 to index
        %get3A_1489 = arith.constant 32 : index
        %get3A_1490 = tpu.vector_load %arg6[%get3A_1487, %get3A_1488, %get3A_1489] {strides = array<i32>} : memref<4x208x64xf32, #tpu.memory_space<vmem>>, vector<1x1x16xf32>,
        %get3A_1491 = vector.shape_cast %get3A_1490 : vector<1x1x16xf32> to vector<16xf32>
        %add3A_1492 = arith.addf %scan3A_1462, %get3A_1491 : vector<16xf32>
        %add3A_1493 = arith.constant 0 : i32
        %add3A_1494 = arith.addi %mul3A_1465, %add3A_1493 : i32
        %get3A_1495 = arith.constant 2 : i32
        %get3A_1496 = arith.index_cast %get3A_1495 : i32 to index
        %get3A_1497 = arith.index_cast %add3A_1494 : i32 to index
        %get3A_1498 = arith.constant 48 : index
        %get3A_1499 = tpu.vector_load %arg6[%get3A_1496, %get3A_1497, %get3A_1498] {strides = array<i32>} : memref<4x208x64xf32, #tpu.memory_space<vmem>>, vector<1x1x16xf32>,
        %get3A_1500 = vector.shape_cast %get3A_1499 : vector<1x1x16xf32> to vector<16xf32>
        %add3A_1501 = arith.addf %scan3A_1463, %get3A_1500 : vector<16xf32>
        %add3A_1502 = arith.constant 1 : i32
        %add3A_1503 = arith.addi %mul3A_1465, %add3A_1502 : i32
        %get3A_1504 = arith.constant 2 : i32
        %get3A_1505 = arith.index_cast %get3A_1504 : i32 to index
        %get3A_1506 = arith.index_cast %add3A_1503 : i32 to index
        %get3A_1507 = arith.constant 0 : index
        %get3A_1508 = tpu.vector_load %arg6[%get3A_1505, %get3A_1506, %get3A_1507] {strides = array<i32>} : memref<4x208x64xf32, #tpu.memory_space<vmem>>, vector<1x1x16xf32>,
        %get3A_1509 = vector.shape_cast %get3A_1508 : vector<1x1x16xf32> to vector<16xf32>
        %add3A_1510 = arith.addf %add3A_1474, %get3A_1509 : vector<16xf32>
        %add3A_1511 = arith.constant 1 : i32
        %add3A_1512 = arith.addi %mul3A_1465, %add3A_1511 : i32
        %get3A_1513 = arith.constant 2 : i32
        %get3A_1514 = arith.index_cast %get3A_1513 : i32 to index
        %get3A_1515 = arith.index_cast %add3A_1512 : i32 to index
        %get3A_1516 = arith.constant 16 : index
        %get3A_1517 = tpu.vector_load %arg6[%get3A_1514, %get3A_1515, %get3A_1516] {strides = array<i32>} : memref<4x208x64xf32, #tpu.memory_space<vmem>>, vector<1x1x16xf32>,
        %get3A_1518 = vector.shape_cast %get3A_1517 : vector<1x1x16xf32> to vector<16xf32>
        %add3A_1519 = arith.addf %add3A_1483, %get3A_1518 : vector<16xf32>
        %add3A_1520 = arith.constant 1 : i32
        %add3A_1521 = arith.addi %mul3A_1465, %add3A_1520 : i32
        %get3A_1522 = arith.constant 2 : i32
        %get3A_1523 = arith.index_cast %get3A_1522 : i32 to index
        %get3A_1524 = arith.index_cast %add3A_1521 : i32 to index
        %get3A_1525 = arith.constant 32 : index
        %get3A_1526 = tpu.vector_load %arg6[%get3A_1523, %get3A_1524, %get3A_1525] {strides = array<i32>} : memref<4x208x64xf32, #tpu.memory_space<vmem>>, vector<1x1x16xf32>,
        %get3A_1527 = vector.shape_cast %get3A_1526 : vector<1x1x16xf32> to vector<16xf32>
        %add3A_1528 = arith.addf %add3A_1492, %get3A_1527 : vector<16xf32>
        %add3A_1529 = arith.constant 1 : i32
        %add3A_1530 = arith.addi %mul3A_1465, %add3A_1529 : i32
        %get3A_1531 = arith.constant 2 : i32
        %get3A_1532 = arith.index_cast %get3A_1531 : i32 to index
        %get3A_1533 = arith.index_cast %add3A_1530 : i32 to index
        %get3A_1534 = arith.constant 48 : index
        %get3A_1535 = tpu.vector_load %arg6[%get3A_1532, %get3A_1533, %get3A_1534] {strides = array<i32>} : memref<4x208x64xf32, #tpu.memory_space<vmem>>, vector<1x1x16xf32>,
        %get3A_1536 = vector.shape_cast %get3A_1535 : vector<1x1x16xf32> to vector<16xf32>
        %add3A_1537 = arith.addf %add3A_1501, %get3A_1536 : vector<16xf32>
        %add3A_1538 = arith.constant 2 : i32
        %add3A_1539 = arith.addi %mul3A_1465, %add3A_1538 : i32
        %get3A_1540 = arith.constant 2 : i32
        %get3A_1541 = arith.index_cast %get3A_1540 : i32 to index
        %get3A_1542 = arith.index_cast %add3A_1539 : i32 to index
        %get3A_1543 = arith.constant 0 : index
        %get3A_1544 = tpu.vector_load %arg6[%get3A_1541, %get3A_1542, %get3A_1543] {strides = array<i32>} : memref<4x208x64xf32, #tpu.memory_space<vmem>>, vector<1x1x16xf32>,
        %get3A_1545 = vector.shape_cast %get3A_1544 : vector<1x1x16xf32> to vector<16xf32>
        %add3A_1546 = arith.addf %add3A_1510, %get3A_1545 : vector<16xf32>
        %add3A_1547 = arith.constant 2 : i32
        %add3A_1548 = arith.addi %mul3A_1465, %add3A_1547 : i32
        %get3A_1549 = arith.constant 2 : i32
        %get3A_1550 = arith.index_cast %get3A_1549 : i32 to index
        %get3A_1551 = arith.index_cast %add3A_1548 : i32 to index
        %get3A_1552 = arith.constant 16 : index
        %get3A_1553 = tpu.vector_load %arg6[%get3A_1550, %get3A_1551, %get3A_1552] {strides = array<i32>} : memref<4x208x64xf32, #tpu.memory_space<vmem>>, vector<1x1x16xf32>,
        %get3A_1554 = vector.shape_cast %get3A_1553 : vector<1x1x16xf32> to vector<16xf32>
        %add3A_1555 = arith.addf %add3A_1519, %get3A_1554 : vector<16xf32>
        %add3A_1556 = arith.constant 2 : i32
        %add3A_1557 = arith.addi %mul3A_1465, %add3A_1556 : i32
        %get3A_1558 = arith.constant 2 : i32
        %get3A_1559 = arith.index_cast %get3A_1558 : i32 to index
        %get3A_1560 = arith.index_cast %add3A_1557 : i32 to index
        %get3A_1561 = arith.constant 32 : index
        %get3A_1562 = tpu.vector_load %arg6[%get3A_1559, %get3A_1560, %get3A_1561] {strides = array<i32>} : memref<4x208x64xf32, #tpu.memory_space<vmem>>, vector<1x1x16xf32>,
        %get3A_1563 = vector.shape_cast %get3A_1562 : vector<1x1x16xf32> to vector<16xf32>
        %add3A_1564 = arith.addf %add3A_1528, %get3A_1563 : vector<16xf32>
        %add3A_1565 = arith.constant 2 : i32
        %add3A_1566 = arith.addi %mul3A_1465, %add3A_1565 : i32
        %get3A_1567 = arith.constant 2 : i32
        %get3A_1568 = arith.index_cast %get3A_1567 : i32 to index
        %get3A_1569 = arith.index_cast %add3A_1566 : i32 to index
        %get3A_1570 = arith.constant 48 : index
        %get3A_1571 = tpu.vector_load %arg6[%get3A_1568, %get3A_1569, %get3A_1570] {strides = array<i32>} : memref<4x208x64xf32, #tpu.memory_space<vmem>>, vector<1x1x16xf32>,
        %get3A_1572 = vector.shape_cast %get3A_1571 : vector<1x1x16xf32> to vector<16xf32>
        %add3A_1573 = arith.addf %add3A_1537, %get3A_1572 : vector<16xf32>
        %add3A_1574 = arith.constant 3 : i32
        %add3A_1575 = arith.addi %mul3A_1465, %add3A_1574 : i32
        %get3A_1576 = arith.constant 2 : i32
        %get3A_1577 = arith.index_cast %get3A_1576 : i32 to index
        %get3A_1578 = arith.index_cast %add3A_1575 : i32 to index
        %get3A_1579 = arith.constant 0 : index
        %get3A_1580 = tpu.vector_load %arg6[%get3A_1577, %get3A_1578, %get3A_1579] {strides = array<i32>} : memref<4x208x64xf32, #tpu.memory_space<vmem>>, vector<1x1x16xf32>,
        %get3A_1581 = vector.shape_cast %get3A_1580 : vector<1x1x16xf32> to vector<16xf32>
        %add3A_1582 = arith.addf %add3A_1546, %get3A_1581 : vector<16xf32>
        %add3A_1583 = arith.constant 3 : i32
        %add3A_1584 = arith.addi %mul3A_1465, %add3A_1583 : i32
        %get3A_1585 = arith.constant 2 : i32
        %get3A_1586 = arith.index_cast %get3A_1585 : i32 to index
        %get3A_1587 = arith.index_cast %add3A_1584 : i32 to index
        %get3A_1588 = arith.constant 16 : index
        %get3A_1589 = tpu.vector_load %arg6[%get3A_1586, %get3A_1587, %get3A_1588] {strides = array<i32>} : memref<4x208x64xf32, #tpu.memory_space<vmem>>, vector<1x1x16xf32>,
        %get3A_1590 = vector.shape_cast %get3A_1589 : vector<1x1x16xf32> to vector<16xf32>
        %add3A_1591 = arith.addf %add3A_1555, %get3A_1590 : vector<16xf32>
        %add3A_1592 = arith.constant 3 : i32
        %add3A_1593 = arith.addi %mul3A_1465, %add3A_1592 : i32
        %get3A_1594 = arith.constant 2 : i32
        %get3A_1595 = arith.index_cast %get3A_1594 : i32 to index
        %get3A_1596 = arith.index_cast %add3A_1593 : i32 to index
        %get3A_1597 = arith.constant 32 : index
        %get3A_1598 = tpu.vector_load %arg6[%get3A_1595, %get3A_1596, %get3A_1597] {strides = array<i32>} : memref<4x208x64xf32, #tpu.memory_space<vmem>>, vector<1x1x16xf32>,
        %get3A_1599 = vector.shape_cast %get3A_1598 : vector<1x1x16xf32> to vector<16xf32>
        %add3A_1600 = arith.addf %add3A_1564, %get3A_1599 : vector<16xf32>
        %add3A_1601 = arith.constant 3 : i32
        %add3A_1602 = arith.addi %mul3A_1465, %add3A_1601 : i32
        %get3A_1603 = arith.constant 2 : i32
        %get3A_1604 = arith.index_cast %get3A_1603 : i32 to index
        %get3A_1605 = arith.index_cast %add3A_1602 : i32 to index
        %get3A_1606 = arith.constant 48 : index
        %get3A_1607 = tpu.vector_load %arg6[%get3A_1604, %get3A_1605, %get3A_1606] {strides = array<i32>} : memref<4x208x64xf32, #tpu.memory_space<vmem>>, vector<1x1x16xf32>,
        %get3A_1608 = vector.shape_cast %get3A_1607 : vector<1x1x16xf32> to vector<16xf32>
        %add3A_1609 = arith.addf %add3A_1573, %get3A_1608 : vector<16xf32>
        scf.yield %add3A_1582, %add3A_1591, %add3A_1600, %add3A_1609 : vector<16xf32>, vector<16xf32>, vector<16xf32>, vector<16xf32>
      }
      %scan3A_1238 = arith.constant 52 : i32
      %swap3A_1239 = arith.index_cast %add3A_1074 : i32 to index
      %swap3A_1240 = arith.constant 0 : index
      %swap3A_1241 = tpu.vector_load %arg7[%swap3A_1239, %swap3A_1240] {strides = array<i32>} : memref<128x64xf32, #tpu.memory_space<vmem>>, vector<1x16xf32>,
      %swap3A_1242 = vector.shape_cast %swap3A_1241 : vector<1x16xf32> to vector<16xf32>
      %swap3A_1243 = vector.shape_cast %scan3A_1237#0 : vector<16xf32> to vector<1x16xf32>
      tpu.vector_store %arg7[%swap3A_1239, %swap3A_1240], %swap3A_1243 {strides = array<i32>} : memref<128x64xf32, #tpu.memory_space<vmem>>, vector<1x16xf32>,
      %swap3A_1244 = arith.index_cast %add3A_1074 : i32 to index
      %swap3A_1245 = arith.constant 16 : index
      %swap3A_1246 = tpu.vector_load %arg7[%swap3A_1244, %swap3A_1245] {strides = array<i32>} : memref<128x64xf32, #tpu.memory_space<vmem>>, vector<1x16xf32>,
      %swap3A_1247 = vector.shape_cast %swap3A_1246 : vector<1x16xf32> to vector<16xf32>
      %swap3A_1248 = vector.shape_cast %scan3A_1237#1 : vector<16xf32> to vector<1x16xf32>
      tpu.vector_store %arg7[%swap3A_1244, %swap3A_1245], %swap3A_1248 {strides = array<i32>} : memref<128x64xf32, #tpu.memory_space<vmem>>, vector<1x16xf32>,
      %swap3A_1249 = arith.index_cast %add3A_1074 : i32 to index
      %swap3A_1250 = arith.constant 32 : index
      %swap3A_1251 = tpu.vector_load %arg7[%swap3A_1249, %swap3A_1250] {strides = array<i32>} : memref<128x64xf32, #tpu.memory_space<vmem>>, vector<1x16xf32>,
      %swap3A_1252 = vector.shape_cast %swap3A_1251 : vector<1x16xf32> to vector<16xf32>
      %swap3A_1253 = vector.shape_cast %scan3A_1237#2 : vector<16xf32> to vector<1x16xf32>
      tpu.vector_store %arg7[%swap3A_1249, %swap3A_1250], %swap3A_1253 {strides = array<i32>} : memref<128x64xf32, #tpu.memory_space<vmem>>, vector<1x16xf32>,
      %swap3A_1254 = arith.index_cast %add3A_1074 : i32 to index
      %swap3A_1255 = arith.constant 48 : index
      %swap3A_1256 = tpu.vector_load %arg7[%swap3A_1254, %swap3A_1255] {strides = array<i32>} : memref<128x64xf32, #tpu.memory_space<vmem>>, vector<1x16xf32>,
      %swap3A_1257 = vector.shape_cast %swap3A_1256 : vector<1x16xf32> to vector<16xf32>
      %swap3A_1258 = vector.shape_cast %scan3A_1237#3 : vector<16xf32> to vector<1x16xf32>
      tpu.vector_store %arg7[%swap3A_1254, %swap3A_1255], %swap3A_1258 {strides = array<i32>} : memref<128x64xf32, #tpu.memory_space<vmem>>, vector<1x16xf32>,
      %add3A_1259 = arith.constant 4 : i32
      %add3A_1260 = arith.addi %add3A_1074, %add3A_1259 : i32
      %lt3A_1261 = arith.constant 128 : i32
      %lt3A_1262 = arith.cmpi slt, %add3A_1260, %lt3A_1261 : i32
      %convert_element_type3A_1263 = arith.extui %lt3A_1262 : i1 to i32
      %cond3A_1264 = arith.constant 0 : i32
      %cond3A_1265 = arith.cmpi ne, %convert_element_type3A_1263, %cond3A_1264 : i32
      scf.if %cond3A_1265 {
        %add3A_1459 = arith.constant 4 : i32
        %add3A_1460 = arith.addi %add3A_1074, %add3A_1459 : i32
        %get3A_1461 = arith.index_cast %add3A_1460 : i32 to index
        %get3A_1462 = arith.constant 0 : index
        %get3A_1463 = tpu.vector_load %arg5[%get3A_1461, %get3A_1462] {strides = array<i32>} : memref<128x256xi32, #tpu.memory_space<vmem>>, vector<1x16xi32>,
        %get3A_1464 = vector.shape_cast %get3A_1463 : vector<1x16xi32> to vector<16xi32>
        %get3A_1465 = arith.index_cast %add3A_1460 : i32 to index
        %get3A_1466 = arith.constant 16 : index
        %get3A_1467 = tpu.vector_load %arg5[%get3A_1465, %get3A_1466] {strides = array<i32>} : memref<128x256xi32, #tpu.memory_space<vmem>>, vector<1x16xi32>,
        %get3A_1468 = vector.shape_cast %get3A_1467 : vector<1x16xi32> to vector<16xi32>
        %get3A_1469 = arith.index_cast %add3A_1460 : i32 to index
        %get3A_1470 = arith.constant 32 : index
        %get3A_1471 = tpu.vector_load %arg5[%get3A_1469, %get3A_1470] {strides = array<i32>} : memref<128x256xi32, #tpu.memory_space<vmem>>, vector<1x16xi32>,
        %get3A_1472 = vector.shape_cast %get3A_1471 : vector<1x16xi32> to vector<16xi32>
        %get3A_1473 = arith.index_cast %add3A_1460 : i32 to index
        %get3A_1474 = arith.constant 48 : index
        %get3A_1475 = tpu.vector_load %arg5[%get3A_1473, %get3A_1474] {strides = array<i32>} : memref<128x256xi32, #tpu.memory_space<vmem>>, vector<1x16xi32>,
        %get3A_1476 = vector.shape_cast %get3A_1475 : vector<1x16xi32> to vector<16xi32>
        %get3A_1477 = arith.index_cast %add3A_1460 : i32 to index
        %get3A_1478 = arith.constant 64 : index
        %get3A_1479 = tpu.vector_load %arg5[%get3A_1477, %get3A_1478] {strides = array<i32>} : memref<128x256xi32, #tpu.memory_space<vmem>>, vector<1x16xi32>,
        %get3A_1480 = vector.shape_cast %get3A_1479 : vector<1x16xi32> to vector<16xi32>
        %get3A_1481 = arith.index_cast %add3A_1460 : i32 to index
        %get3A_1482 = arith.constant 80 : index
        %get3A_1483 = tpu.vector_load %arg5[%get3A_1481, %get3A_1482] {strides = array<i32>} : memref<128x256xi32, #tpu.memory_space<vmem>>, vector<1x16xi32>,
        %get3A_1484 = vector.shape_cast %get3A_1483 : vector<1x16xi32> to vector<16xi32>
        %get3A_1485 = arith.index_cast %add3A_1460 : i32 to index
        %get3A_1486 = arith.constant 96 : index
        %get3A_1487 = tpu.vector_load %arg5[%get3A_1485, %get3A_1486] {strides = array<i32>} : memref<128x256xi32, #tpu.memory_space<vmem>>, vector<1x16xi32>,
        %get3A_1488 = vector.shape_cast %get3A_1487 : vector<1x16xi32> to vector<16xi32>
        %get3A_1489 = arith.index_cast %add3A_1460 : i32 to index
        %get3A_1490 = arith.constant 112 : index
        %get3A_1491 = tpu.vector_load %arg5[%get3A_1489, %get3A_1490] {strides = array<i32>} : memref<128x256xi32, #tpu.memory_space<vmem>>, vector<1x16xi32>,
        %get3A_1492 = vector.shape_cast %get3A_1491 : vector<1x16xi32> to vector<16xi32>
        %get3A_1493 = arith.index_cast %add3A_1460 : i32 to index
        %get3A_1494 = arith.constant 128 : index
        %get3A_1495 = tpu.vector_load %arg5[%get3A_1493, %get3A_1494] {strides = array<i32>} : memref<128x256xi32, #tpu.memory_space<vmem>>, vector<1x16xi32>,
        %get3A_1496 = vector.shape_cast %get3A_1495 : vector<1x16xi32> to vector<16xi32>
        %get3A_1497 = arith.index_cast %add3A_1460 : i32 to index
        %get3A_1498 = arith.constant 144 : index
        %get3A_1499 = tpu.vector_load %arg5[%get3A_1497, %get3A_1498] {strides = array<i32>} : memref<128x256xi32, #tpu.memory_space<vmem>>, vector<1x16xi32>,
        %get3A_1500 = vector.shape_cast %get3A_1499 : vector<1x16xi32> to vector<16xi32>
        %get3A_1501 = arith.index_cast %add3A_1460 : i32 to index
        %get3A_1502 = arith.constant 160 : index
        %get3A_1503 = tpu.vector_load %arg5[%get3A_1501, %get3A_1502] {strides = array<i32>} : memref<128x256xi32, #tpu.memory_space<vmem>>, vector<1x16xi32>,
        %get3A_1504 = vector.shape_cast %get3A_1503 : vector<1x16xi32> to vector<16xi32>
        %get3A_1505 = arith.index_cast %add3A_1460 : i32 to index
        %get3A_1506 = arith.constant 176 : index
        %get3A_1507 = tpu.vector_load %arg5[%get3A_1505, %get3A_1506] {strides = array<i32>} : memref<128x256xi32, #tpu.memory_space<vmem>>, vector<1x16xi32>,
        %get3A_1508 = vector.shape_cast %get3A_1507 : vector<1x16xi32> to vector<16xi32>
        %get3A_1509 = arith.index_cast %add3A_1460 : i32 to index
        %get3A_1510 = arith.constant 192 : index
        %get3A_1511 = tpu.vector_load %arg5[%get3A_1509, %get3A_1510] {strides = array<i32>} : memref<128x256xi32, #tpu.memory_space<vmem>>, vector<1x16xi32>,
        %get3A_1512 = vector.shape_cast %get3A_1511 : vector<1x16xi32> to vector<16xi32>
        %dma_start3A_1513 = arith.constant 2 : i32
        %dma_start3A_1514 = arith.constant 0 : i32
        %dma_start3A_1515 = arith.constant 0 : i32
        %dma_start3A_1516 = tpu.memref_slice %arg6[%dma_start3A_1513, %dma_start3A_1514, %dma_start3A_1515] : memref<4x208x64xf32, #tpu.memory_space<vmem>> -> memref<1x16x64xf32, #tpu.memory_space<vmem>>
        %dma_start3A_1517 = tpu.memref_squeeze %dma_start3A_1516 : memref<1x16x64xf32, #tpu.memory_space<vmem>> -> memref<16x64xf32, #tpu.memory_space<vmem>>
        %dma_start3A_1518 = arith.constant 0 : i32
        %dma_start3A_1519 = arith.constant 0 : i32
        %dma_start3A_1520 = tpu.memref_slice %arg3[%dma_start3A_1518, %dma_start3A_1519] : memref<1000001x64xf32, #tpu.memory_space<hbm>> -> memref<1000001x64xf32, #tpu.memory_space<hbm>>
        tpu.enqueue_indirect_dma source(%dma_start3A_1520 : memref<1000001x64xf32, #tpu.memory_space<hbm>>) target(%dma_start3A_1517 : memref<16x64xf32, #tpu.memory_space<vmem>>) offsets(%get3A_1464 : vector<16xi32>) semaphore(%arg11 : memref<!tpu.dma_semaphore, #tpu.memory_space<semaphore_mem>>)
        %dma_start3A_1521 = arith.constant 2 : i32
        %dma_start3A_1522 = arith.constant 16 : i32
        %dma_start3A_1523 = arith.constant 0 : i32
        %dma_start3A_1524 = tpu.memref_slice %arg6[%dma_start3A_1521, %dma_start3A_1522, %dma_start3A_1523] : memref<4x208x64xf32, #tpu.memory_space<vmem>> -> memref<1x16x64xf32, #tpu.memory_space<vmem>>
        %dma_start3A_1525 = tpu.memref_squeeze %dma_start3A_1524 : memref<1x16x64xf32, #tpu.memory_space<vmem>> -> memref<16x64xf32, #tpu.memory_space<vmem>>
        %dma_start3A_1526 = arith.constant 0 : i32
        %dma_start3A_1527 = arith.constant 0 : i32
        %dma_start3A_1528 = tpu.memref_slice %arg3[%dma_start3A_1526, %dma_start3A_1527] : memref<1000001x64xf32, #tpu.memory_space<hbm>> -> memref<1000001x64xf32, #tpu.memory_space<hbm>>
        tpu.enqueue_indirect_dma source(%dma_start3A_1528 : memref<1000001x64xf32, #tpu.memory_space<hbm>>) target(%dma_start3A_1525 : memref<16x64xf32, #tpu.memory_space<vmem>>) offsets(%get3A_1468 : vector<16xi32>) semaphore(%arg11 : memref<!tpu.dma_semaphore, #tpu.memory_space<semaphore_mem>>)
        %dma_start3A_1529 = arith.constant 2 : i32
        %dma_start3A_1530 = arith.constant 32 : i32
        %dma_start3A_1531 = arith.constant 0 : i32
        %dma_start3A_1532 = tpu.memref_slice %arg6[%dma_start3A_1529, %dma_start3A_1530, %dma_start3A_1531] : memref<4x208x64xf32, #tpu.memory_space<vmem>> -> memref<1x16x64xf32, #tpu.memory_space<vmem>>
        %dma_start3A_1533 = tpu.memref_squeeze %dma_start3A_1532 : memref<1x16x64xf32, #tpu.memory_space<vmem>> -> memref<16x64xf32, #tpu.memory_space<vmem>>
        %dma_start3A_1534 = arith.constant 0 : i32
        %dma_start3A_1535 = arith.constant 0 : i32
        %dma_start3A_1536 = tpu.memref_slice %arg3[%dma_start3A_1534, %dma_start3A_1535] : memref<1000001x64xf32, #tpu.memory_space<hbm>> -> memref<1000001x64xf32, #tpu.memory_space<hbm>>
        tpu.enqueue_indirect_dma source(%dma_start3A_1536 : memref<1000001x64xf32, #tpu.memory_space<hbm>>) target(%dma_start3A_1533 : memref<16x64xf32, #tpu.memory_space<vmem>>) offsets(%get3A_1472 : vector<16xi32>) semaphore(%arg11 : memref<!tpu.dma_semaphore, #tpu.memory_space<semaphore_mem>>)
        %dma_start3A_1537 = arith.constant 2 : i32
        %dma_start3A_1538 = arith.constant 48 : i32
        %dma_start3A_1539 = arith.constant 0 : i32
        %dma_start3A_1540 = tpu.memref_slice %arg6[%dma_start3A_1537, %dma_start3A_1538, %dma_start3A_1539] : memref<4x208x64xf32, #tpu.memory_space<vmem>> -> memref<1x16x64xf32, #tpu.memory_space<vmem>>
        %dma_start3A_1541 = tpu.memref_squeeze %dma_start3A_1540 : memref<1x16x64xf32, #tpu.memory_space<vmem>> -> memref<16x64xf32, #tpu.memory_space<vmem>>
        %dma_start3A_1542 = arith.constant 0 : i32
        %dma_start3A_1543 = arith.constant 0 : i32
        %dma_start3A_1544 = tpu.memref_slice %arg3[%dma_start3A_1542, %dma_start3A_1543] : memref<1000001x64xf32, #tpu.memory_space<hbm>> -> memref<1000001x64xf32, #tpu.memory_space<hbm>>
        tpu.enqueue_indirect_dma source(%dma_start3A_1544 : memref<1000001x64xf32, #tpu.memory_space<hbm>>) target(%dma_start3A_1541 : memref<16x64xf32, #tpu.memory_space<vmem>>) offsets(%get3A_1476 : vector<16xi32>) semaphore(%arg11 : memref<!tpu.dma_semaphore, #tpu.memory_space<semaphore_mem>>)
        %dma_start3A_1545 = arith.constant 2 : i32
        %dma_start3A_1546 = arith.constant 64 : i32
        %dma_start3A_1547 = arith.constant 0 : i32
        %dma_start3A_1548 = tpu.memref_slice %arg6[%dma_start3A_1545, %dma_start3A_1546, %dma_start3A_1547] : memref<4x208x64xf32, #tpu.memory_space<vmem>> -> memref<1x16x64xf32, #tpu.memory_space<vmem>>
        %dma_start3A_1549 = tpu.memref_squeeze %dma_start3A_1548 : memref<1x16x64xf32, #tpu.memory_space<vmem>> -> memref<16x64xf32, #tpu.memory_space<vmem>>
        %dma_start3A_1550 = arith.constant 0 : i32
        %dma_start3A_1551 = arith.constant 0 : i32
        %dma_start3A_1552 = tpu.memref_slice %arg3[%dma_start3A_1550, %dma_start3A_1551] : memref<1000001x64xf32, #tpu.memory_space<hbm>> -> memref<1000001x64xf32, #tpu.memory_space<hbm>>
        tpu.enqueue_indirect_dma source(%dma_start3A_1552 : memref<1000001x64xf32, #tpu.memory_space<hbm>>) target(%dma_start3A_1549 : memref<16x64xf32, #tpu.memory_space<vmem>>) offsets(%get3A_1480 : vector<16xi32>) semaphore(%arg11 : memref<!tpu.dma_semaphore, #tpu.memory_space<semaphore_mem>>)
        %dma_start3A_1553 = arith.constant 2 : i32
        %dma_start3A_1554 = arith.constant 80 : i32
        %dma_start3A_1555 = arith.constant 0 : i32
        %dma_start3A_1556 = tpu.memref_slice %arg6[%dma_start3A_1553, %dma_start3A_1554, %dma_start3A_1555] : memref<4x208x64xf32, #tpu.memory_space<vmem>> -> memref<1x16x64xf32, #tpu.memory_space<vmem>>
        %dma_start3A_1557 = tpu.memref_squeeze %dma_start3A_1556 : memref<1x16x64xf32, #tpu.memory_space<vmem>> -> memref<16x64xf32, #tpu.memory_space<vmem>>
        %dma_start3A_1558 = arith.constant 0 : i32
        %dma_start3A_1559 = arith.constant 0 : i32
        %dma_start3A_1560 = tpu.memref_slice %arg3[%dma_start3A_1558, %dma_start3A_1559] : memref<1000001x64xf32, #tpu.memory_space<hbm>> -> memref<1000001x64xf32, #tpu.memory_space<hbm>>
        tpu.enqueue_indirect_dma source(%dma_start3A_1560 : memref<1000001x64xf32, #tpu.memory_space<hbm>>) target(%dma_start3A_1557 : memref<16x64xf32, #tpu.memory_space<vmem>>) offsets(%get3A_1484 : vector<16xi32>) semaphore(%arg11 : memref<!tpu.dma_semaphore, #tpu.memory_space<semaphore_mem>>)
        %dma_start3A_1561 = arith.constant 2 : i32
        %dma_start3A_1562 = arith.constant 96 : i32
        %dma_start3A_1563 = arith.constant 0 : i32
        %dma_start3A_1564 = tpu.memref_slice %arg6[%dma_start3A_1561, %dma_start3A_1562, %dma_start3A_1563] : memref<4x208x64xf32, #tpu.memory_space<vmem>> -> memref<1x16x64xf32, #tpu.memory_space<vmem>>
        %dma_start3A_1565 = tpu.memref_squeeze %dma_start3A_1564 : memref<1x16x64xf32, #tpu.memory_space<vmem>> -> memref<16x64xf32, #tpu.memory_space<vmem>>
        %dma_start3A_1566 = arith.constant 0 : i32
        %dma_start3A_1567 = arith.constant 0 : i32
        %dma_start3A_1568 = tpu.memref_slice %arg3[%dma_start3A_1566, %dma_start3A_1567] : memref<1000001x64xf32, #tpu.memory_space<hbm>> -> memref<1000001x64xf32, #tpu.memory_space<hbm>>
        tpu.enqueue_indirect_dma source(%dma_start3A_1568 : memref<1000001x64xf32, #tpu.memory_space<hbm>>) target(%dma_start3A_1565 : memref<16x64xf32, #tpu.memory_space<vmem>>) offsets(%get3A_1488 : vector<16xi32>) semaphore(%arg11 : memref<!tpu.dma_semaphore, #tpu.memory_space<semaphore_mem>>)
        %dma_start3A_1569 = arith.constant 2 : i32
        %dma_start3A_1570 = arith.constant 112 : i32
        %dma_start3A_1571 = arith.constant 0 : i32
        %dma_start3A_1572 = tpu.memref_slice %arg6[%dma_start3A_1569, %dma_start3A_1570, %dma_start3A_1571] : memref<4x208x64xf32, #tpu.memory_space<vmem>> -> memref<1x16x64xf32, #tpu.memory_space<vmem>>
        %dma_start3A_1573 = tpu.memref_squeeze %dma_start3A_1572 : memref<1x16x64xf32, #tpu.memory_space<vmem>> -> memref<16x64xf32, #tpu.memory_space<vmem>>
        %dma_start3A_1574 = arith.constant 0 : i32
        %dma_start3A_1575 = arith.constant 0 : i32
        %dma_start3A_1576 = tpu.memref_slice %arg3[%dma_start3A_1574, %dma_start3A_1575] : memref<1000001x64xf32, #tpu.memory_space<hbm>> -> memref<1000001x64xf32, #tpu.memory_space<hbm>>
        tpu.enqueue_indirect_dma source(%dma_start3A_1576 : memref<1000001x64xf32, #tpu.memory_space<hbm>>) target(%dma_start3A_1573 : memref<16x64xf32, #tpu.memory_space<vmem>>) offsets(%get3A_1492 : vector<16xi32>) semaphore(%arg11 : memref<!tpu.dma_semaphore, #tpu.memory_space<semaphore_mem>>)
        %dma_start3A_1577 = arith.constant 2 : i32
        %dma_start3A_1578 = arith.constant 128 : i32
        %dma_start3A_1579 = arith.constant 0 : i32
        %dma_start3A_1580 = tpu.memref_slice %arg6[%dma_start3A_1577, %dma_start3A_1578, %dma_start3A_1579] : memref<4x208x64xf32, #tpu.memory_space<vmem>> -> memref<1x16x64xf32, #tpu.memory_space<vmem>>
        %dma_start3A_1581 = tpu.memref_squeeze %dma_start3A_1580 : memref<1x16x64xf32, #tpu.memory_space<vmem>> -> memref<16x64xf32, #tpu.memory_space<vmem>>
        %dma_start3A_1582 = arith.constant 0 : i32
        %dma_start3A_1583 = arith.constant 0 : i32
        %dma_start3A_1584 = tpu.memref_slice %arg3[%dma_start3A_1582, %dma_start3A_1583] : memref<1000001x64xf32, #tpu.memory_space<hbm>> -> memref<1000001x64xf32, #tpu.memory_space<hbm>>
        tpu.enqueue_indirect_dma source(%dma_start3A_1584 : memref<1000001x64xf32, #tpu.memory_space<hbm>>) target(%dma_start3A_1581 : memref<16x64xf32, #tpu.memory_space<vmem>>) offsets(%get3A_1496 : vector<16xi32>) semaphore(%arg11 : memref<!tpu.dma_semaphore, #tpu.memory_space<semaphore_mem>>)
        %dma_start3A_1585 = arith.constant 2 : i32
        %dma_start3A_1586 = arith.constant 144 : i32
        %dma_start3A_1587 = arith.constant 0 : i32
        %dma_start3A_1588 = tpu.memref_slice %arg6[%dma_start3A_1585, %dma_start3A_1586, %dma_start3A_1587] : memref<4x208x64xf32, #tpu.memory_space<vmem>> -> memref<1x16x64xf32, #tpu.memory_space<vmem>>
        %dma_start3A_1589 = tpu.memref_squeeze %dma_start3A_1588 : memref<1x16x64xf32, #tpu.memory_space<vmem>> -> memref<16x64xf32, #tpu.memory_space<vmem>>
        %dma_start3A_1590 = arith.constant 0 : i32
        %dma_start3A_1591 = arith.constant 0 : i32
        %dma_start3A_1592 = tpu.memref_slice %arg3[%dma_start3A_1590, %dma_start3A_1591] : memref<1000001x64xf32, #tpu.memory_space<hbm>> -> memref<1000001x64xf32, #tpu.memory_space<hbm>>
        tpu.enqueue_indirect_dma source(%dma_start3A_1592 : memref<1000001x64xf32, #tpu.memory_space<hbm>>) target(%dma_start3A_1589 : memref<16x64xf32, #tpu.memory_space<vmem>>) offsets(%get3A_1500 : vector<16xi32>) semaphore(%arg11 : memref<!tpu.dma_semaphore, #tpu.memory_space<semaphore_mem>>)
        %dma_start3A_1593 = arith.constant 2 : i32
        %dma_start3A_1594 = arith.constant 160 : i32
        %dma_start3A_1595 = arith.constant 0 : i32
        %dma_start3A_1596 = tpu.memref_slice %arg6[%dma_start3A_1593, %dma_start3A_1594, %dma_start3A_1595] : memref<4x208x64xf32, #tpu.memory_space<vmem>> -> memref<1x16x64xf32, #tpu.memory_space<vmem>>
        %dma_start3A_1597 = tpu.memref_squeeze %dma_start3A_1596 : memref<1x16x64xf32, #tpu.memory_space<vmem>> -> memref<16x64xf32, #tpu.memory_space<vmem>>
        %dma_start3A_1598 = arith.constant 0 : i32
        %dma_start3A_1599 = arith.constant 0 : i32
        %dma_start3A_1600 = tpu.memref_slice %arg3[%dma_start3A_1598, %dma_start3A_1599] : memref<1000001x64xf32, #tpu.memory_space<hbm>> -> memref<1000001x64xf32, #tpu.memory_space<hbm>>
        tpu.enqueue_indirect_dma source(%dma_start3A_1600 : memref<1000001x64xf32, #tpu.memory_space<hbm>>) target(%dma_start3A_1597 : memref<16x64xf32, #tpu.memory_space<vmem>>) offsets(%get3A_1504 : vector<16xi32>) semaphore(%arg11 : memref<!tpu.dma_semaphore, #tpu.memory_space<semaphore_mem>>)
        %dma_start3A_1601 = arith.constant 2 : i32
        %dma_start3A_1602 = arith.constant 176 : i32
        %dma_start3A_1603 = arith.constant 0 : i32
        %dma_start3A_1604 = tpu.memref_slice %arg6[%dma_start3A_1601, %dma_start3A_1602, %dma_start3A_1603] : memref<4x208x64xf32, #tpu.memory_space<vmem>> -> memref<1x16x64xf32, #tpu.memory_space<vmem>>
        %dma_start3A_1605 = tpu.memref_squeeze %dma_start3A_1604 : memref<1x16x64xf32, #tpu.memory_space<vmem>> -> memref<16x64xf32, #tpu.memory_space<vmem>>
        %dma_start3A_1606 = arith.constant 0 : i32
        %dma_start3A_1607 = arith.constant 0 : i32
        %dma_start3A_1608 = tpu.memref_slice %arg3[%dma_start3A_1606, %dma_start3A_1607] : memref<1000001x64xf32, #tpu.memory_space<hbm>> -> memref<1000001x64xf32, #tpu.memory_space<hbm>>
        tpu.enqueue_indirect_dma source(%dma_start3A_1608 : memref<1000001x64xf32, #tpu.memory_space<hbm>>) target(%dma_start3A_1605 : memref<16x64xf32, #tpu.memory_space<vmem>>) offsets(%get3A_1508 : vector<16xi32>) semaphore(%arg11 : memref<!tpu.dma_semaphore, #tpu.memory_space<semaphore_mem>>)
        %dma_start3A_1609 = arith.constant 2 : i32
        %dma_start3A_1610 = arith.constant 192 : i32
        %dma_start3A_1611 = arith.constant 0 : i32
        %dma_start3A_1612 = tpu.memref_slice %arg6[%dma_start3A_1609, %dma_start3A_1610, %dma_start3A_1611] : memref<4x208x64xf32, #tpu.memory_space<vmem>> -> memref<1x16x64xf32, #tpu.memory_space<vmem>>
        %dma_start3A_1613 = tpu.memref_squeeze %dma_start3A_1612 : memref<1x16x64xf32, #tpu.memory_space<vmem>> -> memref<16x64xf32, #tpu.memory_space<vmem>>
        %dma_start3A_1614 = arith.constant 0 : i32
        %dma_start3A_1615 = arith.constant 0 : i32
        %dma_start3A_1616 = tpu.memref_slice %arg3[%dma_start3A_1614, %dma_start3A_1615] : memref<1000001x64xf32, #tpu.memory_space<hbm>> -> memref<1000001x64xf32, #tpu.memory_space<hbm>>
        tpu.enqueue_indirect_dma source(%dma_start3A_1616 : memref<1000001x64xf32, #tpu.memory_space<hbm>>) target(%dma_start3A_1613 : memref<16x64xf32, #tpu.memory_space<vmem>>) offsets(%get3A_1512 : vector<16xi32>) semaphore(%arg11 : memref<!tpu.dma_semaphore, #tpu.memory_space<semaphore_mem>>)
      } else {
      }
      %add3A_1266 = arith.constant 3 : i32
      %add3A_1267 = arith.addi %mul3A_691, %add3A_1266 : i32
      %get3A_1268 = arith.index_cast %add3A_1267 : i32 to index
      %get3A_1269 = arith.constant 0 : index
      %get3A_1270 = tpu.vector_load %arg5[%get3A_1268, %get3A_1269] {strides = array<i32>} : memref<128x256xi32, #tpu.memory_space<vmem>>, vector<1x16xi32>,
      %get3A_1271 = vector.shape_cast %get3A_1270 : vector<1x16xi32> to vector<16xi32>
      %get3A_1272 = arith.index_cast %add3A_1267 : i32 to index
      %get3A_1273 = arith.constant 16 : index
      %get3A_1274 = tpu.vector_load %arg5[%get3A_1272, %get3A_1273] {strides = array<i32>} : memref<128x256xi32, #tpu.memory_space<vmem>>, vector<1x16xi32>,
      %get3A_1275 = vector.shape_cast %get3A_1274 : vector<1x16xi32> to vector<16xi32>
      %get3A_1276 = arith.index_cast %add3A_1267 : i32 to index
      %get3A_1277 = arith.constant 32 : index
      %get3A_1278 = tpu.vector_load %arg5[%get3A_1276, %get3A_1277] {strides = array<i32>} : memref<128x256xi32, #tpu.memory_space<vmem>>, vector<1x16xi32>,
      %get3A_1279 = vector.shape_cast %get3A_1278 : vector<1x16xi32> to vector<16xi32>
      %get3A_1280 = arith.index_cast %add3A_1267 : i32 to index
      %get3A_1281 = arith.constant 48 : index
      %get3A_1282 = tpu.vector_load %arg5[%get3A_1280, %get3A_1281] {strides = array<i32>} : memref<128x256xi32, #tpu.memory_space<vmem>>, vector<1x16xi32>,
      %get3A_1283 = vector.shape_cast %get3A_1282 : vector<1x16xi32> to vector<16xi32>
      %get3A_1284 = arith.index_cast %add3A_1267 : i32 to index
      %get3A_1285 = arith.constant 64 : index
      %get3A_1286 = tpu.vector_load %arg5[%get3A_1284, %get3A_1285] {strides = array<i32>} : memref<128x256xi32, #tpu.memory_space<vmem>>, vector<1x16xi32>,
      %get3A_1287 = vector.shape_cast %get3A_1286 : vector<1x16xi32> to vector<16xi32>
      %get3A_1288 = arith.index_cast %add3A_1267 : i32 to index
      %get3A_1289 = arith.constant 80 : index
      %get3A_1290 = tpu.vector_load %arg5[%get3A_1288, %get3A_1289] {strides = array<i32>} : memref<128x256xi32, #tpu.memory_space<vmem>>, vector<1x16xi32>,
      %get3A_1291 = vector.shape_cast %get3A_1290 : vector<1x16xi32> to vector<16xi32>
      %get3A_1292 = arith.index_cast %add3A_1267 : i32 to index
      %get3A_1293 = arith.constant 96 : index
      %get3A_1294 = tpu.vector_load %arg5[%get3A_1292, %get3A_1293] {strides = array<i32>} : memref<128x256xi32, #tpu.memory_space<vmem>>, vector<1x16xi32>,
      %get3A_1295 = vector.shape_cast %get3A_1294 : vector<1x16xi32> to vector<16xi32>
      %get3A_1296 = arith.index_cast %add3A_1267 : i32 to index
      %get3A_1297 = arith.constant 112 : index
      %get3A_1298 = tpu.vector_load %arg5[%get3A_1296, %get3A_1297] {strides = array<i32>} : memref<128x256xi32, #tpu.memory_space<vmem>>, vector<1x16xi32>,
      %get3A_1299 = vector.shape_cast %get3A_1298 : vector<1x16xi32> to vector<16xi32>
      %get3A_1300 = arith.index_cast %add3A_1267 : i32 to index
      %get3A_1301 = arith.constant 128 : index
      %get3A_1302 = tpu.vector_load %arg5[%get3A_1300, %get3A_1301] {strides = array<i32>} : memref<128x256xi32, #tpu.memory_space<vmem>>, vector<1x16xi32>,
      %get3A_1303 = vector.shape_cast %get3A_1302 : vector<1x16xi32> to vector<16xi32>
      %get3A_1304 = arith.index_cast %add3A_1267 : i32 to index
      %get3A_1305 = arith.constant 144 : index
      %get3A_1306 = tpu.vector_load %arg5[%get3A_1304, %get3A_1305] {strides = array<i32>} : memref<128x256xi32, #tpu.memory_space<vmem>>, vector<1x16xi32>,
      %get3A_1307 = vector.shape_cast %get3A_1306 : vector<1x16xi32> to vector<16xi32>
      %get3A_1308 = arith.index_cast %add3A_1267 : i32 to index
      %get3A_1309 = arith.constant 160 : index
      %get3A_1310 = tpu.vector_load %arg5[%get3A_1308, %get3A_1309] {strides = array<i32>} : memref<128x256xi32, #tpu.memory_space<vmem>>, vector<1x16xi32>,
      %get3A_1311 = vector.shape_cast %get3A_1310 : vector<1x16xi32> to vector<16xi32>
      %get3A_1312 = arith.index_cast %add3A_1267 : i32 to index
      %get3A_1313 = arith.constant 176 : index
      %get3A_1314 = tpu.vector_load %arg5[%get3A_1312, %get3A_1313] {strides = array<i32>} : memref<128x256xi32, #tpu.memory_space<vmem>>, vector<1x16xi32>,
      %get3A_1315 = vector.shape_cast %get3A_1314 : vector<1x16xi32> to vector<16xi32>
      %get3A_1316 = arith.index_cast %add3A_1267 : i32 to index
      %get3A_1317 = arith.constant 192 : index
      %get3A_1318 = tpu.vector_load %arg5[%get3A_1316, %get3A_1317] {strides = array<i32>} : memref<128x256xi32, #tpu.memory_space<vmem>>, vector<1x16xi32>,
      %get3A_1319 = vector.shape_cast %get3A_1318 : vector<1x16xi32> to vector<16xi32>
      %dma_wait3A_1320 = arith.constant 3 : i32
      %dma_wait3A_1321 = arith.constant 0 : i32
      %dma_wait3A_1322 = arith.constant 0 : i32
      %dma_wait3A_1323 = tpu.memref_slice %arg6[%dma_wait3A_1320, %dma_wait3A_1321, %dma_wait3A_1322] : memref<4x208x64xf32, #tpu.memory_space<vmem>> -> memref<1x16x64xf32, #tpu.memory_space<vmem>>
      %dma_wait3A_1324 = tpu.memref_squeeze %dma_wait3A_1323 : memref<1x16x64xf32, #tpu.memory_space<vmem>> -> memref<16x64xf32, #tpu.memory_space<vmem>>
      %dma_wait3A_1325 = arith.constant 0 : i32
      %dma_wait3A_1326 = arith.constant 0 : i32
      %dma_wait3A_1327 = tpu.memref_slice %arg3[%dma_wait3A_1325, %dma_wait3A_1326] : memref<1000001x64xf32, #tpu.memory_space<hbm>> -> memref<1000001x64xf32, #tpu.memory_space<hbm>>
      tpu.wait_indirect_dma semaphore(%arg12 : memref<!tpu.dma_semaphore, #tpu.memory_space<semaphore_mem>>) src(%dma_wait3A_1327 : memref<1000001x64xf32, #tpu.memory_space<hbm>>) dst(%dma_wait3A_1324 : memref<16x64xf32, #tpu.memory_space<vmem>>)
      %dma_wait3A_1328 = arith.constant 3 : i32
      %dma_wait3A_1329 = arith.constant 16 : i32
      %dma_wait3A_1330 = arith.constant 0 : i32
      %dma_wait3A_1331 = tpu.memref_slice %arg6[%dma_wait3A_1328, %dma_wait3A_1329, %dma_wait3A_1330] : memref<4x208x64xf32, #tpu.memory_space<vmem>> -> memref<1x16x64xf32, #tpu.memory_space<vmem>>
      %dma_wait3A_1332 = tpu.memref_squeeze %dma_wait3A_1331 : memref<1x16x64xf32, #tpu.memory_space<vmem>> -> memref<16x64xf32, #tpu.memory_space<vmem>>
      %dma_wait3A_1333 = arith.constant 0 : i32
      %dma_wait3A_1334 = arith.constant 0 : i32
      %dma_wait3A_1335 = tpu.memref_slice %arg3[%dma_wait3A_1333, %dma_wait3A_1334] : memref<1000001x64xf32, #tpu.memory_space<hbm>> -> memref<1000001x64xf32, #tpu.memory_space<hbm>>
      tpu.wait_indirect_dma semaphore(%arg12 : memref<!tpu.dma_semaphore, #tpu.memory_space<semaphore_mem>>) src(%dma_wait3A_1335 : memref<1000001x64xf32, #tpu.memory_space<hbm>>) dst(%dma_wait3A_1332 : memref<16x64xf32, #tpu.memory_space<vmem>>)
      %dma_wait3A_1336 = arith.constant 3 : i32
      %dma_wait3A_1337 = arith.constant 32 : i32
      %dma_wait3A_1338 = arith.constant 0 : i32
      %dma_wait3A_1339 = tpu.memref_slice %arg6[%dma_wait3A_1336, %dma_wait3A_1337, %dma_wait3A_1338] : memref<4x208x64xf32, #tpu.memory_space<vmem>> -> memref<1x16x64xf32, #tpu.memory_space<vmem>>
      %dma_wait3A_1340 = tpu.memref_squeeze %dma_wait3A_1339 : memref<1x16x64xf32, #tpu.memory_space<vmem>> -> memref<16x64xf32, #tpu.memory_space<vmem>>
      %dma_wait3A_1341 = arith.constant 0 : i32
      %dma_wait3A_1342 = arith.constant 0 : i32
      %dma_wait3A_1343 = tpu.memref_slice %arg3[%dma_wait3A_1341, %dma_wait3A_1342] : memref<1000001x64xf32, #tpu.memory_space<hbm>> -> memref<1000001x64xf32, #tpu.memory_space<hbm>>
      tpu.wait_indirect_dma semaphore(%arg12 : memref<!tpu.dma_semaphore, #tpu.memory_space<semaphore_mem>>) src(%dma_wait3A_1343 : memref<1000001x64xf32, #tpu.memory_space<hbm>>) dst(%dma_wait3A_1340 : memref<16x64xf32, #tpu.memory_space<vmem>>)
      %dma_wait3A_1344 = arith.constant 3 : i32
      %dma_wait3A_1345 = arith.constant 48 : i32
      %dma_wait3A_1346 = arith.constant 0 : i32
      %dma_wait3A_1347 = tpu.memref_slice %arg6[%dma_wait3A_1344, %dma_wait3A_1345, %dma_wait3A_1346] : memref<4x208x64xf32, #tpu.memory_space<vmem>> -> memref<1x16x64xf32, #tpu.memory_space<vmem>>
      %dma_wait3A_1348 = tpu.memref_squeeze %dma_wait3A_1347 : memref<1x16x64xf32, #tpu.memory_space<vmem>> -> memref<16x64xf32, #tpu.memory_space<vmem>>
      %dma_wait3A_1349 = arith.constant 0 : i32
      %dma_wait3A_1350 = arith.constant 0 : i32
      %dma_wait3A_1351 = tpu.memref_slice %arg3[%dma_wait3A_1349, %dma_wait3A_1350] : memref<1000001x64xf32, #tpu.memory_space<hbm>> -> memref<1000001x64xf32, #tpu.memory_space<hbm>>
      tpu.wait_indirect_dma semaphore(%arg12 : memref<!tpu.dma_semaphore, #tpu.memory_space<semaphore_mem>>) src(%dma_wait3A_1351 : memref<1000001x64xf32, #tpu.memory_space<hbm>>) dst(%dma_wait3A_1348 : memref<16x64xf32, #tpu.memory_space<vmem>>)
      %dma_wait3A_1352 = arith.constant 3 : i32
      %dma_wait3A_1353 = arith.constant 64 : i32
      %dma_wait3A_1354 = arith.constant 0 : i32
      %dma_wait3A_1355 = tpu.memref_slice %arg6[%dma_wait3A_1352, %dma_wait3A_1353, %dma_wait3A_1354] : memref<4x208x64xf32, #tpu.memory_space<vmem>> -> memref<1x16x64xf32, #tpu.memory_space<vmem>>
      %dma_wait3A_1356 = tpu.memref_squeeze %dma_wait3A_1355 : memref<1x16x64xf32, #tpu.memory_space<vmem>> -> memref<16x64xf32, #tpu.memory_space<vmem>>
      %dma_wait3A_1357 = arith.constant 0 : i32
      %dma_wait3A_1358 = arith.constant 0 : i32
      %dma_wait3A_1359 = tpu.memref_slice %arg3[%dma_wait3A_1357, %dma_wait3A_1358] : memref<1000001x64xf32, #tpu.memory_space<hbm>> -> memref<1000001x64xf32, #tpu.memory_space<hbm>>
      tpu.wait_indirect_dma semaphore(%arg12 : memref<!tpu.dma_semaphore, #tpu.memory_space<semaphore_mem>>) src(%dma_wait3A_1359 : memref<1000001x64xf32, #tpu.memory_space<hbm>>) dst(%dma_wait3A_1356 : memref<16x64xf32, #tpu.memory_space<vmem>>)
      %dma_wait3A_1360 = arith.constant 3 : i32
      %dma_wait3A_1361 = arith.constant 80 : i32
      %dma_wait3A_1362 = arith.constant 0 : i32
      %dma_wait3A_1363 = tpu.memref_slice %arg6[%dma_wait3A_1360, %dma_wait3A_1361, %dma_wait3A_1362] : memref<4x208x64xf32, #tpu.memory_space<vmem>> -> memref<1x16x64xf32, #tpu.memory_space<vmem>>
      %dma_wait3A_1364 = tpu.memref_squeeze %dma_wait3A_1363 : memref<1x16x64xf32, #tpu.memory_space<vmem>> -> memref<16x64xf32, #tpu.memory_space<vmem>>
      %dma_wait3A_1365 = arith.constant 0 : i32
      %dma_wait3A_1366 = arith.constant 0 : i32
      %dma_wait3A_1367 = tpu.memref_slice %arg3[%dma_wait3A_1365, %dma_wait3A_1366] : memref<1000001x64xf32, #tpu.memory_space<hbm>> -> memref<1000001x64xf32, #tpu.memory_space<hbm>>
      tpu.wait_indirect_dma semaphore(%arg12 : memref<!tpu.dma_semaphore, #tpu.memory_space<semaphore_mem>>) src(%dma_wait3A_1367 : memref<1000001x64xf32, #tpu.memory_space<hbm>>) dst(%dma_wait3A_1364 : memref<16x64xf32, #tpu.memory_space<vmem>>)
      %dma_wait3A_1368 = arith.constant 3 : i32
      %dma_wait3A_1369 = arith.constant 96 : i32
      %dma_wait3A_1370 = arith.constant 0 : i32
      %dma_wait3A_1371 = tpu.memref_slice %arg6[%dma_wait3A_1368, %dma_wait3A_1369, %dma_wait3A_1370] : memref<4x208x64xf32, #tpu.memory_space<vmem>> -> memref<1x16x64xf32, #tpu.memory_space<vmem>>
      %dma_wait3A_1372 = tpu.memref_squeeze %dma_wait3A_1371 : memref<1x16x64xf32, #tpu.memory_space<vmem>> -> memref<16x64xf32, #tpu.memory_space<vmem>>
      %dma_wait3A_1373 = arith.constant 0 : i32
      %dma_wait3A_1374 = arith.constant 0 : i32
      %dma_wait3A_1375 = tpu.memref_slice %arg3[%dma_wait3A_1373, %dma_wait3A_1374] : memref<1000001x64xf32, #tpu.memory_space<hbm>> -> memref<1000001x64xf32, #tpu.memory_space<hbm>>
      tpu.wait_indirect_dma semaphore(%arg12 : memref<!tpu.dma_semaphore, #tpu.memory_space<semaphore_mem>>) src(%dma_wait3A_1375 : memref<1000001x64xf32, #tpu.memory_space<hbm>>) dst(%dma_wait3A_1372 : memref<16x64xf32, #tpu.memory_space<vmem>>)
      %dma_wait3A_1376 = arith.constant 3 : i32
      %dma_wait3A_1377 = arith.constant 112 : i32
      %dma_wait3A_1378 = arith.constant 0 : i32
      %dma_wait3A_1379 = tpu.memref_slice %arg6[%dma_wait3A_1376, %dma_wait3A_1377, %dma_wait3A_1378] : memref<4x208x64xf32, #tpu.memory_space<vmem>> -> memref<1x16x64xf32, #tpu.memory_space<vmem>>
      %dma_wait3A_1380 = tpu.memref_squeeze %dma_wait3A_1379 : memref<1x16x64xf32, #tpu.memory_space<vmem>> -> memref<16x64xf32, #tpu.memory_space<vmem>>
      %dma_wait3A_1381 = arith.constant 0 : i32
      %dma_wait3A_1382 = arith.constant 0 : i32
      %dma_wait3A_1383 = tpu.memref_slice %arg3[%dma_wait3A_1381, %dma_wait3A_1382] : memref<1000001x64xf32, #tpu.memory_space<hbm>> -> memref<1000001x64xf32, #tpu.memory_space<hbm>>
      tpu.wait_indirect_dma semaphore(%arg12 : memref<!tpu.dma_semaphore, #tpu.memory_space<semaphore_mem>>) src(%dma_wait3A_1383 : memref<1000001x64xf32, #tpu.memory_space<hbm>>) dst(%dma_wait3A_1380 : memref<16x64xf32, #tpu.memory_space<vmem>>)
      %dma_wait3A_1384 = arith.constant 3 : i32
      %dma_wait3A_1385 = arith.constant 128 : i32
      %dma_wait3A_1386 = arith.constant 0 : i32
      %dma_wait3A_1387 = tpu.memref_slice %arg6[%dma_wait3A_1384, %dma_wait3A_1385, %dma_wait3A_1386] : memref<4x208x64xf32, #tpu.memory_space<vmem>> -> memref<1x16x64xf32, #tpu.memory_space<vmem>>
      %dma_wait3A_1388 = tpu.memref_squeeze %dma_wait3A_1387 : memref<1x16x64xf32, #tpu.memory_space<vmem>> -> memref<16x64xf32, #tpu.memory_space<vmem>>
      %dma_wait3A_1389 = arith.constant 0 : i32
      %dma_wait3A_1390 = arith.constant 0 : i32
      %dma_wait3A_1391 = tpu.memref_slice %arg3[%dma_wait3A_1389, %dma_wait3A_1390] : memref<1000001x64xf32, #tpu.memory_space<hbm>> -> memref<1000001x64xf32, #tpu.memory_space<hbm>>
      tpu.wait_indirect_dma semaphore(%arg12 : memref<!tpu.dma_semaphore, #tpu.memory_space<semaphore_mem>>) src(%dma_wait3A_1391 : memref<1000001x64xf32, #tpu.memory_space<hbm>>) dst(%dma_wait3A_1388 : memref<16x64xf32, #tpu.memory_space<vmem>>)
      %dma_wait3A_1392 = arith.constant 3 : i32
      %dma_wait3A_1393 = arith.constant 144 : i32
      %dma_wait3A_1394 = arith.constant 0 : i32
      %dma_wait3A_1395 = tpu.memref_slice %arg6[%dma_wait3A_1392, %dma_wait3A_1393, %dma_wait3A_1394] : memref<4x208x64xf32, #tpu.memory_space<vmem>> -> memref<1x16x64xf32, #tpu.memory_space<vmem>>
      %dma_wait3A_1396 = tpu.memref_squeeze %dma_wait3A_1395 : memref<1x16x64xf32, #tpu.memory_space<vmem>> -> memref<16x64xf32, #tpu.memory_space<vmem>>
      %dma_wait3A_1397 = arith.constant 0 : i32
      %dma_wait3A_1398 = arith.constant 0 : i32
      %dma_wait3A_1399 = tpu.memref_slice %arg3[%dma_wait3A_1397, %dma_wait3A_1398] : memref<1000001x64xf32, #tpu.memory_space<hbm>> -> memref<1000001x64xf32, #tpu.memory_space<hbm>>
      tpu.wait_indirect_dma semaphore(%arg12 : memref<!tpu.dma_semaphore, #tpu.memory_space<semaphore_mem>>) src(%dma_wait3A_1399 : memref<1000001x64xf32, #tpu.memory_space<hbm>>) dst(%dma_wait3A_1396 : memref<16x64xf32, #tpu.memory_space<vmem>>)
      %dma_wait3A_1400 = arith.constant 3 : i32
      %dma_wait3A_1401 = arith.constant 160 : i32
      %dma_wait3A_1402 = arith.constant 0 : i32
      %dma_wait3A_1403 = tpu.memref_slice %arg6[%dma_wait3A_1400, %dma_wait3A_1401, %dma_wait3A_1402] : memref<4x208x64xf32, #tpu.memory_space<vmem>> -> memref<1x16x64xf32, #tpu.memory_space<vmem>>
      %dma_wait3A_1404 = tpu.memref_squeeze %dma_wait3A_1403 : memref<1x16x64xf32, #tpu.memory_space<vmem>> -> memref<16x64xf32, #tpu.memory_space<vmem>>
      %dma_wait3A_1405 = arith.constant 0 : i32
      %dma_wait3A_1406 = arith.constant 0 : i32
      %dma_wait3A_1407 = tpu.memref_slice %arg3[%dma_wait3A_1405, %dma_wait3A_1406] : memref<1000001x64xf32, #tpu.memory_space<hbm>> -> memref<1000001x64xf32, #tpu.memory_space<hbm>>
      tpu.wait_indirect_dma semaphore(%arg12 : memref<!tpu.dma_semaphore, #tpu.memory_space<semaphore_mem>>) src(%dma_wait3A_1407 : memref<1000001x64xf32, #tpu.memory_space<hbm>>) dst(%dma_wait3A_1404 : memref<16x64xf32, #tpu.memory_space<vmem>>)
      %dma_wait3A_1408 = arith.constant 3 : i32
      %dma_wait3A_1409 = arith.constant 176 : i32
      %dma_wait3A_1410 = arith.constant 0 : i32
      %dma_wait3A_1411 = tpu.memref_slice %arg6[%dma_wait3A_1408, %dma_wait3A_1409, %dma_wait3A_1410] : memref<4x208x64xf32, #tpu.memory_space<vmem>> -> memref<1x16x64xf32, #tpu.memory_space<vmem>>
      %dma_wait3A_1412 = tpu.memref_squeeze %dma_wait3A_1411 : memref<1x16x64xf32, #tpu.memory_space<vmem>> -> memref<16x64xf32, #tpu.memory_space<vmem>>
      %dma_wait3A_1413 = arith.constant 0 : i32
      %dma_wait3A_1414 = arith.constant 0 : i32
      %dma_wait3A_1415 = tpu.memref_slice %arg3[%dma_wait3A_1413, %dma_wait3A_1414] : memref<1000001x64xf32, #tpu.memory_space<hbm>> -> memref<1000001x64xf32, #tpu.memory_space<hbm>>
      tpu.wait_indirect_dma semaphore(%arg12 : memref<!tpu.dma_semaphore, #tpu.memory_space<semaphore_mem>>) src(%dma_wait3A_1415 : memref<1000001x64xf32, #tpu.memory_space<hbm>>) dst(%dma_wait3A_1412 : memref<16x64xf32, #tpu.memory_space<vmem>>)
      %dma_wait3A_1416 = arith.constant 3 : i32
      %dma_wait3A_1417 = arith.constant 192 : i32
      %dma_wait3A_1418 = arith.constant 0 : i32
      %dma_wait3A_1419 = tpu.memref_slice %arg6[%dma_wait3A_1416, %dma_wait3A_1417, %dma_wait3A_1418] : memref<4x208x64xf32, #tpu.memory_space<vmem>> -> memref<1x16x64xf32, #tpu.memory_space<vmem>>
      %dma_wait3A_1420 = tpu.memref_squeeze %dma_wait3A_1419 : memref<1x16x64xf32, #tpu.memory_space<vmem>> -> memref<16x64xf32, #tpu.memory_space<vmem>>
      %dma_wait3A_1421 = arith.constant 0 : i32
      %dma_wait3A_1422 = arith.constant 0 : i32
      %dma_wait3A_1423 = tpu.memref_slice %arg3[%dma_wait3A_1421, %dma_wait3A_1422] : memref<1000001x64xf32, #tpu.memory_space<hbm>> -> memref<1000001x64xf32, #tpu.memory_space<hbm>>
      tpu.wait_indirect_dma semaphore(%arg12 : memref<!tpu.dma_semaphore, #tpu.memory_space<semaphore_mem>>) src(%dma_wait3A_1423 : memref<1000001x64xf32, #tpu.memory_space<hbm>>) dst(%dma_wait3A_1420 : memref<16x64xf32, #tpu.memory_space<vmem>>)
      %broadcast_in_dim3A_1424 = arith.constant 0.000000e+00 : f32
      %broadcast_in_dim3A_1425 = vector.broadcast %broadcast_in_dim3A_1424 : f32 to vector<16xf32>
      %scan3A_1426 = arith.constant 0 : i32
      %scan3A_1427 = arith.constant 52 : i32
      %scan3A_1428 = arith.addi %scan3A_1426, %scan3A_1427 : i32
      %scan3A_1429 = arith.constant 1 : i32
      %scan3A_1430:4 = scf.for %scan3A_1459 = %scan3A_1426 to %scan3A_1428 step %scan3A_1429 iter_args(%scan3A_1460 = %broadcast_in_dim3A_1425, %scan3A_1461 = %broadcast_in_dim3A_1425, %scan3A_1462 = %broadcast_in_dim3A_1425, %scan3A_1463 = %broadcast_in_dim3A_1425) -> (vector<16xf32>, vector<16xf32>, vector<16xf32>, vector<16xf32>)  : i32 {
        %mul3A_1464 = arith.constant 4 : i32
        %mul3A_1465 = arith.muli %scan3A_1459, %mul3A_1464 : i32
        %add3A_1466 = arith.constant 0 : i32
        %add3A_1467 = arith.addi %mul3A_1465, %add3A_1466 : i32
        %get3A_1468 = arith.constant 3 : i32
        %get3A_1469 = arith.index_cast %get3A_1468 : i32 to index
        %get3A_1470 = arith.index_cast %add3A_1467 : i32 to index
        %get3A_1471 = arith.constant 0 : index
        %get3A_1472 = tpu.vector_load %arg6[%get3A_1469, %get3A_1470, %get3A_1471] {strides = array<i32>} : memref<4x208x64xf32, #tpu.memory_space<vmem>>, vector<1x1x16xf32>,
        %get3A_1473 = vector.shape_cast %get3A_1472 : vector<1x1x16xf32> to vector<16xf32>
        %add3A_1474 = arith.addf %scan3A_1460, %get3A_1473 : vector<16xf32>
        %add3A_1475 = arith.constant 0 : i32
        %add3A_1476 = arith.addi %mul3A_1465, %add3A_1475 : i32
        %get3A_1477 = arith.constant 3 : i32
        %get3A_1478 = arith.index_cast %get3A_1477 : i32 to index
        %get3A_1479 = arith.index_cast %add3A_1476 : i32 to index
        %get3A_1480 = arith.constant 16 : index
        %get3A_1481 = tpu.vector_load %arg6[%get3A_1478, %get3A_1479, %get3A_1480] {strides = array<i32>} : memref<4x208x64xf32, #tpu.memory_space<vmem>>, vector<1x1x16xf32>,
        %get3A_1482 = vector.shape_cast %get3A_1481 : vector<1x1x16xf32> to vector<16xf32>
        %add3A_1483 = arith.addf %scan3A_1461, %get3A_1482 : vector<16xf32>
        %add3A_1484 = arith.constant 0 : i32
        %add3A_1485 = arith.addi %mul3A_1465, %add3A_1484 : i32
        %get3A_1486 = arith.constant 3 : i32
        %get3A_1487 = arith.index_cast %get3A_1486 : i32 to index
        %get3A_1488 = arith.index_cast %add3A_1485 : i32 to index
        %get3A_1489 = arith.constant 32 : index
        %get3A_1490 = tpu.vector_load %arg6[%get3A_1487, %get3A_1488, %get3A_1489] {strides = array<i32>} : memref<4x208x64xf32, #tpu.memory_space<vmem>>, vector<1x1x16xf32>,
        %get3A_1491 = vector.shape_cast %get3A_1490 : vector<1x1x16xf32> to vector<16xf32>
        %add3A_1492 = arith.addf %scan3A_1462, %get3A_1491 : vector<16xf32>
        %add3A_1493 = arith.constant 0 : i32
        %add3A_1494 = arith.addi %mul3A_1465, %add3A_1493 : i32
        %get3A_1495 = arith.constant 3 : i32
        %get3A_1496 = arith.index_cast %get3A_1495 : i32 to index
        %get3A_1497 = arith.index_cast %add3A_1494 : i32 to index
        %get3A_1498 = arith.constant 48 : index
        %get3A_1499 = tpu.vector_load %arg6[%get3A_1496, %get3A_1497, %get3A_1498] {strides = array<i32>} : memref<4x208x64xf32, #tpu.memory_space<vmem>>, vector<1x1x16xf32>,
        %get3A_1500 = vector.shape_cast %get3A_1499 : vector<1x1x16xf32> to vector<16xf32>
        %add3A_1501 = arith.addf %scan3A_1463, %get3A_1500 : vector<16xf32>
        %add3A_1502 = arith.constant 1 : i32
        %add3A_1503 = arith.addi %mul3A_1465, %add3A_1502 : i32
        %get3A_1504 = arith.constant 3 : i32
        %get3A_1505 = arith.index_cast %get3A_1504 : i32 to index
        %get3A_1506 = arith.index_cast %add3A_1503 : i32 to index
        %get3A_1507 = arith.constant 0 : index
        %get3A_1508 = tpu.vector_load %arg6[%get3A_1505, %get3A_1506, %get3A_1507] {strides = array<i32>} : memref<4x208x64xf32, #tpu.memory_space<vmem>>, vector<1x1x16xf32>,
        %get3A_1509 = vector.shape_cast %get3A_1508 : vector<1x1x16xf32> to vector<16xf32>
        %add3A_1510 = arith.addf %add3A_1474, %get3A_1509 : vector<16xf32>
        %add3A_1511 = arith.constant 1 : i32
        %add3A_1512 = arith.addi %mul3A_1465, %add3A_1511 : i32
        %get3A_1513 = arith.constant 3 : i32
        %get3A_1514 = arith.index_cast %get3A_1513 : i32 to index
        %get3A_1515 = arith.index_cast %add3A_1512 : i32 to index
        %get3A_1516 = arith.constant 16 : index
        %get3A_1517 = tpu.vector_load %arg6[%get3A_1514, %get3A_1515, %get3A_1516] {strides = array<i32>} : memref<4x208x64xf32, #tpu.memory_space<vmem>>, vector<1x1x16xf32>,
        %get3A_1518 = vector.shape_cast %get3A_1517 : vector<1x1x16xf32> to vector<16xf32>
        %add3A_1519 = arith.addf %add3A_1483, %get3A_1518 : vector<16xf32>
        %add3A_1520 = arith.constant 1 : i32
        %add3A_1521 = arith.addi %mul3A_1465, %add3A_1520 : i32
        %get3A_1522 = arith.constant 3 : i32
        %get3A_1523 = arith.index_cast %get3A_1522 : i32 to index
        %get3A_1524 = arith.index_cast %add3A_1521 : i32 to index
        %get3A_1525 = arith.constant 32 : index
        %get3A_1526 = tpu.vector_load %arg6[%get3A_1523, %get3A_1524, %get3A_1525] {strides = array<i32>} : memref<4x208x64xf32, #tpu.memory_space<vmem>>, vector<1x1x16xf32>,
        %get3A_1527 = vector.shape_cast %get3A_1526 : vector<1x1x16xf32> to vector<16xf32>
        %add3A_1528 = arith.addf %add3A_1492, %get3A_1527 : vector<16xf32>
        %add3A_1529 = arith.constant 1 : i32
        %add3A_1530 = arith.addi %mul3A_1465, %add3A_1529 : i32
        %get3A_1531 = arith.constant 3 : i32
        %get3A_1532 = arith.index_cast %get3A_1531 : i32 to index
        %get3A_1533 = arith.index_cast %add3A_1530 : i32 to index
        %get3A_1534 = arith.constant 48 : index
        %get3A_1535 = tpu.vector_load %arg6[%get3A_1532, %get3A_1533, %get3A_1534] {strides = array<i32>} : memref<4x208x64xf32, #tpu.memory_space<vmem>>, vector<1x1x16xf32>,
        %get3A_1536 = vector.shape_cast %get3A_1535 : vector<1x1x16xf32> to vector<16xf32>
        %add3A_1537 = arith.addf %add3A_1501, %get3A_1536 : vector<16xf32>
        %add3A_1538 = arith.constant 2 : i32
        %add3A_1539 = arith.addi %mul3A_1465, %add3A_1538 : i32
        %get3A_1540 = arith.constant 3 : i32
        %get3A_1541 = arith.index_cast %get3A_1540 : i32 to index
        %get3A_1542 = arith.index_cast %add3A_1539 : i32 to index
        %get3A_1543 = arith.constant 0 : index
        %get3A_1544 = tpu.vector_load %arg6[%get3A_1541, %get3A_1542, %get3A_1543] {strides = array<i32>} : memref<4x208x64xf32, #tpu.memory_space<vmem>>, vector<1x1x16xf32>,
        %get3A_1545 = vector.shape_cast %get3A_1544 : vector<1x1x16xf32> to vector<16xf32>
        %add3A_1546 = arith.addf %add3A_1510, %get3A_1545 : vector<16xf32>
        %add3A_1547 = arith.constant 2 : i32
        %add3A_1548 = arith.addi %mul3A_1465, %add3A_1547 : i32
        %get3A_1549 = arith.constant 3 : i32
        %get3A_1550 = arith.index_cast %get3A_1549 : i32 to index
        %get3A_1551 = arith.index_cast %add3A_1548 : i32 to index
        %get3A_1552 = arith.constant 16 : index
        %get3A_1553 = tpu.vector_load %arg6[%get3A_1550, %get3A_1551, %get3A_1552] {strides = array<i32>} : memref<4x208x64xf32, #tpu.memory_space<vmem>>, vector<1x1x16xf32>,
        %get3A_1554 = vector.shape_cast %get3A_1553 : vector<1x1x16xf32> to vector<16xf32>
        %add3A_1555 = arith.addf %add3A_1519, %get3A_1554 : vector<16xf32>
        %add3A_1556 = arith.constant 2 : i32
        %add3A_1557 = arith.addi %mul3A_1465, %add3A_1556 : i32
        %get3A_1558 = arith.constant 3 : i32
        %get3A_1559 = arith.index_cast %get3A_1558 : i32 to index
        %get3A_1560 = arith.index_cast %add3A_1557 : i32 to index
        %get3A_1561 = arith.constant 32 : index
        %get3A_1562 = tpu.vector_load %arg6[%get3A_1559, %get3A_1560, %get3A_1561] {strides = array<i32>} : memref<4x208x64xf32, #tpu.memory_space<vmem>>, vector<1x1x16xf32>,
        %get3A_1563 = vector.shape_cast %get3A_1562 : vector<1x1x16xf32> to vector<16xf32>
        %add3A_1564 = arith.addf %add3A_1528, %get3A_1563 : vector<16xf32>
        %add3A_1565 = arith.constant 2 : i32
        %add3A_1566 = arith.addi %mul3A_1465, %add3A_1565 : i32
        %get3A_1567 = arith.constant 3 : i32
        %get3A_1568 = arith.index_cast %get3A_1567 : i32 to index
        %get3A_1569 = arith.index_cast %add3A_1566 : i32 to index
        %get3A_1570 = arith.constant 48 : index
        %get3A_1571 = tpu.vector_load %arg6[%get3A_1568, %get3A_1569, %get3A_1570] {strides = array<i32>} : memref<4x208x64xf32, #tpu.memory_space<vmem>>, vector<1x1x16xf32>,
        %get3A_1572 = vector.shape_cast %get3A_1571 : vector<1x1x16xf32> to vector<16xf32>
        %add3A_1573 = arith.addf %add3A_1537, %get3A_1572 : vector<16xf32>
        %add3A_1574 = arith.constant 3 : i32
        %add3A_1575 = arith.addi %mul3A_1465, %add3A_1574 : i32
        %get3A_1576 = arith.constant 3 : i32
        %get3A_1577 = arith.index_cast %get3A_1576 : i32 to index
        %get3A_1578 = arith.index_cast %add3A_1575 : i32 to index
        %get3A_1579 = arith.constant 0 : index
        %get3A_1580 = tpu.vector_load %arg6[%get3A_1577, %get3A_1578, %get3A_1579] {strides = array<i32>} : memref<4x208x64xf32, #tpu.memory_space<vmem>>, vector<1x1x16xf32>,
        %get3A_1581 = vector.shape_cast %get3A_1580 : vector<1x1x16xf32> to vector<16xf32>
        %add3A_1582 = arith.addf %add3A_1546, %get3A_1581 : vector<16xf32>
        %add3A_1583 = arith.constant 3 : i32
        %add3A_1584 = arith.addi %mul3A_1465, %add3A_1583 : i32
        %get3A_1585 = arith.constant 3 : i32
        %get3A_1586 = arith.index_cast %get3A_1585 : i32 to index
        %get3A_1587 = arith.index_cast %add3A_1584 : i32 to index
        %get3A_1588 = arith.constant 16 : index
        %get3A_1589 = tpu.vector_load %arg6[%get3A_1586, %get3A_1587, %get3A_1588] {strides = array<i32>} : memref<4x208x64xf32, #tpu.memory_space<vmem>>, vector<1x1x16xf32>,
        %get3A_1590 = vector.shape_cast %get3A_1589 : vector<1x1x16xf32> to vector<16xf32>
        %add3A_1591 = arith.addf %add3A_1555, %get3A_1590 : vector<16xf32>
        %add3A_1592 = arith.constant 3 : i32
        %add3A_1593 = arith.addi %mul3A_1465, %add3A_1592 : i32
        %get3A_1594 = arith.constant 3 : i32
        %get3A_1595 = arith.index_cast %get3A_1594 : i32 to index
        %get3A_1596 = arith.index_cast %add3A_1593 : i32 to index
        %get3A_1597 = arith.constant 32 : index
        %get3A_1598 = tpu.vector_load %arg6[%get3A_1595, %get3A_1596, %get3A_1597] {strides = array<i32>} : memref<4x208x64xf32, #tpu.memory_space<vmem>>, vector<1x1x16xf32>,
        %get3A_1599 = vector.shape_cast %get3A_1598 : vector<1x1x16xf32> to vector<16xf32>
        %add3A_1600 = arith.addf %add3A_1564, %get3A_1599 : vector<16xf32>
        %add3A_1601 = arith.constant 3 : i32
        %add3A_1602 = arith.addi %mul3A_1465, %add3A_1601 : i32
        %get3A_1603 = arith.constant 3 : i32
        %get3A_1604 = arith.index_cast %get3A_1603 : i32 to index
        %get3A_1605 = arith.index_cast %add3A_1602 : i32 to index
        %get3A_1606 = arith.constant 48 : index
        %get3A_1607 = tpu.vector_load %arg6[%get3A_1604, %get3A_1605, %get3A_1606] {strides = array<i32>} : memref<4x208x64xf32, #tpu.memory_space<vmem>>, vector<1x1x16xf32>,
        %get3A_1608 = vector.shape_cast %get3A_1607 : vector<1x1x16xf32> to vector<16xf32>
        %add3A_1609 = arith.addf %add3A_1573, %get3A_1608 : vector<16xf32>
        scf.yield %add3A_1582, %add3A_1591, %add3A_1600, %add3A_1609 : vector<16xf32>, vector<16xf32>, vector<16xf32>, vector<16xf32>
      }
      %scan3A_1431 = arith.constant 52 : i32
      %swap3A_1432 = arith.index_cast %add3A_1267 : i32 to index
      %swap3A_1433 = arith.constant 0 : index
      %swap3A_1434 = tpu.vector_load %arg7[%swap3A_1432, %swap3A_1433] {strides = array<i32>} : memref<128x64xf32, #tpu.memory_space<vmem>>, vector<1x16xf32>,
      %swap3A_1435 = vector.shape_cast %swap3A_1434 : vector<1x16xf32> to vector<16xf32>
      %swap3A_1436 = vector.shape_cast %scan3A_1430#0 : vector<16xf32> to vector<1x16xf32>
      tpu.vector_store %arg7[%swap3A_1432, %swap3A_1433], %swap3A_1436 {strides = array<i32>} : memref<128x64xf32, #tpu.memory_space<vmem>>, vector<1x16xf32>,
      %swap3A_1437 = arith.index_cast %add3A_1267 : i32 to index
      %swap3A_1438 = arith.constant 16 : index
      %swap3A_1439 = tpu.vector_load %arg7[%swap3A_1437, %swap3A_1438] {strides = array<i32>} : memref<128x64xf32, #tpu.memory_space<vmem>>, vector<1x16xf32>,
      %swap3A_1440 = vector.shape_cast %swap3A_1439 : vector<1x16xf32> to vector<16xf32>
      %swap3A_1441 = vector.shape_cast %scan3A_1430#1 : vector<16xf32> to vector<1x16xf32>
      tpu.vector_store %arg7[%swap3A_1437, %swap3A_1438], %swap3A_1441 {strides = array<i32>} : memref<128x64xf32, #tpu.memory_space<vmem>>, vector<1x16xf32>,
      %swap3A_1442 = arith.index_cast %add3A_1267 : i32 to index
      %swap3A_1443 = arith.constant 32 : index
      %swap3A_1444 = tpu.vector_load %arg7[%swap3A_1442, %swap3A_1443] {strides = array<i32>} : memref<128x64xf32, #tpu.memory_space<vmem>>, vector<1x16xf32>,
      %swap3A_1445 = vector.shape_cast %swap3A_1444 : vector<1x16xf32> to vector<16xf32>
      %swap3A_1446 = vector.shape_cast %scan3A_1430#2 : vector<16xf32> to vector<1x16xf32>
      tpu.vector_store %arg7[%swap3A_1442, %swap3A_1443], %swap3A_1446 {strides = array<i32>} : memref<128x64xf32, #tpu.memory_space<vmem>>, vector<1x16xf32>,
      %swap3A_1447 = arith.index_cast %add3A_1267 : i32 to index
      %swap3A_1448 = arith.constant 48 : index
      %swap3A_1449 = tpu.vector_load %arg7[%swap3A_1447, %swap3A_1448] {strides = array<i32>} : memref<128x64xf32, #tpu.memory_space<vmem>>, vector<1x16xf32>,
      %swap3A_1450 = vector.shape_cast %swap3A_1449 : vector<1x16xf32> to vector<16xf32>
      %swap3A_1451 = vector.shape_cast %scan3A_1430#3 : vector<16xf32> to vector<1x16xf32>
      tpu.vector_store %arg7[%swap3A_1447, %swap3A_1448], %swap3A_1451 {strides = array<i32>} : memref<128x64xf32, #tpu.memory_space<vmem>>, vector<1x16xf32>,
      %add3A_1452 = arith.constant 4 : i32
      %add3A_1453 = arith.addi %add3A_1267, %add3A_1452 : i32
      %lt3A_1454 = arith.constant 128 : i32
      %lt3A_1455 = arith.cmpi slt, %add3A_1453, %lt3A_1454 : i32
      %convert_element_type3A_1456 = arith.extui %lt3A_1455 : i1 to i32
      %cond3A_1457 = arith.constant 0 : i32
      %cond3A_1458 = arith.cmpi ne, %convert_element_type3A_1456, %cond3A_1457 : i32
      scf.if %cond3A_1458 {
        %add3A_1459 = arith.constant 4 : i32
        %add3A_1460 = arith.addi %add3A_1267, %add3A_1459 : i32
        %get3A_1461 = arith.index_cast %add3A_1460 : i32 to index
        %get3A_1462 = arith.constant 0 : index
        %get3A_1463 = tpu.vector_load %arg5[%get3A_1461, %get3A_1462] {strides = array<i32>} : memref<128x256xi32, #tpu.memory_space<vmem>>, vector<1x16xi32>,
        %get3A_1464 = vector.shape_cast %get3A_1463 : vector<1x16xi32> to vector<16xi32>
        %get3A_1465 = arith.index_cast %add3A_1460 : i32 to index
        %get3A_1466 = arith.constant 16 : index
        %get3A_1467 = tpu.vector_load %arg5[%get3A_1465, %get3A_1466] {strides = array<i32>} : memref<128x256xi32, #tpu.memory_space<vmem>>, vector<1x16xi32>,
        %get3A_1468 = vector.shape_cast %get3A_1467 : vector<1x16xi32> to vector<16xi32>
        %get3A_1469 = arith.index_cast %add3A_1460 : i32 to index
        %get3A_1470 = arith.constant 32 : index
        %get3A_1471 = tpu.vector_load %arg5[%get3A_1469, %get3A_1470] {strides = array<i32>} : memref<128x256xi32, #tpu.memory_space<vmem>>, vector<1x16xi32>,
        %get3A_1472 = vector.shape_cast %get3A_1471 : vector<1x16xi32> to vector<16xi32>
        %get3A_1473 = arith.index_cast %add3A_1460 : i32 to index
        %get3A_1474 = arith.constant 48 : index
        %get3A_1475 = tpu.vector_load %arg5[%get3A_1473, %get3A_1474] {strides = array<i32>} : memref<128x256xi32, #tpu.memory_space<vmem>>, vector<1x16xi32>,
        %get3A_1476 = vector.shape_cast %get3A_1475 : vector<1x16xi32> to vector<16xi32>
        %get3A_1477 = arith.index_cast %add3A_1460 : i32 to index
        %get3A_1478 = arith.constant 64 : index
        %get3A_1479 = tpu.vector_load %arg5[%get3A_1477, %get3A_1478] {strides = array<i32>} : memref<128x256xi32, #tpu.memory_space<vmem>>, vector<1x16xi32>,
        %get3A_1480 = vector.shape_cast %get3A_1479 : vector<1x16xi32> to vector<16xi32>
        %get3A_1481 = arith.index_cast %add3A_1460 : i32 to index
        %get3A_1482 = arith.constant 80 : index
        %get3A_1483 = tpu.vector_load %arg5[%get3A_1481, %get3A_1482] {strides = array<i32>} : memref<128x256xi32, #tpu.memory_space<vmem>>, vector<1x16xi32>,
        %get3A_1484 = vector.shape_cast %get3A_1483 : vector<1x16xi32> to vector<16xi32>
        %get3A_1485 = arith.index_cast %add3A_1460 : i32 to index
        %get3A_1486 = arith.constant 96 : index
        %get3A_1487 = tpu.vector_load %arg5[%get3A_1485, %get3A_1486] {strides = array<i32>} : memref<128x256xi32, #tpu.memory_space<vmem>>, vector<1x16xi32>,
        %get3A_1488 = vector.shape_cast %get3A_1487 : vector<1x16xi32> to vector<16xi32>
        %get3A_1489 = arith.index_cast %add3A_1460 : i32 to index
        %get3A_1490 = arith.constant 112 : index
        %get3A_1491 = tpu.vector_load %arg5[%get3A_1489, %get3A_1490] {strides = array<i32>} : memref<128x256xi32, #tpu.memory_space<vmem>>, vector<1x16xi32>,
        %get3A_1492 = vector.shape_cast %get3A_1491 : vector<1x16xi32> to vector<16xi32>
        %get3A_1493 = arith.index_cast %add3A_1460 : i32 to index
        %get3A_1494 = arith.constant 128 : index
        %get3A_1495 = tpu.vector_load %arg5[%get3A_1493, %get3A_1494] {strides = array<i32>} : memref<128x256xi32, #tpu.memory_space<vmem>>, vector<1x16xi32>,
        %get3A_1496 = vector.shape_cast %get3A_1495 : vector<1x16xi32> to vector<16xi32>
        %get3A_1497 = arith.index_cast %add3A_1460 : i32 to index
        %get3A_1498 = arith.constant 144 : index
        %get3A_1499 = tpu.vector_load %arg5[%get3A_1497, %get3A_1498] {strides = array<i32>} : memref<128x256xi32, #tpu.memory_space<vmem>>, vector<1x16xi32>,
        %get3A_1500 = vector.shape_cast %get3A_1499 : vector<1x16xi32> to vector<16xi32>
        %get3A_1501 = arith.index_cast %add3A_1460 : i32 to index
        %get3A_1502 = arith.constant 160 : index
        %get3A_1503 = tpu.vector_load %arg5[%get3A_1501, %get3A_1502] {strides = array<i32>} : memref<128x256xi32, #tpu.memory_space<vmem>>, vector<1x16xi32>,
        %get3A_1504 = vector.shape_cast %get3A_1503 : vector<1x16xi32> to vector<16xi32>
        %get3A_1505 = arith.index_cast %add3A_1460 : i32 to index
        %get3A_1506 = arith.constant 176 : index
        %get3A_1507 = tpu.vector_load %arg5[%get3A_1505, %get3A_1506] {strides = array<i32>} : memref<128x256xi32, #tpu.memory_space<vmem>>, vector<1x16xi32>,
        %get3A_1508 = vector.shape_cast %get3A_1507 : vector<1x16xi32> to vector<16xi32>
        %get3A_1509 = arith.index_cast %add3A_1460 : i32 to index
        %get3A_1510 = arith.constant 192 : index
        %get3A_1511 = tpu.vector_load %arg5[%get3A_1509, %get3A_1510] {strides = array<i32>} : memref<128x256xi32, #tpu.memory_space<vmem>>, vector<1x16xi32>,
        %get3A_1512 = vector.shape_cast %get3A_1511 : vector<1x16xi32> to vector<16xi32>
        %dma_start3A_1513 = arith.constant 3 : i32
        %dma_start3A_1514 = arith.constant 0 : i32
        %dma_start3A_1515 = arith.constant 0 : i32
        %dma_start3A_1516 = tpu.memref_slice %arg6[%dma_start3A_1513, %dma_start3A_1514, %dma_start3A_1515] : memref<4x208x64xf32, #tpu.memory_space<vmem>> -> memref<1x16x64xf32, #tpu.memory_space<vmem>>
        %dma_start3A_1517 = tpu.memref_squeeze %dma_start3A_1516 : memref<1x16x64xf32, #tpu.memory_space<vmem>> -> memref<16x64xf32, #tpu.memory_space<vmem>>
        %dma_start3A_1518 = arith.constant 0 : i32
        %dma_start3A_1519 = arith.constant 0 : i32
        %dma_start3A_1520 = tpu.memref_slice %arg3[%dma_start3A_1518, %dma_start3A_1519] : memref<1000001x64xf32, #tpu.memory_space<hbm>> -> memref<1000001x64xf32, #tpu.memory_space<hbm>>
        tpu.enqueue_indirect_dma source(%dma_start3A_1520 : memref<1000001x64xf32, #tpu.memory_space<hbm>>) target(%dma_start3A_1517 : memref<16x64xf32, #tpu.memory_space<vmem>>) offsets(%get3A_1464 : vector<16xi32>) semaphore(%arg12 : memref<!tpu.dma_semaphore, #tpu.memory_space<semaphore_mem>>)
        %dma_start3A_1521 = arith.constant 3 : i32
        %dma_start3A_1522 = arith.constant 16 : i32
        %dma_start3A_1523 = arith.constant 0 : i32
        %dma_start3A_1524 = tpu.memref_slice %arg6[%dma_start3A_1521, %dma_start3A_1522, %dma_start3A_1523] : memref<4x208x64xf32, #tpu.memory_space<vmem>> -> memref<1x16x64xf32, #tpu.memory_space<vmem>>
        %dma_start3A_1525 = tpu.memref_squeeze %dma_start3A_1524 : memref<1x16x64xf32, #tpu.memory_space<vmem>> -> memref<16x64xf32, #tpu.memory_space<vmem>>
        %dma_start3A_1526 = arith.constant 0 : i32
        %dma_start3A_1527 = arith.constant 0 : i32
        %dma_start3A_1528 = tpu.memref_slice %arg3[%dma_start3A_1526, %dma_start3A_1527] : memref<1000001x64xf32, #tpu.memory_space<hbm>> -> memref<1000001x64xf32, #tpu.memory_space<hbm>>
        tpu.enqueue_indirect_dma source(%dma_start3A_1528 : memref<1000001x64xf32, #tpu.memory_space<hbm>>) target(%dma_start3A_1525 : memref<16x64xf32, #tpu.memory_space<vmem>>) offsets(%get3A_1468 : vector<16xi32>) semaphore(%arg12 : memref<!tpu.dma_semaphore, #tpu.memory_space<semaphore_mem>>)
        %dma_start3A_1529 = arith.constant 3 : i32
        %dma_start3A_1530 = arith.constant 32 : i32
        %dma_start3A_1531 = arith.constant 0 : i32
        %dma_start3A_1532 = tpu.memref_slice %arg6[%dma_start3A_1529, %dma_start3A_1530, %dma_start3A_1531] : memref<4x208x64xf32, #tpu.memory_space<vmem>> -> memref<1x16x64xf32, #tpu.memory_space<vmem>>
        %dma_start3A_1533 = tpu.memref_squeeze %dma_start3A_1532 : memref<1x16x64xf32, #tpu.memory_space<vmem>> -> memref<16x64xf32, #tpu.memory_space<vmem>>
        %dma_start3A_1534 = arith.constant 0 : i32
        %dma_start3A_1535 = arith.constant 0 : i32
        %dma_start3A_1536 = tpu.memref_slice %arg3[%dma_start3A_1534, %dma_start3A_1535] : memref<1000001x64xf32, #tpu.memory_space<hbm>> -> memref<1000001x64xf32, #tpu.memory_space<hbm>>
        tpu.enqueue_indirect_dma source(%dma_start3A_1536 : memref<1000001x64xf32, #tpu.memory_space<hbm>>) target(%dma_start3A_1533 : memref<16x64xf32, #tpu.memory_space<vmem>>) offsets(%get3A_1472 : vector<16xi32>) semaphore(%arg12 : memref<!tpu.dma_semaphore, #tpu.memory_space<semaphore_mem>>)
        %dma_start3A_1537 = arith.constant 3 : i32
        %dma_start3A_1538 = arith.constant 48 : i32
        %dma_start3A_1539 = arith.constant 0 : i32
        %dma_start3A_1540 = tpu.memref_slice %arg6[%dma_start3A_1537, %dma_start3A_1538, %dma_start3A_1539] : memref<4x208x64xf32, #tpu.memory_space<vmem>> -> memref<1x16x64xf32, #tpu.memory_space<vmem>>
        %dma_start3A_1541 = tpu.memref_squeeze %dma_start3A_1540 : memref<1x16x64xf32, #tpu.memory_space<vmem>> -> memref<16x64xf32, #tpu.memory_space<vmem>>
        %dma_start3A_1542 = arith.constant 0 : i32
        %dma_start3A_1543 = arith.constant 0 : i32
        %dma_start3A_1544 = tpu.memref_slice %arg3[%dma_start3A_1542, %dma_start3A_1543] : memref<1000001x64xf32, #tpu.memory_space<hbm>> -> memref<1000001x64xf32, #tpu.memory_space<hbm>>
        tpu.enqueue_indirect_dma source(%dma_start3A_1544 : memref<1000001x64xf32, #tpu.memory_space<hbm>>) target(%dma_start3A_1541 : memref<16x64xf32, #tpu.memory_space<vmem>>) offsets(%get3A_1476 : vector<16xi32>) semaphore(%arg12 : memref<!tpu.dma_semaphore, #tpu.memory_space<semaphore_mem>>)
        %dma_start3A_1545 = arith.constant 3 : i32
        %dma_start3A_1546 = arith.constant 64 : i32
        %dma_start3A_1547 = arith.constant 0 : i32
        %dma_start3A_1548 = tpu.memref_slice %arg6[%dma_start3A_1545, %dma_start3A_1546, %dma_start3A_1547] : memref<4x208x64xf32, #tpu.memory_space<vmem>> -> memref<1x16x64xf32, #tpu.memory_space<vmem>>
        %dma_start3A_1549 = tpu.memref_squeeze %dma_start3A_1548 : memref<1x16x64xf32, #tpu.memory_space<vmem>> -> memref<16x64xf32, #tpu.memory_space<vmem>>
        %dma_start3A_1550 = arith.constant 0 : i32
        %dma_start3A_1551 = arith.constant 0 : i32
        %dma_start3A_1552 = tpu.memref_slice %arg3[%dma_start3A_1550, %dma_start3A_1551] : memref<1000001x64xf32, #tpu.memory_space<hbm>> -> memref<1000001x64xf32, #tpu.memory_space<hbm>>
        tpu.enqueue_indirect_dma source(%dma_start3A_1552 : memref<1000001x64xf32, #tpu.memory_space<hbm>>) target(%dma_start3A_1549 : memref<16x64xf32, #tpu.memory_space<vmem>>) offsets(%get3A_1480 : vector<16xi32>) semaphore(%arg12 : memref<!tpu.dma_semaphore, #tpu.memory_space<semaphore_mem>>)
        %dma_start3A_1553 = arith.constant 3 : i32
        %dma_start3A_1554 = arith.constant 80 : i32
        %dma_start3A_1555 = arith.constant 0 : i32
        %dma_start3A_1556 = tpu.memref_slice %arg6[%dma_start3A_1553, %dma_start3A_1554, %dma_start3A_1555] : memref<4x208x64xf32, #tpu.memory_space<vmem>> -> memref<1x16x64xf32, #tpu.memory_space<vmem>>
        %dma_start3A_1557 = tpu.memref_squeeze %dma_start3A_1556 : memref<1x16x64xf32, #tpu.memory_space<vmem>> -> memref<16x64xf32, #tpu.memory_space<vmem>>
        %dma_start3A_1558 = arith.constant 0 : i32
        %dma_start3A_1559 = arith.constant 0 : i32
        %dma_start3A_1560 = tpu.memref_slice %arg3[%dma_start3A_1558, %dma_start3A_1559] : memref<1000001x64xf32, #tpu.memory_space<hbm>> -> memref<1000001x64xf32, #tpu.memory_space<hbm>>
        tpu.enqueue_indirect_dma source(%dma_start3A_1560 : memref<1000001x64xf32, #tpu.memory_space<hbm>>) target(%dma_start3A_1557 : memref<16x64xf32, #tpu.memory_space<vmem>>) offsets(%get3A_1484 : vector<16xi32>) semaphore(%arg12 : memref<!tpu.dma_semaphore, #tpu.memory_space<semaphore_mem>>)
        %dma_start3A_1561 = arith.constant 3 : i32
        %dma_start3A_1562 = arith.constant 96 : i32
        %dma_start3A_1563 = arith.constant 0 : i32
        %dma_start3A_1564 = tpu.memref_slice %arg6[%dma_start3A_1561, %dma_start3A_1562, %dma_start3A_1563] : memref<4x208x64xf32, #tpu.memory_space<vmem>> -> memref<1x16x64xf32, #tpu.memory_space<vmem>>
        %dma_start3A_1565 = tpu.memref_squeeze %dma_start3A_1564 : memref<1x16x64xf32, #tpu.memory_space<vmem>> -> memref<16x64xf32, #tpu.memory_space<vmem>>
        %dma_start3A_1566 = arith.constant 0 : i32
        %dma_start3A_1567 = arith.constant 0 : i32
        %dma_start3A_1568 = tpu.memref_slice %arg3[%dma_start3A_1566, %dma_start3A_1567] : memref<1000001x64xf32, #tpu.memory_space<hbm>> -> memref<1000001x64xf32, #tpu.memory_space<hbm>>
        tpu.enqueue_indirect_dma source(%dma_start3A_1568 : memref<1000001x64xf32, #tpu.memory_space<hbm>>) target(%dma_start3A_1565 : memref<16x64xf32, #tpu.memory_space<vmem>>) offsets(%get3A_1488 : vector<16xi32>) semaphore(%arg12 : memref<!tpu.dma_semaphore, #tpu.memory_space<semaphore_mem>>)
        %dma_start3A_1569 = arith.constant 3 : i32
        %dma_start3A_1570 = arith.constant 112 : i32
        %dma_start3A_1571 = arith.constant 0 : i32
        %dma_start3A_1572 = tpu.memref_slice %arg6[%dma_start3A_1569, %dma_start3A_1570, %dma_start3A_1571] : memref<4x208x64xf32, #tpu.memory_space<vmem>> -> memref<1x16x64xf32, #tpu.memory_space<vmem>>
        %dma_start3A_1573 = tpu.memref_squeeze %dma_start3A_1572 : memref<1x16x64xf32, #tpu.memory_space<vmem>> -> memref<16x64xf32, #tpu.memory_space<vmem>>
        %dma_start3A_1574 = arith.constant 0 : i32
        %dma_start3A_1575 = arith.constant 0 : i32
        %dma_start3A_1576 = tpu.memref_slice %arg3[%dma_start3A_1574, %dma_start3A_1575] : memref<1000001x64xf32, #tpu.memory_space<hbm>> -> memref<1000001x64xf32, #tpu.memory_space<hbm>>
        tpu.enqueue_indirect_dma source(%dma_start3A_1576 : memref<1000001x64xf32, #tpu.memory_space<hbm>>) target(%dma_start3A_1573 : memref<16x64xf32, #tpu.memory_space<vmem>>) offsets(%get3A_1492 : vector<16xi32>) semaphore(%arg12 : memref<!tpu.dma_semaphore, #tpu.memory_space<semaphore_mem>>)
        %dma_start3A_1577 = arith.constant 3 : i32
        %dma_start3A_1578 = arith.constant 128 : i32
        %dma_start3A_1579 = arith.constant 0 : i32
        %dma_start3A_1580 = tpu.memref_slice %arg6[%dma_start3A_1577, %dma_start3A_1578, %dma_start3A_1579] : memref<4x208x64xf32, #tpu.memory_space<vmem>> -> memref<1x16x64xf32, #tpu.memory_space<vmem>>
        %dma_start3A_1581 = tpu.memref_squeeze %dma_start3A_1580 : memref<1x16x64xf32, #tpu.memory_space<vmem>> -> memref<16x64xf32, #tpu.memory_space<vmem>>
        %dma_start3A_1582 = arith.constant 0 : i32
        %dma_start3A_1583 = arith.constant 0 : i32
        %dma_start3A_1584 = tpu.memref_slice %arg3[%dma_start3A_1582, %dma_start3A_1583] : memref<1000001x64xf32, #tpu.memory_space<hbm>> -> memref<1000001x64xf32, #tpu.memory_space<hbm>>
        tpu.enqueue_indirect_dma source(%dma_start3A_1584 : memref<1000001x64xf32, #tpu.memory_space<hbm>>) target(%dma_start3A_1581 : memref<16x64xf32, #tpu.memory_space<vmem>>) offsets(%get3A_1496 : vector<16xi32>) semaphore(%arg12 : memref<!tpu.dma_semaphore, #tpu.memory_space<semaphore_mem>>)
        %dma_start3A_1585 = arith.constant 3 : i32
        %dma_start3A_1586 = arith.constant 144 : i32
        %dma_start3A_1587 = arith.constant 0 : i32
        %dma_start3A_1588 = tpu.memref_slice %arg6[%dma_start3A_1585, %dma_start3A_1586, %dma_start3A_1587] : memref<4x208x64xf32, #tpu.memory_space<vmem>> -> memref<1x16x64xf32, #tpu.memory_space<vmem>>
        %dma_start3A_1589 = tpu.memref_squeeze %dma_start3A_1588 : memref<1x16x64xf32, #tpu.memory_space<vmem>> -> memref<16x64xf32, #tpu.memory_space<vmem>>
        %dma_start3A_1590 = arith.constant 0 : i32
        %dma_start3A_1591 = arith.constant 0 : i32
        %dma_start3A_1592 = tpu.memref_slice %arg3[%dma_start3A_1590, %dma_start3A_1591] : memref<1000001x64xf32, #tpu.memory_space<hbm>> -> memref<1000001x64xf32, #tpu.memory_space<hbm>>
        tpu.enqueue_indirect_dma source(%dma_start3A_1592 : memref<1000001x64xf32, #tpu.memory_space<hbm>>) target(%dma_start3A_1589 : memref<16x64xf32, #tpu.memory_space<vmem>>) offsets(%get3A_1500 : vector<16xi32>) semaphore(%arg12 : memref<!tpu.dma_semaphore, #tpu.memory_space<semaphore_mem>>)
        %dma_start3A_1593 = arith.constant 3 : i32
        %dma_start3A_1594 = arith.constant 160 : i32
        %dma_start3A_1595 = arith.constant 0 : i32
        %dma_start3A_1596 = tpu.memref_slice %arg6[%dma_start3A_1593, %dma_start3A_1594, %dma_start3A_1595] : memref<4x208x64xf32, #tpu.memory_space<vmem>> -> memref<1x16x64xf32, #tpu.memory_space<vmem>>
        %dma_start3A_1597 = tpu.memref_squeeze %dma_start3A_1596 : memref<1x16x64xf32, #tpu.memory_space<vmem>> -> memref<16x64xf32, #tpu.memory_space<vmem>>
        %dma_start3A_1598 = arith.constant 0 : i32
        %dma_start3A_1599 = arith.constant 0 : i32
        %dma_start3A_1600 = tpu.memref_slice %arg3[%dma_start3A_1598, %dma_start3A_1599] : memref<1000001x64xf32, #tpu.memory_space<hbm>> -> memref<1000001x64xf32, #tpu.memory_space<hbm>>
        tpu.enqueue_indirect_dma source(%dma_start3A_1600 : memref<1000001x64xf32, #tpu.memory_space<hbm>>) target(%dma_start3A_1597 : memref<16x64xf32, #tpu.memory_space<vmem>>) offsets(%get3A_1504 : vector<16xi32>) semaphore(%arg12 : memref<!tpu.dma_semaphore, #tpu.memory_space<semaphore_mem>>)
        %dma_start3A_1601 = arith.constant 3 : i32
        %dma_start3A_1602 = arith.constant 176 : i32
        %dma_start3A_1603 = arith.constant 0 : i32
        %dma_start3A_1604 = tpu.memref_slice %arg6[%dma_start3A_1601, %dma_start3A_1602, %dma_start3A_1603] : memref<4x208x64xf32, #tpu.memory_space<vmem>> -> memref<1x16x64xf32, #tpu.memory_space<vmem>>
        %dma_start3A_1605 = tpu.memref_squeeze %dma_start3A_1604 : memref<1x16x64xf32, #tpu.memory_space<vmem>> -> memref<16x64xf32, #tpu.memory_space<vmem>>
        %dma_start3A_1606 = arith.constant 0 : i32
        %dma_start3A_1607 = arith.constant 0 : i32
        %dma_start3A_1608 = tpu.memref_slice %arg3[%dma_start3A_1606, %dma_start3A_1607] : memref<1000001x64xf32, #tpu.memory_space<hbm>> -> memref<1000001x64xf32, #tpu.memory_space<hbm>>
        tpu.enqueue_indirect_dma source(%dma_start3A_1608 : memref<1000001x64xf32, #tpu.memory_space<hbm>>) target(%dma_start3A_1605 : memref<16x64xf32, #tpu.memory_space<vmem>>) offsets(%get3A_1508 : vector<16xi32>) semaphore(%arg12 : memref<!tpu.dma_semaphore, #tpu.memory_space<semaphore_mem>>)
        %dma_start3A_1609 = arith.constant 3 : i32
        %dma_start3A_1610 = arith.constant 192 : i32
        %dma_start3A_1611 = arith.constant 0 : i32
        %dma_start3A_1612 = tpu.memref_slice %arg6[%dma_start3A_1609, %dma_start3A_1610, %dma_start3A_1611] : memref<4x208x64xf32, #tpu.memory_space<vmem>> -> memref<1x16x64xf32, #tpu.memory_space<vmem>>
        %dma_start3A_1613 = tpu.memref_squeeze %dma_start3A_1612 : memref<1x16x64xf32, #tpu.memory_space<vmem>> -> memref<16x64xf32, #tpu.memory_space<vmem>>
        %dma_start3A_1614 = arith.constant 0 : i32
        %dma_start3A_1615 = arith.constant 0 : i32
        %dma_start3A_1616 = tpu.memref_slice %arg3[%dma_start3A_1614, %dma_start3A_1615] : memref<1000001x64xf32, #tpu.memory_space<hbm>> -> memref<1000001x64xf32, #tpu.memory_space<hbm>>
        tpu.enqueue_indirect_dma source(%dma_start3A_1616 : memref<1000001x64xf32, #tpu.memory_space<hbm>>) target(%dma_start3A_1613 : memref<16x64xf32, #tpu.memory_space<vmem>>) offsets(%get3A_1512 : vector<16xi32>) semaphore(%arg12 : memref<!tpu.dma_semaphore, #tpu.memory_space<semaphore_mem>>)
      } else {
      }
    }
    %scan3A_688 = arith.constant 32 : i32
    "tpu.region"() ({
      %run_scoped3A = tpu.sem_alloc : memref<!tpu.dma_semaphore, #tpu.memory_space<semaphore_mem>>
      %dma_start3A_689 = arith.constant 0 : i32
      %dma_start3A_690 = tpu.memref_slice %arg4[%mul3A_2, %dma_start3A_689] : memref<4096x64xf32, #tpu.memory_space<hbm>> -> memref<128x64xf32, #tpu.memory_space<hbm>>
      %dma_start3A_691 = arith.constant 0 : i32
      %dma_start3A_692 = tpu.memref_slice %arg4[%mul3A_2, %dma_start3A_691] : memref<4096x64xf32, #tpu.memory_space<hbm>> -> memref<128x64xf32, #tpu.memory_space<hbm>>
      tpu.enqueue_dma source(%arg7 : memref<128x64xf32, #tpu.memory_space<vmem>>) target(%dma_start3A_692 : memref<128x64xf32, #tpu.memory_space<hbm>>) target_semaphore(%run_scoped3A : memref<!tpu.dma_semaphore, #tpu.memory_space<semaphore_mem>>)
      %dma_wait3A_693 = arith.constant 0 : i32
      %dma_wait3A_694 = tpu.memref_slice %arg4[%mul3A_2, %dma_wait3A_693] : memref<4096x64xf32, #tpu.memory_space<hbm>> -> memref<128x64xf32, #tpu.memory_space<hbm>>
      %dma_wait3A_695 = arith.constant 0 : i32
      %dma_wait3A_696 = tpu.memref_slice %arg4[%mul3A_2, %dma_wait3A_695] : memref<4096x64xf32, #tpu.memory_space<hbm>> -> memref<128x64xf32, #tpu.memory_space<hbm>>
      tpu.wait_dma2 semaphore(%run_scoped3A : memref<!tpu.dma_semaphore, #tpu.memory_space<semaphore_mem>>) src(%arg7 : memref<128x64xf32, #tpu.memory_space<vmem>>) dst(%dma_wait3A_696 : memref<128x64xf32, #tpu.memory_space<hbm>>)
      tpu.yield
    }) : () -> ()
    return
  }
}

module attributes {stable_mosaic.version = 14 : i64} {
  func.func @_tc_head_body(%arg0: memref<4096x200xi32, #tpu.memory_space<vmem>>, %arg1: memref<4096x64xf32, #tpu.memory_space<vmem>>, %arg2: memref<1x64xf32, #tpu.memory_space<vmem>>, %arg3: memref<64x10xf32, #tpu.memory_space<vmem>>, %arg4: memref<1x10xf32, #tpu.memory_space<vmem>>, %arg5: memref<4096x10xf32, #tpu.memory_space<vmem>>) attributes {dimension_semantics = [], scalar_prefetch = 0 : i64, scratch_operands = 0 : i64, tpu.core_type = #tpu.core_type<tc>} {
    %get3A = arith.constant 0 : index
    %get3A_0 = arith.constant 0 : index
    %get3A_1 = vector.load %arg0[%get3A, %get3A_0] : memref<4096x200xi32, #tpu.memory_space<vmem>>, vector<4096x200xi32>
    %ne3A = arith.constant 0 : i32
    %ne3A_2 = vector.broadcast %ne3A : i32 to vector<4096x200xi32>
    %ne3A_3 = arith.cmpi ne, %get3A_1, %ne3A_2 : vector<4096x200xi32>
    %convert_element_type3A = arith.extui %ne3A_3 : vector<4096x200xi1> to vector<4096x200xi32>
    %convert_element_type3A_4 = arith.sitofp %convert_element_type3A : vector<4096x200xi32> to vector<4096x200xf32>
    %reduce_sum3A = arith.constant dense<0.000000e+00> : vector<4096xf32>
    %reduce_sum3A_5 = vector.multi_reduction <add>, %convert_element_type3A_4, %reduce_sum3A [1] : vector<4096x200xf32> to vector<4096xf32>
    %broadcast_in_dim3A = vector.shape_cast %reduce_sum3A_5 : vector<4096xf32> to vector<4096x1xf32>
    %sub3A = arith.constant 2.080000e+02 : f32
    %sub3A_6 = vector.broadcast %sub3A : f32 to vector<4096x1xf32>
    %sub3A_7 = arith.subf %sub3A_6, %broadcast_in_dim3A : vector<4096x1xf32>
    %get3A_8 = arith.constant 0 : index
    %get3A_9 = arith.constant 0 : index
    %get3A_10 = vector.load %arg1[%get3A_8, %get3A_9] : memref<4096x64xf32, #tpu.memory_space<vmem>>, vector<4096x64xf32>
    %get3A_11 = arith.constant 0 : index
    %get3A_12 = arith.constant 0 : index
    %get3A_13 = vector.load %arg2[%get3A_11, %get3A_12] : memref<1x64xf32, #tpu.memory_space<vmem>>, vector<1x64xf32>
    %mul3A = vector.broadcast %sub3A_7 : vector<4096x1xf32> to vector<4096x64xf32>
    %mul3A_14 = vector.broadcast %get3A_13 : vector<1x64xf32> to vector<4096x64xf32>
    %mul3A_15 = arith.mulf %mul3A, %mul3A_14 : vector<4096x64xf32>
    %sub3A_16 = arith.subf %get3A_10, %mul3A_15 : vector<4096x64xf32>
    %max3A = arith.constant 1.000000e+00 : f32
    %max3A_17 = vector.broadcast %max3A : f32 to vector<4096x1xf32>
    %max3A_18 = arith.maximumf %broadcast_in_dim3A, %max3A_17 : vector<4096x1xf32>
    %div3A = vector.broadcast %max3A_18 : vector<4096x1xf32> to vector<4096x64xf32>
    %div3A_19 = arith.divf %sub3A_16, %div3A : vector<4096x64xf32>
    %get3A_20 = arith.constant 0 : index
    %get3A_21 = arith.constant 0 : index
    %get3A_22 = vector.load %arg3[%get3A_20, %get3A_21] : memref<64x10xf32, #tpu.memory_space<vmem>>, vector<64x10xf32>
    %dot_general3A = arith.constant dense<0.000000e+00> : vector<4096x10xf32>
    %dot_general3A_23 = tpu.matmul %div3A_19, %get3A_22, %dot_general3A {dimension_numbers = #tpu.dot_dimension_numbers<[1], [0], [0], [1], [0, 0, 1, 1], [], []>, transpose_lhs_hint = false} : vector<4096x64xf32>, vector<64x10xf32>, vector<4096x10xf32> -> vector<4096x10xf32>
    %get3A_24 = arith.constant 0 : index
    %get3A_25 = arith.constant 0 : index
    %get3A_26 = vector.load %arg4[%get3A_24, %get3A_25] : memref<1x10xf32, #tpu.memory_space<vmem>>, vector<1x10xf32>
    %add3A = vector.broadcast %get3A_26 : vector<1x10xf32> to vector<4096x10xf32>
    %add3A_27 = arith.addf %dot_general3A_23, %add3A : vector<4096x10xf32>
    %reduce_max3A = arith.constant dense<0xFF800000> : vector<4096xf32>
    %reduce_max3A_28 = vector.multi_reduction <maximumf>, %add3A_27, %reduce_max3A [1] : vector<4096x10xf32> to vector<4096xf32>
    %broadcast_in_dim3A_29 = vector.shape_cast %reduce_max3A_28 : vector<4096xf32> to vector<4096x1xf32>
    %sub3A_30 = vector.broadcast %broadcast_in_dim3A_29 : vector<4096x1xf32> to vector<4096x10xf32>
    %sub3A_31 = arith.subf %add3A_27, %sub3A_30 : vector<4096x10xf32>
    %exp3A = math.exp %sub3A_31 : vector<4096x10xf32>
    %reduce_sum3A_32 = arith.constant dense<0.000000e+00> : vector<4096xf32>
    %reduce_sum3A_33 = vector.multi_reduction <add>, %exp3A, %reduce_sum3A_32 [1] : vector<4096x10xf32> to vector<4096xf32>
    %broadcast_in_dim3A_34 = vector.shape_cast %reduce_sum3A_33 : vector<4096xf32> to vector<4096x1xf32>
    %div3A_35 = vector.broadcast %broadcast_in_dim3A_34 : vector<4096x1xf32> to vector<4096x10xf32>
    %div3A_36 = arith.divf %exp3A, %div3A_35 : vector<4096x10xf32>
    %swap3A = arith.constant 0 : index
    %swap3A_37 = arith.constant 0 : index
    %swap3A_38 = vector.load %arg5[%swap3A, %swap3A_37] : memref<4096x10xf32, #tpu.memory_space<vmem>>, vector<4096x10xf32>
    tpu.vector_store %arg5[%swap3A, %swap3A_37], %div3A_36 {strides = array<i32>} : memref<4096x10xf32, #tpu.memory_space<vmem>>, vector<4096x10xf32>,
    return
  }
}

</mosaic_0001>

<sc_bundles>
// kernel: kernel.4.cloned.1.call-start
scs
__scs_entry_jumppad:
0x0: {  	(pc) =	sbr.rel $0x88, $3  }
0x1: {  	(tag) =	ssettag $0x0;
	lr =	simm.s32 $0x1  }
0x2: {  	[smem:$0x3F9D] =	sst lr;
	_ =	strace $0xD0000000  }
0x3: {  	_ = 	snop  }
0x4: {  	_ = 	snop  }
0x5: {  	_ = 	snop  }
0x6: {  	_ = 	snop  }
0x7: {  	_ = 	snop  }
__scs_overlays_trampoline_lowered:
0x8: {  	[smem:$0x3FAC] =	sst s0  }
0x9: {  	[smem:$0x3FAD] =	sst s1  }
0xa: {  	[smem:$0x3FAE] =	sst s2  }
0xb: {  	[smem:$0x3FAF] =	sst s3  }
0xc: {  	[smem:$0x3FB0] =	sst s4  }
0xd: {  	[smem:$0x3FB1] =	sst s5  }
0xe: {  	[smem:$0x3FB2] =	sst s6  }
0xf: {  	[smem:$0x3FB3] =	sst s7  }
0x10: {  	[smem:$0x3FB4] =	sst s8  }
0x11: {  	[smem:$0x3FB5] =	sst s9;
	s0 =	simm.s32 @!p0 $0x0  }
0x12: {  	s1 =	sld [smem:$0x3F9B];
	s0 =	simm.s32 @p0 $0x1  }
0x13: {  	[smem:$0x3FB6] =	sst s0;
	s0 =	simm.s32 @!p1 $0x0  }
0x14: {  	s2 =	sld [smem:$0x3F9A];
	s0 =	simm.s32 @p1 $0x1  }
0x15: {  	[smem:$0x3FB7] =	sst s0;
	s0 =	simm.s32 @!p2 $0x0  }
0x16: {  	s3 =	sld [smem:$0x3FDB];
	s0 =	simm.s32 @p2 $0x1  }
0x17: {  	s4 =	simm.s32 $0x1BF5;
	[smem:$0x3FB9] =	sst s0  }
0x18: {  	s0 =	sld [smem:$0x3F9C];
	_ =	swait.ge [sflag:s4], $0x0  }
0x19: {  	s7 =	sld [smem:$0x3F9D]  }
0x1a: {  	s8 =	sadd.s32 $0xFFFFE003, lr  }
0x1b: {  	s9 =	sadd.s32 $0xFFFFFEF7, lr;
	s5 =	simm.s32 $0xFFFFFFFF;
	p2 =	slt.u32 s8, $0xFFFFF086  }
0x1c: {  	p1 =	slt.u32 s9, $0xF7A;
	s5 =	simm.s32 @!p2 $0x0  }
0x1d: {  	s5 =	simm.s32 @p1 $0x1;
	p0 =	seq.s32 s7, s2  }
0x1e: {  	s7 =	smul.u32 @!p0 $0xF7A, s2;
	p2 =	seq.s32 @!p0 s5, $0x0  }
0x1f: {  	s9 =	smul.u32 $0xF7A, s1;
	s8 =	simm.s32 @!p0 $0x1BF5;
	p2 =	por !p2, p0  }
0x20: {  	[sflag:s8] =	ssyncset.s32 @!p0 $0xFFFFF086;
	s6 =	sadd.s32 @!p0 s3, s7;
	s7 =	simm.s32 @!p0 $0x108  }
0x21: {  	s3 =	sadd.s32 s3, s9;
	s6 =	sadd.s32 @!p0 $0x88, s6;
	s7 =	simm.s32 @p2 $0x1082  }
0x22: {  	[simem:s7], [sflag:s8] =	dma.local @!p0 [hbm:s6], $0xF7A  }
0x23: {  	s9 =	sor.u32 $0xD0000000, s2;
	s6 =	simm.s32 $0x108;
	_ =	swait.ge @!p0 [sflag:s8], $0x0  }
0x24: {  	s3 =	sadd.s32 $0x88, s3;
	s6 =	simm.s32 @!p1 $0x1082;
	[sflag:s4] =	ssyncset.s32 $0xFFFFF086  }
0x25: {  	[simem:s6], [sflag:s4] =	dma.local [hbm:s3], $0xF7A  }
0x26: {  	[smem:$0x3F9D] =	sst s1;
	(tag) =	ssettag s2;
	_ =	strace s9  }
0x27: {  	s1 =	sld [smem:$0x3FAD]  }
0x28: {  	s2 =	sld [smem:$0x3FAE]  }
0x29: {  	s4 =	sld [smem:$0x3FB0]  }
0x2a: {  	p0 =	seq.s32 s5, $0x0;
	s5 =	sld [smem:$0x3FB1]  }
0x2b: {  	s6 =	sld [smem:$0x3FB2]  }
0x2c: {  	s7 =	sld [smem:$0x3FB3]  }
0x2d: {  	s3 =	simm.s32 $0x108;
	s8 =	sld [smem:$0x3FB4]  }
0x2e: {  	s3 =	simm.s32 @!p0 $0x1082;
	s9 =	sld [smem:$0x3FB5]  }
0x2f: {  	lr =	sadd.s32 s0, s3;
	s0 =	sld [smem:$0x3FAC]  }
0x30: {  	s3 =	sld [smem:$0x3FAF]  }
0x31: {  	[smem:$0x3FB8] =	sst s10  }
0x32: {  	s10 =	sld [smem:$0x3FB6];
	_ =	sdelay $0x3  }
0x33: {  	p0 =	seq.s32 s10, $0x1;
	s10 =	sld [smem:$0x3FB8];
	_ =	sdelay $0x3  }
0x34: {  	[smem:$0x3FB8] =	sst s10  }
0x35: {  	s10 =	sld [smem:$0x3FB7];
	_ =	sdelay $0x3  }
0x36: {  	p1 =	seq.s32 s10, $0x1;
	s10 =	sld [smem:$0x3FB8];
	_ =	sdelay $0x3  }
0x37: {  	[smem:$0x3FB8] =	sst s10  }
0x38: {  	s10 =	sld [smem:$0x3FB9]  }
0x39: {  	_ = 	snop;
	(pc) =	sbr.ind lr, $3  }
0x3a: {  	_ = 	snop  }
0x3b: {  	_ = 	snop  }
0x3c: {  	p2 =	seq.s32 s10, $0x1;
	s10 =	sld [smem:$0x3FB8]  }
0x3d: {  	_ =	shalt  }
0x3e: {  	_ =	shalt  }
0x3f: {  	_ =	shalt  }
0x40: {  	_ =	shalt  }
0x41: {  	_ =	shalt  }
0x42: {  	_ =	shalt  }
0x43: {  	_ =	shalt  }
0x44: {  	_ =	shalt  }
0x45: {  	_ =	shalt  }
0x46: {  	_ =	shalt  }
0x47: {  	_ =	shalt  }
0x48: {  	_ =	shalt  }
0x49: {  	_ =	shalt  }
0x4a: {  	_ =	shalt  }
0x4b: {  	_ =	shalt  }
0x4c: {  	_ =	shalt  }
0x4d: {  	_ =	shalt  }
0x4e: {  	_ =	shalt  }
0x4f: {  	_ =	shalt  }
0x50: {  	_ =	shalt  }
0x51: {  	_ =	shalt  }
0x52: {  	_ =	shalt  }
0x53: {  	_ =	shalt  }
0x54: {  	_ =	shalt  }
0x55: {  	_ =	shalt  }
0x56: {  	_ =	shalt  }
0x57: {  	_ =	shalt  }
0x58: {  	_ =	shalt  }
0x59: {  	_ =	shalt  }
0x5a: {  	_ =	shalt  }
0x5b: {  	_ =	shalt  }
0x5c: {  	_ =	shalt  }
0x5d: {  	_ =	shalt  }
0x5e: {  	_ =	shalt  }
0x5f: {  	_ =	shalt  }
0x60: {  	_ =	shalt  }
0x61: {  	_ =	shalt  }
0x62: {  	_ =	shalt  }
0x63: {  	_ =	shalt  }
0x64: {  	_ =	shalt  }
0x65: {  	_ =	shalt  }
0x66: {  	_ =	shalt  }
0x67: {  	_ =	shalt  }
0x68: {  	_ =	shalt  }
0x69: {  	_ =	shalt  }
0x6a: {  	_ =	shalt  }
0x6b: {  	_ =	shalt  }
0x6c: {  	_ =	shalt  }
0x6d: {  	_ =	shalt  }
0x6e: {  	_ =	shalt  }
0x6f: {  	_ =	shalt  }
0x70: {  	_ =	shalt  }
0x71: {  	_ =	shalt  }
0x72: {  	_ =	shalt  }
0x73: {  	_ =	shalt  }
0x74: {  	_ =	shalt  }
0x75: {  	_ =	shalt  }
0x76: {  	_ =	shalt  }
0x77: {  	_ =	shalt  }
0x78: {  	_ =	shalt  }
0x79: {  	_ =	shalt  }
0x7a: {  	_ =	shalt  }
0x7b: {  	_ =	shalt  }
0x7c: {  	_ =	shalt  }
0x7d: {  	_ =	shalt  }
0x7e: {  	_ =	shalt  }
0x7f: {  	_ =	shalt  }
0x80: {  	_ =	shalt  }
0x81: {  	_ =	shalt  }
0x82: {  	_ =	shalt  }
0x83: {  	_ =	shalt  }
0x84: {  	_ =	shalt  }
0x85: {  	_ =	shalt  }
0x86: {  	_ =	shalt  }
0x87: {  	_ =	shalt  }
.Lfunc_end0:
.L_simem_size_0:
called_computation_lowered:
.L_overlay_start_0:
0x88: {  	s2 =	sld [smem:$0x3FD9]  }
0x89: {  	s3 =	sld [smem:$0x3FFE];
	_ =	sdelay $0x1  }
0x8a: {  	s1 =	srdreg.scid  }
0x8b: {  	s0 =	sand.u32 $0x1, s1  }
0x8c: {  	s16 =	sshll.u32 s0, $0xA;
	s2 =	sadd.s32 s3, s2  }
0x8d: {  	s2 =	sadd.s32 s2, s16  }
0x8e: {  	[smem:$0x3FC4] =	sst s2  }
0x8f: {  	_ = 	snop  }
0x90: {  	(tm) =	ssettm $0x1  }
0x91: {  	s17 =	sld [smem:$0x3FFB];
	_ =	sdelay $0x3  }
0x92: {  	_ =	strace s17  }
0x93: {  	s2 =	sld [smem:$0x3FFC];
	_ =	sdelay $0x3  }
0x94: {  	_ =	strace s2  }
0x95: {  	s2 =	sld [smem:$0x3FFD];
	_ =	sdelay $0x3  }
0x96: {  	_ =	strace s2  }
0x97: {  	_ =	strace $0x8FFFFFFF  }
0x98: {  	s18 =	sld [smem:$0x3FDB];
	_ =	sdelay $0x1  }
0x99: {  	s19 =	simm.s32 $_scs_section_size  }
0x9a: {  	s4 =	simm.s32 $_size__tile_overlayer_lowered;
	s5 =	simm.s32 $_tile_overlayer_lowered  }
0x9b: {  	s22 =	simm.s32 $0x1BFF;
	s21 =	sshll.u32 s5, $0x1;
	s2 =	sadd.s32 s19, s18  }
0x9c: {  	s6 =	simm.s32 $0x0;
	s20 =	sshll.u32 s4, $0x1;
	s4 =	sadd.s32 s21, s2  }
0x9d: {  	[timem:s6], [sflag:s22] =	dma.local [hbm:s4], s20  }
0x9e: {  	_ =	swait.ge [sflag:s22], s20  }
0x9f: {  	s3 =	ssub.s32 $0x0, s20;
	[sflag:s22] =	ssyncset.done $0x0  }
0xa0: {  	[sflag:s22] =	ssyncadd.s32 s3;
	_ =	sdelay $0x1  }
0xa1: {  	s23 =	simm.s32 $0x1B8B  }
0xa2: {  	_ =	swait.ge [sflag:s23], $0x1  }
0xa3: {  	[sflag:s23] =	ssyncset.done $0x0  }
0xa4: {  	s25 =	simm.s32 $0x1B8E;
	s24 =	sld [smem:$0x3FFE];
	[sflag:s23] =	ssyncadd.s32 $0xFFFFFFFF  }
0xa5: {  	s26 =	simm.s32 $execute0_lowered;
	[smem:$0x3FD2] =	sst s25  }
0xa6: {  	s4 =	sshll.u32 s26, $0x1;
	_ =	strace $0x80000046;
	[dreg:$0x1] =	wrdreg $0xFFFFFFFF  }
0xa7: {  	s28 =	simm.s32 $_size_execute0_lowered;
	s2 =	sadd.s32 s2, s4;
	[dreg:$0x0] =	wrdreg $0x0  }
0xa8: {  	s4 =	sshll.u32 s28, $0x1;
	[dreg:$0x2] =	wrdreg s2  }
0xa9: {  	[dreg:$0x3] =	wrdreg s4  }
0xaa: {  	[dreg:$0x4] =	wrdreg $0xC0  }
0xab: {  	_ =	task [dreg:s6], $0x5FFFF  }
0xac: {  	[dreg:$0x1] =	wrdreg $0xFFFFFFFF  }
0xad: {  	[dreg:$0x0] =	wrdreg $0x60  }
0xae: {  	[dreg:$0x2] =	wrdreg s24  }
0xaf: {  	[dreg:$0x3] =	wrdreg $0x9  }
0xb0: {  	_ =	task.clear_ibuf [dreg:s6], $0x4FFFF;
	_ =	strace $0x90000046  }
0xb1: {  	s29 =	simm.s32 $0x9;
	_ =	strace $0x80000048  }
0xb2: {  	_ =	swait.ge [sflag:s29], $0x1  }
0xb3: {  	[sflag:s29] =	ssyncadd.s32 $0xFFFFFFFF  }
0xb4: {  	_ =	strace $0x90000048  }
0xb5: {  	_ =	sfence  }
0xb6: {  	s30 =	sld [smem:$0x0];
	_ =	sdelay $0x2  }
0xb7: {  	s31 =	sshll.u32 s1, $0xD;
	s1 =	sshrl.u32 s1, $0x2  }
0xb8: {  	s3 =	sand.u32 $0x4000, s31;
	s1 =	sadd.s32 s1, s30  }
0xb9: {  	s0 =	sor.u32 s3, s0;
	s1 =	sshll.u32 s1, $0x11  }
0xba: {  	s0 =	sor.u32 s1, s0  }
0xbb: {  	s0 =	sadd.s32 $0x8F2B, s0  }
0xbc: {  	[sflag:s0] =	ssyncadd.remote.s32 $0x1  }
0xbd: {  	_ =	sfence.sel $0xFFFF  }
0xbe: {  	[dreg:$0x0] =	wrdreg $0xFFFFFFFF;
	(pc) =	sbr.abs _section_cstart, $3  }
0xbf: {  	[dreg:$0x1] =	wrdreg $0xFFFFFFFF  }
0xc0: {  	_ =	task.clear_ibuf [dreg:s6], $0x2FFFF;
	_ =	strace $0x9FFFFFFF  }
0xc1: {  	(tm) =	ssettm $0x7FFFFFFF  }
tec
execute0_lowered:
.L_overlay_start_1:
0x0: {  	(tag) =	ssettag $0x1  }
0x1: {  	s0 =	rddreg [dreg:$0x0]  }
0x2: {  	s1 =	srdreg.scid;
	s3 =	stileid.u32;
	s2 =	simm.s32 $0x0  }
0x3: {  	s7 =	simm.s32 $0x1;
	s22 =	simm.s32 $0x11C00;
	s23 =	simm.s32 $0x12000  }
0x4: {  	s24 =	simm.s32 $0x12400;
	s25 =	simm.s32 $0x12800;
	s26 =	simm.s32 $0x12C00  }
0x5: {  	s28 =	simm.s32 $0x13000;
	s29 =	simm.s32 $0x13400;
	s30 =	simm.s32 $0x13800  }
0x6: {  	s31 =	simm.s32 $0x13C00;
	s8 =	simm.s32 $0x14800;
	s9 =	simm.s32 $0x14C00  }
0x7: {  	s10 =	simm.s32 $0x2;
	s11 =	simm.s32 $0x3;
	s12 =	simm.s32 $0x4  }
0x8: {  	s13 =	simm.s32 $0x5;
	s14 =	simm.s32 $0x15000;
	s15 =	simm.s32 $0x6  }
0x9: {  	s16 =	simm.s32 $0x0;
	s1 =	sand.u32 $0x1, s1;
	[smem:$0x7FF] =	sst s2  }
0xa: {  	s3 =	sshll.u32 s3, $0x8;
	s4 =	sshll.u32 s1, $0x7;
	_ =	strace $0x80000047  }
.Ltmp0:
0xb: {  	s1 =	ssub.s32 $0x2, s1;
	s3 =	sor.u32 s4, s3;
	(pc) =	sbr.rel .LBB2_1-.Ltmp0, $4  }
0xc: {  	s6 =	sshrl.u32 s1, $0x1;
	s4 =	sshll.u32 s3, $0x5;
	s5 =	sshll.u32 s3, $0x3  }
0xd: {  	s3 =	sadd.s32 $0xF83200, s0;
	s1 =	ssub.s32 s1, s6;
	s4 =	sadd.s32 s4, s0  }
0xe: {  	s0 =	sadd.s32 s5, s0;
	s6 =	smax.u32 s1, $0x1;
	s1 =	simm.s32 $0x14400  }
0xf: {  	vm0 =	vmmov $0xffff;
	s4 =	sadd.s32 $0x20C00, s4;
	s5 =	sadd.s32 $0x1724600, s0;
	s0 =	simm.s32 $0x14000  }
.LBB2_12:
0x10: {  	s16 =	sadd.s32 $0x1, s16  }
0x11: {  	p0 =	sne.s32 s16, s6  }
.Ltmp1:
0x12: {  	_ = 	snop;
	(pc) =	sbr.rel @!p0 .LBB2_13-.Ltmp1, $4  }
0x13: {  	[hbm4b:s5+s2] =	stream.linear.scatter [tilespmem:s14], [sflag:$0x6], $0x2000, $0x38;
	[tilespmem:$0x17000] =	vst v63  }
0x14: {  	_ =	swait.ge [sflag:s15], $0x2000  }
0x15: {  	[sflag:s15] =	ssyncset.done $0x0  }
0x16: {  	[sflag:s15] =	ssyncadd.s32 $0xFFFFE000  }
.LBB2_1:
0x17: {  	[tilespmem:s2], [sflag:$0x1] =	stream.linear.gather [hbm4b:s4+s2], $0x8000, $0x38;
	[tilespmem:$0x17000] =	vst v63  }
0x18: {  	_ =	swait.ge [sflag:s7], $0x8000  }
0x19: {  	[sflag:s7] =	ssyncset.done $0x0  }
0x1a: {  	[sflag:s7] =	ssyncadd.s32 $0xFFFF8000  }
0x1b: {  	v0 =	vld [tilespmem:$0x0]  }
0x1c: {  	v1 =	vld [tilespmem:$0x10]  }
0x1d: {  	v2 =	vld [tilespmem:$0x20]  }
0x1e: {  	v3 =	vld [tilespmem:$0x30]  }
0x1f: {  	v4 =	vld [tilespmem:$0x40]  }
0x20: {  	v5 =	vld [tilespmem:$0x50]  }
0x21: {  	v6 =	vld [tilespmem:$0x60]  }
0x22: {  	v7 =	vld [tilespmem:$0x70]  }
0x23: {  	v8 =	vld [tilespmem:$0x80]  }
0x24: {  	v9 =	vld [tilespmem:$0x90]  }
0x25: {  	v10 =	vld [tilespmem:$0xA0]  }
0x26: {  	s17 =	simm.s32 $0x8000;
	v11 =	vld [tilespmem:$0xB0]  }
0x27: {  	v12 =	vld [tilespmem:$0xC0];
	[tilespmem:s17], [sflag:$0x2] =	stream.indirect_vreg.gather [hbm4b:s3+s2], $0x40, v0, vm0, $0xb8  }
0x28: {  	s20 =	simm.s32 $0x8400  }
0x29: {  	[tilespmem:s20], [sflag:$0x2] =	stream.indirect_vreg.gather [hbm4b:s3+s2], $0x40, v1, vm0, $0xb8;
	[tilespmem:$0x17000] =	vst v63  }
0x2a: {  	s21 =	simm.s32 $0x8800  }
0x2b: {  	[tilespmem:s21], [sflag:$0x2] =	stream.indirect_vreg.gather [hbm4b:s3+s2], $0x40, v2, vm0, $0xb8;
	[tilespmem:$0x17000] =	vst v63  }
0x2c: {  	s18 =	simm.s32 $0x8C00  }
0x2d: {  	[tilespmem:s18], [sflag:$0x2] =	stream.indirect_vreg.gather [hbm4b:s3+s2], $0x40, v3, vm0, $0xb8;
	[tilespmem:$0x17000] =	vst v63  }
0x2e: {  	s19 =	simm.s32 $0x9000  }
0x2f: {  	[tilespmem:s19], [sflag:$0x2] =	stream.indirect_vreg.gather [hbm4b:s3+s2], $0x40, v4, vm0, $0xb8;
	[tilespmem:$0x17000] =	vst v63  }
0x30: {  	s20 =	simm.s32 $0x9400  }
0x31: {  	[tilespmem:s20], [sflag:$0x2] =	stream.indirect_vreg.gather [hbm4b:s3+s2], $0x40, v5, vm0, $0xb8;
	[tilespmem:$0x17000] =	vst v63  }
0x32: {  	s21 =	simm.s32 $0x9800  }
0x33: {  	[tilespmem:s21], [sflag:$0x2] =	stream.indirect_vreg.gather [hbm4b:s3+s2], $0x40, v6, vm0, $0xb8;
	[tilespmem:$0x17000] =	vst v63  }
0x34: {  	s18 =	simm.s32 $0x9C00  }
0x35: {  	[tilespmem:s18], [sflag:$0x2] =	stream.indirect_vreg.gather [hbm4b:s3+s2], $0x40, v7, vm0, $0xb8;
	[tilespmem:$0x17000] =	vst v63  }
0x36: {  	s19 =	simm.s32 $0xA000  }
0x37: {  	[tilespmem:s19], [sflag:$0x2] =	stream.indirect_vreg.gather [hbm4b:s3+s2], $0x40, v8, vm0, $0xb8;
	[tilespmem:$0x17000] =	vst v63  }
0x38: {  	s20 =	simm.s32 $0xA400  }
0x39: {  	[tilespmem:s20], [sflag:$0x2] =	stream.indirect_vreg.gather [hbm4b:s3+s2], $0x40, v9, vm0, $0xb8;
	[tilespmem:$0x17000] =	vst v63  }
0x3a: {  	s21 =	simm.s32 $0xA800  }
0x3b: {  	[tilespmem:s21], [sflag:$0x2] =	stream.indirect_vreg.gather [hbm4b:s3+s2], $0x40, v10, vm0, $0xb8;
	[tilespmem:$0x17000] =	vst v63  }
0x3c: {  	s18 =	simm.s32 $0xAC00  }
0x3d: {  	[tilespmem:s18], [sflag:$0x2] =	stream.indirect_vreg.gather [hbm4b:s3+s2], $0x40, v11, vm0, $0xb8;
	[tilespmem:$0x17000] =	vst v63  }
0x3e: {  	s19 =	simm.s32 $0xB000  }
0x3f: {  	[tilespmem:s19], [sflag:$0x2] =	stream.indirect_vreg.gather [hbm4b:s3+s2], $0x40, v12, vm0, $0xb8;
	[tilespmem:$0x17000] =	vst v63  }
0x40: {  	v0 =	vld [tilespmem:$0x100]  }
0x41: {  	v1 =	vld [tilespmem:$0x110]  }
0x42: {  	v2 =	vld [tilespmem:$0x120]  }
0x43: {  	v3 =	vld [tilespmem:$0x130]  }
0x44: {  	v4 =	vld [tilespmem:$0x140]  }
0x45: {  	v5 =	vld [tilespmem:$0x150]  }
0x46: {  	v6 =	vld [tilespmem:$0x160]  }
0x47: {  	v7 =	vld [tilespmem:$0x170]  }
0x48: {  	v8 =	vld [tilespmem:$0x180]  }
0x49: {  	v9 =	vld [tilespmem:$0x190]  }
0x4a: {  	v10 =	vld [tilespmem:$0x1A0]  }
0x4b: {  	s20 =	simm.s32 $0xB400;
	v11 =	vld [tilespmem:$0x1B0]  }
0x4c: {  	v12 =	vld [tilespmem:$0x1C0];
	[tilespmem:s20], [sflag:$0x3] =	stream.indirect_vreg.gather [hbm4b:s3+s2], $0x40, v0, vm0, $0xb8  }
0x4d: {  	s21 =	simm.s32 $0xB800  }
0x4e: {  	[tilespmem:s21], [sflag:$0x3] =	stream.indirect_vreg.gather [hbm4b:s3+s2], $0x40, v1, vm0, $0xb8;
	[tilespmem:$0x17000] =	vst v63  }
0x4f: {  	s18 =	simm.s32 $0xBC00  }
0x50: {  	[tilespmem:s18], [sflag:$0x3] =	stream.indirect_vreg.gather [hbm4b:s3+s2], $0x40, v2, vm0, $0xb8;
	[tilespmem:$0x17000] =	vst v63  }
0x51: {  	s19 =	simm.s32 $0xC000  }
0x52: {  	[tilespmem:s19], [sflag:$0x3] =	stream.indirect_vreg.gather [hbm4b:s3+s2], $0x40, v3, vm0, $0xb8;
	[tilespmem:$0x17000] =	vst v63  }
0x53: {  	s20 =	simm.s32 $0xC400  }
0x54: {  	[tilespmem:s20], [sflag:$0x3] =	stream.indirect_vreg.gather [hbm4b:s3+s2], $0x40, v4, vm0, $0xb8;
	[tilespmem:$0x17000] =	vst v63  }
0x55: {  	s21 =	simm.s32 $0xC800  }
0x56: {  	[tilespmem:s21], [sflag:$0x3] =	stream.indirect_vreg.gather [hbm4b:s3+s2], $0x40, v5, vm0, $0xb8;
	[tilespmem:$0x17000] =	vst v63  }
0x57: {  	s18 =	simm.s32 $0xCC00  }
0x58: {  	[tilespmem:s18], [sflag:$0x3] =	stream.indirect_vreg.gather [hbm4b:s3+s2], $0x40, v6, vm0, $0xb8;
	[tilespmem:$0x17000] =	vst v63  }
0x59: {  	s19 =	simm.s32 $0xD000  }
0x5a: {  	[tilespmem:s19], [sflag:$0x3] =	stream.indirect_vreg.gather [hbm4b:s3+s2], $0x40, v7, vm0, $0xb8;
	[tilespmem:$0x17000] =	vst v63  }
0x5b: {  	s20 =	simm.s32 $0xD400  }
0x5c: {  	[tilespmem:s20], [sflag:$0x3] =	stream.indirect_vreg.gather [hbm4b:s3+s2], $0x40, v8, vm0, $0xb8;
	[tilespmem:$0x17000] =	vst v63  }
0x5d: {  	s21 =	simm.s32 $0xD800  }
0x5e: {  	[tilespmem:s21], [sflag:$0x3] =	stream.indirect_vreg.gather [hbm4b:s3+s2], $0x40, v9, vm0, $0xb8;
	[tilespmem:$0x17000] =	vst v63  }
0x5f: {  	s18 =	simm.s32 $0xDC00  }
0x60: {  	[tilespmem:s18], [sflag:$0x3] =	stream.indirect_vreg.gather [hbm4b:s3+s2], $0x40, v10, vm0, $0xb8;
	[tilespmem:$0x17000] =	vst v63  }
0x61: {  	s19 =	simm.s32 $0xE000  }
0x62: {  	[tilespmem:s19], [sflag:$0x3] =	stream.indirect_vreg.gather [hbm4b:s3+s2], $0x40, v11, vm0, $0xb8;
	[tilespmem:$0x17000] =	vst v63  }
0x63: {  	s20 =	simm.s32 $0xE400  }
0x64: {  	[tilespmem:s20], [sflag:$0x3] =	stream.indirect_vreg.gather [hbm4b:s3+s2], $0x40, v12, vm0, $0xb8;
	[tilespmem:$0x17000] =	vst v63  }
0x65: {  	v0 =	vld [tilespmem:$0x200]  }
0x66: {  	v1 =	vld [tilespmem:$0x210]  }
0x67: {  	v2 =	vld [tilespmem:$0x220]  }
0x68: {  	v3 =	vld [tilespmem:$0x230]  }
0x69: {  	v4 =	vld [tilespmem:$0x240]  }
0x6a: {  	v5 =	vld [tilespmem:$0x250]  }
0x6b: {  	v6 =	vld [tilespmem:$0x260]  }
0x6c: {  	v7 =	vld [tilespmem:$0x270]  }
0x6d: {  	v8 =	vld [tilespmem:$0x280]  }
0x6e: {  	v9 =	vld [tilespmem:$0x290]  }
0x6f: {  	v10 =	vld [tilespmem:$0x2A0]  }
0x70: {  	s21 =	simm.s32 $0xE800;
	v11 =	vld [tilespmem:$0x2B0]  }
0x71: {  	v12 =	vld [tilespmem:$0x2C0];
	[tilespmem:s21], [sflag:$0x4] =	stream.indirect_vreg.gather [hbm4b:s3+s2], $0x40, v0, vm0, $0xb8  }
0x72: {  	s18 =	simm.s32 $0xEC00  }
0x73: {  	[tilespmem:s18], [sflag:$0x4] =	stream.indirect_vreg.gather [hbm4b:s3+s2], $0x40, v1, vm0, $0xb8;
	[tilespmem:$0x17000] =	vst v63  }
0x74: {  	s19 =	simm.s32 $0xF000  }
0x75: {  	[tilespmem:s19], [sflag:$0x4] =	stream.indirect_vreg.gather [hbm4b:s3+s2], $0x40, v2, vm0, $0xb8;
	[tilespmem:$0x17000] =	vst v63  }
0x76: {  	s20 =	simm.s32 $0xF400  }
0x77: {  	[tilespmem:s20], [sflag:$0x4] =	stream.indirect_vreg.gather [hbm4b:s3+s2], $0x40, v3, vm0, $0xb8;
	[tilespmem:$0x17000] =	vst v63  }
0x78: {  	s21 =	simm.s32 $0xF800  }
0x79: {  	[tilespmem:s21], [sflag:$0x4] =	stream.indirect_vreg.gather [hbm4b:s3+s2], $0x40, v4, vm0, $0xb8;
	[tilespmem:$0x17000] =	vst v63  }
0x7a: {  	s18 =	simm.s32 $0xFC00  }
0x7b: {  	[tilespmem:s18], [sflag:$0x4] =	stream.indirect_vreg.gather [hbm4b:s3+s2], $0x40, v5, vm0, $0xb8;
	[tilespmem:$0x17000] =	vst v63  }
0x7c: {  	s19 =	simm.s32 $0x10000  }
0x7d: {  	[tilespmem:s19], [sflag:$0x4] =	stream.indirect_vreg.gather [hbm4b:s3+s2], $0x40, v6, vm0, $0xb8;
	[tilespmem:$0x17000] =	vst v63  }
0x7e: {  	s20 =	simm.s32 $0x10400  }
0x7f: {  	[tilespmem:s20], [sflag:$0x4] =	stream.indirect_vreg.gather [hbm4b:s3+s2], $0x40, v7, vm0, $0xb8;
	[tilespmem:$0x17000] =	vst v63  }
0x80: {  	s21 =	simm.s32 $0x10800  }
0x81: {  	[tilespmem:s21], [sflag:$0x4] =	stream.indirect_vreg.gather [hbm4b:s3+s2], $0x40, v8, vm0, $0xb8;
	[tilespmem:$0x17000] =	vst v63  }
0x82: {  	s18 =	simm.s32 $0x10C00  }
0x83: {  	[tilespmem:s18], [sflag:$0x4] =	stream.indirect_vreg.gather [hbm4b:s3+s2], $0x40, v9, vm0, $0xb8;
	[tilespmem:$0x17000] =	vst v63  }
0x84: {  	s19 =	simm.s32 $0x11000  }
0x85: {  	[tilespmem:s19], [sflag:$0x4] =	stream.indirect_vreg.gather [hbm4b:s3+s2], $0x40, v10, vm0, $0xb8;
	[tilespmem:$0x17000] =	vst v63  }
0x86: {  	s20 =	simm.s32 $0x11400  }
0x87: {  	[tilespmem:s20], [sflag:$0x4] =	stream.indirect_vreg.gather [hbm4b:s3+s2], $0x40, v11, vm0, $0xb8;
	[tilespmem:$0x17000] =	vst v63  }
0x88: {  	s21 =	simm.s32 $0x11800  }
0x89: {  	[tilespmem:s21], [sflag:$0x4] =	stream.indirect_vreg.gather [hbm4b:s3+s2], $0x40, v12, vm0, $0xb8;
	[tilespmem:$0x17000] =	vst v63  }
0x8a: {  	v0 =	vld [tilespmem:$0x300]  }
0x8b: {  	v1 =	vld [tilespmem:$0x310]  }
0x8c: {  	v2 =	vld [tilespmem:$0x320]  }
0x8d: {  	v3 =	vld [tilespmem:$0x330]  }
0x8e: {  	v4 =	vld [tilespmem:$0x340]  }
0x8f: {  	v5 =	vld [tilespmem:$0x350]  }
0x90: {  	v6 =	vld [tilespmem:$0x360]  }
0x91: {  	v7 =	vld [tilespmem:$0x370]  }
0x92: {  	v8 =	vld [tilespmem:$0x380]  }
0x93: {  	v9 =	vld [tilespmem:$0x390]  }
0x94: {  	v10 =	vld [tilespmem:$0x3A0]  }
0x95: {  	v11 =	vld [tilespmem:$0x3B0]  }
0x96: {  	v12 =	vld [tilespmem:$0x3C0];
	[tilespmem:s22], [sflag:$0x5] =	stream.indirect_vreg.gather [hbm4b:s3+s2], $0x40, v0, vm0, $0xb8  }
0x97: {  	_ = 	snop  }
0x98: {  	[tilespmem:s23], [sflag:$0x5] =	stream.indirect_vreg.gather [hbm4b:s3+s2], $0x40, v1, vm0, $0xb8;
	[tilespmem:$0x17000] =	vst v63  }
0x99: {  	_ = 	snop  }
0x9a: {  	[tilespmem:s24], [sflag:$0x5] =	stream.indirect_vreg.gather [hbm4b:s3+s2], $0x40, v2, vm0, $0xb8;
	[tilespmem:$0x17000] =	vst v63  }
0x9b: {  	_ = 	snop  }
0x9c: {  	[tilespmem:s25], [sflag:$0x5] =	stream.indirect_vreg.gather [hbm4b:s3+s2], $0x40, v3, vm0, $0xb8;
	[tilespmem:$0x17000] =	vst v63  }
0x9d: {  	_ = 	snop  }
0x9e: {  	[tilespmem:s26], [sflag:$0x5] =	stream.indirect_vreg.gather [hbm4b:s3+s2], $0x40, v4, vm0, $0xb8;
	[tilespmem:$0x17000] =	vst v63  }
0x9f: {  	_ = 	snop  }
0xa0: {  	[tilespmem:s28], [sflag:$0x5] =	stream.indirect_vreg.gather [hbm4b:s3+s2], $0x40, v5, vm0, $0xb8;
	[tilespmem:$0x17000] =	vst v63  }
0xa1: {  	_ = 	snop  }
0xa2: {  	[tilespmem:s29], [sflag:$0x5] =	stream.indirect_vreg.gather [hbm4b:s3+s2], $0x40, v6, vm0, $0xb8;
	[tilespmem:$0x17000] =	vst v63  }
0xa3: {  	_ = 	snop  }
0xa4: {  	[tilespmem:s30], [sflag:$0x5] =	stream.indirect_vreg.gather [hbm4b:s3+s2], $0x40, v7, vm0, $0xb8;
	[tilespmem:$0x17000] =	vst v63  }
0xa5: {  	_ = 	snop  }
0xa6: {  	[tilespmem:s31], [sflag:$0x5] =	stream.indirect_vreg.gather [hbm4b:s3+s2], $0x40, v8, vm0, $0xb8;
	[tilespmem:$0x17000] =	vst v63  }
0xa7: {  	_ = 	snop  }
0xa8: {  	[tilespmem:s0], [sflag:$0x5] =	stream.indirect_vreg.gather [hbm4b:s3+s2], $0x40, v9, vm0, $0xb8;
	[tilespmem:$0x17000] =	vst v63  }
0xa9: {  	_ = 	snop  }
0xaa: {  	[tilespmem:s1], [sflag:$0x5] =	stream.indirect_vreg.gather [hbm4b:s3+s2], $0x40, v10, vm0, $0xb8;
	[tilespmem:$0x17000] =	vst v63  }
0xab: {  	_ = 	snop  }
0xac: {  	[tilespmem:s8], [sflag:$0x5] =	stream.indirect_vreg.gather [hbm4b:s3+s2], $0x40, v11, vm0, $0xb8;
	[tilespmem:$0x17000] =	vst v63  }
0xad: {  	s17 =	simm.s32 $0x0  }
0xae: {  	[tilespmem:s9], [sflag:$0x5] =	stream.indirect_vreg.gather [hbm4b:s3+s2], $0x40, v12, vm0, $0xb8;
	[tilespmem:$0x17000] =	vst v63  }
.LBB2_2:
0xaf: {  	_ =	swait.ge [sflag:s10], $0x400  }
0xb0: {  	[sflag:s10] =	ssyncset.done $0x0  }
0xb1: {  	[sflag:s10] =	ssyncadd.s32 $0xFFFFFC00  }
0xb2: {  	_ =	swait.ge [sflag:s10], $0x400  }
0xb3: {  	[sflag:s10] =	ssyncset.done $0x0  }
0xb4: {  	[sflag:s10] =	ssyncadd.s32 $0xFFFFFC00  }
0xb5: {  	_ =	swait.ge [sflag:s10], $0x400  }
0xb6: {  	[sflag:s10] =	ssyncset.done $0x0  }
0xb7: {  	[sflag:s10] =	ssyncadd.s32 $0xFFFFFC00  }
0xb8: {  	_ =	swait.ge [sflag:s10], $0x400  }
0xb9: {  	[sflag:s10] =	ssyncset.done $0x0  }
0xba: {  	[sflag:s10] =	ssyncadd.s32 $0xFFFFFC00  }
0xbb: {  	_ =	swait.ge [sflag:s10], $0x400  }
0xbc: {  	[sflag:s10] =	ssyncset.done $0x0  }
0xbd: {  	[sflag:s10] =	ssyncadd.s32 $0xFFFFFC00  }
0xbe: {  	_ =	swait.ge [sflag:s10], $0x400  }
0xbf: {  	[sflag:s10] =	ssyncset.done $0x0  }
0xc0: {  	[sflag:s10] =	ssyncadd.s32 $0xFFFFFC00  }
0xc1: {  	_ =	swait.ge [sflag:s10], $0x400  }
0xc2: {  	[sflag:s10] =	ssyncset.done $0x0  }
0xc3: {  	[sflag:s10] =	ssyncadd.s32 $0xFFFFFC00  }
0xc4: {  	_ =	swait.ge [sflag:s10], $0x400  }
0xc5: {  	[sflag:s10] =	ssyncset.done $0x0  }
0xc6: {  	[sflag:s10] =	ssyncadd.s32 $0xFFFFFC00  }
0xc7: {  	_ =	swait.ge [sflag:s10], $0x400  }
0xc8: {  	[sflag:s10] =	ssyncset.done $0x0  }
0xc9: {  	[sflag:s10] =	ssyncadd.s32 $0xFFFFFC00  }
0xca: {  	_ =	swait.ge [sflag:s10], $0x400  }
0xcb: {  	[sflag:s10] =	ssyncset.done $0x0  }
0xcc: {  	[sflag:s10] =	ssyncadd.s32 $0xFFFFFC00  }
0xcd: {  	_ =	swait.ge [sflag:s10], $0x400  }
0xce: {  	[sflag:s10] =	ssyncset.done $0x0  }
0xcf: {  	[sflag:s10] =	ssyncadd.s32 $0xFFFFFC00  }
0xd0: {  	_ =	swait.ge [sflag:s10], $0x400  }
0xd1: {  	[sflag:s10] =	ssyncset.done $0x0  }
0xd2: {  	[sflag:s10] =	ssyncadd.s32 $0xFFFFFC00  }
0xd3: {  	_ =	swait.ge [sflag:s10], $0x400  }
0xd4: {  	[sflag:s10] =	ssyncset.done $0x0  }
0xd5: {  	s18 =	simm.s32 $0x0;
	[sflag:s10] =	ssyncadd.s32 $0xFFFFFC00  }
0xd6: {  	v0 =	vld [tilespmem:s18+$0x80C0]  }
0xd7: {  	v1 =	vld [tilespmem:s18+$0x80D0]  }
0xd8: {  	v2 =	vld [tilespmem:s18+$0x8080]  }
0xd9: {  	v3 =	vld [tilespmem:s18+$0x8090]  }
0xda: {  	v4 =	vld [tilespmem:s18+$0x8040]  }
0xdb: {  	v5 =	vld [tilespmem:s18+$0x8050]  }
0xdc: {  	v10 =	vld [tilespmem:s18+$0x8000]  }
0xdd: {  	v6 =	vimm.f32 $0.0e+00;
	v12 =	vld [tilespmem:s18+$0x8010]  }
0xde: {  	s19 =	simm.s32 $0x400;
	v9 =	vimm.f32 $0.0e+00;
	v8 =	vimm.f32 $0.0e+00;
	v7 =	vimm.f32 $0.0e+00;
	v11 =	vld [tilespmem:s18+$0x8020]  }
.LBB2_3:
0xdf: {  	p0 =	sne.s32 s19, $0xCC00;
	v13 =	vld [tilespmem:s18+$0x8030]  }
0xe0: {  	v14 =	vld [tilespmem:s18+$0x8060]  }
0xe1: {  	v15 =	vld [tilespmem:s18+$0x8070]  }
0xe2: {  	v16 =	vld [tilespmem:s18+$0x80A0]  }
0xe3: {  	v6 =	vadd.f32 v10, v6;
	v9 =	vadd.f32 v12, v9;
	v10 =	vld [tilespmem:s18+$0x80B0]  }
0xe4: {  	v8 =	vadd.f32 v11, v8;
	v7 =	vadd.f32 v13, v7;
	v11 =	vld [tilespmem:s18+$0x80E0]  }
0xe5: {  	v4 =	vadd.f32 v4, v6;
	v5 =	vadd.f32 v5, v9;
	v12 =	vld [tilespmem:s18+$0x80F0];
	s18 =	sshra.s32 s19, $0x2  }
0xe6: {  	v6 =	vadd.f32 v14, v8;
	v13 =	vld [tilespmem:s18+$0x80C0];
	v7 =	vadd.f32 v15, v7  }
0xe7: {  	v4 =	vadd.f32 v2, v4;
	v5 =	vadd.f32 v3, v5;
	v14 =	vld [tilespmem:s18+$0x80D0]  }
0xe8: {  	v8 =	vadd.f32 v16, v6;
	v2 =	vld [tilespmem:s18+$0x8080];
	v7 =	vadd.f32 v10, v7  }
0xe9: {  	v6 =	vadd.f32 v0, v4;
	v9 =	vadd.f32 v1, v5;
	v3 =	vld [tilespmem:s18+$0x8090]  }
.Ltmp2:
0xea: {  	v8 =	vadd.f32 v11, v8;
	v4 =	vld [tilespmem:s18+$0x8040];
	v7 =	vadd.f32 v12, v7;
	(pc) =	sbr.rel @p0 .LBB2_3-.Ltmp2, $4  }
0xeb: {  	v5 =	vld [tilespmem:s18+$0x8050];
	v0 =	vmov v13  }
0xec: {  	v10 =	vld [tilespmem:s18+$0x8000];
	v1 =	vmov v14  }
0xed: {  	v12 =	vld [tilespmem:s18+$0x8010]  }
0xee: {  	s19 =	sadd.s32 $0x400, s19;
	v11 =	vld [tilespmem:s18+$0x8020]  }
0xef: {  	v13 =	vld [tilespmem:s18+$0x8030]  }
0xf0: {  	v14 =	vld [tilespmem:s18+$0x8060]  }
0xf1: {  	v15 =	vld [tilespmem:s18+$0x8070];
	v6 =	vadd.f32 v10, v6  }
0xf2: {  	v10 =	vld [tilespmem:s18+$0x80A0];
	v9 =	vadd.f32 v12, v9  }
0xf3: {  	v12 =	vld [tilespmem:s18+$0x80B0];
	v8 =	vadd.f32 v11, v8;
	v4 =	vadd.f32 v4, v6  }
0xf4: {  	v6 =	vadd.f32 v13, v7;
	v7 =	vld [tilespmem:s18+$0x80E0];
	v5 =	vadd.f32 v5, v9  }
0xf5: {  	v9 =	vld [tilespmem:s18+$0x80F0];
	v8 =	vadd.f32 v14, v8;
	v2 =	vadd.f32 v2, v4  }
0xf6: {  	v4 =	vadd.f32 v15, v6;
	v3 =	vadd.f32 v3, v5  }
0xf7: {  	s18 =	sshll.u32 s17, $0xA;
	v5 =	vadd.f32 v10, v8;
	v0 =	vadd.f32 v0, v2  }
0xf8: {  	s19 =	sshrl.u32 s18, $0x2;
	v2 =	vadd.f32 v12, v4;
	v1 =	vadd.f32 v1, v3  }
0xf9: {  	v3 =	vadd.f32 v7, v5;
	[tilespmem:s19+$0x15000] =	vst v0  }
0xfa: {  	v0 =	vadd.f32 v9, v2;
	[tilespmem:s19+$0x15010] =	vst v1  }
0xfb: {  	[tilespmem:s19+$0x15020] =	vst v3  }
0xfc: {  	p0 =	seq.s32 s17, $0x1F;
	[tilespmem:s19+$0x15030] =	vst v0  }
0xfd: {  	v0 =	vld @!p0 [tilespmem:s18+$0x400]  }
0xfe: {  	v1 =	vld @!p0 [tilespmem:s18+$0x410]  }
0xff: {  	v2 =	vld @!p0 [tilespmem:s18+$0x420]  }
0x100: {  	v3 =	vld @!p0 [tilespmem:s18+$0x430]  }
0x101: {  	v4 =	vld @!p0 [tilespmem:s18+$0x440]  }
0x102: {  	v5 =	vld @!p0 [tilespmem:s18+$0x450]  }
0x103: {  	v6 =	vld @!p0 [tilespmem:s18+$0x460]  }
0x104: {  	v7 =	vld @!p0 [tilespmem:s18+$0x470]  }
0x105: {  	v8 =	vld @!p0 [tilespmem:s18+$0x480]  }
0x106: {  	v9 =	vld @!p0 [tilespmem:s18+$0x490]  }
0x107: {  	v10 =	vld @!p0 [tilespmem:s18+$0x4A0]  }
0x108: {  	vm1 =	vmmov @!p0 $0xffff;
	s20 =	simm.s32 @!p0 $0x0;
	s21 =	simm.s32 @!p0 $0x8000;
	v11 =	vld @!p0 [tilespmem:s18+$0x4B0]  }
0x109: {  	v12 =	vld @!p0 [tilespmem:s18+$0x4C0];
	[tilespmem:s21], [sflag:$0x2] =	stream.indirect_vreg.gather @!p0 [hbm4b:s3+s20], $0x40, v0, vm1, $0xb8;
	[tilespmem:$0x17000] =	vst v63  }
0x10a: {  	s21 =	simm.s32 @!p0 $0x8400  }
0x10b: {  	[tilespmem:s21], [sflag:$0x2] =	stream.indirect_vreg.gather @!p0 [hbm4b:s3+s20], $0x40, v1, vm1, $0xb8;
	[tilespmem:$0x17000] =	vst v63  }
0x10c: {  	s21 =	simm.s32 @!p0 $0x8800  }
0x10d: {  	[tilespmem:s21], [sflag:$0x2] =	stream.indirect_vreg.gather @!p0 [hbm4b:s3+s20], $0x40, v2, vm1, $0xb8;
	[tilespmem:$0x17000] =	vst v63  }
0x10e: {  	s21 =	simm.s32 @!p0 $0x8C00  }
0x10f: {  	[tilespmem:s21], [sflag:$0x2] =	stream.indirect_vreg.gather @!p0 [hbm4b:s3+s20], $0x40, v3, vm1, $0xb8;
	[tilespmem:$0x17000] =	vst v63  }
0x110: {  	s21 =	simm.s32 @!p0 $0x9000  }
0x111: {  	[tilespmem:s21], [sflag:$0x2] =	stream.indirect_vreg.gather @!p0 [hbm4b:s3+s20], $0x40, v4, vm1, $0xb8;
	[tilespmem:$0x17000] =	vst v63  }
0x112: {  	s21 =	simm.s32 @!p0 $0x9400  }
0x113: {  	[tilespmem:s21], [sflag:$0x2] =	stream.indirect_vreg.gather @!p0 [hbm4b:s3+s20], $0x40, v5, vm1, $0xb8;
	[tilespmem:$0x17000] =	vst v63  }
0x114: {  	s21 =	simm.s32 @!p0 $0x9800  }
0x115: {  	[tilespmem:s21], [sflag:$0x2] =	stream.indirect_vreg.gather @!p0 [hbm4b:s3+s20], $0x40, v6, vm1, $0xb8;
	[tilespmem:$0x17000] =	vst v63  }
0x116: {  	s21 =	simm.s32 @!p0 $0x9C00  }
0x117: {  	[tilespmem:s21], [sflag:$0x2] =	stream.indirect_vreg.gather @!p0 [hbm4b:s3+s20], $0x40, v7, vm1, $0xb8;
	[tilespmem:$0x17000] =	vst v63  }
0x118: {  	s21 =	simm.s32 @!p0 $0xA000  }
0x119: {  	[tilespmem:s21], [sflag:$0x2] =	stream.indirect_vreg.gather @!p0 [hbm4b:s3+s20], $0x40, v8, vm1, $0xb8;
	[tilespmem:$0x17000] =	vst v63  }
0x11a: {  	s21 =	simm.s32 @!p0 $0xA400  }
0x11b: {  	[tilespmem:s21], [sflag:$0x2] =	stream.indirect_vreg.gather @!p0 [hbm4b:s3+s20], $0x40, v9, vm1, $0xb8;
	[tilespmem:$0x17000] =	vst v63  }
0x11c: {  	s21 =	simm.s32 @!p0 $0xA800  }
0x11d: {  	[tilespmem:s21], [sflag:$0x2] =	stream.indirect_vreg.gather @!p0 [hbm4b:s3+s20], $0x40, v10, vm1, $0xb8;
	[tilespmem:$0x17000] =	vst v63  }
0x11e: {  	s21 =	simm.s32 @!p0 $0xAC00  }
0x11f: {  	[tilespmem:s21], [sflag:$0x2] =	stream.indirect_vreg.gather @!p0 [hbm4b:s3+s20], $0x40, v11, vm1, $0xb8;
	[tilespmem:$0x17000] =	vst v63  }
0x120: {  	s21 =	simm.s32 @!p0 $0xB000  }
0x121: {  	[tilespmem:s21], [sflag:$0x2] =	stream.indirect_vreg.gather @!p0 [hbm4b:s3+s20], $0x40, v12, vm1, $0xb8;
	[tilespmem:$0x17000] =	vst v63  }
0x122: {  	_ =	swait.ge [sflag:s11], $0x400  }
0x123: {  	[sflag:s11] =	ssyncset.done $0x0  }
0x124: {  	[sflag:s11] =	ssyncadd.s32 $0xFFFFFC00  }
0x125: {  	_ =	swait.ge [sflag:s11], $0x400  }
0x126: {  	[sflag:s11] =	ssyncset.done $0x0  }
0x127: {  	[sflag:s11] =	ssyncadd.s32 $0xFFFFFC00  }
0x128: {  	_ =	swait.ge [sflag:s11], $0x400  }
0x129: {  	[sflag:s11] =	ssyncset.done $0x0  }
0x12a: {  	[sflag:s11] =	ssyncadd.s32 $0xFFFFFC00  }
0x12b: {  	_ =	swait.ge [sflag:s11], $0x400  }
0x12c: {  	[sflag:s11] =	ssyncset.done $0x0  }
0x12d: {  	[sflag:s11] =	ssyncadd.s32 $0xFFFFFC00  }
0x12e: {  	_ =	swait.ge [sflag:s11], $0x400  }
0x12f: {  	[sflag:s11] =	ssyncset.done $0x0  }
0x130: {  	[sflag:s11] =	ssyncadd.s32 $0xFFFFFC00  }
0x131: {  	_ =	swait.ge [sflag:s11], $0x400  }
0x132: {  	[sflag:s11] =	ssyncset.done $0x0  }
0x133: {  	[sflag:s11] =	ssyncadd.s32 $0xFFFFFC00  }
0x134: {  	_ =	swait.ge [sflag:s11], $0x400  }
0x135: {  	[sflag:s11] =	ssyncset.done $0x0  }
0x136: {  	[sflag:s11] =	ssyncadd.s32 $0xFFFFFC00  }
0x137: {  	_ =	swait.ge [sflag:s11], $0x400  }
0x138: {  	[sflag:s11] =	ssyncset.done $0x0  }
0x139: {  	[sflag:s11] =	ssyncadd.s32 $0xFFFFFC00  }
0x13a: {  	_ =	swait.ge [sflag:s11], $0x400  }
0x13b: {  	[sflag:s11] =	ssyncset.done $0x0  }
0x13c: {  	[sflag:s11] =	ssyncadd.s32 $0xFFFFFC00  }
0x13d: {  	_ =	swait.ge [sflag:s11], $0x400  }
0x13e: {  	[sflag:s11] =	ssyncset.done $0x0  }
0x13f: {  	[sflag:s11] =	ssyncadd.s32 $0xFFFFFC00  }
0x140: {  	_ =	swait.ge [sflag:s11], $0x400  }
0x141: {  	[sflag:s11] =	ssyncset.done $0x0  }
0x142: {  	[sflag:s11] =	ssyncadd.s32 $0xFFFFFC00  }
0x143: {  	_ =	swait.ge [sflag:s11], $0x400  }
0x144: {  	[sflag:s11] =	ssyncset.done $0x0  }
0x145: {  	[sflag:s11] =	ssyncadd.s32 $0xFFFFFC00  }
0x146: {  	_ =	swait.ge [sflag:s11], $0x400  }
0x147: {  	[sflag:s11] =	ssyncset.done $0x0  }
0x148: {  	s20 =	simm.s32 $0x0;
	[sflag:s11] =	ssyncadd.s32 $0xFFFFFC00  }
0x149: {  	v0 =	vld [tilespmem:s20+$0xB4C0]  }
0x14a: {  	v1 =	vld [tilespmem:s20+$0xB4D0]  }
0x14b: {  	v2 =	vld [tilespmem:s20+$0xB480]  }
0x14c: {  	v3 =	vld [tilespmem:s20+$0xB490]  }
0x14d: {  	v4 =	vld [tilespmem:s20+$0xB440]  }
0x14e: {  	v5 =	vld [tilespmem:s20+$0xB450]  }
0x14f: {  	v10 =	vld [tilespmem:s20+$0xB400]  }
0x150: {  	v6 =	vimm.f32 $0.0e+00;
	v12 =	vld [tilespmem:s20+$0xB410]  }
0x151: {  	v7 =	vimm.f32 $0.0e+00;
	v8 =	vimm.f32 $0.0e+00;
	v9 =	vimm.f32 $0.0e+00;
	s21 =	simm.s32 $0x400;
	v11 =	vld [tilespmem:s20+$0xB420]  }
.LBB2_5:
0x152: {  	p1 =	sne.s32 s21, $0xCC00;
	v13 =	vld [tilespmem:s20+$0xB430]  }
0x153: {  	v14 =	vld [tilespmem:s20+$0xB460]  }
0x154: {  	v15 =	vld [tilespmem:s20+$0xB470]  }
0x155: {  	v16 =	vld [tilespmem:s20+$0xB4A0]  }
0x156: {  	v6 =	vadd.f32 v10, v6;
	v9 =	vadd.f32 v12, v9;
	v10 =	vld [tilespmem:s20+$0xB4B0]  }
0x157: {  	v8 =	vadd.f32 v11, v8;
	v7 =	vadd.f32 v13, v7;
	v11 =	vld [tilespmem:s20+$0xB4E0]  }
0x158: {  	v4 =	vadd.f32 v4, v6;
	v5 =	vadd.f32 v5, v9;
	v12 =	vld [tilespmem:s20+$0xB4F0];
	s20 =	sshra.s32 s21, $0x2  }
0x159: {  	v6 =	vadd.f32 v14, v8;
	v13 =	vld [tilespmem:s20+$0xB4C0];
	v7 =	vadd.f32 v15, v7  }
0x15a: {  	v4 =	vadd.f32 v2, v4;
	v5 =	vadd.f32 v3, v5;
	v14 =	vld [tilespmem:s20+$0xB4D0]  }
0x15b: {  	v8 =	vadd.f32 v16, v6;
	v2 =	vld [tilespmem:s20+$0xB480];
	v7 =	vadd.f32 v10, v7  }
0x15c: {  	v6 =	vadd.f32 v0, v4;
	v9 =	vadd.f32 v1, v5;
	v3 =	vld [tilespmem:s20+$0xB490]  }
.Ltmp3:
0x15d: {  	v8 =	vadd.f32 v11, v8;
	v4 =	vld [tilespmem:s20+$0xB440];
	v7 =	vadd.f32 v12, v7;
	(pc) =	sbr.rel @p1 .LBB2_5-.Ltmp3, $4  }
0x15e: {  	v5 =	vld [tilespmem:s20+$0xB450];
	v0 =	vmov v13  }
0x15f: {  	v10 =	vld [tilespmem:s20+$0xB400];
	v1 =	vmov v14  }
0x160: {  	v12 =	vld [tilespmem:s20+$0xB410]  }
0x161: {  	s21 =	sadd.s32 $0x400, s21;
	v11 =	vld [tilespmem:s20+$0xB420]  }
0x162: {  	v13 =	vld [tilespmem:s20+$0xB430]  }
0x163: {  	v14 =	vld [tilespmem:s20+$0xB460]  }
0x164: {  	v15 =	vld [tilespmem:s20+$0xB470];
	v6 =	vadd.f32 v10, v6  }
0x165: {  	v10 =	vld [tilespmem:s20+$0xB4A0];
	v9 =	vadd.f32 v12, v9  }
0x166: {  	v12 =	vld [tilespmem:s20+$0xB4B0];
	v8 =	vadd.f32 v11, v8;
	v4 =	vadd.f32 v4, v6  }
0x167: {  	v6 =	vadd.f32 v13, v7;
	v7 =	vld [tilespmem:s20+$0xB4E0];
	v5 =	vadd.f32 v5, v9  }
0x168: {  	v9 =	vld [tilespmem:s20+$0xB4F0];
	v8 =	vadd.f32 v14, v8;
	v2 =	vadd.f32 v2, v4  }
0x169: {  	v4 =	vadd.f32 v15, v6;
	v3 =	vadd.f32 v3, v5  }
0x16a: {  	v5 =	vadd.f32 v10, v8;
	v0 =	vadd.f32 v0, v2  }
0x16b: {  	v2 =	vadd.f32 v12, v4;
	v1 =	vadd.f32 v1, v3  }
0x16c: {  	v3 =	vadd.f32 v7, v5;
	[tilespmem:s19+$0x15040] =	vst v0  }
0x16d: {  	v0 =	vadd.f32 v9, v2;
	[tilespmem:s19+$0x15050] =	vst v1  }
0x16e: {  	[tilespmem:s19+$0x15060] =	vst v3  }
0x16f: {  	[tilespmem:s19+$0x15070] =	vst v0  }
0x170: {  	v0 =	vld @!p0 [tilespmem:s18+$0x500]  }
0x171: {  	v1 =	vld @!p0 [tilespmem:s18+$0x510]  }
0x172: {  	v2 =	vld @!p0 [tilespmem:s18+$0x520]  }
0x173: {  	v3 =	vld @!p0 [tilespmem:s18+$0x530]  }
0x174: {  	v4 =	vld @!p0 [tilespmem:s18+$0x540]  }
0x175: {  	v5 =	vld @!p0 [tilespmem:s18+$0x550]  }
0x176: {  	v6 =	vld @!p0 [tilespmem:s18+$0x560]  }
0x177: {  	v7 =	vld @!p0 [tilespmem:s18+$0x570]  }
0x178: {  	v8 =	vld @!p0 [tilespmem:s18+$0x580]  }
0x179: {  	v9 =	vld @!p0 [tilespmem:s18+$0x590]  }
0x17a: {  	v10 =	vld @!p0 [tilespmem:s18+$0x5A0]  }
0x17b: {  	s21 =	simm.s32 @!p0 $0xB400;
	s20 =	simm.s32 @!p0 $0x0;
	v11 =	vld @!p0 [tilespmem:s18+$0x5B0]  }
0x17c: {  	v12 =	vld @!p0 [tilespmem:s18+$0x5C0];
	[tilespmem:s21], [sflag:$0x3] =	stream.indirect_vreg.gather @!p0 [hbm4b:s3+s20], $0x40, v0, vm1, $0xb8;
	[tilespmem:$0x17000] =	vst v63  }
0x17d: {  	s21 =	simm.s32 @!p0 $0xB800  }
0x17e: {  	[tilespmem:s21], [sflag:$0x3] =	stream.indirect_vreg.gather @!p0 [hbm4b:s3+s20], $0x40, v1, vm1, $0xb8;
	[tilespmem:$0x17000] =	vst v63  }
0x17f: {  	s21 =	simm.s32 @!p0 $0xBC00  }
0x180: {  	[tilespmem:s21], [sflag:$0x3] =	stream.indirect_vreg.gather @!p0 [hbm4b:s3+s20], $0x40, v2, vm1, $0xb8;
	[tilespmem:$0x17000] =	vst v63  }
0x181: {  	s21 =	simm.s32 @!p0 $0xC000  }
0x182: {  	[tilespmem:s21], [sflag:$0x3] =	stream.indirect_vreg.gather @!p0 [hbm4b:s3+s20], $0x40, v3, vm1, $0xb8;
	[tilespmem:$0x17000] =	vst v63  }
0x183: {  	s21 =	simm.s32 @!p0 $0xC400  }
0x184: {  	[tilespmem:s21], [sflag:$0x3] =	stream.indirect_vreg.gather @!p0 [hbm4b:s3+s20], $0x40, v4, vm1, $0xb8;
	[tilespmem:$0x17000] =	vst v63  }
0x185: {  	s21 =	simm.s32 @!p0 $0xC800  }
0x186: {  	[tilespmem:s21], [sflag:$0x3] =	stream.indirect_vreg.gather @!p0 [hbm4b:s3+s20], $0x40, v5, vm1, $0xb8;
	[tilespmem:$0x17000] =	vst v63  }
0x187: {  	s21 =	simm.s32 @!p0 $0xCC00  }
0x188: {  	[tilespmem:s21], [sflag:$0x3] =	stream.indirect_vreg.gather @!p0 [hbm4b:s3+s20], $0x40, v6, vm1, $0xb8;
	[tilespmem:$0x17000] =	vst v63  }
0x189: {  	s21 =	simm.s32 @!p0 $0xD000  }
0x18a: {  	[tilespmem:s21], [sflag:$0x3] =	stream.indirect_vreg.gather @!p0 [hbm4b:s3+s20], $0x40, v7, vm1, $0xb8;
	[tilespmem:$0x17000] =	vst v63  }
0x18b: {  	s21 =	simm.s32 @!p0 $0xD400  }
0x18c: {  	[tilespmem:s21], [sflag:$0x3] =	stream.indirect_vreg.gather @!p0 [hbm4b:s3+s20], $0x40, v8, vm1, $0xb8;
	[tilespmem:$0x17000] =	vst v63  }
0x18d: {  	s21 =	simm.s32 @!p0 $0xD800  }
0x18e: {  	[tilespmem:s21], [sflag:$0x3] =	stream.indirect_vreg.gather @!p0 [hbm4b:s3+s20], $0x40, v9, vm1, $0xb8;
	[tilespmem:$0x17000] =	vst v63  }
0x18f: {  	s21 =	simm.s32 @!p0 $0xDC00  }
0x190: {  	[tilespmem:s21], [sflag:$0x3] =	stream.indirect_vreg.gather @!p0 [hbm4b:s3+s20], $0x40, v10, vm1, $0xb8;
	[tilespmem:$0x17000] =	vst v63  }
0x191: {  	s21 =	simm.s32 @!p0 $0xE000  }
0x192: {  	[tilespmem:s21], [sflag:$0x3] =	stream.indirect_vreg.gather @!p0 [hbm4b:s3+s20], $0x40, v11, vm1, $0xb8;
	[tilespmem:$0x17000] =	vst v63  }
0x193: {  	s21 =	simm.s32 @!p0 $0xE400  }
0x194: {  	[tilespmem:s21], [sflag:$0x3] =	stream.indirect_vreg.gather @!p0 [hbm4b:s3+s20], $0x40, v12, vm1, $0xb8;
	[tilespmem:$0x17000] =	vst v63  }
0x195: {  	_ =	swait.ge [sflag:s12], $0x400  }
0x196: {  	[sflag:s12] =	ssyncset.done $0x0  }
0x197: {  	[sflag:s12] =	ssyncadd.s32 $0xFFFFFC00  }
0x198: {  	_ =	swait.ge [sflag:s12], $0x400  }
0x199: {  	[sflag:s12] =	ssyncset.done $0x0  }
0x19a: {  	[sflag:s12] =	ssyncadd.s32 $0xFFFFFC00  }
0x19b: {  	_ =	swait.ge [sflag:s12], $0x400  }
0x19c: {  	[sflag:s12] =	ssyncset.done $0x0  }
0x19d: {  	[sflag:s12] =	ssyncadd.s32 $0xFFFFFC00  }
0x19e: {  	_ =	swait.ge [sflag:s12], $0x400  }
0x19f: {  	[sflag:s12] =	ssyncset.done $0x0  }
0x1a0: {  	[sflag:s12] =	ssyncadd.s32 $0xFFFFFC00  }
0x1a1: {  	_ =	swait.ge [sflag:s12], $0x400  }
0x1a2: {  	[sflag:s12] =	ssyncset.done $0x0  }
0x1a3: {  	[sflag:s12] =	ssyncadd.s32 $0xFFFFFC00  }
0x1a4: {  	_ =	swait.ge [sflag:s12], $0x400  }
0x1a5: {  	[sflag:s12] =	ssyncset.done $0x0  }
0x1a6: {  	[sflag:s12] =	ssyncadd.s32 $0xFFFFFC00  }
0x1a7: {  	_ =	swait.ge [sflag:s12], $0x400  }
0x1a8: {  	[sflag:s12] =	ssyncset.done $0x0  }
0x1a9: {  	[sflag:s12] =	ssyncadd.s32 $0xFFFFFC00  }
0x1aa: {  	_ =	swait.ge [sflag:s12], $0x400  }
0x1ab: {  	[sflag:s12] =	ssyncset.done $0x0  }
0x1ac: {  	[sflag:s12] =	ssyncadd.s32 $0xFFFFFC00  }
0x1ad: {  	_ =	swait.ge [sflag:s12], $0x400  }
0x1ae: {  	[sflag:s12] =	ssyncset.done $0x0  }
0x1af: {  	[sflag:s12] =	ssyncadd.s32 $0xFFFFFC00  }
0x1b0: {  	_ =	swait.ge [sflag:s12], $0x400  }
0x1b1: {  	[sflag:s12] =	ssyncset.done $0x0  }
0x1b2: {  	[sflag:s12] =	ssyncadd.s32 $0xFFFFFC00  }
0x1b3: {  	_ =	swait.ge [sflag:s12], $0x400  }
0x1b4: {  	[sflag:s12] =	ssyncset.done $0x0  }
0x1b5: {  	[sflag:s12] =	ssyncadd.s32 $0xFFFFFC00  }
0x1b6: {  	_ =	swait.ge [sflag:s12], $0x400  }
0x1b7: {  	[sflag:s12] =	ssyncset.done $0x0  }
0x1b8: {  	[sflag:s12] =	ssyncadd.s32 $0xFFFFFC00  }
0x1b9: {  	_ =	swait.ge [sflag:s12], $0x400  }
0x1ba: {  	[sflag:s12] =	ssyncset.done $0x0  }
0x1bb: {  	s20 =	simm.s32 $0x0;
	[sflag:s12] =	ssyncadd.s32 $0xFFFFFC00  }
0x1bc: {  	v0 =	vld [tilespmem:s20+$0xE8C0]  }
0x1bd: {  	v1 =	vld [tilespmem:s20+$0xE8D0]  }
0x1be: {  	v2 =	vld [tilespmem:s20+$0xE880]  }
0x1bf: {  	v3 =	vld [tilespmem:s20+$0xE890]  }
0x1c0: {  	v4 =	vld [tilespmem:s20+$0xE840]  }
0x1c1: {  	v5 =	vld [tilespmem:s20+$0xE850]  }
0x1c2: {  	v10 =	vld [tilespmem:s20+$0xE800]  }
0x1c3: {  	v6 =	vimm.f32 $0.0e+00;
	v12 =	vld [tilespmem:s20+$0xE810]  }
0x1c4: {  	v7 =	vimm.f32 $0.0e+00;
	v8 =	vimm.f32 $0.0e+00;
	v9 =	vimm.f32 $0.0e+00;
	s21 =	simm.s32 $0x400;
	v11 =	vld [tilespmem:s20+$0xE820]  }
.LBB2_7:
0x1c5: {  	p1 =	sne.s32 s21, $0xCC00;
	v13 =	vld [tilespmem:s20+$0xE830]  }
0x1c6: {  	v14 =	vld [tilespmem:s20+$0xE860]  }
0x1c7: {  	v15 =	vld [tilespmem:s20+$0xE870]  }
0x1c8: {  	v16 =	vld [tilespmem:s20+$0xE8A0]  }
0x1c9: {  	v6 =	vadd.f32 v10, v6;
	v9 =	vadd.f32 v12, v9;
	v10 =	vld [tilespmem:s20+$0xE8B0]  }
0x1ca: {  	v8 =	vadd.f32 v11, v8;
	v7 =	vadd.f32 v13, v7;
	v11 =	vld [tilespmem:s20+$0xE8E0]  }
0x1cb: {  	v4 =	vadd.f32 v4, v6;
	v5 =	vadd.f32 v5, v9;
	v12 =	vld [tilespmem:s20+$0xE8F0];
	s20 =	sshra.s32 s21, $0x2  }
0x1cc: {  	v6 =	vadd.f32 v14, v8;
	v13 =	vld [tilespmem:s20+$0xE8C0];
	v7 =	vadd.f32 v15, v7  }
0x1cd: {  	v4 =	vadd.f32 v2, v4;
	v5 =	vadd.f32 v3, v5;
	v14 =	vld [tilespmem:s20+$0xE8D0]  }
0x1ce: {  	v8 =	vadd.f32 v16, v6;
	v2 =	vld [tilespmem:s20+$0xE880];
	v7 =	vadd.f32 v10, v7  }
0x1cf: {  	v6 =	vadd.f32 v0, v4;
	v9 =	vadd.f32 v1, v5;
	v3 =	vld [tilespmem:s20+$0xE890]  }
.Ltmp4:
0x1d0: {  	v8 =	vadd.f32 v11, v8;
	v4 =	vld [tilespmem:s20+$0xE840];
	v7 =	vadd.f32 v12, v7;
	(pc) =	sbr.rel @p1 .LBB2_7-.Ltmp4, $4  }
0x1d1: {  	v5 =	vld [tilespmem:s20+$0xE850];
	v0 =	vmov v13  }
0x1d2: {  	v10 =	vld [tilespmem:s20+$0xE800];
	v1 =	vmov v14  }
0x1d3: {  	v12 =	vld [tilespmem:s20+$0xE810]  }
0x1d4: {  	s21 =	sadd.s32 $0x400, s21;
	v11 =	vld [tilespmem:s20+$0xE820]  }
0x1d5: {  	v13 =	vld [tilespmem:s20+$0xE830]  }
0x1d6: {  	v14 =	vld [tilespmem:s20+$0xE860]  }
0x1d7: {  	v15 =	vld [tilespmem:s20+$0xE870];
	v6 =	vadd.f32 v10, v6  }
0x1d8: {  	v10 =	vld [tilespmem:s20+$0xE8A0];
	v9 =	vadd.f32 v12, v9  }
0x1d9: {  	v12 =	vld [tilespmem:s20+$0xE8B0];
	v8 =	vadd.f32 v11, v8;
	v4 =	vadd.f32 v4, v6  }
0x1da: {  	v6 =	vadd.f32 v13, v7;
	v7 =	vld [tilespmem:s20+$0xE8E0];
	v5 =	vadd.f32 v5, v9  }
0x1db: {  	v9 =	vld [tilespmem:s20+$0xE8F0];
	v8 =	vadd.f32 v14, v8;
	v2 =	vadd.f32 v2, v4  }
0x1dc: {  	v4 =	vadd.f32 v15, v6;
	v3 =	vadd.f32 v3, v5  }
0x1dd: {  	v5 =	vadd.f32 v10, v8;
	v0 =	vadd.f32 v0, v2  }
0x1de: {  	v2 =	vadd.f32 v12, v4;
	v1 =	vadd.f32 v1, v3  }
0x1df: {  	v3 =	vadd.f32 v7, v5;
	[tilespmem:s19+$0x15080] =	vst v0  }
0x1e0: {  	v0 =	vadd.f32 v9, v2;
	[tilespmem:s19+$0x15090] =	vst v1  }
0x1e1: {  	[tilespmem:s19+$0x150A0] =	vst v3  }
0x1e2: {  	[tilespmem:s19+$0x150B0] =	vst v0  }
0x1e3: {  	v0 =	vld @!p0 [tilespmem:s18+$0x600]  }
0x1e4: {  	v1 =	vld @!p0 [tilespmem:s18+$0x610]  }
0x1e5: {  	v2 =	vld @!p0 [tilespmem:s18+$0x620]  }
0x1e6: {  	v3 =	vld @!p0 [tilespmem:s18+$0x630]  }
0x1e7: {  	v4 =	vld @!p0 [tilespmem:s18+$0x640]  }
0x1e8: {  	v5 =	vld @!p0 [tilespmem:s18+$0x650]  }
0x1e9: {  	v6 =	vld @!p0 [tilespmem:s18+$0x660]  }
0x1ea: {  	v7 =	vld @!p0 [tilespmem:s18+$0x670]  }
0x1eb: {  	v8 =	vld @!p0 [tilespmem:s18+$0x680]  }
0x1ec: {  	v9 =	vld @!p0 [tilespmem:s18+$0x690]  }
0x1ed: {  	v10 =	vld @!p0 [tilespmem:s18+$0x6A0]  }
0x1ee: {  	s21 =	simm.s32 @!p0 $0xE800;
	s20 =	simm.s32 @!p0 $0x0;
	v11 =	vld @!p0 [tilespmem:s18+$0x6B0]  }
0x1ef: {  	v12 =	vld @!p0 [tilespmem:s18+$0x6C0];
	[tilespmem:s21], [sflag:$0x4] =	stream.indirect_vreg.gather @!p0 [hbm4b:s3+s20], $0x40, v0, vm1, $0xb8;
	[tilespmem:$0x17000] =	vst v63  }
0x1f0: {  	s21 =	simm.s32 @!p0 $0xEC00  }
0x1f1: {  	[tilespmem:s21], [sflag:$0x4] =	stream.indirect_vreg.gather @!p0 [hbm4b:s3+s20], $0x40, v1, vm1, $0xb8;
	[tilespmem:$0x17000] =	vst v63  }
0x1f2: {  	s21 =	simm.s32 @!p0 $0xF000  }
0x1f3: {  	[tilespmem:s21], [sflag:$0x4] =	stream.indirect_vreg.gather @!p0 [hbm4b:s3+s20], $0x40, v2, vm1, $0xb8;
	[tilespmem:$0x17000] =	vst v63  }
0x1f4: {  	s21 =	simm.s32 @!p0 $0xF400  }
0x1f5: {  	[tilespmem:s21], [sflag:$0x4] =	stream.indirect_vreg.gather @!p0 [hbm4b:s3+s20], $0x40, v3, vm1, $0xb8;
	[tilespmem:$0x17000] =	vst v63  }
0x1f6: {  	s21 =	simm.s32 @!p0 $0xF800  }
0x1f7: {  	[tilespmem:s21], [sflag:$0x4] =	stream.indirect_vreg.gather @!p0 [hbm4b:s3+s20], $0x40, v4, vm1, $0xb8;
	[tilespmem:$0x17000] =	vst v63  }
0x1f8: {  	s21 =	simm.s32 @!p0 $0xFC00  }
0x1f9: {  	[tilespmem:s21], [sflag:$0x4] =	stream.indirect_vreg.gather @!p0 [hbm4b:s3+s20], $0x40, v5, vm1, $0xb8;
	[tilespmem:$0x17000] =	vst v63  }
0x1fa: {  	s21 =	simm.s32 @!p0 $0x10000  }
0x1fb: {  	[tilespmem:s21], [sflag:$0x4] =	stream.indirect_vreg.gather @!p0 [hbm4b:s3+s20], $0x40, v6, vm1, $0xb8;
	[tilespmem:$0x17000] =	vst v63  }
0x1fc: {  	s21 =	simm.s32 @!p0 $0x10400  }
0x1fd: {  	[tilespmem:s21], [sflag:$0x4] =	stream.indirect_vreg.gather @!p0 [hbm4b:s3+s20], $0x40, v7, vm1, $0xb8;
	[tilespmem:$0x17000] =	vst v63  }
0x1fe: {  	s21 =	simm.s32 @!p0 $0x10800  }
0x1ff: {  	[tilespmem:s21], [sflag:$0x4] =	stream.indirect_vreg.gather @!p0 [hbm4b:s3+s20], $0x40, v8, vm1, $0xb8;
	[tilespmem:$0x17000] =	vst v63  }
0x200: {  	s21 =	simm.s32 @!p0 $0x10C00  }
0x201: {  	[tilespmem:s21], [sflag:$0x4] =	stream.indirect_vreg.gather @!p0 [hbm4b:s3+s20], $0x40, v9, vm1, $0xb8;
	[tilespmem:$0x17000] =	vst v63  }
0x202: {  	s21 =	simm.s32 @!p0 $0x11000  }
0x203: {  	[tilespmem:s21], [sflag:$0x4] =	stream.indirect_vreg.gather @!p0 [hbm4b:s3+s20], $0x40, v10, vm1, $0xb8;
	[tilespmem:$0x17000] =	vst v63  }
0x204: {  	s21 =	simm.s32 @!p0 $0x11400  }
0x205: {  	[tilespmem:s21], [sflag:$0x4] =	stream.indirect_vreg.gather @!p0 [hbm4b:s3+s20], $0x40, v11, vm1, $0xb8;
	[tilespmem:$0x17000] =	vst v63  }
0x206: {  	s21 =	simm.s32 @!p0 $0x11800  }
0x207: {  	[tilespmem:s21], [sflag:$0x4] =	stream.indirect_vreg.gather @!p0 [hbm4b:s3+s20], $0x40, v12, vm1, $0xb8;
	[tilespmem:$0x17000] =	vst v63  }
0x208: {  	_ =	swait.ge [sflag:s13], $0x400  }
0x209: {  	[sflag:s13] =	ssyncset.done $0x0  }
0x20a: {  	[sflag:s13] =	ssyncadd.s32 $0xFFFFFC00  }
0x20b: {  	_ =	swait.ge [sflag:s13], $0x400  }
0x20c: {  	[sflag:s13] =	ssyncset.done $0x0  }
0x20d: {  	[sflag:s13] =	ssyncadd.s32 $0xFFFFFC00  }
0x20e: {  	_ =	swait.ge [sflag:s13], $0x400  }
0x20f: {  	[sflag:s13] =	ssyncset.done $0x0  }
0x210: {  	[sflag:s13] =	ssyncadd.s32 $0xFFFFFC00  }
0x211: {  	_ =	swait.ge [sflag:s13], $0x400  }
0x212: {  	[sflag:s13] =	ssyncset.done $0x0  }
0x213: {  	[sflag:s13] =	ssyncadd.s32 $0xFFFFFC00  }
0x214: {  	_ =	swait.ge [sflag:s13], $0x400  }
0x215: {  	[sflag:s13] =	ssyncset.done $0x0  }
0x216: {  	[sflag:s13] =	ssyncadd.s32 $0xFFFFFC00  }
0x217: {  	_ =	swait.ge [sflag:s13], $0x400  }
0x218: {  	[sflag:s13] =	ssyncset.done $0x0  }
0x219: {  	[sflag:s13] =	ssyncadd.s32 $0xFFFFFC00  }
0x21a: {  	_ =	swait.ge [sflag:s13], $0x400  }
0x21b: {  	[sflag:s13] =	ssyncset.done $0x0  }
0x21c: {  	[sflag:s13] =	ssyncadd.s32 $0xFFFFFC00  }
0x21d: {  	_ =	swait.ge [sflag:s13], $0x400  }
0x21e: {  	[sflag:s13] =	ssyncset.done $0x0  }
0x21f: {  	[sflag:s13] =	ssyncadd.s32 $0xFFFFFC00  }
0x220: {  	_ =	swait.ge [sflag:s13], $0x400  }
0x221: {  	[sflag:s13] =	ssyncset.done $0x0  }
0x222: {  	[sflag:s13] =	ssyncadd.s32 $0xFFFFFC00  }
0x223: {  	_ =	swait.ge [sflag:s13], $0x400  }
0x224: {  	[sflag:s13] =	ssyncset.done $0x0  }
0x225: {  	[sflag:s13] =	ssyncadd.s32 $0xFFFFFC00  }
0x226: {  	_ =	swait.ge [sflag:s13], $0x400  }
0x227: {  	[sflag:s13] =	ssyncset.done $0x0  }
0x228: {  	[sflag:s13] =	ssyncadd.s32 $0xFFFFFC00  }
0x229: {  	_ =	swait.ge [sflag:s13], $0x400  }
0x22a: {  	[sflag:s13] =	ssyncset.done $0x0  }
0x22b: {  	[sflag:s13] =	ssyncadd.s32 $0xFFFFFC00  }
0x22c: {  	_ =	swait.ge [sflag:s13], $0x400  }
0x22d: {  	[sflag:s13] =	ssyncset.done $0x0  }
0x22e: {  	s20 =	simm.s32 $0x0;
	[sflag:s13] =	ssyncadd.s32 $0xFFFFFC00  }
0x22f: {  	v0 =	vld [tilespmem:s20+$0x11CC0]  }
0x230: {  	v1 =	vld [tilespmem:s20+$0x11CD0]  }
0x231: {  	v2 =	vld [tilespmem:s20+$0x11C80]  }
0x232: {  	v3 =	vld [tilespmem:s20+$0x11C90]  }
0x233: {  	v4 =	vld [tilespmem:s20+$0x11C40]  }
0x234: {  	v5 =	vld [tilespmem:s20+$0x11C50]  }
0x235: {  	v10 =	vld [tilespmem:s20+$0x11C00]  }
0x236: {  	v6 =	vimm.f32 $0.0e+00;
	v12 =	vld [tilespmem:s20+$0x11C10]  }
0x237: {  	v7 =	vimm.f32 $0.0e+00;
	v8 =	vimm.f32 $0.0e+00;
	v9 =	vimm.f32 $0.0e+00;
	s21 =	simm.s32 $0x400;
	v11 =	vld [tilespmem:s20+$0x11C20]  }
.LBB2_9:
0x238: {  	p1 =	sne.s32 s21, $0xCC00;
	v13 =	vld [tilespmem:s20+$0x11C30]  }
0x239: {  	v14 =	vld [tilespmem:s20+$0x11C60]  }
0x23a: {  	v15 =	vld [tilespmem:s20+$0x11C70]  }
0x23b: {  	v16 =	vld [tilespmem:s20+$0x11CA0]  }
0x23c: {  	v6 =	vadd.f32 v10, v6;
	v9 =	vadd.f32 v12, v9;
	v10 =	vld [tilespmem:s20+$0x11CB0]  }
0x23d: {  	v8 =	vadd.f32 v11, v8;
	v7 =	vadd.f32 v13, v7;
	v11 =	vld [tilespmem:s20+$0x11CE0]  }
0x23e: {  	v4 =	vadd.f32 v4, v6;
	v5 =	vadd.f32 v5, v9;
	v12 =	vld [tilespmem:s20+$0x11CF0];
	s20 =	sshra.s32 s21, $0x2  }
0x23f: {  	v6 =	vadd.f32 v14, v8;
	v13 =	vld [tilespmem:s20+$0x11CC0];
	v7 =	vadd.f32 v15, v7  }
0x240: {  	v4 =	vadd.f32 v2, v4;
	v5 =	vadd.f32 v3, v5;
	v14 =	vld [tilespmem:s20+$0x11CD0]  }
0x241: {  	v8 =	vadd.f32 v16, v6;
	v2 =	vld [tilespmem:s20+$0x11C80];
	v7 =	vadd.f32 v10, v7  }
0x242: {  	v6 =	vadd.f32 v0, v4;
	v9 =	vadd.f32 v1, v5;
	v3 =	vld [tilespmem:s20+$0x11C90]  }
.Ltmp5:
0x243: {  	v8 =	vadd.f32 v11, v8;
	v4 =	vld [tilespmem:s20+$0x11C40];
	v7 =	vadd.f32 v12, v7;
	(pc) =	sbr.rel @p1 .LBB2_9-.Ltmp5, $4  }
0x244: {  	v5 =	vld [tilespmem:s20+$0x11C50];
	v0 =	vmov v13  }
0x245: {  	v10 =	vld [tilespmem:s20+$0x11C00];
	v1 =	vmov v14  }
0x246: {  	v12 =	vld [tilespmem:s20+$0x11C10]  }
0x247: {  	s21 =	sadd.s32 $0x400, s21;
	v11 =	vld [tilespmem:s20+$0x11C20]  }
0x248: {  	v13 =	vld [tilespmem:s20+$0x11C30]  }
0x249: {  	v14 =	vld [tilespmem:s20+$0x11C60]  }
0x24a: {  	v15 =	vld [tilespmem:s20+$0x11C70];
	v6 =	vadd.f32 v10, v6  }
0x24b: {  	v54 =	vld [tilespmem:s20+$0x11CA0];
	v9 =	vadd.f32 v12, v9  }
0x24c: {  	v55 =	vld [tilespmem:s20+$0x11CB0];
	v8 =	vadd.f32 v11, v8;
	v4 =	vadd.f32 v4, v6  }
0x24d: {  	v57 =	vld [tilespmem:s20+$0x11CE0];
	v56 =	vadd.f32 v13, v7;
	v5 =	vadd.f32 v5, v9  }
0x24e: {  	v58 =	vld [tilespmem:s20+$0x11CF0];
	v8 =	vadd.f32 v14, v8;
	v2 =	vadd.f32 v2, v4  }
0x24f: {  	v59 =	vadd.f32 v15, v56;
	v3 =	vadd.f32 v3, v5  }
0x250: {  	v60 =	vadd.f32 v54, v8;
	v0 =	vadd.f32 v0, v2  }
.Ltmp6:
0x251: {  	v61 =	vadd.f32 v55, v59;
	v1 =	vadd.f32 v1, v3;
	(pc) =	sbr.rel @p0 .LBB2_12-.Ltmp6, $4  }
0x252: {  	v62 =	vadd.f32 v57, v60;
	[tilespmem:s19+$0x150C0] =	vst v0  }
0x253: {  	v63 =	vadd.f32 v58, v61;
	[tilespmem:s19+$0x150D0] =	vst v1  }
0x254: {  	[tilespmem:s19+$0x150E0] =	vst v62  }
0x255: {  	[tilespmem:s19+$0x150F0] =	vst v63  }
0x256: {  	v0 =	vld [tilespmem:s18+$0x700]  }
0x257: {  	v1 =	vld [tilespmem:s18+$0x710]  }
0x258: {  	v2 =	vld [tilespmem:s18+$0x720]  }
0x259: {  	v3 =	vld [tilespmem:s18+$0x730]  }
0x25a: {  	v4 =	vld [tilespmem:s18+$0x740]  }
0x25b: {  	v5 =	vld [tilespmem:s18+$0x750]  }
0x25c: {  	v6 =	vld [tilespmem:s18+$0x760]  }
0x25d: {  	v7 =	vld [tilespmem:s18+$0x770]  }
0x25e: {  	v8 =	vld [tilespmem:s18+$0x780]  }
0x25f: {  	v9 =	vld [tilespmem:s18+$0x790]  }
0x260: {  	v10 =	vld [tilespmem:s18+$0x7A0]  }
0x261: {  	v11 =	vld [tilespmem:s18+$0x7B0]  }
0x262: {  	v12 =	vld [tilespmem:s18+$0x7C0];
	[tilespmem:s22], [sflag:$0x5] =	stream.indirect_vreg.gather [hbm4b:s3+s2], $0x40, v0, vm0, $0xb8  }
0x263: {  	_ = 	snop  }
0x264: {  	[tilespmem:s23], [sflag:$0x5] =	stream.indirect_vreg.gather [hbm4b:s3+s2], $0x40, v1, vm0, $0xb8;
	[tilespmem:$0x17000] =	vst v63  }
0x265: {  	_ = 	snop  }
0x266: {  	[tilespmem:s24], [sflag:$0x5] =	stream.indirect_vreg.gather [hbm4b:s3+s2], $0x40, v2, vm0, $0xb8;
	[tilespmem:$0x17000] =	vst v63  }
0x267: {  	_ = 	snop  }
0x268: {  	[tilespmem:s25], [sflag:$0x5] =	stream.indirect_vreg.gather [hbm4b:s3+s2], $0x40, v3, vm0, $0xb8;
	[tilespmem:$0x17000] =	vst v63  }
0x269: {  	_ = 	snop  }
0x26a: {  	[tilespmem:s26], [sflag:$0x5] =	stream.indirect_vreg.gather [hbm4b:s3+s2], $0x40, v4, vm0, $0xb8;
	[tilespmem:$0x17000] =	vst v63  }
0x26b: {  	_ = 	snop  }
0x26c: {  	[tilespmem:s28], [sflag:$0x5] =	stream.indirect_vreg.gather [hbm4b:s3+s2], $0x40, v5, vm0, $0xb8;
	[tilespmem:$0x17000] =	vst v63  }
0x26d: {  	_ = 	snop  }
0x26e: {  	[tilespmem:s29], [sflag:$0x5] =	stream.indirect_vreg.gather [hbm4b:s3+s2], $0x40, v6, vm0, $0xb8;
	[tilespmem:$0x17000] =	vst v63  }
0x26f: {  	_ = 	snop  }
0x270: {  	[tilespmem:s30], [sflag:$0x5] =	stream.indirect_vreg.gather [hbm4b:s3+s2], $0x40, v7, vm0, $0xb8;
	[tilespmem:$0x17000] =	vst v63  }
0x271: {  	_ = 	snop  }
0x272: {  	[tilespmem:s31], [sflag:$0x5] =	stream.indirect_vreg.gather [hbm4b:s3+s2], $0x40, v8, vm0, $0xb8;
	[tilespmem:$0x17000] =	vst v63  }
0x273: {  	_ = 	snop  }
0x274: {  	[tilespmem:s0], [sflag:$0x5] =	stream.indirect_vreg.gather [hbm4b:s3+s2], $0x40, v9, vm0, $0xb8;
	[tilespmem:$0x17000] =	vst v63  }
0x275: {  	_ = 	snop  }
0x276: {  	[tilespmem:s1], [sflag:$0x5] =	stream.indirect_vreg.gather [hbm4b:s3+s2], $0x40, v10, vm0, $0xb8;
	[tilespmem:$0x17000] =	vst v63  }
.Ltmp7:
0x277: {  	_ = 	snop;
	(pc) =	sbr.rel .LBB2_2-.Ltmp7, $4  }
0x278: {  	_ = 	snop  }
0x279: {  	[tilespmem:s8], [sflag:$0x5] =	stream.indirect_vreg.gather [hbm4b:s3+s2], $0x40, v11, vm0, $0xb8;
	[tilespmem:$0x17000] =	vst v63  }
0x27a: {  	s17 =	sadd.s32 $0x1, s17  }
0x27b: {  	[tilespmem:s9], [sflag:$0x5] =	stream.indirect_vreg.gather [hbm4b:s3+s2], $0x40, v12, vm0, $0xb8;
	[tilespmem:$0x17000] =	vst v63  }
.LBB2_13:
0x27c: {  	_ =	sfence.sel $0x180000  }
0x27d: {  	[bflag:$0x0] =	sbarrier.arrive $0xFFFF  }
0x27e: {  	_ =	strace $0x90000047  }
0x27f: {  	s0 =	stileid.u32;
	[bflag:$0x2] =	sbarrier.arrive $0xFFFF  }
0x280: {  	p0 =	sne.s32 s0, $0x0;
	s0 =	rddreg [dreg:$0x1]  }
0x281: {  	s0 =	sadd.s32 @!p0 $0x100000, s0  }
0x282: {  	[sflag:s0] =	ssyncadd.tile.s32 @!p0 $0x1;
	_ =	shalt  }
.Lfunc_end2:
_tile_overlayer_lowered:
.L_overlay_start_2:
0x283: {  	(tag) =	ssettag $0x2  }
0x284: {  	s0 =	rddreg [dreg:$0x0];
	s2 =	stileid.u32  }
0x285: {  	s1 =	rddreg [dreg:$0x1];
	p0 =	sne.s32 s2, $0x0  }
0x286: {  	s3 =	rddreg [dreg:$0x2];
	[bflag:$0x3] =	sbarrier.arrive $0xFFFF;
	s2 =	simm.s32 @!p0 $0x1C06  }
0x287: {  	[timem:s3], [sflag:s2] =	dma.local @!p0 [hbm:s0], s1  }
0x288: {  	s0 =	simm.s32 @!p0 $0x6  }
0x289: {  	_ =	swait.ge @!p0 [sflag:s0], s1  }
0x28a: {  	s1 =	ssub.s32 @!p0 $0x0, s1;
	[sflag:s0] =	ssyncset.done @!p0 $0x0  }
0x28b: {  	[sflag:s0] =	ssyncadd.s32 @!p0 s1  }
0x28c: {  	[bflag:$0x3] =	sbarrier.arrive $0xFFFF  }
0x28d: {  	_ =	shalt  }

</sc_bundles>
